<compile_context>
chip_gen: v7x
topology: tpu7x:2x2x1
jax: 0.10.2.dev20260603
libtpu: 0.0.44.dev20260713+nightly
codegen_flags: <defaults>
</compile_context>

<pallas_src>
import functools
import math

import jax
import jax.numpy as jnp
from jax import lax
from jax.experimental import pallas as pl
from jax.experimental.pallas import tpu as pltpu
from jax.experimental.pallas import tpu_sc as plsc

EPS = 1e-5
BNK = 1.0 / math.sqrt(1.0 + EPS)

NC = 2
NS = 16
NW = NC * NS
C = 128

@functools.lru_cache(maxsize=None)
def _mesh():
    return plsc.VectorSubcoreMesh(core_axis_name="c", subcore_axis_name="s",
                                  num_cores=NC, num_subcores=NS)



@functools.lru_cache(maxsize=None)
def _deg_kernel(acc_n, ep, w):
    chunks = ep // (NW * C)
    rpt = acc_n // NS

    def body(col_hbm, ones_hbm, zero_hbm, out_hbm, acc, idx_v, ones_v, sem):
        c = lax.axis_index("c")
        s = lax.axis_index("s")
        wid = s * NC + c
        pltpu.sync_copy(zero_hbm.at[pl.ds(s * rpt, rpt)],
                        acc.at[pl.ds(s * rpt, rpt)])
        pltpu.sync_copy(ones_hbm, ones_v)
        plsc.subcore_barrier()

        def chunk(i, carry):
            base = (wid * chunks + i) * C
            pltpu.sync_copy(col_hbm.at[pl.ds(base, C)], idx_v)
            pltpu.sync_copy(ones_v, acc.at[idx_v], add=True)
            return carry

        lax.fori_loop(0, chunks, chunk, 0)
        plsc.subcore_barrier()
        pltpu.sync_copy(acc.at[pl.ds(s * rpt, rpt)],
                        out_hbm.at[c].at[pl.ds(s * rpt, rpt)])

    return pl.kernel(
        body,
        out_type=jax.ShapeDtypeStruct((NC, acc_n, w), jnp.float32),
        mesh=_mesh(),
        scratch_types=[
            pltpu.VMEM_SHARED((acc_n, w), jnp.float32),
            pltpu.VMEM((C,), jnp.int32),
            pltpu.VMEM((C, w), jnp.float32),
            pltpu.SemaphoreType.DMA,
        ],
    )


@functools.lru_cache(maxsize=None)
def _prop_kernel(acc_n, ep, h, frac_num=1, frac_den=2):
    per_tile = ep // (C * NS)
    cf = per_tile * frac_num // frac_den
    cs = per_tile - cf
    rpt = acc_n // NS

    def body(u_hbm, row_hbm, col_hbm, zero_hbm, out_hbm,
             acc, ridx0, cidx0, ridx1, cidx1, buf0, buf1, sem0, sem1):
        c = lax.axis_index("c")
        s = lax.axis_index("s")
        pltpu.sync_copy(zero_hbm.at[pl.ds(s * rpt, rpt)],
                        acc.at[pl.ds(s * rpt, rpt)])
        plsc.subcore_barrier()

        def run(start, cnt):
            base0 = start * C
            half = cnt // 2
            pltpu.sync_copy(row_hbm.at[pl.ds(base0, C)], ridx0)
            pltpu.sync_copy(col_hbm.at[pl.ds(base0, C)], cidx0)
            pltpu.async_copy(u_hbm.at[ridx0], buf0, sem0)

            def pair(j, carry):
                b1 = base0 + (2 * j + 1) * C
                pltpu.sync_copy(row_hbm.at[pl.ds(b1, C)], ridx1)
                pltpu.sync_copy(col_hbm.at[pl.ds(b1, C)], cidx1)
                pltpu.async_copy(u_hbm.at[ridx1], buf1, sem1)
                pltpu.make_async_copy(u_hbm.at[ridx0], buf0, sem0).wait()
                pltpu.sync_copy(buf0, acc.at[cidx0], add=True)

                @pl.when(j + 1 < half)
                def _():
                    b2 = base0 + (2 * j + 2) * C
                    pltpu.sync_copy(row_hbm.at[pl.ds(b2, C)], ridx0)
                    pltpu.sync_copy(col_hbm.at[pl.ds(b2, C)], cidx0)
                    pltpu.async_copy(u_hbm.at[ridx0], buf0, sem0)

                pltpu.make_async_copy(u_hbm.at[ridx1], buf1, sem1).wait()
                pltpu.sync_copy(buf1, acc.at[cidx1], add=True)
                return carry

            lax.fori_loop(0, half, pair, 0)
            if cnt % 2:
                b = base0 + (cnt - 1) * C
                pltpu.sync_copy(row_hbm.at[pl.ds(b, C)], ridx1)
                pltpu.sync_copy(col_hbm.at[pl.ds(b, C)], cidx1)
                pltpu.async_copy(u_hbm.at[ridx1], buf1, sem1).wait()
                pltpu.sync_copy(buf1, acc.at[cidx1], add=True)

        @pl.when(c == 0)
        def _():
            run(s * cf, cf)

        @pl.when(c == 1)
        def _():
            run(NS * cf + s * cs, cs)

        plsc.subcore_barrier()
        pltpu.sync_copy(acc.at[pl.ds(s * rpt, rpt)],
                        out_hbm.at[c].at[pl.ds(s * rpt, rpt)])

    return pl.kernel(
        body,
        out_type=jax.ShapeDtypeStruct((NC, acc_n, h), jnp.float32),
        mesh=_mesh(),
        scratch_types=[
            pltpu.VMEM_SHARED((acc_n, h), jnp.float32),
            pltpu.VMEM((C,), jnp.int32),
            pltpu.VMEM((C,), jnp.int32),
            pltpu.VMEM((C,), jnp.int32),
            pltpu.VMEM((C,), jnp.int32),
            pltpu.VMEM((C, h), jnp.float32),
            pltpu.VMEM((C, h), jnp.float32),
            pltpu.SemaphoreType.DMA,
            pltpu.SemaphoreType.DMA,
        ],
    )


@functools.lru_cache(maxsize=None)
def _pair_gather_kernel(elp, n, h, frac_num=1, frac_den=2):
    per_tile = elp // (C * NS)
    lf = per_tile * frac_num // frac_den
    ls = per_tile - lf

    def body(z_hbm, src_hbm, dst_hbm, zs_hbm, zd_hbm,
             sidx, didx, buf0, buf1, sem0, sem1):
        c = lax.axis_index("c")
        s = lax.axis_index("s")

        def run(start, cnt):
            base0 = start * C
            pltpu.sync_copy(src_hbm.at[pl.ds(base0, C)], sidx)
            pltpu.async_copy(z_hbm.at[sidx], buf0, sem0)

            def chunk(j, carry):
                base = base0 + j * C
                pltpu.sync_copy(dst_hbm.at[pl.ds(base, C)], didx)
                pltpu.async_copy(z_hbm.at[didx], buf1, sem1)
                pltpu.make_async_copy(z_hbm.at[sidx], buf0, sem0).wait()
                pltpu.sync_copy(buf0, zs_hbm.at[pl.ds(base, C)])

                @pl.when(j + 1 < cnt)
                def _():
                    nbase = base + C
                    pltpu.sync_copy(src_hbm.at[pl.ds(nbase, C)], sidx)
                    pltpu.async_copy(z_hbm.at[sidx], buf0, sem0)

                pltpu.make_async_copy(z_hbm.at[didx], buf1, sem1).wait()
                pltpu.sync_copy(buf1, zd_hbm.at[pl.ds(base, C)])
                return carry

            lax.fori_loop(0, cnt, chunk, 0)

        @pl.when(c == 0)
        def _():
            run(s * lf, lf)

        @pl.when(c == 1)
        def _():
            run(NS * lf + s * ls, ls)

    return pl.kernel(
        body,
        out_type=(jax.ShapeDtypeStruct((elp, h), jnp.float32),
                  jax.ShapeDtypeStruct((elp, h), jnp.float32)),
        mesh=_mesh(),
        scratch_types=[
            pltpu.VMEM((C,), jnp.int32),
            pltpu.VMEM((C,), jnp.int32),
            pltpu.VMEM((C, h), jnp.float32),
            pltpu.VMEM((C, h), jnp.float32),
            pltpu.SemaphoreType.DMA,
            pltpu.SemaphoreType.DMA,
        ],
    )



def _tc0_call(x, dego, w0, nblk):
    n, d = x.shape
    h = w0.shape[1]
    grid = n // nblk

    def body(x_ref, da_ref, db_ref, w_ref, u_ref, dinv_ref):
        deg = da_ref[0][:, 0:1] + db_ref[0][:, 0:1] + 1.0
        dinv = lax.rsqrt(deg)
        hm = jnp.dot(x_ref[...], w_ref[...],
                     preferred_element_type=jnp.float32)
        u_ref[...] = hm * dinv
        dinv_ref[...] = dinv

    return pl.pallas_call(
        body,
        grid=(grid,),
        in_specs=[
            pl.BlockSpec((nblk, d), lambda i: (i, 0)),
            pl.BlockSpec((1, nblk, h), lambda i: (0, i, 0)),
            pl.BlockSpec((1, nblk, h), lambda i: (1, i, 0)),
            pl.BlockSpec((d, h), lambda i: (0, 0)),
        ],
        out_specs=[
            pl.BlockSpec((nblk, h), lambda i: (i, 0)),
            pl.BlockSpec((nblk, 1), lambda i: (i, 0)),
        ],
        out_shape=[
            jax.ShapeDtypeStruct((n, h), jnp.float32),
            jax.ShapeDtypeStruct((n, 1), jnp.float32),
        ],
    )(x, dego, dego, w0)


def _tc_layer_call(po, u, dinv, w, b, g, be, nblk, relu, matmul):
    n, h = u.shape
    grid = n // nblk
    ho = w.shape[1] if matmul else h

    def body(sa_ref, sb_ref, u_ref, dinv_ref, w_ref, b_ref, g_ref, be_ref,
             out_ref):
        dinv_v = dinv_ref[...]
        z = dinv_v * (sa_ref[0] + sb_ref[0] + u_ref[...]) + b_ref[...]
        z = z * (g_ref[...] * BNK) + be_ref[...]
        if relu:
            z = jnp.maximum(z, 0.0)
        if matmul:
            out_ref[...] = jnp.dot(z, w_ref[...],
                                   preferred_element_type=jnp.float32) * dinv_v
        else:
            out_ref[...] = z

    return pl.pallas_call(
        body,
        grid=(grid,),
        in_specs=[
            pl.BlockSpec((1, nblk, h), lambda i: (0, i, 0)),
            pl.BlockSpec((1, nblk, h), lambda i: (1, i, 0)),
            pl.BlockSpec((nblk, h), lambda i: (i, 0)),
            pl.BlockSpec((nblk, 1), lambda i: (i, 0)),
            pl.BlockSpec(w.shape, lambda i: (0, 0)),
            pl.BlockSpec((1, h), lambda i: (0, 0)),
            pl.BlockSpec((1, h), lambda i: (0, 0)),
            pl.BlockSpec((1, h), lambda i: (0, 0)),
        ],
        out_specs=pl.BlockSpec((nblk, ho), lambda i: (i, 0)),
        out_shape=jax.ShapeDtypeStruct((n, ho), jnp.float32),
    )(po, po, u, dinv, w, b, g, be)


def _mlp_call(zs, zd, w1a, w1b, b1, g1, e1, w2, b2, g2, e2, w3, b3, w4, b4,
              blk):
    m, h = zs.shape
    grid = m // blk
    h2 = w1a.shape[1]
    h3 = w2.shape[1]
    h4 = w3.shape[1]

    def body(zs_ref, zd_ref, w1a_ref, w1b_ref, b1_ref, g1_ref, e1_ref,
             w2_ref, b2_ref, g2_ref, e2_ref, w3_ref, b3_ref, w4_ref, b4_ref,
             out_ref):
        t = (jnp.dot(zs_ref[...], w1a_ref[...],
                     preferred_element_type=jnp.float32)
             + jnp.dot(zd_ref[...], w1b_ref[...],
                       preferred_element_type=jnp.float32) + b1_ref[...])
        t = t * (g1_ref[...] * BNK) + e1_ref[...]
        t = jnp.maximum(t, 0.0)
        t = jnp.dot(t, w2_ref[...],
                    preferred_element_type=jnp.float32) + b2_ref[...]
        t = t * (g2_ref[...] * BNK) + e2_ref[...]
        t = jnp.maximum(t, 0.0)
        t = jnp.dot(t, w3_ref[...],
                    preferred_element_type=jnp.float32) + b3_ref[...]
        t = jnp.maximum(t, 0.0)
        out_ref[...] = jnp.dot(t, w4_ref[...],
                               preferred_element_type=jnp.float32) + b4_ref[...]

    full = lambda a: pl.BlockSpec(a.shape, lambda i: (0, 0))
    return pl.pallas_call(
        body,
        grid=(grid,),
        in_specs=[
            pl.BlockSpec((blk, h), lambda i: (i, 0)),
            pl.BlockSpec((blk, h), lambda i: (i, 0)),
            full(w1a), full(w1b), full(b1), full(g1), full(e1),
            full(w2), full(b2), full(g2), full(e2),
            full(w3), full(b3), full(w4), full(b4),
        ],
        out_specs=pl.BlockSpec((blk, 1), lambda i: (i, 0)),
        out_shape=jax.ShapeDtypeStruct((m, 1), jnp.float32),
    )(zs, zd, w1a, w1b, b1, g1, e1, w2, b2, g2, e2, w3, b3, w4, b4)



def kernel(x, edge_index, edge_label_index, W0, b0, W1, b1, W2, b2,
           g0, be0, g1, be1, g2, be2,
           Wp1, bp1, gp1, bep1, Wp2, bp2, gp2, bep2, Wp3, bp3, Wp4, bp4):
    n, d = x.shape
    h = W0.shape[1]
    e = edge_index.shape[1]
    el = edge_label_index.shape[1]

    row = edge_index[0].astype(jnp.int32)
    col = edge_index[1].astype(jnp.int32)
    ep = -(-e // (NW * C)) * (NW * C)
    rowp = jnp.concatenate([row, jnp.zeros((ep - e,), jnp.int32)])
    colp = jnp.concatenate([col, jnp.full((ep - e,), n, jnp.int32)])

    acc_n = -(-(n + 1) // 128) * 128
    x_p = jnp.zeros((acc_n, d), jnp.float32).at[:n].set(x)

    ones = jnp.ones((C, h), jnp.float32)
    zeroh = jnp.zeros((acc_n, h), jnp.float32)

    dego = _deg_kernel(acc_n, ep, h)(colp, ones, zeroh)

    nblk = acc_n // 8
    u, dinv = _tc0_call(x_p, dego, W0, nblk)

    prop = _prop_kernel(acc_n, ep, h, 18, 25)
    layer_params = [(W1, b0, g0, be0), (W2, b1, g1, be1)]
    for w, b, g, be in layer_params:
        po = prop(u, rowp, colp, zeroh)
        u = _tc_layer_call(po, u, dinv, w,
                           b.reshape(1, -1), g.reshape(1, -1),
                           be.reshape(1, -1), nblk, relu=True, matmul=True)
    po = prop(u, rowp, colp, zeroh)
    z = _tc_layer_call(po, u, dinv, W2,
                       b2.reshape(1, -1), g2.reshape(1, -1),
                       be2.reshape(1, -1), nblk, relu=False, matmul=False)

    src = edge_label_index[0].astype(jnp.int32)
    dst = edge_label_index[1].astype(jnp.int32)
    elp = -(-el // (NW * C)) * (NW * C)
    srcp = jnp.concatenate([src, jnp.zeros((elp - el,), jnp.int32)])
    dstp = jnp.concatenate([dst, jnp.zeros((elp - el,), jnp.int32)])

    halfl = elp // 2
    gath = _pair_gather_kernel(halfl, acc_n, h, 5, 6)
    mlp_w = (Wp1[:h], Wp1[h:], bp1.reshape(1, -1), gp1.reshape(1, -1),
             bep1.reshape(1, -1), Wp2, bp2.reshape(1, -1),
             gp2.reshape(1, -1), bep2.reshape(1, -1), Wp3,
             bp3.reshape(1, -1), Wp4, bp4.reshape(1, -1))
    blk = 512 if halfl % 512 == 0 else C
    outs = []
    for k in range(2):
        zs, zd = gath(z, srcp[k * halfl:(k + 1) * halfl],
                      dstp[k * halfl:(k + 1) * halfl])
        outs.append(_mlp_call(zs, zd, *mlp_w, blk))
    out = jnp.concatenate(outs)
    return out.reshape(-1)[:el]

# --- scband reference (transcript-rebuilt; emitter-appended) ---
"""Pipeline reference for scband-advanced-gnnlink-predictor-77352361001295 (READ-ONLY COPY).

The authoritative reference and input builder live on the scoring server;
editing this copy changes nothing except your own understanding.
"""

import jax, jax.numpy as jnp
import numpy as np

N = 10000
D = 128
H = 128
E = 320000
EL = 100000
EPS = 1e-5


def setup_inputs(seed: int = 0) -> dict:
    key = jax.random.key(seed)
    ks = jax.random.split(key, 24)
    inp = {}
    inp['x'] = jax.random.normal(ks[0], (N, D), dtype=jnp.float32)
    inp['edge_index'] = jax.random.randint(ks[1], (2, E), 0, N, dtype=jnp.int64 if jax.config.jax_enable_x64 else jnp.int32)
    inp['edge_label_index'] = jax.random.randint(ks[2], (2, EL), 0, N, dtype=jnp.int64 if jax.config.jax_enable_x64 else jnp.int32)
    def glorot(k, fi, fo):
        lim = np.sqrt(6.0 / (fi + fo))
        return jax.random.uniform(k, (fi, fo), dtype=jnp.float32, minval=-lim, maxval=lim)
    # GCN conv layers (in -> hidden, hidden -> hidden, hidden -> hidden)
    inp['W0'] = glorot(ks[3], D, H); inp['b0'] = jnp.zeros((H,), jnp.float32)
    inp['W1'] = glorot(ks[4], H, H); inp['b1'] = jnp.zeros((H,), jnp.float32)
    inp['W2'] = glorot(ks[5], H, H); inp['b2'] = jnp.zeros((H,), jnp.float32)
    # BatchNorm1d params per conv layer (eval mode, running_mean=0, running_var=1)
    for i in range(3):
        inp[f'g{i}'] = jnp.ones((H,), jnp.float32)
        inp[f'be{i}'] = jnp.zeros((H,), jnp.float32)
    # Predictor MLP: 2H -> 2H -> H -> H//2 -> 1
    inp['Wp1'] = glorot(ks[6], 2 * H, 2 * H); inp['bp1'] = jnp.zeros((2 * H,), jnp.float32)
    inp['gp1'] = jnp.ones((2 * H,), jnp.float32); inp['bep1'] = jnp.zeros((2 * H,), jnp.float32)
    inp['Wp2'] = glorot(ks[7], 2 * H, H); inp['bp2'] = jnp.zeros((H,), jnp.float32)
    inp['gp2'] = jnp.ones((H,), jnp.float32); inp['bep2'] = jnp.zeros((H,), jnp.float32)
    inp['Wp3'] = glorot(ks[8], H, H // 2); inp['bp3'] = jnp.zeros((H // 2,), jnp.float32)
    inp['Wp4'] = glorot(ks[9], H // 2, 1); inp['bp4'] = jnp.zeros((1,), jnp.float32)
    return inp


def _bn_eval(x, g, b):
    # BatchNorm1d in eval mode with running_mean=0, running_var=1
    return x * (g / jnp.sqrt(1.0 + EPS)) + b


def _gcn_conv(x, edge_index, W, b):
    n = x.shape[0]
    x = x @ W
    row = edge_index[0]
    col = edge_index[1]
    sl = jnp.arange(n, dtype=row.dtype)
    row = jnp.concatenate([row, sl])
    col = jnp.concatenate([col, sl])
    deg = jnp.zeros((n,), jnp.float32).at[col].add(1.0)
    dinv = jnp.where(deg > 0, jax.lax.rsqrt(jnp.maximum(deg, 1e-12)), 0.0)
    norm = dinv[row] * dinv[col]
    msg = x[row] * norm[:, None]
    out = jnp.zeros_like(x).at[col].add(msg)
    return out + b


def reference(x, edge_index, edge_label_index, W0, b0, W1, b1, W2, b2,
              g0, be0, g1, be1, g2, be2,
              Wp1, bp1, gp1, bep1, Wp2, bp2, gp2, bep2, Wp3, bp3, Wp4, bp4):
    Ws = [(W0, b0), (W1, b1), (W2, b2)]
    Gs = [(g0, be0), (g1, be1), (g2, be2)]
    z = x
    for i in range(3):
        z = _gcn_conv(z, edge_index, Ws[i][0], Ws[i][1])
        z = _bn_eval(z, Gs[i][0], Gs[i][1])
        if i < 2:
            z = jax.nn.relu(z)
            # dropout is identity in eval mode
    row = edge_label_index[0]
    col = edge_label_index[1]
    h = jnp.concatenate([z[row], z[col]], axis=-1)
    h = h @ Wp1 + bp1
    h = _bn_eval(h, gp1, bep1)
    h = jax.nn.relu(h)
    h = h @ Wp2 + bp2
    h = _bn_eval(h, gp2, bep2)
    h = jax.nn.relu(h)
    h = h @ Wp3 + bp3
    h = jax.nn.relu(h)
    h = h @ Wp4 + bp4
    return h.reshape(-1)

if __name__ == "__main__":
    import jax
    _d = setup_inputs()
    print(jax.jit(kernel)(*tuple(_d.values())))

</pallas_src>

<mosaic_0001>
#map = affine_map<(d0, d1) -> (0, 0)>
#map1 = affine_map<(d0, d1) -> (0)>
#map2 = affine_map<(d0, d1) -> (0, 0, 0)>
module attributes {stable_mosaic.version = 14 : i64} {
  func.func @body(%arg0: i32, %arg1: i32, %arg2: memref<10112x128xf32, #tpu.memory_space<hbm>>, %arg3: memref<323584xi32, #tpu.memory_space<hbm>>, %arg4: memref<323584xi32, #tpu.memory_space<hbm>>, %arg5: memref<10112x128xf32, #tpu.memory_space<hbm>>, %arg6: memref<2x10112x128xf32, #tpu.memory_space<hbm>>, %arg7: memref<10112x128xf32, #tpu.memory_space<vmem_shared>>, %arg8: memref<128xi32, #tpu.memory_space<vmem>>, %arg9: memref<128xi32, #tpu.memory_space<vmem>>, %arg10: memref<128xi32, #tpu.memory_space<vmem>>, %arg11: memref<128xi32, #tpu.memory_space<vmem>>, %arg12: memref<128x128xf32, #tpu.memory_space<vmem>>, %arg13: memref<128x128xf32, #tpu.memory_space<vmem>>, %arg14: memref<!tpu.dma_semaphore, #tpu.memory_space<semaphore_mem>>, %arg15: memref<!tpu.dma_semaphore, #tpu.memory_space<semaphore_mem>>) attributes {dimension_semantics = [#tpu.dimension_semantics<core_parallel>, #tpu.dimension_semantics<subcore_parallel>], iteration_bounds = array<i64: 2, 16>, scalar_prefetch = 0 : i64, scratch_operands = 9 : i64, tpu.core_type = #tpu.core_type<sc_vector_subcore>, window_params = [{transform_indices = #map}, {transform_indices = #map1}, {transform_indices = #map1}, {transform_indices = #map}, {transform_indices = #map2}]} {
    %mul3A = arith.constant 632 : i32
    %mul3A_0 = arith.muli %arg1, %mul3A : i32
    %mul3A_1 = arith.constant 632 : i32
    %mul3A_2 = arith.muli %arg1, %mul3A_1 : i32
    "tpu.region"() ({
      %run_scoped3A = tpu.sem_alloc : memref<!tpu.dma_semaphore, #tpu.memory_space<semaphore_mem>>
      %dma_start3A = arith.constant 0 : i32
      %dma_start3A_15 = tpu.memref_slice %arg7[%mul3A_2, %dma_start3A] : memref<10112x128xf32, #tpu.memory_space<vmem_shared>> -> memref<632x128xf32, #tpu.memory_space<vmem_shared>>
      %dma_start3A_16 = arith.constant 0 : i32
      %dma_start3A_17 = tpu.memref_slice %arg5[%mul3A_0, %dma_start3A_16] : memref<10112x128xf32, #tpu.memory_space<hbm>> -> memref<632x128xf32, #tpu.memory_space<hbm>>
      tpu.enqueue_dma source(%dma_start3A_17 : memref<632x128xf32, #tpu.memory_space<hbm>>) target(%dma_start3A_15 : memref<632x128xf32, #tpu.memory_space<vmem_shared>>) target_semaphore(%run_scoped3A : memref<!tpu.dma_semaphore, #tpu.memory_space<semaphore_mem>>)
      %dma_wait3A = arith.constant 0 : i32
      %dma_wait3A_18 = tpu.memref_slice %arg7[%mul3A_2, %dma_wait3A] : memref<10112x128xf32, #tpu.memory_space<vmem_shared>> -> memref<632x128xf32, #tpu.memory_space<vmem_shared>>
      %dma_wait3A_19 = arith.constant 0 : i32
      %dma_wait3A_20 = tpu.memref_slice %arg5[%mul3A_0, %dma_wait3A_19] : memref<10112x128xf32, #tpu.memory_space<hbm>> -> memref<632x128xf32, #tpu.memory_space<hbm>>
      tpu.wait_dma2 semaphore(%run_scoped3A : memref<!tpu.dma_semaphore, #tpu.memory_space<semaphore_mem>>) src(%dma_wait3A_20 : memref<632x128xf32, #tpu.memory_space<hbm>>) dst(%dma_wait3A_18 : memref<632x128xf32, #tpu.memory_space<vmem_shared>>)
      tpu.yield
    }) : () -> ()
    %barrier3A = arith.constant 0 : index
    tpu.barrier barrier_id(%barrier3A)
    %eq3A = arith.constant 0 : i32
    %eq3A_3 = arith.cmpi eq, %arg0, %eq3A : i32
    %convert_element_type3A = arith.extui %eq3A_3 : i1 to i32
    %cond3A = arith.constant 0 : i32
    %cond3A_4 = arith.cmpi ne, %convert_element_type3A, %cond3A : i32
    scf.if %cond3A_4 {
      %mul3A_15 = arith.constant 113 : i32
      %mul3A_16 = arith.muli %arg1, %mul3A_15 : i32
      %mul3A_17 = arith.constant 128 : i32
      %mul3A_18 = arith.muli %mul3A_16, %mul3A_17 : i32
      "tpu.region"() ({
        %run_scoped3A = tpu.sem_alloc : memref<!tpu.dma_semaphore, #tpu.memory_space<semaphore_mem>>
        %dma_start3A_32 = tpu.memref_slice %arg3[%mul3A_18] : memref<323584xi32, #tpu.memory_space<hbm>> -> memref<128xi32, #tpu.memory_space<hbm>>
        %dma_start3A_33 = tpu.memref_slice %arg3[%mul3A_18] : memref<323584xi32, #tpu.memory_space<hbm>> -> memref<128xi32, #tpu.memory_space<hbm>>
        tpu.enqueue_dma source(%dma_start3A_33 : memref<128xi32, #tpu.memory_space<hbm>>) target(%arg8 : memref<128xi32, #tpu.memory_space<vmem>>) target_semaphore(%run_scoped3A : memref<!tpu.dma_semaphore, #tpu.memory_space<semaphore_mem>>)
        %dma_wait3A_34 = tpu.memref_slice %arg3[%mul3A_18] : memref<323584xi32, #tpu.memory_space<hbm>> -> memref<128xi32, #tpu.memory_space<hbm>>
        %dma_wait3A_35 = tpu.memref_slice %arg3[%mul3A_18] : memref<323584xi32, #tpu.memory_space<hbm>> -> memref<128xi32, #tpu.memory_space<hbm>>
        tpu.wait_dma2 semaphore(%run_scoped3A : memref<!tpu.dma_semaphore, #tpu.memory_space<semaphore_mem>>) src(%dma_wait3A_35 : memref<128xi32, #tpu.memory_space<hbm>>) dst(%arg8 : memref<128xi32, #tpu.memory_space<vmem>>)
        tpu.yield
      }) : () -> ()
      "tpu.region"() ({
        %run_scoped3A = tpu.sem_alloc : memref<!tpu.dma_semaphore, #tpu.memory_space<semaphore_mem>>
        %dma_start3A_32 = tpu.memref_slice %arg4[%mul3A_18] : memref<323584xi32, #tpu.memory_space<hbm>> -> memref<128xi32, #tpu.memory_space<hbm>>
        %dma_start3A_33 = tpu.memref_slice %arg4[%mul3A_18] : memref<323584xi32, #tpu.memory_space<hbm>> -> memref<128xi32, #tpu.memory_space<hbm>>
        tpu.enqueue_dma source(%dma_start3A_33 : memref<128xi32, #tpu.memory_space<hbm>>) target(%arg9 : memref<128xi32, #tpu.memory_space<vmem>>) target_semaphore(%run_scoped3A : memref<!tpu.dma_semaphore, #tpu.memory_space<semaphore_mem>>)
        %dma_wait3A_34 = tpu.memref_slice %arg4[%mul3A_18] : memref<323584xi32, #tpu.memory_space<hbm>> -> memref<128xi32, #tpu.memory_space<hbm>>
        %dma_wait3A_35 = tpu.memref_slice %arg4[%mul3A_18] : memref<323584xi32, #tpu.memory_space<hbm>> -> memref<128xi32, #tpu.memory_space<hbm>>
        tpu.wait_dma2 semaphore(%run_scoped3A : memref<!tpu.dma_semaphore, #tpu.memory_space<semaphore_mem>>) src(%dma_wait3A_35 : memref<128xi32, #tpu.memory_space<hbm>>) dst(%arg9 : memref<128xi32, #tpu.memory_space<vmem>>)
        tpu.yield
      }) : () -> ()
      %dma_start3A = arith.constant 0 : i32
      %dma_start3A_19 = arith.constant 0 : i32
      %dma_start3A_20 = tpu.memref_slice %arg2[%dma_start3A, %dma_start3A_19] : memref<10112x128xf32, #tpu.memory_space<hbm>> -> memref<10112x128xf32, #tpu.memory_space<hbm>>
      tpu.enqueue_indirect_dma source(%dma_start3A_20 : memref<10112x128xf32, #tpu.memory_space<hbm>>) target(%arg12 : memref<128x128xf32, #tpu.memory_space<vmem>>) offsets(%arg8 : memref<128xi32, #tpu.memory_space<vmem>>) semaphore(%arg14 : memref<!tpu.dma_semaphore, #tpu.memory_space<semaphore_mem>>)
      %scan3A = arith.constant 0 : i32
      %scan3A_21 = arith.constant 0 : i32
      %scan3A_22 = arith.constant 56 : i32
      %scan3A_23 = arith.addi %scan3A_21, %scan3A_22 : i32
      %scan3A_24 = arith.constant 1 : i32
      scf.for %scan3A_32 = %scan3A_21 to %scan3A_23 step %scan3A_24  : i32 {
        %mul3A_33 = arith.constant 2 : i32
        %mul3A_34 = arith.muli %mul3A_33, %scan3A_32 : i32
        %add3A_35 = arith.constant 1 : i32
        %add3A_36 = arith.addi %mul3A_34, %add3A_35 : i32
        %mul3A_37 = arith.constant 128 : i32
        %mul3A_38 = arith.muli %add3A_36, %mul3A_37 : i32
        %add3A_39 = arith.addi %mul3A_18, %mul3A_38 : i32
        "tpu.region"() ({
          %run_scoped3A = tpu.sem_alloc : memref<!tpu.dma_semaphore, #tpu.memory_space<semaphore_mem>>
          %dma_start3A_55 = tpu.memref_slice %arg3[%add3A_39] : memref<323584xi32, #tpu.memory_space<hbm>> -> memref<128xi32, #tpu.memory_space<hbm>>
          %dma_start3A_56 = tpu.memref_slice %arg3[%add3A_39] : memref<323584xi32, #tpu.memory_space<hbm>> -> memref<128xi32, #tpu.memory_space<hbm>>
          tpu.enqueue_dma source(%dma_start3A_56 : memref<128xi32, #tpu.memory_space<hbm>>) target(%arg10 : memref<128xi32, #tpu.memory_space<vmem>>) target_semaphore(%run_scoped3A : memref<!tpu.dma_semaphore, #tpu.memory_space<semaphore_mem>>)
          %dma_wait3A_57 = tpu.memref_slice %arg3[%add3A_39] : memref<323584xi32, #tpu.memory_space<hbm>> -> memref<128xi32, #tpu.memory_space<hbm>>
          %dma_wait3A_58 = tpu.memref_slice %arg3[%add3A_39] : memref<323584xi32, #tpu.memory_space<hbm>> -> memref<128xi32, #tpu.memory_space<hbm>>
          tpu.wait_dma2 semaphore(%run_scoped3A : memref<!tpu.dma_semaphore, #tpu.memory_space<semaphore_mem>>) src(%dma_wait3A_58 : memref<128xi32, #tpu.memory_space<hbm>>) dst(%arg10 : memref<128xi32, #tpu.memory_space<vmem>>)
          tpu.yield
        }) : () -> ()
        "tpu.region"() ({
          %run_scoped3A = tpu.sem_alloc : memref<!tpu.dma_semaphore, #tpu.memory_space<semaphore_mem>>
          %dma_start3A_55 = tpu.memref_slice %arg4[%add3A_39] : memref<323584xi32, #tpu.memory_space<hbm>> -> memref<128xi32, #tpu.memory_space<hbm>>
          %dma_start3A_56 = tpu.memref_slice %arg4[%add3A_39] : memref<323584xi32, #tpu.memory_space<hbm>> -> memref<128xi32, #tpu.memory_space<hbm>>
          tpu.enqueue_dma source(%dma_start3A_56 : memref<128xi32, #tpu.memory_space<hbm>>) target(%arg11 : memref<128xi32, #tpu.memory_space<vmem>>) target_semaphore(%run_scoped3A : memref<!tpu.dma_semaphore, #tpu.memory_space<semaphore_mem>>)
          %dma_wait3A_57 = tpu.memref_slice %arg4[%add3A_39] : memref<323584xi32, #tpu.memory_space<hbm>> -> memref<128xi32, #tpu.memory_space<hbm>>
          %dma_wait3A_58 = tpu.memref_slice %arg4[%add3A_39] : memref<323584xi32, #tpu.memory_space<hbm>> -> memref<128xi32, #tpu.memory_space<hbm>>
          tpu.wait_dma2 semaphore(%run_scoped3A : memref<!tpu.dma_semaphore, #tpu.memory_space<semaphore_mem>>) src(%dma_wait3A_58 : memref<128xi32, #tpu.memory_space<hbm>>) dst(%arg11 : memref<128xi32, #tpu.memory_space<vmem>>)
          tpu.yield
        }) : () -> ()
        %dma_start3A_40 = arith.constant 0 : i32
        %dma_start3A_41 = arith.constant 0 : i32
        %dma_start3A_42 = tpu.memref_slice %arg2[%dma_start3A_40, %dma_start3A_41] : memref<10112x128xf32, #tpu.memory_space<hbm>> -> memref<10112x128xf32, #tpu.memory_space<hbm>>
        tpu.enqueue_indirect_dma source(%dma_start3A_42 : memref<10112x128xf32, #tpu.memory_space<hbm>>) target(%arg13 : memref<128x128xf32, #tpu.memory_space<vmem>>) offsets(%arg10 : memref<128xi32, #tpu.memory_space<vmem>>) semaphore(%arg15 : memref<!tpu.dma_semaphore, #tpu.memory_space<semaphore_mem>>)
        %dma_wait3A_43 = arith.constant 0 : i32
        %dma_wait3A_44 = arith.constant 0 : i32
        %dma_wait3A_45 = tpu.memref_slice %arg2[%dma_wait3A_43, %dma_wait3A_44] : memref<10112x128xf32, #tpu.memory_space<hbm>> -> memref<10112x128xf32, #tpu.memory_space<hbm>>
        tpu.wait_indirect_dma semaphore(%arg14 : memref<!tpu.dma_semaphore, #tpu.memory_space<semaphore_mem>>) src(%dma_wait3A_45 : memref<10112x128xf32, #tpu.memory_space<hbm>>) dst(%arg12 : memref<128x128xf32, #tpu.memory_space<vmem>>)
        "tpu.region"() ({
          %run_scoped3A = tpu.sem_alloc : memref<!tpu.dma_semaphore, #tpu.memory_space<semaphore_mem>>
          %dma_start3A_55 = arith.constant 0 : i32
          %dma_start3A_56 = arith.constant 0 : i32
          %dma_start3A_57 = tpu.memref_slice %arg7[%dma_start3A_55, %dma_start3A_56] : memref<10112x128xf32, #tpu.memory_space<vmem_shared>> -> memref<10112x128xf32, #tpu.memory_space<vmem_shared>>
          tpu.enqueue_indirect_dma source(%arg12 : memref<128x128xf32, #tpu.memory_space<vmem>>) target(%dma_start3A_57 : memref<10112x128xf32, #tpu.memory_space<vmem_shared>>) offsets(%arg9 : memref<128xi32, #tpu.memory_space<vmem>>) semaphore(%run_scoped3A : memref<!tpu.dma_semaphore, #tpu.memory_space<semaphore_mem>>) {add = true}
          %dma_wait3A_58 = arith.constant 0 : i32
          %dma_wait3A_59 = arith.constant 0 : i32
          %dma_wait3A_60 = tpu.memref_slice %arg7[%dma_wait3A_58, %dma_wait3A_59] : memref<10112x128xf32, #tpu.memory_space<vmem_shared>> -> memref<10112x128xf32, #tpu.memory_space<vmem_shared>>
          tpu.wait_indirect_dma semaphore(%run_scoped3A : memref<!tpu.dma_semaphore, #tpu.memory_space<semaphore_mem>>) src(%arg12 : memref<128x128xf32, #tpu.memory_space<vmem>>) dst(%dma_wait3A_60 : memref<10112x128xf32, #tpu.memory_space<vmem_shared>>)
          tpu.yield
        }) : () -> ()
        %add3A_46 = arith.constant 1 : i32
        %add3A_47 = arith.addi %scan3A_32, %add3A_46 : i32
        %lt3A = arith.constant 56 : i32
        %lt3A_48 = arith.cmpi slt, %add3A_47, %lt3A : i32
        %convert_element_type3A_49 = arith.extui %lt3A_48 : i1 to i32
        %cond3A_50 = arith.constant 0 : i32
        %cond3A_51 = arith.cmpi ne, %convert_element_type3A_49, %cond3A_50 : i32
        scf.if %cond3A_51 {
          %mul3A_55 = arith.constant 2 : i32
          %mul3A_56 = arith.muli %mul3A_55, %scan3A_32 : i32
          %add3A_57 = arith.constant 2 : i32
          %add3A_58 = arith.addi %mul3A_56, %add3A_57 : i32
          %mul3A_59 = arith.constant 128 : i32
          %mul3A_60 = arith.muli %add3A_58, %mul3A_59 : i32
          %add3A_61 = arith.addi %mul3A_18, %mul3A_60 : i32
          "tpu.region"() ({
            %run_scoped3A = tpu.sem_alloc : memref<!tpu.dma_semaphore, #tpu.memory_space<semaphore_mem>>
            %dma_start3A_65 = tpu.memref_slice %arg3[%add3A_61] : memref<323584xi32, #tpu.memory_space<hbm>> -> memref<128xi32, #tpu.memory_space<hbm>>
            %dma_start3A_66 = tpu.memref_slice %arg3[%add3A_61] : memref<323584xi32, #tpu.memory_space<hbm>> -> memref<128xi32, #tpu.memory_space<hbm>>
            tpu.enqueue_dma source(%dma_start3A_66 : memref<128xi32, #tpu.memory_space<hbm>>) target(%arg8 : memref<128xi32, #tpu.memory_space<vmem>>) target_semaphore(%run_scoped3A : memref<!tpu.dma_semaphore, #tpu.memory_space<semaphore_mem>>)
            %dma_wait3A_67 = tpu.memref_slice %arg3[%add3A_61] : memref<323584xi32, #tpu.memory_space<hbm>> -> memref<128xi32, #tpu.memory_space<hbm>>
            %dma_wait3A_68 = tpu.memref_slice %arg3[%add3A_61] : memref<323584xi32, #tpu.memory_space<hbm>> -> memref<128xi32, #tpu.memory_space<hbm>>
            tpu.wait_dma2 semaphore(%run_scoped3A : memref<!tpu.dma_semaphore, #tpu.memory_space<semaphore_mem>>) src(%dma_wait3A_68 : memref<128xi32, #tpu.memory_space<hbm>>) dst(%arg8 : memref<128xi32, #tpu.memory_space<vmem>>)
            tpu.yield
          }) : () -> ()
          "tpu.region"() ({
            %run_scoped3A = tpu.sem_alloc : memref<!tpu.dma_semaphore, #tpu.memory_space<semaphore_mem>>
            %dma_start3A_65 = tpu.memref_slice %arg4[%add3A_61] : memref<323584xi32, #tpu.memory_space<hbm>> -> memref<128xi32, #tpu.memory_space<hbm>>
            %dma_start3A_66 = tpu.memref_slice %arg4[%add3A_61] : memref<323584xi32, #tpu.memory_space<hbm>> -> memref<128xi32, #tpu.memory_space<hbm>>
            tpu.enqueue_dma source(%dma_start3A_66 : memref<128xi32, #tpu.memory_space<hbm>>) target(%arg9 : memref<128xi32, #tpu.memory_space<vmem>>) target_semaphore(%run_scoped3A : memref<!tpu.dma_semaphore, #tpu.memory_space<semaphore_mem>>)
            %dma_wait3A_67 = tpu.memref_slice %arg4[%add3A_61] : memref<323584xi32, #tpu.memory_space<hbm>> -> memref<128xi32, #tpu.memory_space<hbm>>
            %dma_wait3A_68 = tpu.memref_slice %arg4[%add3A_61] : memref<323584xi32, #tpu.memory_space<hbm>> -> memref<128xi32, #tpu.memory_space<hbm>>
            tpu.wait_dma2 semaphore(%run_scoped3A : memref<!tpu.dma_semaphore, #tpu.memory_space<semaphore_mem>>) src(%dma_wait3A_68 : memref<128xi32, #tpu.memory_space<hbm>>) dst(%arg9 : memref<128xi32, #tpu.memory_space<vmem>>)
            tpu.yield
          }) : () -> ()
          %dma_start3A_62 = arith.constant 0 : i32
          %dma_start3A_63 = arith.constant 0 : i32
          %dma_start3A_64 = tpu.memref_slice %arg2[%dma_start3A_62, %dma_start3A_63] : memref<10112x128xf32, #tpu.memory_space<hbm>> -> memref<10112x128xf32, #tpu.memory_space<hbm>>
          tpu.enqueue_indirect_dma source(%dma_start3A_64 : memref<10112x128xf32, #tpu.memory_space<hbm>>) target(%arg12 : memref<128x128xf32, #tpu.memory_space<vmem>>) offsets(%arg8 : memref<128xi32, #tpu.memory_space<vmem>>) semaphore(%arg14 : memref<!tpu.dma_semaphore, #tpu.memory_space<semaphore_mem>>)
        } else {
        }
        %dma_wait3A_52 = arith.constant 0 : i32
        %dma_wait3A_53 = arith.constant 0 : i32
        %dma_wait3A_54 = tpu.memref_slice %arg2[%dma_wait3A_52, %dma_wait3A_53] : memref<10112x128xf32, #tpu.memory_space<hbm>> -> memref<10112x128xf32, #tpu.memory_space<hbm>>
        tpu.wait_indirect_dma semaphore(%arg15 : memref<!tpu.dma_semaphore, #tpu.memory_space<semaphore_mem>>) src(%dma_wait3A_54 : memref<10112x128xf32, #tpu.memory_space<hbm>>) dst(%arg13 : memref<128x128xf32, #tpu.memory_space<vmem>>)
        "tpu.region"() ({
          %run_scoped3A = tpu.sem_alloc : memref<!tpu.dma_semaphore, #tpu.memory_space<semaphore_mem>>
          %dma_start3A_55 = arith.constant 0 : i32
          %dma_start3A_56 = arith.constant 0 : i32
          %dma_start3A_57 = tpu.memref_slice %arg7[%dma_start3A_55, %dma_start3A_56] : memref<10112x128xf32, #tpu.memory_space<vmem_shared>> -> memref<10112x128xf32, #tpu.memory_space<vmem_shared>>
          tpu.enqueue_indirect_dma source(%arg13 : memref<128x128xf32, #tpu.memory_space<vmem>>) target(%dma_start3A_57 : memref<10112x128xf32, #tpu.memory_space<vmem_shared>>) offsets(%arg11 : memref<128xi32, #tpu.memory_space<vmem>>) semaphore(%run_scoped3A : memref<!tpu.dma_semaphore, #tpu.memory_space<semaphore_mem>>) {add = true}
          %dma_wait3A_58 = arith.constant 0 : i32
          %dma_wait3A_59 = arith.constant 0 : i32
          %dma_wait3A_60 = tpu.memref_slice %arg7[%dma_wait3A_58, %dma_wait3A_59] : memref<10112x128xf32, #tpu.memory_space<vmem_shared>> -> memref<10112x128xf32, #tpu.memory_space<vmem_shared>>
          tpu.wait_indirect_dma semaphore(%run_scoped3A : memref<!tpu.dma_semaphore, #tpu.memory_space<semaphore_mem>>) src(%arg13 : memref<128x128xf32, #tpu.memory_space<vmem>>) dst(%dma_wait3A_60 : memref<10112x128xf32, #tpu.memory_space<vmem_shared>>)
          tpu.yield
        }) : () -> ()
      }
      %scan3A_25 = arith.constant 56 : i32
      %add3A = arith.constant 14336 : i32
      %add3A_26 = arith.addi %mul3A_18, %add3A : i32
      "tpu.region"() ({
        %run_scoped3A = tpu.sem_alloc : memref<!tpu.dma_semaphore, #tpu.memory_space<semaphore_mem>>
        %dma_start3A_32 = tpu.memref_slice %arg3[%add3A_26] : memref<323584xi32, #tpu.memory_space<hbm>> -> memref<128xi32, #tpu.memory_space<hbm>>
        %dma_start3A_33 = tpu.memref_slice %arg3[%add3A_26] : memref<323584xi32, #tpu.memory_space<hbm>> -> memref<128xi32, #tpu.memory_space<hbm>>
        tpu.enqueue_dma source(%dma_start3A_33 : memref<128xi32, #tpu.memory_space<hbm>>) target(%arg10 : memref<128xi32, #tpu.memory_space<vmem>>) target_semaphore(%run_scoped3A : memref<!tpu.dma_semaphore, #tpu.memory_space<semaphore_mem>>)
        %dma_wait3A_34 = tpu.memref_slice %arg3[%add3A_26] : memref<323584xi32, #tpu.memory_space<hbm>> -> memref<128xi32, #tpu.memory_space<hbm>>
        %dma_wait3A_35 = tpu.memref_slice %arg3[%add3A_26] : memref<323584xi32, #tpu.memory_space<hbm>> -> memref<128xi32, #tpu.memory_space<hbm>>
        tpu.wait_dma2 semaphore(%run_scoped3A : memref<!tpu.dma_semaphore, #tpu.memory_space<semaphore_mem>>) src(%dma_wait3A_35 : memref<128xi32, #tpu.memory_space<hbm>>) dst(%arg10 : memref<128xi32, #tpu.memory_space<vmem>>)
        tpu.yield
      }) : () -> ()
      "tpu.region"() ({
        %run_scoped3A = tpu.sem_alloc : memref<!tpu.dma_semaphore, #tpu.memory_space<semaphore_mem>>
        %dma_start3A_32 = tpu.memref_slice %arg4[%add3A_26] : memref<323584xi32, #tpu.memory_space<hbm>> -> memref<128xi32, #tpu.memory_space<hbm>>
        %dma_start3A_33 = tpu.memref_slice %arg4[%add3A_26] : memref<323584xi32, #tpu.memory_space<hbm>> -> memref<128xi32, #tpu.memory_space<hbm>>
        tpu.enqueue_dma source(%dma_start3A_33 : memref<128xi32, #tpu.memory_space<hbm>>) target(%arg11 : memref<128xi32, #tpu.memory_space<vmem>>) target_semaphore(%run_scoped3A : memref<!tpu.dma_semaphore, #tpu.memory_space<semaphore_mem>>)
        %dma_wait3A_34 = tpu.memref_slice %arg4[%add3A_26] : memref<323584xi32, #tpu.memory_space<hbm>> -> memref<128xi32, #tpu.memory_space<hbm>>
        %dma_wait3A_35 = tpu.memref_slice %arg4[%add3A_26] : memref<323584xi32, #tpu.memory_space<hbm>> -> memref<128xi32, #tpu.memory_space<hbm>>
        tpu.wait_dma2 semaphore(%run_scoped3A : memref<!tpu.dma_semaphore, #tpu.memory_space<semaphore_mem>>) src(%dma_wait3A_35 : memref<128xi32, #tpu.memory_space<hbm>>) dst(%arg11 : memref<128xi32, #tpu.memory_space<vmem>>)
        tpu.yield
      }) : () -> ()
      %dma_start3A_27 = arith.constant 0 : i32
      %dma_start3A_28 = arith.constant 0 : i32
      %dma_start3A_29 = tpu.memref_slice %arg2[%dma_start3A_27, %dma_start3A_28] : memref<10112x128xf32, #tpu.memory_space<hbm>> -> memref<10112x128xf32, #tpu.memory_space<hbm>>
      tpu.enqueue_indirect_dma source(%dma_start3A_29 : memref<10112x128xf32, #tpu.memory_space<hbm>>) target(%arg13 : memref<128x128xf32, #tpu.memory_space<vmem>>) offsets(%arg10 : memref<128xi32, #tpu.memory_space<vmem>>) semaphore(%arg15 : memref<!tpu.dma_semaphore, #tpu.memory_space<semaphore_mem>>)
      %dma_wait3A = arith.constant 0 : i32
      %dma_wait3A_30 = arith.constant 0 : i32
      %dma_wait3A_31 = tpu.memref_slice %arg2[%dma_wait3A, %dma_wait3A_30] : memref<10112x128xf32, #tpu.memory_space<hbm>> -> memref<10112x128xf32, #tpu.memory_space<hbm>>
      tpu.wait_indirect_dma semaphore(%arg15 : memref<!tpu.dma_semaphore, #tpu.memory_space<semaphore_mem>>) src(%dma_wait3A_31 : memref<10112x128xf32, #tpu.memory_space<hbm>>) dst(%arg13 : memref<128x128xf32, #tpu.memory_space<vmem>>)
      "tpu.region"() ({
        %run_scoped3A = tpu.sem_alloc : memref<!tpu.dma_semaphore, #tpu.memory_space<semaphore_mem>>
        %dma_start3A_32 = arith.constant 0 : i32
        %dma_start3A_33 = arith.constant 0 : i32
        %dma_start3A_34 = tpu.memref_slice %arg7[%dma_start3A_32, %dma_start3A_33] : memref<10112x128xf32, #tpu.memory_space<vmem_shared>> -> memref<10112x128xf32, #tpu.memory_space<vmem_shared>>
        tpu.enqueue_indirect_dma source(%arg13 : memref<128x128xf32, #tpu.memory_space<vmem>>) target(%dma_start3A_34 : memref<10112x128xf32, #tpu.memory_space<vmem_shared>>) offsets(%arg11 : memref<128xi32, #tpu.memory_space<vmem>>) semaphore(%run_scoped3A : memref<!tpu.dma_semaphore, #tpu.memory_space<semaphore_mem>>) {add = true}
        %dma_wait3A_35 = arith.constant 0 : i32
        %dma_wait3A_36 = arith.constant 0 : i32
        %dma_wait3A_37 = tpu.memref_slice %arg7[%dma_wait3A_35, %dma_wait3A_36] : memref<10112x128xf32, #tpu.memory_space<vmem_shared>> -> memref<10112x128xf32, #tpu.memory_space<vmem_shared>>
        tpu.wait_indirect_dma semaphore(%run_scoped3A : memref<!tpu.dma_semaphore, #tpu.memory_space<semaphore_mem>>) src(%arg13 : memref<128x128xf32, #tpu.memory_space<vmem>>) dst(%dma_wait3A_37 : memref<10112x128xf32, #tpu.memory_space<vmem_shared>>)
        tpu.yield
      }) : () -> ()
    } else {
    }
    %eq3A_5 = arith.constant 1 : i32
    %eq3A_6 = arith.cmpi eq, %arg0, %eq3A_5 : i32
    %convert_element_type3A_7 = arith.extui %eq3A_6 : i1 to i32
    %cond3A_8 = arith.constant 0 : i32
    %cond3A_9 = arith.cmpi ne, %convert_element_type3A_7, %cond3A_8 : i32
    scf.if %cond3A_9 {
      %mul3A_15 = arith.constant 45 : i32
      %mul3A_16 = arith.muli %arg1, %mul3A_15 : i32
      %add3A = arith.constant 1808 : i32
      %add3A_17 = arith.addi %add3A, %mul3A_16 : i32
      %mul3A_18 = arith.constant 128 : i32
      %mul3A_19 = arith.muli %add3A_17, %mul3A_18 : i32
      "tpu.region"() ({
        %run_scoped3A = tpu.sem_alloc : memref<!tpu.dma_semaphore, #tpu.memory_space<semaphore_mem>>
        %dma_start3A_34 = tpu.memref_slice %arg3[%mul3A_19] : memref<323584xi32, #tpu.memory_space<hbm>> -> memref<128xi32, #tpu.memory_space<hbm>>
        %dma_start3A_35 = tpu.memref_slice %arg3[%mul3A_19] : memref<323584xi32, #tpu.memory_space<hbm>> -> memref<128xi32, #tpu.memory_space<hbm>>
        tpu.enqueue_dma source(%dma_start3A_35 : memref<128xi32, #tpu.memory_space<hbm>>) target(%arg8 : memref<128xi32, #tpu.memory_space<vmem>>) target_semaphore(%run_scoped3A : memref<!tpu.dma_semaphore, #tpu.memory_space<semaphore_mem>>)
        %dma_wait3A_36 = tpu.memref_slice %arg3[%mul3A_19] : memref<323584xi32, #tpu.memory_space<hbm>> -> memref<128xi32, #tpu.memory_space<hbm>>
        %dma_wait3A_37 = tpu.memref_slice %arg3[%mul3A_19] : memref<323584xi32, #tpu.memory_space<hbm>> -> memref<128xi32, #tpu.memory_space<hbm>>
        tpu.wait_dma2 semaphore(%run_scoped3A : memref<!tpu.dma_semaphore, #tpu.memory_space<semaphore_mem>>) src(%dma_wait3A_37 : memref<128xi32, #tpu.memory_space<hbm>>) dst(%arg8 : memref<128xi32, #tpu.memory_space<vmem>>)
        tpu.yield
      }) : () -> ()
      "tpu.region"() ({
        %run_scoped3A = tpu.sem_alloc : memref<!tpu.dma_semaphore, #tpu.memory_space<semaphore_mem>>
        %dma_start3A_34 = tpu.memref_slice %arg4[%mul3A_19] : memref<323584xi32, #tpu.memory_space<hbm>> -> memref<128xi32, #tpu.memory_space<hbm>>
        %dma_start3A_35 = tpu.memref_slice %arg4[%mul3A_19] : memref<323584xi32, #tpu.memory_space<hbm>> -> memref<128xi32, #tpu.memory_space<hbm>>
        tpu.enqueue_dma source(%dma_start3A_35 : memref<128xi32, #tpu.memory_space<hbm>>) target(%arg9 : memref<128xi32, #tpu.memory_space<vmem>>) target_semaphore(%run_scoped3A : memref<!tpu.dma_semaphore, #tpu.memory_space<semaphore_mem>>)
        %dma_wait3A_36 = tpu.memref_slice %arg4[%mul3A_19] : memref<323584xi32, #tpu.memory_space<hbm>> -> memref<128xi32, #tpu.memory_space<hbm>>
        %dma_wait3A_37 = tpu.memref_slice %arg4[%mul3A_19] : memref<323584xi32, #tpu.memory_space<hbm>> -> memref<128xi32, #tpu.memory_space<hbm>>
        tpu.wait_dma2 semaphore(%run_scoped3A : memref<!tpu.dma_semaphore, #tpu.memory_space<semaphore_mem>>) src(%dma_wait3A_37 : memref<128xi32, #tpu.memory_space<hbm>>) dst(%arg9 : memref<128xi32, #tpu.memory_space<vmem>>)
        tpu.yield
      }) : () -> ()
      %dma_start3A = arith.constant 0 : i32
      %dma_start3A_20 = arith.constant 0 : i32
      %dma_start3A_21 = tpu.memref_slice %arg2[%dma_start3A, %dma_start3A_20] : memref<10112x128xf32, #tpu.memory_space<hbm>> -> memref<10112x128xf32, #tpu.memory_space<hbm>>
      tpu.enqueue_indirect_dma source(%dma_start3A_21 : memref<10112x128xf32, #tpu.memory_space<hbm>>) target(%arg12 : memref<128x128xf32, #tpu.memory_space<vmem>>) offsets(%arg8 : memref<128xi32, #tpu.memory_space<vmem>>) semaphore(%arg14 : memref<!tpu.dma_semaphore, #tpu.memory_space<semaphore_mem>>)
      %scan3A = arith.constant 0 : i32
      %scan3A_22 = arith.constant 0 : i32
      %scan3A_23 = arith.constant 22 : i32
      %scan3A_24 = arith.addi %scan3A_22, %scan3A_23 : i32
      %scan3A_25 = arith.constant 1 : i32
      scf.for %scan3A_34 = %scan3A_22 to %scan3A_24 step %scan3A_25  : i32 {
        %mul3A_35 = arith.constant 2 : i32
        %mul3A_36 = arith.muli %mul3A_35, %scan3A_34 : i32
        %add3A_37 = arith.constant 1 : i32
        %add3A_38 = arith.addi %mul3A_36, %add3A_37 : i32
        %mul3A_39 = arith.constant 128 : i32
        %mul3A_40 = arith.muli %add3A_38, %mul3A_39 : i32
        %add3A_41 = arith.addi %mul3A_19, %mul3A_40 : i32
        "tpu.region"() ({
          %run_scoped3A = tpu.sem_alloc : memref<!tpu.dma_semaphore, #tpu.memory_space<semaphore_mem>>
          %dma_start3A_57 = tpu.memref_slice %arg3[%add3A_41] : memref<323584xi32, #tpu.memory_space<hbm>> -> memref<128xi32, #tpu.memory_space<hbm>>
          %dma_start3A_58 = tpu.memref_slice %arg3[%add3A_41] : memref<323584xi32, #tpu.memory_space<hbm>> -> memref<128xi32, #tpu.memory_space<hbm>>
          tpu.enqueue_dma source(%dma_start3A_58 : memref<128xi32, #tpu.memory_space<hbm>>) target(%arg10 : memref<128xi32, #tpu.memory_space<vmem>>) target_semaphore(%run_scoped3A : memref<!tpu.dma_semaphore, #tpu.memory_space<semaphore_mem>>)
          %dma_wait3A_59 = tpu.memref_slice %arg3[%add3A_41] : memref<323584xi32, #tpu.memory_space<hbm>> -> memref<128xi32, #tpu.memory_space<hbm>>
          %dma_wait3A_60 = tpu.memref_slice %arg3[%add3A_41] : memref<323584xi32, #tpu.memory_space<hbm>> -> memref<128xi32, #tpu.memory_space<hbm>>
          tpu.wait_dma2 semaphore(%run_scoped3A : memref<!tpu.dma_semaphore, #tpu.memory_space<semaphore_mem>>) src(%dma_wait3A_60 : memref<128xi32, #tpu.memory_space<hbm>>) dst(%arg10 : memref<128xi32, #tpu.memory_space<vmem>>)
          tpu.yield
        }) : () -> ()
        "tpu.region"() ({
          %run_scoped3A = tpu.sem_alloc : memref<!tpu.dma_semaphore, #tpu.memory_space<semaphore_mem>>
          %dma_start3A_57 = tpu.memref_slice %arg4[%add3A_41] : memref<323584xi32, #tpu.memory_space<hbm>> -> memref<128xi32, #tpu.memory_space<hbm>>
          %dma_start3A_58 = tpu.memref_slice %arg4[%add3A_41] : memref<323584xi32, #tpu.memory_space<hbm>> -> memref<128xi32, #tpu.memory_space<hbm>>
          tpu.enqueue_dma source(%dma_start3A_58 : memref<128xi32, #tpu.memory_space<hbm>>) target(%arg11 : memref<128xi32, #tpu.memory_space<vmem>>) target_semaphore(%run_scoped3A : memref<!tpu.dma_semaphore, #tpu.memory_space<semaphore_mem>>)
          %dma_wait3A_59 = tpu.memref_slice %arg4[%add3A_41] : memref<323584xi32, #tpu.memory_space<hbm>> -> memref<128xi32, #tpu.memory_space<hbm>>
          %dma_wait3A_60 = tpu.memref_slice %arg4[%add3A_41] : memref<323584xi32, #tpu.memory_space<hbm>> -> memref<128xi32, #tpu.memory_space<hbm>>
          tpu.wait_dma2 semaphore(%run_scoped3A : memref<!tpu.dma_semaphore, #tpu.memory_space<semaphore_mem>>) src(%dma_wait3A_60 : memref<128xi32, #tpu.memory_space<hbm>>) dst(%arg11 : memref<128xi32, #tpu.memory_space<vmem>>)
          tpu.yield
        }) : () -> ()
        %dma_start3A_42 = arith.constant 0 : i32
        %dma_start3A_43 = arith.constant 0 : i32
        %dma_start3A_44 = tpu.memref_slice %arg2[%dma_start3A_42, %dma_start3A_43] : memref<10112x128xf32, #tpu.memory_space<hbm>> -> memref<10112x128xf32, #tpu.memory_space<hbm>>
        tpu.enqueue_indirect_dma source(%dma_start3A_44 : memref<10112x128xf32, #tpu.memory_space<hbm>>) target(%arg13 : memref<128x128xf32, #tpu.memory_space<vmem>>) offsets(%arg10 : memref<128xi32, #tpu.memory_space<vmem>>) semaphore(%arg15 : memref<!tpu.dma_semaphore, #tpu.memory_space<semaphore_mem>>)
        %dma_wait3A_45 = arith.constant 0 : i32
        %dma_wait3A_46 = arith.constant 0 : i32
        %dma_wait3A_47 = tpu.memref_slice %arg2[%dma_wait3A_45, %dma_wait3A_46] : memref<10112x128xf32, #tpu.memory_space<hbm>> -> memref<10112x128xf32, #tpu.memory_space<hbm>>
        tpu.wait_indirect_dma semaphore(%arg14 : memref<!tpu.dma_semaphore, #tpu.memory_space<semaphore_mem>>) src(%dma_wait3A_47 : memref<10112x128xf32, #tpu.memory_space<hbm>>) dst(%arg12 : memref<128x128xf32, #tpu.memory_space<vmem>>)
        "tpu.region"() ({
          %run_scoped3A = tpu.sem_alloc : memref<!tpu.dma_semaphore, #tpu.memory_space<semaphore_mem>>
          %dma_start3A_57 = arith.constant 0 : i32
          %dma_start3A_58 = arith.constant 0 : i32
          %dma_start3A_59 = tpu.memref_slice %arg7[%dma_start3A_57, %dma_start3A_58] : memref<10112x128xf32, #tpu.memory_space<vmem_shared>> -> memref<10112x128xf32, #tpu.memory_space<vmem_shared>>
          tpu.enqueue_indirect_dma source(%arg12 : memref<128x128xf32, #tpu.memory_space<vmem>>) target(%dma_start3A_59 : memref<10112x128xf32, #tpu.memory_space<vmem_shared>>) offsets(%arg9 : memref<128xi32, #tpu.memory_space<vmem>>) semaphore(%run_scoped3A : memref<!tpu.dma_semaphore, #tpu.memory_space<semaphore_mem>>) {add = true}
          %dma_wait3A_60 = arith.constant 0 : i32
          %dma_wait3A_61 = arith.constant 0 : i32
          %dma_wait3A_62 = tpu.memref_slice %arg7[%dma_wait3A_60, %dma_wait3A_61] : memref<10112x128xf32, #tpu.memory_space<vmem_shared>> -> memref<10112x128xf32, #tpu.memory_space<vmem_shared>>
          tpu.wait_indirect_dma semaphore(%run_scoped3A : memref<!tpu.dma_semaphore, #tpu.memory_space<semaphore_mem>>) src(%arg12 : memref<128x128xf32, #tpu.memory_space<vmem>>) dst(%dma_wait3A_62 : memref<10112x128xf32, #tpu.memory_space<vmem_shared>>)
          tpu.yield
        }) : () -> ()
        %add3A_48 = arith.constant 1 : i32
        %add3A_49 = arith.addi %scan3A_34, %add3A_48 : i32
        %lt3A = arith.constant 22 : i32
        %lt3A_50 = arith.cmpi slt, %add3A_49, %lt3A : i32
        %convert_element_type3A_51 = arith.extui %lt3A_50 : i1 to i32
        %cond3A_52 = arith.constant 0 : i32
        %cond3A_53 = arith.cmpi ne, %convert_element_type3A_51, %cond3A_52 : i32
        scf.if %cond3A_53 {
          %mul3A_57 = arith.constant 2 : i32
          %mul3A_58 = arith.muli %mul3A_57, %scan3A_34 : i32
          %add3A_59 = arith.constant 2 : i32
          %add3A_60 = arith.addi %mul3A_58, %add3A_59 : i32
          %mul3A_61 = arith.constant 128 : i32
          %mul3A_62 = arith.muli %add3A_60, %mul3A_61 : i32
          %add3A_63 = arith.addi %mul3A_19, %mul3A_62 : i32
          "tpu.region"() ({
            %run_scoped3A = tpu.sem_alloc : memref<!tpu.dma_semaphore, #tpu.memory_space<semaphore_mem>>
            %dma_start3A_67 = tpu.memref_slice %arg3[%add3A_63] : memref<323584xi32, #tpu.memory_space<hbm>> -> memref<128xi32, #tpu.memory_space<hbm>>
            %dma_start3A_68 = tpu.memref_slice %arg3[%add3A_63] : memref<323584xi32, #tpu.memory_space<hbm>> -> memref<128xi32, #tpu.memory_space<hbm>>
            tpu.enqueue_dma source(%dma_start3A_68 : memref<128xi32, #tpu.memory_space<hbm>>) target(%arg8 : memref<128xi32, #tpu.memory_space<vmem>>) target_semaphore(%run_scoped3A : memref<!tpu.dma_semaphore, #tpu.memory_space<semaphore_mem>>)
            %dma_wait3A_69 = tpu.memref_slice %arg3[%add3A_63] : memref<323584xi32, #tpu.memory_space<hbm>> -> memref<128xi32, #tpu.memory_space<hbm>>
            %dma_wait3A_70 = tpu.memref_slice %arg3[%add3A_63] : memref<323584xi32, #tpu.memory_space<hbm>> -> memref<128xi32, #tpu.memory_space<hbm>>
            tpu.wait_dma2 semaphore(%run_scoped3A : memref<!tpu.dma_semaphore, #tpu.memory_space<semaphore_mem>>) src(%dma_wait3A_70 : memref<128xi32, #tpu.memory_space<hbm>>) dst(%arg8 : memref<128xi32, #tpu.memory_space<vmem>>)
            tpu.yield
          }) : () -> ()
          "tpu.region"() ({
            %run_scoped3A = tpu.sem_alloc : memref<!tpu.dma_semaphore, #tpu.memory_space<semaphore_mem>>
            %dma_start3A_67 = tpu.memref_slice %arg4[%add3A_63] : memref<323584xi32, #tpu.memory_space<hbm>> -> memref<128xi32, #tpu.memory_space<hbm>>
            %dma_start3A_68 = tpu.memref_slice %arg4[%add3A_63] : memref<323584xi32, #tpu.memory_space<hbm>> -> memref<128xi32, #tpu.memory_space<hbm>>
            tpu.enqueue_dma source(%dma_start3A_68 : memref<128xi32, #tpu.memory_space<hbm>>) target(%arg9 : memref<128xi32, #tpu.memory_space<vmem>>) target_semaphore(%run_scoped3A : memref<!tpu.dma_semaphore, #tpu.memory_space<semaphore_mem>>)
            %dma_wait3A_69 = tpu.memref_slice %arg4[%add3A_63] : memref<323584xi32, #tpu.memory_space<hbm>> -> memref<128xi32, #tpu.memory_space<hbm>>
            %dma_wait3A_70 = tpu.memref_slice %arg4[%add3A_63] : memref<323584xi32, #tpu.memory_space<hbm>> -> memref<128xi32, #tpu.memory_space<hbm>>
            tpu.wait_dma2 semaphore(%run_scoped3A : memref<!tpu.dma_semaphore, #tpu.memory_space<semaphore_mem>>) src(%dma_wait3A_70 : memref<128xi32, #tpu.memory_space<hbm>>) dst(%arg9 : memref<128xi32, #tpu.memory_space<vmem>>)
            tpu.yield
          }) : () -> ()
          %dma_start3A_64 = arith.constant 0 : i32
          %dma_start3A_65 = arith.constant 0 : i32
          %dma_start3A_66 = tpu.memref_slice %arg2[%dma_start3A_64, %dma_start3A_65] : memref<10112x128xf32, #tpu.memory_space<hbm>> -> memref<10112x128xf32, #tpu.memory_space<hbm>>
          tpu.enqueue_indirect_dma source(%dma_start3A_66 : memref<10112x128xf32, #tpu.memory_space<hbm>>) target(%arg12 : memref<128x128xf32, #tpu.memory_space<vmem>>) offsets(%arg8 : memref<128xi32, #tpu.memory_space<vmem>>) semaphore(%arg14 : memref<!tpu.dma_semaphore, #tpu.memory_space<semaphore_mem>>)
        } else {
        }
        %dma_wait3A_54 = arith.constant 0 : i32
        %dma_wait3A_55 = arith.constant 0 : i32
        %dma_wait3A_56 = tpu.memref_slice %arg2[%dma_wait3A_54, %dma_wait3A_55] : memref<10112x128xf32, #tpu.memory_space<hbm>> -> memref<10112x128xf32, #tpu.memory_space<hbm>>
        tpu.wait_indirect_dma semaphore(%arg15 : memref<!tpu.dma_semaphore, #tpu.memory_space<semaphore_mem>>) src(%dma_wait3A_56 : memref<10112x128xf32, #tpu.memory_space<hbm>>) dst(%arg13 : memref<128x128xf32, #tpu.memory_space<vmem>>)
        "tpu.region"() ({
          %run_scoped3A = tpu.sem_alloc : memref<!tpu.dma_semaphore, #tpu.memory_space<semaphore_mem>>
          %dma_start3A_57 = arith.constant 0 : i32
          %dma_start3A_58 = arith.constant 0 : i32
          %dma_start3A_59 = tpu.memref_slice %arg7[%dma_start3A_57, %dma_start3A_58] : memref<10112x128xf32, #tpu.memory_space<vmem_shared>> -> memref<10112x128xf32, #tpu.memory_space<vmem_shared>>
          tpu.enqueue_indirect_dma source(%arg13 : memref<128x128xf32, #tpu.memory_space<vmem>>) target(%dma_start3A_59 : memref<10112x128xf32, #tpu.memory_space<vmem_shared>>) offsets(%arg11 : memref<128xi32, #tpu.memory_space<vmem>>) semaphore(%run_scoped3A : memref<!tpu.dma_semaphore, #tpu.memory_space<semaphore_mem>>) {add = true}
          %dma_wait3A_60 = arith.constant 0 : i32
          %dma_wait3A_61 = arith.constant 0 : i32
          %dma_wait3A_62 = tpu.memref_slice %arg7[%dma_wait3A_60, %dma_wait3A_61] : memref<10112x128xf32, #tpu.memory_space<vmem_shared>> -> memref<10112x128xf32, #tpu.memory_space<vmem_shared>>
          tpu.wait_indirect_dma semaphore(%run_scoped3A : memref<!tpu.dma_semaphore, #tpu.memory_space<semaphore_mem>>) src(%arg13 : memref<128x128xf32, #tpu.memory_space<vmem>>) dst(%dma_wait3A_62 : memref<10112x128xf32, #tpu.memory_space<vmem_shared>>)
          tpu.yield
        }) : () -> ()
      }
      %scan3A_26 = arith.constant 22 : i32
      %add3A_27 = arith.constant 5632 : i32
      %add3A_28 = arith.addi %mul3A_19, %add3A_27 : i32
      "tpu.region"() ({
        %run_scoped3A = tpu.sem_alloc : memref<!tpu.dma_semaphore, #tpu.memory_space<semaphore_mem>>
        %dma_start3A_34 = tpu.memref_slice %arg3[%add3A_28] : memref<323584xi32, #tpu.memory_space<hbm>> -> memref<128xi32, #tpu.memory_space<hbm>>
        %dma_start3A_35 = tpu.memref_slice %arg3[%add3A_28] : memref<323584xi32, #tpu.memory_space<hbm>> -> memref<128xi32, #tpu.memory_space<hbm>>
        tpu.enqueue_dma source(%dma_start3A_35 : memref<128xi32, #tpu.memory_space<hbm>>) target(%arg10 : memref<128xi32, #tpu.memory_space<vmem>>) target_semaphore(%run_scoped3A : memref<!tpu.dma_semaphore, #tpu.memory_space<semaphore_mem>>)
        %dma_wait3A_36 = tpu.memref_slice %arg3[%add3A_28] : memref<323584xi32, #tpu.memory_space<hbm>> -> memref<128xi32, #tpu.memory_space<hbm>>
        %dma_wait3A_37 = tpu.memref_slice %arg3[%add3A_28] : memref<323584xi32, #tpu.memory_space<hbm>> -> memref<128xi32, #tpu.memory_space<hbm>>
        tpu.wait_dma2 semaphore(%run_scoped3A : memref<!tpu.dma_semaphore, #tpu.memory_space<semaphore_mem>>) src(%dma_wait3A_37 : memref<128xi32, #tpu.memory_space<hbm>>) dst(%arg10 : memref<128xi32, #tpu.memory_space<vmem>>)
        tpu.yield
      }) : () -> ()
      "tpu.region"() ({
        %run_scoped3A = tpu.sem_alloc : memref<!tpu.dma_semaphore, #tpu.memory_space<semaphore_mem>>
        %dma_start3A_34 = tpu.memref_slice %arg4[%add3A_28] : memref<323584xi32, #tpu.memory_space<hbm>> -> memref<128xi32, #tpu.memory_space<hbm>>
        %dma_start3A_35 = tpu.memref_slice %arg4[%add3A_28] : memref<323584xi32, #tpu.memory_space<hbm>> -> memref<128xi32, #tpu.memory_space<hbm>>
        tpu.enqueue_dma source(%dma_start3A_35 : memref<128xi32, #tpu.memory_space<hbm>>) target(%arg11 : memref<128xi32, #tpu.memory_space<vmem>>) target_semaphore(%run_scoped3A : memref<!tpu.dma_semaphore, #tpu.memory_space<semaphore_mem>>)
        %dma_wait3A_36 = tpu.memref_slice %arg4[%add3A_28] : memref<323584xi32, #tpu.memory_space<hbm>> -> memref<128xi32, #tpu.memory_space<hbm>>
        %dma_wait3A_37 = tpu.memref_slice %arg4[%add3A_28] : memref<323584xi32, #tpu.memory_space<hbm>> -> memref<128xi32, #tpu.memory_space<hbm>>
        tpu.wait_dma2 semaphore(%run_scoped3A : memref<!tpu.dma_semaphore, #tpu.memory_space<semaphore_mem>>) src(%dma_wait3A_37 : memref<128xi32, #tpu.memory_space<hbm>>) dst(%arg11 : memref<128xi32, #tpu.memory_space<vmem>>)
        tpu.yield
      }) : () -> ()
      %dma_start3A_29 = arith.constant 0 : i32
      %dma_start3A_30 = arith.constant 0 : i32
      %dma_start3A_31 = tpu.memref_slice %arg2[%dma_start3A_29, %dma_start3A_30] : memref<10112x128xf32, #tpu.memory_space<hbm>> -> memref<10112x128xf32, #tpu.memory_space<hbm>>
      tpu.enqueue_indirect_dma source(%dma_start3A_31 : memref<10112x128xf32, #tpu.memory_space<hbm>>) target(%arg13 : memref<128x128xf32, #tpu.memory_space<vmem>>) offsets(%arg10 : memref<128xi32, #tpu.memory_space<vmem>>) semaphore(%arg15 : memref<!tpu.dma_semaphore, #tpu.memory_space<semaphore_mem>>)
      %dma_wait3A = arith.constant 0 : i32
      %dma_wait3A_32 = arith.constant 0 : i32
      %dma_wait3A_33 = tpu.memref_slice %arg2[%dma_wait3A, %dma_wait3A_32] : memref<10112x128xf32, #tpu.memory_space<hbm>> -> memref<10112x128xf32, #tpu.memory_space<hbm>>
      tpu.wait_indirect_dma semaphore(%arg15 : memref<!tpu.dma_semaphore, #tpu.memory_space<semaphore_mem>>) src(%dma_wait3A_33 : memref<10112x128xf32, #tpu.memory_space<hbm>>) dst(%arg13 : memref<128x128xf32, #tpu.memory_space<vmem>>)
      "tpu.region"() ({
        %run_scoped3A = tpu.sem_alloc : memref<!tpu.dma_semaphore, #tpu.memory_space<semaphore_mem>>
        %dma_start3A_34 = arith.constant 0 : i32
        %dma_start3A_35 = arith.constant 0 : i32
        %dma_start3A_36 = tpu.memref_slice %arg7[%dma_start3A_34, %dma_start3A_35] : memref<10112x128xf32, #tpu.memory_space<vmem_shared>> -> memref<10112x128xf32, #tpu.memory_space<vmem_shared>>
        tpu.enqueue_indirect_dma source(%arg13 : memref<128x128xf32, #tpu.memory_space<vmem>>) target(%dma_start3A_36 : memref<10112x128xf32, #tpu.memory_space<vmem_shared>>) offsets(%arg11 : memref<128xi32, #tpu.memory_space<vmem>>) semaphore(%run_scoped3A : memref<!tpu.dma_semaphore, #tpu.memory_space<semaphore_mem>>) {add = true}
        %dma_wait3A_37 = arith.constant 0 : i32
        %dma_wait3A_38 = arith.constant 0 : i32
        %dma_wait3A_39 = tpu.memref_slice %arg7[%dma_wait3A_37, %dma_wait3A_38] : memref<10112x128xf32, #tpu.memory_space<vmem_shared>> -> memref<10112x128xf32, #tpu.memory_space<vmem_shared>>
        tpu.wait_indirect_dma semaphore(%run_scoped3A : memref<!tpu.dma_semaphore, #tpu.memory_space<semaphore_mem>>) src(%arg13 : memref<128x128xf32, #tpu.memory_space<vmem>>) dst(%dma_wait3A_39 : memref<10112x128xf32, #tpu.memory_space<vmem_shared>>)
        tpu.yield
      }) : () -> ()
    } else {
    }
    %barrier3A_10 = arith.constant 0 : index
    tpu.barrier barrier_id(%barrier3A_10)
    %mul3A_11 = arith.constant 632 : i32
    %mul3A_12 = arith.muli %arg1, %mul3A_11 : i32
    %mul3A_13 = arith.constant 632 : i32
    %mul3A_14 = arith.muli %arg1, %mul3A_13 : i32
    "tpu.region"() ({
      %run_scoped3A = tpu.sem_alloc : memref<!tpu.dma_semaphore, #tpu.memory_space<semaphore_mem>>
      %dma_start3A = arith.constant 0 : i32
      %dma_start3A_15 = arith.constant 0 : i32
      %dma_start3A_16 = tpu.memref_slice %arg6[%arg0, %dma_start3A, %dma_start3A_15] : memref<2x10112x128xf32, #tpu.memory_space<hbm>> -> memref<1x10112x128xf32, #tpu.memory_space<hbm>>
      %dma_start3A_17 = tpu.memref_squeeze %dma_start3A_16 : memref<1x10112x128xf32, #tpu.memory_space<hbm>> -> memref<10112x128xf32, #tpu.memory_space<hbm>>
      %dma_start3A_18 = arith.constant 0 : i32
      %dma_start3A_19 = tpu.memref_slice %dma_start3A_17[%mul3A_14, %dma_start3A_18] : memref<10112x128xf32, #tpu.memory_space<hbm>> -> memref<632x128xf32, #tpu.memory_space<hbm>>
      %dma_start3A_20 = arith.constant 0 : i32
      %dma_start3A_21 = tpu.memref_slice %arg7[%mul3A_12, %dma_start3A_20] : memref<10112x128xf32, #tpu.memory_space<vmem_shared>> -> memref<632x128xf32, #tpu.memory_space<vmem_shared>>
      tpu.enqueue_dma source(%dma_start3A_21 : memref<632x128xf32, #tpu.memory_space<vmem_shared>>) target(%dma_start3A_19 : memref<632x128xf32, #tpu.memory_space<hbm>>) target_semaphore(%run_scoped3A : memref<!tpu.dma_semaphore, #tpu.memory_space<semaphore_mem>>)
      %dma_wait3A = arith.constant 0 : i32
      %dma_wait3A_22 = arith.constant 0 : i32
      %dma_wait3A_23 = tpu.memref_slice %arg6[%arg0, %dma_wait3A, %dma_wait3A_22] : memref<2x10112x128xf32, #tpu.memory_space<hbm>> -> memref<1x10112x128xf32, #tpu.memory_space<hbm>>
      %dma_wait3A_24 = tpu.memref_squeeze %dma_wait3A_23 : memref<1x10112x128xf32, #tpu.memory_space<hbm>> -> memref<10112x128xf32, #tpu.memory_space<hbm>>
      %dma_wait3A_25 = arith.constant 0 : i32
      %dma_wait3A_26 = tpu.memref_slice %dma_wait3A_24[%mul3A_14, %dma_wait3A_25] : memref<10112x128xf32, #tpu.memory_space<hbm>> -> memref<632x128xf32, #tpu.memory_space<hbm>>
      %dma_wait3A_27 = arith.constant 0 : i32
      %dma_wait3A_28 = tpu.memref_slice %arg7[%mul3A_12, %dma_wait3A_27] : memref<10112x128xf32, #tpu.memory_space<vmem_shared>> -> memref<632x128xf32, #tpu.memory_space<vmem_shared>>
      tpu.wait_dma2 semaphore(%run_scoped3A : memref<!tpu.dma_semaphore, #tpu.memory_space<semaphore_mem>>) src(%dma_wait3A_28 : memref<632x128xf32, #tpu.memory_space<vmem_shared>>) dst(%dma_wait3A_26 : memref<632x128xf32, #tpu.memory_space<hbm>>)
      tpu.yield
    }) : () -> ()
    return
  }
}

#map = affine_map<(d0, d1) -> (0)>
#map1 = affine_map<(d0, d1) -> (0, 0)>
#map2 = affine_map<(d0, d1) -> (0, 0, 0)>
module attributes {stable_mosaic.version = 14 : i64} {
  func.func @body(%arg0: i32, %arg1: i32, %arg2: memref<323584xi32, #tpu.memory_space<hbm>>, %arg3: memref<128x128xf32, #tpu.memory_space<hbm>>, %arg4: memref<10112x128xf32, #tpu.memory_space<hbm>>, %arg5: memref<2x10112x128xf32, #tpu.memory_space<hbm>>, %arg6: memref<10112x128xf32, #tpu.memory_space<vmem_shared>>, %arg7: memref<128xi32, #tpu.memory_space<vmem>>, %arg8: memref<128x128xf32, #tpu.memory_space<vmem>>, %arg9: memref<!tpu.dma_semaphore, #tpu.memory_space<semaphore_mem>>) attributes {dimension_semantics = [#tpu.dimension_semantics<core_parallel>, #tpu.dimension_semantics<subcore_parallel>], iteration_bounds = array<i64: 2, 16>, scalar_prefetch = 0 : i64, scratch_operands = 4 : i64, tpu.core_type = #tpu.core_type<sc_vector_subcore>, window_params = [{transform_indices = #map}, {transform_indices = #map1}, {transform_indices = #map1}, {transform_indices = #map2}]} {
    %mul3A = arith.constant 2 : i32
    %mul3A_0 = arith.muli %arg1, %mul3A : i32
    %add3A = arith.addi %mul3A_0, %arg0 : i32
    %mul3A_1 = arith.constant 632 : i32
    %mul3A_2 = arith.muli %arg1, %mul3A_1 : i32
    %mul3A_3 = arith.constant 632 : i32
    %mul3A_4 = arith.muli %arg1, %mul3A_3 : i32
    "tpu.region"() ({
      %run_scoped3A = tpu.sem_alloc : memref<!tpu.dma_semaphore, #tpu.memory_space<semaphore_mem>>
      %dma_start3A = arith.constant 0 : i32
      %dma_start3A_15 = tpu.memref_slice %arg6[%mul3A_4, %dma_start3A] : memref<10112x128xf32, #tpu.memory_space<vmem_shared>> -> memref<632x128xf32, #tpu.memory_space<vmem_shared>>
      %dma_start3A_16 = arith.constant 0 : i32
      %dma_start3A_17 = tpu.memref_slice %arg4[%mul3A_2, %dma_start3A_16] : memref<10112x128xf32, #tpu.memory_space<hbm>> -> memref<632x128xf32, #tpu.memory_space<hbm>>
      tpu.enqueue_dma source(%dma_start3A_17 : memref<632x128xf32, #tpu.memory_space<hbm>>) target(%dma_start3A_15 : memref<632x128xf32, #tpu.memory_space<vmem_shared>>) target_semaphore(%run_scoped3A : memref<!tpu.dma_semaphore, #tpu.memory_space<semaphore_mem>>)
      %dma_wait3A = arith.constant 0 : i32
      %dma_wait3A_18 = tpu.memref_slice %arg6[%mul3A_4, %dma_wait3A] : memref<10112x128xf32, #tpu.memory_space<vmem_shared>> -> memref<632x128xf32, #tpu.memory_space<vmem_shared>>
      %dma_wait3A_19 = arith.constant 0 : i32
      %dma_wait3A_20 = tpu.memref_slice %arg4[%mul3A_2, %dma_wait3A_19] : memref<10112x128xf32, #tpu.memory_space<hbm>> -> memref<632x128xf32, #tpu.memory_space<hbm>>
      tpu.wait_dma2 semaphore(%run_scoped3A : memref<!tpu.dma_semaphore, #tpu.memory_space<semaphore_mem>>) src(%dma_wait3A_20 : memref<632x128xf32, #tpu.memory_space<hbm>>) dst(%dma_wait3A_18 : memref<632x128xf32, #tpu.memory_space<vmem_shared>>)
      tpu.yield
    }) : () -> ()
    "tpu.region"() ({
      %run_scoped3A = tpu.sem_alloc : memref<!tpu.dma_semaphore, #tpu.memory_space<semaphore_mem>>
      tpu.enqueue_dma source(%arg3 : memref<128x128xf32, #tpu.memory_space<hbm>>) target(%arg8 : memref<128x128xf32, #tpu.memory_space<vmem>>) target_semaphore(%run_scoped3A : memref<!tpu.dma_semaphore, #tpu.memory_space<semaphore_mem>>)
      tpu.wait_dma2 semaphore(%run_scoped3A : memref<!tpu.dma_semaphore, #tpu.memory_space<semaphore_mem>>) src(%arg3 : memref<128x128xf32, #tpu.memory_space<hbm>>) dst(%arg8 : memref<128x128xf32, #tpu.memory_space<vmem>>)
      tpu.yield
    }) : () -> ()
    %barrier3A = arith.constant 0 : index
    tpu.barrier barrier_id(%barrier3A)
    %scan3A = arith.constant 0 : i32
    %scan3A_5 = arith.constant 0 : i32
    %scan3A_6 = arith.constant 79 : i32
    %scan3A_7 = arith.addi %scan3A_5, %scan3A_6 : i32
    %scan3A_8 = arith.constant 1 : i32
    scf.for %scan3A_15 = %scan3A_5 to %scan3A_7 step %scan3A_8  : i32 {
      %mul3A_16 = arith.constant 79 : i32
      %mul3A_17 = arith.muli %add3A, %mul3A_16 : i32
      %add3A_18 = arith.addi %mul3A_17, %scan3A_15 : i32
      %mul3A_19 = arith.constant 128 : i32
      %mul3A_20 = arith.muli %add3A_18, %mul3A_19 : i32
      "tpu.region"() ({
        %run_scoped3A = tpu.sem_alloc : memref<!tpu.dma_semaphore, #tpu.memory_space<semaphore_mem>>
        %dma_start3A = tpu.memref_slice %arg2[%mul3A_20] : memref<323584xi32, #tpu.memory_space<hbm>> -> memref<128xi32, #tpu.memory_space<hbm>>
        %dma_start3A_21 = tpu.memref_slice %arg2[%mul3A_20] : memref<323584xi32, #tpu.memory_space<hbm>> -> memref<128xi32, #tpu.memory_space<hbm>>
        tpu.enqueue_dma source(%dma_start3A_21 : memref<128xi32, #tpu.memory_space<hbm>>) target(%arg7 : memref<128xi32, #tpu.memory_space<vmem>>) target_semaphore(%run_scoped3A : memref<!tpu.dma_semaphore, #tpu.memory_space<semaphore_mem>>)
        %dma_wait3A = tpu.memref_slice %arg2[%mul3A_20] : memref<323584xi32, #tpu.memory_space<hbm>> -> memref<128xi32, #tpu.memory_space<hbm>>
        %dma_wait3A_22 = tpu.memref_slice %arg2[%mul3A_20] : memref<323584xi32, #tpu.memory_space<hbm>> -> memref<128xi32, #tpu.memory_space<hbm>>
        tpu.wait_dma2 semaphore(%run_scoped3A : memref<!tpu.dma_semaphore, #tpu.memory_space<semaphore_mem>>) src(%dma_wait3A_22 : memref<128xi32, #tpu.memory_space<hbm>>) dst(%arg7 : memref<128xi32, #tpu.memory_space<vmem>>)
        tpu.yield
      }) : () -> ()
      "tpu.region"() ({
        %run_scoped3A = tpu.sem_alloc : memref<!tpu.dma_semaphore, #tpu.memory_space<semaphore_mem>>
        %dma_start3A = arith.constant 0 : i32
        %dma_start3A_21 = arith.constant 0 : i32
        %dma_start3A_22 = tpu.memref_slice %arg6[%dma_start3A, %dma_start3A_21] : memref<10112x128xf32, #tpu.memory_space<vmem_shared>> -> memref<10112x128xf32, #tpu.memory_space<vmem_shared>>
        tpu.enqueue_indirect_dma source(%arg8 : memref<128x128xf32, #tpu.memory_space<vmem>>) target(%dma_start3A_22 : memref<10112x128xf32, #tpu.memory_space<vmem_shared>>) offsets(%arg7 : memref<128xi32, #tpu.memory_space<vmem>>) semaphore(%run_scoped3A : memref<!tpu.dma_semaphore, #tpu.memory_space<semaphore_mem>>) {add = true}
        %dma_wait3A = arith.constant 0 : i32
        %dma_wait3A_23 = arith.constant 0 : i32
        %dma_wait3A_24 = tpu.memref_slice %arg6[%dma_wait3A, %dma_wait3A_23] : memref<10112x128xf32, #tpu.memory_space<vmem_shared>> -> memref<10112x128xf32, #tpu.memory_space<vmem_shared>>
        tpu.wait_indirect_dma semaphore(%run_scoped3A : memref<!tpu.dma_semaphore, #tpu.memory_space<semaphore_mem>>) src(%arg8 : memref<128x128xf32, #tpu.memory_space<vmem>>) dst(%dma_wait3A_24 : memref<10112x128xf32, #tpu.memory_space<vmem_shared>>)
        tpu.yield
      }) : () -> ()
    }
    %scan3A_9 = arith.constant 79 : i32
    %barrier3A_10 = arith.constant 0 : index
    tpu.barrier barrier_id(%barrier3A_10)
    %mul3A_11 = arith.constant 632 : i32
    %mul3A_12 = arith.muli %arg1, %mul3A_11 : i32
    %mul3A_13 = arith.constant 632 : i32
    %mul3A_14 = arith.muli %arg1, %mul3A_13 : i32
    "tpu.region"() ({
      %run_scoped3A = tpu.sem_alloc : memref<!tpu.dma_semaphore, #tpu.memory_space<semaphore_mem>>
      %dma_start3A = arith.constant 0 : i32
      %dma_start3A_15 = arith.constant 0 : i32
      %dma_start3A_16 = tpu.memref_slice %arg5[%arg0, %dma_start3A, %dma_start3A_15] : memref<2x10112x128xf32, #tpu.memory_space<hbm>> -> memref<1x10112x128xf32, #tpu.memory_space<hbm>>
      %dma_start3A_17 = tpu.memref_squeeze %dma_start3A_16 : memref<1x10112x128xf32, #tpu.memory_space<hbm>> -> memref<10112x128xf32, #tpu.memory_space<hbm>>
      %dma_start3A_18 = arith.constant 0 : i32
      %dma_start3A_19 = tpu.memref_slice %dma_start3A_17[%mul3A_14, %dma_start3A_18] : memref<10112x128xf32, #tpu.memory_space<hbm>> -> memref<632x128xf32, #tpu.memory_space<hbm>>
      %dma_start3A_20 = arith.constant 0 : i32
      %dma_start3A_21 = tpu.memref_slice %arg6[%mul3A_12, %dma_start3A_20] : memref<10112x128xf32, #tpu.memory_space<vmem_shared>> -> memref<632x128xf32, #tpu.memory_space<vmem_shared>>
      tpu.enqueue_dma source(%dma_start3A_21 : memref<632x128xf32, #tpu.memory_space<vmem_shared>>) target(%dma_start3A_19 : memref<632x128xf32, #tpu.memory_space<hbm>>) target_semaphore(%run_scoped3A : memref<!tpu.dma_semaphore, #tpu.memory_space<semaphore_mem>>)
      %dma_wait3A = arith.constant 0 : i32
      %dma_wait3A_22 = arith.constant 0 : i32
      %dma_wait3A_23 = tpu.memref_slice %arg5[%arg0, %dma_wait3A, %dma_wait3A_22] : memref<2x10112x128xf32, #tpu.memory_space<hbm>> -> memref<1x10112x128xf32, #tpu.memory_space<hbm>>
      %dma_wait3A_24 = tpu.memref_squeeze %dma_wait3A_23 : memref<1x10112x128xf32, #tpu.memory_space<hbm>> -> memref<10112x128xf32, #tpu.memory_space<hbm>>
      %dma_wait3A_25 = arith.constant 0 : i32
      %dma_wait3A_26 = tpu.memref_slice %dma_wait3A_24[%mul3A_14, %dma_wait3A_25] : memref<10112x128xf32, #tpu.memory_space<hbm>> -> memref<632x128xf32, #tpu.memory_space<hbm>>
      %dma_wait3A_27 = arith.constant 0 : i32
      %dma_wait3A_28 = tpu.memref_slice %arg6[%mul3A_12, %dma_wait3A_27] : memref<10112x128xf32, #tpu.memory_space<vmem_shared>> -> memref<632x128xf32, #tpu.memory_space<vmem_shared>>
      tpu.wait_dma2 semaphore(%run_scoped3A : memref<!tpu.dma_semaphore, #tpu.memory_space<semaphore_mem>>) src(%dma_wait3A_28 : memref<632x128xf32, #tpu.memory_space<vmem_shared>>) dst(%dma_wait3A_26 : memref<632x128xf32, #tpu.memory_space<hbm>>)
      tpu.yield
    }) : () -> ()
    return
  }
}

#map = affine_map<(d0, d1) -> (0, 0)>
#map1 = affine_map<(d0, d1) -> (0)>
#map2 = affine_map<(d0, d1) -> (0, 0, 0)>
module attributes {stable_mosaic.version = 14 : i64} {
  func.func @body(%arg0: i32, %arg1: i32, %arg2: memref<10112x128xf32, #tpu.memory_space<hbm>>, %arg3: memref<323584xi32, #tpu.memory_space<hbm>>, %arg4: memref<323584xi32, #tpu.memory_space<hbm>>, %arg5: memref<10112x128xf32, #tpu.memory_space<hbm>>, %arg6: memref<2x10112x128xf32, #tpu.memory_space<hbm>>, %arg7: memref<10112x128xf32, #tpu.memory_space<vmem_shared>>, %arg8: memref<128xi32, #tpu.memory_space<vmem>>, %arg9: memref<128xi32, #tpu.memory_space<vmem>>, %arg10: memref<128xi32, #tpu.memory_space<vmem>>, %arg11: memref<128xi32, #tpu.memory_space<vmem>>, %arg12: memref<128x128xf32, #tpu.memory_space<vmem>>, %arg13: memref<128x128xf32, #tpu.memory_space<vmem>>, %arg14: memref<!tpu.dma_semaphore, #tpu.memory_space<semaphore_mem>>, %arg15: memref<!tpu.dma_semaphore, #tpu.memory_space<semaphore_mem>>) attributes {dimension_semantics = [#tpu.dimension_semantics<core_parallel>, #tpu.dimension_semantics<subcore_parallel>], iteration_bounds = array<i64: 2, 16>, scalar_prefetch = 0 : i64, scratch_operands = 9 : i64, tpu.core_type = #tpu.core_type<sc_vector_subcore>, window_params = [{transform_indices = #map}, {transform_indices = #map1}, {transform_indices = #map1}, {transform_indices = #map}, {transform_indices = #map2}]} {
    %mul3A = arith.constant 632 : i32
    %mul3A_0 = arith.muli %arg1, %mul3A : i32
    %mul3A_1 = arith.constant 632 : i32
    %mul3A_2 = arith.muli %arg1, %mul3A_1 : i32
    "tpu.region"() ({
      %run_scoped3A = tpu.sem_alloc : memref<!tpu.dma_semaphore, #tpu.memory_space<semaphore_mem>>
      %dma_start3A = arith.constant 0 : i32
      %dma_start3A_15 = tpu.memref_slice %arg7[%mul3A_2, %dma_start3A] : memref<10112x128xf32, #tpu.memory_space<vmem_shared>> -> memref<632x128xf32, #tpu.memory_space<vmem_shared>>
      %dma_start3A_16 = arith.constant 0 : i32
      %dma_start3A_17 = tpu.memref_slice %arg5[%mul3A_0, %dma_start3A_16] : memref<10112x128xf32, #tpu.memory_space<hbm>> -> memref<632x128xf32, #tpu.memory_space<hbm>>
      tpu.enqueue_dma source(%dma_start3A_17 : memref<632x128xf32, #tpu.memory_space<hbm>>) target(%dma_start3A_15 : memref<632x128xf32, #tpu.memory_space<vmem_shared>>) target_semaphore(%run_scoped3A : memref<!tpu.dma_semaphore, #tpu.memory_space<semaphore_mem>>)
      %dma_wait3A = arith.constant 0 : i32
      %dma_wait3A_18 = tpu.memref_slice %arg7[%mul3A_2, %dma_wait3A] : memref<10112x128xf32, #tpu.memory_space<vmem_shared>> -> memref<632x128xf32, #tpu.memory_space<vmem_shared>>
      %dma_wait3A_19 = arith.constant 0 : i32
      %dma_wait3A_20 = tpu.memref_slice %arg5[%mul3A_0, %dma_wait3A_19] : memref<10112x128xf32, #tpu.memory_space<hbm>> -> memref<632x128xf32, #tpu.memory_space<hbm>>
      tpu.wait_dma2 semaphore(%run_scoped3A : memref<!tpu.dma_semaphore, #tpu.memory_space<semaphore_mem>>) src(%dma_wait3A_20 : memref<632x128xf32, #tpu.memory_space<hbm>>) dst(%dma_wait3A_18 : memref<632x128xf32, #tpu.memory_space<vmem_shared>>)
      tpu.yield
    }) : () -> ()
    %barrier3A = arith.constant 0 : index
    tpu.barrier barrier_id(%barrier3A)
    %eq3A = arith.constant 0 : i32
    %eq3A_3 = arith.cmpi eq, %arg0, %eq3A : i32
    %convert_element_type3A = arith.extui %eq3A_3 : i1 to i32
    %cond3A = arith.constant 0 : i32
    %cond3A_4 = arith.cmpi ne, %convert_element_type3A, %cond3A : i32
    scf.if %cond3A_4 {
      %mul3A_15 = arith.constant 113 : i32
      %mul3A_16 = arith.muli %arg1, %mul3A_15 : i32
      %mul3A_17 = arith.constant 128 : i32
      %mul3A_18 = arith.muli %mul3A_16, %mul3A_17 : i32
      "tpu.region"() ({
        %run_scoped3A = tpu.sem_alloc : memref<!tpu.dma_semaphore, #tpu.memory_space<semaphore_mem>>
        %dma_start3A_32 = tpu.memref_slice %arg3[%mul3A_18] : memref<323584xi32, #tpu.memory_space<hbm>> -> memref<128xi32, #tpu.memory_space<hbm>>
        %dma_start3A_33 = tpu.memref_slice %arg3[%mul3A_18] : memref<323584xi32, #tpu.memory_space<hbm>> -> memref<128xi32, #tpu.memory_space<hbm>>
        tpu.enqueue_dma source(%dma_start3A_33 : memref<128xi32, #tpu.memory_space<hbm>>) target(%arg8 : memref<128xi32, #tpu.memory_space<vmem>>) target_semaphore(%run_scoped3A : memref<!tpu.dma_semaphore, #tpu.memory_space<semaphore_mem>>)
        %dma_wait3A_34 = tpu.memref_slice %arg3[%mul3A_18] : memref<323584xi32, #tpu.memory_space<hbm>> -> memref<128xi32, #tpu.memory_space<hbm>>
        %dma_wait3A_35 = tpu.memref_slice %arg3[%mul3A_18] : memref<323584xi32, #tpu.memory_space<hbm>> -> memref<128xi32, #tpu.memory_space<hbm>>
        tpu.wait_dma2 semaphore(%run_scoped3A : memref<!tpu.dma_semaphore, #tpu.memory_space<semaphore_mem>>) src(%dma_wait3A_35 : memref<128xi32, #tpu.memory_space<hbm>>) dst(%arg8 : memref<128xi32, #tpu.memory_space<vmem>>)
        tpu.yield
      }) : () -> ()
      "tpu.region"() ({
        %run_scoped3A = tpu.sem_alloc : memref<!tpu.dma_semaphore, #tpu.memory_space<semaphore_mem>>
        %dma_start3A_32 = tpu.memref_slice %arg4[%mul3A_18] : memref<323584xi32, #tpu.memory_space<hbm>> -> memref<128xi32, #tpu.memory_space<hbm>>
        %dma_start3A_33 = tpu.memref_slice %arg4[%mul3A_18] : memref<323584xi32, #tpu.memory_space<hbm>> -> memref<128xi32, #tpu.memory_space<hbm>>
        tpu.enqueue_dma source(%dma_start3A_33 : memref<128xi32, #tpu.memory_space<hbm>>) target(%arg9 : memref<128xi32, #tpu.memory_space<vmem>>) target_semaphore(%run_scoped3A : memref<!tpu.dma_semaphore, #tpu.memory_space<semaphore_mem>>)
        %dma_wait3A_34 = tpu.memref_slice %arg4[%mul3A_18] : memref<323584xi32, #tpu.memory_space<hbm>> -> memref<128xi32, #tpu.memory_space<hbm>>
        %dma_wait3A_35 = tpu.memref_slice %arg4[%mul3A_18] : memref<323584xi32, #tpu.memory_space<hbm>> -> memref<128xi32, #tpu.memory_space<hbm>>
        tpu.wait_dma2 semaphore(%run_scoped3A : memref<!tpu.dma_semaphore, #tpu.memory_space<semaphore_mem>>) src(%dma_wait3A_35 : memref<128xi32, #tpu.memory_space<hbm>>) dst(%arg9 : memref<128xi32, #tpu.memory_space<vmem>>)
        tpu.yield
      }) : () -> ()
      %dma_start3A = arith.constant 0 : i32
      %dma_start3A_19 = arith.constant 0 : i32
      %dma_start3A_20 = tpu.memref_slice %arg2[%dma_start3A, %dma_start3A_19] : memref<10112x128xf32, #tpu.memory_space<hbm>> -> memref<10112x128xf32, #tpu.memory_space<hbm>>
      tpu.enqueue_indirect_dma source(%dma_start3A_20 : memref<10112x128xf32, #tpu.memory_space<hbm>>) target(%arg12 : memref<128x128xf32, #tpu.memory_space<vmem>>) offsets(%arg8 : memref<128xi32, #tpu.memory_space<vmem>>) semaphore(%arg14 : memref<!tpu.dma_semaphore, #tpu.memory_space<semaphore_mem>>)
      %scan3A = arith.constant 0 : i32
      %scan3A_21 = arith.constant 0 : i32
      %scan3A_22 = arith.constant 56 : i32
      %scan3A_23 = arith.addi %scan3A_21, %scan3A_22 : i32
      %scan3A_24 = arith.constant 1 : i32
      scf.for %scan3A_32 = %scan3A_21 to %scan3A_23 step %scan3A_24  : i32 {
        %mul3A_33 = arith.constant 2 : i32
        %mul3A_34 = arith.muli %mul3A_33, %scan3A_32 : i32
        %add3A_35 = arith.constant 1 : i32
        %add3A_36 = arith.addi %mul3A_34, %add3A_35 : i32
        %mul3A_37 = arith.constant 128 : i32
        %mul3A_38 = arith.muli %add3A_36, %mul3A_37 : i32
        %add3A_39 = arith.addi %mul3A_18, %mul3A_38 : i32
        "tpu.region"() ({
          %run_scoped3A = tpu.sem_alloc : memref<!tpu.dma_semaphore, #tpu.memory_space<semaphore_mem>>
          %dma_start3A_55 = tpu.memref_slice %arg3[%add3A_39] : memref<323584xi32, #tpu.memory_space<hbm>> -> memref<128xi32, #tpu.memory_space<hbm>>
          %dma_start3A_56 = tpu.memref_slice %arg3[%add3A_39] : memref<323584xi32, #tpu.memory_space<hbm>> -> memref<128xi32, #tpu.memory_space<hbm>>
          tpu.enqueue_dma source(%dma_start3A_56 : memref<128xi32, #tpu.memory_space<hbm>>) target(%arg10 : memref<128xi32, #tpu.memory_space<vmem>>) target_semaphore(%run_scoped3A : memref<!tpu.dma_semaphore, #tpu.memory_space<semaphore_mem>>)
          %dma_wait3A_57 = tpu.memref_slice %arg3[%add3A_39] : memref<323584xi32, #tpu.memory_space<hbm>> -> memref<128xi32, #tpu.memory_space<hbm>>
          %dma_wait3A_58 = tpu.memref_slice %arg3[%add3A_39] : memref<323584xi32, #tpu.memory_space<hbm>> -> memref<128xi32, #tpu.memory_space<hbm>>
          tpu.wait_dma2 semaphore(%run_scoped3A : memref<!tpu.dma_semaphore, #tpu.memory_space<semaphore_mem>>) src(%dma_wait3A_58 : memref<128xi32, #tpu.memory_space<hbm>>) dst(%arg10 : memref<128xi32, #tpu.memory_space<vmem>>)
          tpu.yield
        }) : () -> ()
        "tpu.region"() ({
          %run_scoped3A = tpu.sem_alloc : memref<!tpu.dma_semaphore, #tpu.memory_space<semaphore_mem>>
          %dma_start3A_55 = tpu.memref_slice %arg4[%add3A_39] : memref<323584xi32, #tpu.memory_space<hbm>> -> memref<128xi32, #tpu.memory_space<hbm>>
          %dma_start3A_56 = tpu.memref_slice %arg4[%add3A_39] : memref<323584xi32, #tpu.memory_space<hbm>> -> memref<128xi32, #tpu.memory_space<hbm>>
          tpu.enqueue_dma source(%dma_start3A_56 : memref<128xi32, #tpu.memory_space<hbm>>) target(%arg11 : memref<128xi32, #tpu.memory_space<vmem>>) target_semaphore(%run_scoped3A : memref<!tpu.dma_semaphore, #tpu.memory_space<semaphore_mem>>)
          %dma_wait3A_57 = tpu.memref_slice %arg4[%add3A_39] : memref<323584xi32, #tpu.memory_space<hbm>> -> memref<128xi32, #tpu.memory_space<hbm>>
          %dma_wait3A_58 = tpu.memref_slice %arg4[%add3A_39] : memref<323584xi32, #tpu.memory_space<hbm>> -> memref<128xi32, #tpu.memory_space<hbm>>
          tpu.wait_dma2 semaphore(%run_scoped3A : memref<!tpu.dma_semaphore, #tpu.memory_space<semaphore_mem>>) src(%dma_wait3A_58 : memref<128xi32, #tpu.memory_space<hbm>>) dst(%arg11 : memref<128xi32, #tpu.memory_space<vmem>>)
          tpu.yield
        }) : () -> ()
        %dma_start3A_40 = arith.constant 0 : i32
        %dma_start3A_41 = arith.constant 0 : i32
        %dma_start3A_42 = tpu.memref_slice %arg2[%dma_start3A_40, %dma_start3A_41] : memref<10112x128xf32, #tpu.memory_space<hbm>> -> memref<10112x128xf32, #tpu.memory_space<hbm>>
        tpu.enqueue_indirect_dma source(%dma_start3A_42 : memref<10112x128xf32, #tpu.memory_space<hbm>>) target(%arg13 : memref<128x128xf32, #tpu.memory_space<vmem>>) offsets(%arg10 : memref<128xi32, #tpu.memory_space<vmem>>) semaphore(%arg15 : memref<!tpu.dma_semaphore, #tpu.memory_space<semaphore_mem>>)
        %dma_wait3A_43 = arith.constant 0 : i32
        %dma_wait3A_44 = arith.constant 0 : i32
        %dma_wait3A_45 = tpu.memref_slice %arg2[%dma_wait3A_43, %dma_wait3A_44] : memref<10112x128xf32, #tpu.memory_space<hbm>> -> memref<10112x128xf32, #tpu.memory_space<hbm>>
        tpu.wait_indirect_dma semaphore(%arg14 : memref<!tpu.dma_semaphore, #tpu.memory_space<semaphore_mem>>) src(%dma_wait3A_45 : memref<10112x128xf32, #tpu.memory_space<hbm>>) dst(%arg12 : memref<128x128xf32, #tpu.memory_space<vmem>>)
        "tpu.region"() ({
          %run_scoped3A = tpu.sem_alloc : memref<!tpu.dma_semaphore, #tpu.memory_space<semaphore_mem>>
          %dma_start3A_55 = arith.constant 0 : i32
          %dma_start3A_56 = arith.constant 0 : i32
          %dma_start3A_57 = tpu.memref_slice %arg7[%dma_start3A_55, %dma_start3A_56] : memref<10112x128xf32, #tpu.memory_space<vmem_shared>> -> memref<10112x128xf32, #tpu.memory_space<vmem_shared>>
          tpu.enqueue_indirect_dma source(%arg12 : memref<128x128xf32, #tpu.memory_space<vmem>>) target(%dma_start3A_57 : memref<10112x128xf32, #tpu.memory_space<vmem_shared>>) offsets(%arg9 : memref<128xi32, #tpu.memory_space<vmem>>) semaphore(%run_scoped3A : memref<!tpu.dma_semaphore, #tpu.memory_space<semaphore_mem>>) {add = true}
          %dma_wait3A_58 = arith.constant 0 : i32
          %dma_wait3A_59 = arith.constant 0 : i32
          %dma_wait3A_60 = tpu.memref_slice %arg7[%dma_wait3A_58, %dma_wait3A_59] : memref<10112x128xf32, #tpu.memory_space<vmem_shared>> -> memref<10112x128xf32, #tpu.memory_space<vmem_shared>>
          tpu.wait_indirect_dma semaphore(%run_scoped3A : memref<!tpu.dma_semaphore, #tpu.memory_space<semaphore_mem>>) src(%arg12 : memref<128x128xf32, #tpu.memory_space<vmem>>) dst(%dma_wait3A_60 : memref<10112x128xf32, #tpu.memory_space<vmem_shared>>)
          tpu.yield
        }) : () -> ()
        %add3A_46 = arith.constant 1 : i32
        %add3A_47 = arith.addi %scan3A_32, %add3A_46 : i32
        %lt3A = arith.constant 56 : i32
        %lt3A_48 = arith.cmpi slt, %add3A_47, %lt3A : i32
        %convert_element_type3A_49 = arith.extui %lt3A_48 : i1 to i32
        %cond3A_50 = arith.constant 0 : i32
        %cond3A_51 = arith.cmpi ne, %convert_element_type3A_49, %cond3A_50 : i32
        scf.if %cond3A_51 {
          %mul3A_55 = arith.constant 2 : i32
          %mul3A_56 = arith.muli %mul3A_55, %scan3A_32 : i32
          %add3A_57 = arith.constant 2 : i32
          %add3A_58 = arith.addi %mul3A_56, %add3A_57 : i32
          %mul3A_59 = arith.constant 128 : i32
          %mul3A_60 = arith.muli %add3A_58, %mul3A_59 : i32
          %add3A_61 = arith.addi %mul3A_18, %mul3A_60 : i32
          "tpu.region"() ({
            %run_scoped3A = tpu.sem_alloc : memref<!tpu.dma_semaphore, #tpu.memory_space<semaphore_mem>>
            %dma_start3A_65 = tpu.memref_slice %arg3[%add3A_61] : memref<323584xi32, #tpu.memory_space<hbm>> -> memref<128xi32, #tpu.memory_space<hbm>>
            %dma_start3A_66 = tpu.memref_slice %arg3[%add3A_61] : memref<323584xi32, #tpu.memory_space<hbm>> -> memref<128xi32, #tpu.memory_space<hbm>>
            tpu.enqueue_dma source(%dma_start3A_66 : memref<128xi32, #tpu.memory_space<hbm>>) target(%arg8 : memref<128xi32, #tpu.memory_space<vmem>>) target_semaphore(%run_scoped3A : memref<!tpu.dma_semaphore, #tpu.memory_space<semaphore_mem>>)
            %dma_wait3A_67 = tpu.memref_slice %arg3[%add3A_61] : memref<323584xi32, #tpu.memory_space<hbm>> -> memref<128xi32, #tpu.memory_space<hbm>>
            %dma_wait3A_68 = tpu.memref_slice %arg3[%add3A_61] : memref<323584xi32, #tpu.memory_space<hbm>> -> memref<128xi32, #tpu.memory_space<hbm>>
            tpu.wait_dma2 semaphore(%run_scoped3A : memref<!tpu.dma_semaphore, #tpu.memory_space<semaphore_mem>>) src(%dma_wait3A_68 : memref<128xi32, #tpu.memory_space<hbm>>) dst(%arg8 : memref<128xi32, #tpu.memory_space<vmem>>)
            tpu.yield
          }) : () -> ()
          "tpu.region"() ({
            %run_scoped3A = tpu.sem_alloc : memref<!tpu.dma_semaphore, #tpu.memory_space<semaphore_mem>>
            %dma_start3A_65 = tpu.memref_slice %arg4[%add3A_61] : memref<323584xi32, #tpu.memory_space<hbm>> -> memref<128xi32, #tpu.memory_space<hbm>>
            %dma_start3A_66 = tpu.memref_slice %arg4[%add3A_61] : memref<323584xi32, #tpu.memory_space<hbm>> -> memref<128xi32, #tpu.memory_space<hbm>>
            tpu.enqueue_dma source(%dma_start3A_66 : memref<128xi32, #tpu.memory_space<hbm>>) target(%arg9 : memref<128xi32, #tpu.memory_space<vmem>>) target_semaphore(%run_scoped3A : memref<!tpu.dma_semaphore, #tpu.memory_space<semaphore_mem>>)
            %dma_wait3A_67 = tpu.memref_slice %arg4[%add3A_61] : memref<323584xi32, #tpu.memory_space<hbm>> -> memref<128xi32, #tpu.memory_space<hbm>>
            %dma_wait3A_68 = tpu.memref_slice %arg4[%add3A_61] : memref<323584xi32, #tpu.memory_space<hbm>> -> memref<128xi32, #tpu.memory_space<hbm>>
            tpu.wait_dma2 semaphore(%run_scoped3A : memref<!tpu.dma_semaphore, #tpu.memory_space<semaphore_mem>>) src(%dma_wait3A_68 : memref<128xi32, #tpu.memory_space<hbm>>) dst(%arg9 : memref<128xi32, #tpu.memory_space<vmem>>)
            tpu.yield
          }) : () -> ()
          %dma_start3A_62 = arith.constant 0 : i32
          %dma_start3A_63 = arith.constant 0 : i32
          %dma_start3A_64 = tpu.memref_slice %arg2[%dma_start3A_62, %dma_start3A_63] : memref<10112x128xf32, #tpu.memory_space<hbm>> -> memref<10112x128xf32, #tpu.memory_space<hbm>>
          tpu.enqueue_indirect_dma source(%dma_start3A_64 : memref<10112x128xf32, #tpu.memory_space<hbm>>) target(%arg12 : memref<128x128xf32, #tpu.memory_space<vmem>>) offsets(%arg8 : memref<128xi32, #tpu.memory_space<vmem>>) semaphore(%arg14 : memref<!tpu.dma_semaphore, #tpu.memory_space<semaphore_mem>>)
        } else {
        }
        %dma_wait3A_52 = arith.constant 0 : i32
        %dma_wait3A_53 = arith.constant 0 : i32
        %dma_wait3A_54 = tpu.memref_slice %arg2[%dma_wait3A_52, %dma_wait3A_53] : memref<10112x128xf32, #tpu.memory_space<hbm>> -> memref<10112x128xf32, #tpu.memory_space<hbm>>
        tpu.wait_indirect_dma semaphore(%arg15 : memref<!tpu.dma_semaphore, #tpu.memory_space<semaphore_mem>>) src(%dma_wait3A_54 : memref<10112x128xf32, #tpu.memory_space<hbm>>) dst(%arg13 : memref<128x128xf32, #tpu.memory_space<vmem>>)
        "tpu.region"() ({
          %run_scoped3A = tpu.sem_alloc : memref<!tpu.dma_semaphore, #tpu.memory_space<semaphore_mem>>
          %dma_start3A_55 = arith.constant 0 : i32
          %dma_start3A_56 = arith.constant 0 : i32
          %dma_start3A_57 = tpu.memref_slice %arg7[%dma_start3A_55, %dma_start3A_56] : memref<10112x128xf32, #tpu.memory_space<vmem_shared>> -> memref<10112x128xf32, #tpu.memory_space<vmem_shared>>
          tpu.enqueue_indirect_dma source(%arg13 : memref<128x128xf32, #tpu.memory_space<vmem>>) target(%dma_start3A_57 : memref<10112x128xf32, #tpu.memory_space<vmem_shared>>) offsets(%arg11 : memref<128xi32, #tpu.memory_space<vmem>>) semaphore(%run_scoped3A : memref<!tpu.dma_semaphore, #tpu.memory_space<semaphore_mem>>) {add = true}
          %dma_wait3A_58 = arith.constant 0 : i32
          %dma_wait3A_59 = arith.constant 0 : i32
          %dma_wait3A_60 = tpu.memref_slice %arg7[%dma_wait3A_58, %dma_wait3A_59] : memref<10112x128xf32, #tpu.memory_space<vmem_shared>> -> memref<10112x128xf32, #tpu.memory_space<vmem_shared>>
          tpu.wait_indirect_dma semaphore(%run_scoped3A : memref<!tpu.dma_semaphore, #tpu.memory_space<semaphore_mem>>) src(%arg13 : memref<128x128xf32, #tpu.memory_space<vmem>>) dst(%dma_wait3A_60 : memref<10112x128xf32, #tpu.memory_space<vmem_shared>>)
          tpu.yield
        }) : () -> ()
      }
      %scan3A_25 = arith.constant 56 : i32
      %add3A = arith.constant 14336 : i32
      %add3A_26 = arith.addi %mul3A_18, %add3A : i32
      "tpu.region"() ({
        %run_scoped3A = tpu.sem_alloc : memref<!tpu.dma_semaphore, #tpu.memory_space<semaphore_mem>>
        %dma_start3A_32 = tpu.memref_slice %arg3[%add3A_26] : memref<323584xi32, #tpu.memory_space<hbm>> -> memref<128xi32, #tpu.memory_space<hbm>>
        %dma_start3A_33 = tpu.memref_slice %arg3[%add3A_26] : memref<323584xi32, #tpu.memory_space<hbm>> -> memref<128xi32, #tpu.memory_space<hbm>>
        tpu.enqueue_dma source(%dma_start3A_33 : memref<128xi32, #tpu.memory_space<hbm>>) target(%arg10 : memref<128xi32, #tpu.memory_space<vmem>>) target_semaphore(%run_scoped3A : memref<!tpu.dma_semaphore, #tpu.memory_space<semaphore_mem>>)
        %dma_wait3A_34 = tpu.memref_slice %arg3[%add3A_26] : memref<323584xi32, #tpu.memory_space<hbm>> -> memref<128xi32, #tpu.memory_space<hbm>>
        %dma_wait3A_35 = tpu.memref_slice %arg3[%add3A_26] : memref<323584xi32, #tpu.memory_space<hbm>> -> memref<128xi32, #tpu.memory_space<hbm>>
        tpu.wait_dma2 semaphore(%run_scoped3A : memref<!tpu.dma_semaphore, #tpu.memory_space<semaphore_mem>>) src(%dma_wait3A_35 : memref<128xi32, #tpu.memory_space<hbm>>) dst(%arg10 : memref<128xi32, #tpu.memory_space<vmem>>)
        tpu.yield
      }) : () -> ()
      "tpu.region"() ({
        %run_scoped3A = tpu.sem_alloc : memref<!tpu.dma_semaphore, #tpu.memory_space<semaphore_mem>>
        %dma_start3A_32 = tpu.memref_slice %arg4[%add3A_26] : memref<323584xi32, #tpu.memory_space<hbm>> -> memref<128xi32, #tpu.memory_space<hbm>>
        %dma_start3A_33 = tpu.memref_slice %arg4[%add3A_26] : memref<323584xi32, #tpu.memory_space<hbm>> -> memref<128xi32, #tpu.memory_space<hbm>>
        tpu.enqueue_dma source(%dma_start3A_33 : memref<128xi32, #tpu.memory_space<hbm>>) target(%arg11 : memref<128xi32, #tpu.memory_space<vmem>>) target_semaphore(%run_scoped3A : memref<!tpu.dma_semaphore, #tpu.memory_space<semaphore_mem>>)
        %dma_wait3A_34 = tpu.memref_slice %arg4[%add3A_26] : memref<323584xi32, #tpu.memory_space<hbm>> -> memref<128xi32, #tpu.memory_space<hbm>>
        %dma_wait3A_35 = tpu.memref_slice %arg4[%add3A_26] : memref<323584xi32, #tpu.memory_space<hbm>> -> memref<128xi32, #tpu.memory_space<hbm>>
        tpu.wait_dma2 semaphore(%run_scoped3A : memref<!tpu.dma_semaphore, #tpu.memory_space<semaphore_mem>>) src(%dma_wait3A_35 : memref<128xi32, #tpu.memory_space<hbm>>) dst(%arg11 : memref<128xi32, #tpu.memory_space<vmem>>)
        tpu.yield
      }) : () -> ()
      %dma_start3A_27 = arith.constant 0 : i32
      %dma_start3A_28 = arith.constant 0 : i32
      %dma_start3A_29 = tpu.memref_slice %arg2[%dma_start3A_27, %dma_start3A_28] : memref<10112x128xf32, #tpu.memory_space<hbm>> -> memref<10112x128xf32, #tpu.memory_space<hbm>>
      tpu.enqueue_indirect_dma source(%dma_start3A_29 : memref<10112x128xf32, #tpu.memory_space<hbm>>) target(%arg13 : memref<128x128xf32, #tpu.memory_space<vmem>>) offsets(%arg10 : memref<128xi32, #tpu.memory_space<vmem>>) semaphore(%arg15 : memref<!tpu.dma_semaphore, #tpu.memory_space<semaphore_mem>>)
      %dma_wait3A = arith.constant 0 : i32
      %dma_wait3A_30 = arith.constant 0 : i32
      %dma_wait3A_31 = tpu.memref_slice %arg2[%dma_wait3A, %dma_wait3A_30] : memref<10112x128xf32, #tpu.memory_space<hbm>> -> memref<10112x128xf32, #tpu.memory_space<hbm>>
      tpu.wait_indirect_dma semaphore(%arg15 : memref<!tpu.dma_semaphore, #tpu.memory_space<semaphore_mem>>) src(%dma_wait3A_31 : memref<10112x128xf32, #tpu.memory_space<hbm>>) dst(%arg13 : memref<128x128xf32, #tpu.memory_space<vmem>>)
      "tpu.region"() ({
        %run_scoped3A = tpu.sem_alloc : memref<!tpu.dma_semaphore, #tpu.memory_space<semaphore_mem>>
        %dma_start3A_32 = arith.constant 0 : i32
        %dma_start3A_33 = arith.constant 0 : i32
        %dma_start3A_34 = tpu.memref_slice %arg7[%dma_start3A_32, %dma_start3A_33] : memref<10112x128xf32, #tpu.memory_space<vmem_shared>> -> memref<10112x128xf32, #tpu.memory_space<vmem_shared>>
        tpu.enqueue_indirect_dma source(%arg13 : memref<128x128xf32, #tpu.memory_space<vmem>>) target(%dma_start3A_34 : memref<10112x128xf32, #tpu.memory_space<vmem_shared>>) offsets(%arg11 : memref<128xi32, #tpu.memory_space<vmem>>) semaphore(%run_scoped3A : memref<!tpu.dma_semaphore, #tpu.memory_space<semaphore_mem>>) {add = true}
        %dma_wait3A_35 = arith.constant 0 : i32
        %dma_wait3A_36 = arith.constant 0 : i32
        %dma_wait3A_37 = tpu.memref_slice %arg7[%dma_wait3A_35, %dma_wait3A_36] : memref<10112x128xf32, #tpu.memory_space<vmem_shared>> -> memref<10112x128xf32, #tpu.memory_space<vmem_shared>>
        tpu.wait_indirect_dma semaphore(%run_scoped3A : memref<!tpu.dma_semaphore, #tpu.memory_space<semaphore_mem>>) src(%arg13 : memref<128x128xf32, #tpu.memory_space<vmem>>) dst(%dma_wait3A_37 : memref<10112x128xf32, #tpu.memory_space<vmem_shared>>)
        tpu.yield
      }) : () -> ()
    } else {
    }
    %eq3A_5 = arith.constant 1 : i32
    %eq3A_6 = arith.cmpi eq, %arg0, %eq3A_5 : i32
    %convert_element_type3A_7 = arith.extui %eq3A_6 : i1 to i32
    %cond3A_8 = arith.constant 0 : i32
    %cond3A_9 = arith.cmpi ne, %convert_element_type3A_7, %cond3A_8 : i32
    scf.if %cond3A_9 {
      %mul3A_15 = arith.constant 45 : i32
      %mul3A_16 = arith.muli %arg1, %mul3A_15 : i32
      %add3A = arith.constant 1808 : i32
      %add3A_17 = arith.addi %add3A, %mul3A_16 : i32
      %mul3A_18 = arith.constant 128 : i32
      %mul3A_19 = arith.muli %add3A_17, %mul3A_18 : i32
      "tpu.region"() ({
        %run_scoped3A = tpu.sem_alloc : memref<!tpu.dma_semaphore, #tpu.memory_space<semaphore_mem>>
        %dma_start3A_34 = tpu.memref_slice %arg3[%mul3A_19] : memref<323584xi32, #tpu.memory_space<hbm>> -> memref<128xi32, #tpu.memory_space<hbm>>
        %dma_start3A_35 = tpu.memref_slice %arg3[%mul3A_19] : memref<323584xi32, #tpu.memory_space<hbm>> -> memref<128xi32, #tpu.memory_space<hbm>>
        tpu.enqueue_dma source(%dma_start3A_35 : memref<128xi32, #tpu.memory_space<hbm>>) target(%arg8 : memref<128xi32, #tpu.memory_space<vmem>>) target_semaphore(%run_scoped3A : memref<!tpu.dma_semaphore, #tpu.memory_space<semaphore_mem>>)
        %dma_wait3A_36 = tpu.memref_slice %arg3[%mul3A_19] : memref<323584xi32, #tpu.memory_space<hbm>> -> memref<128xi32, #tpu.memory_space<hbm>>
        %dma_wait3A_37 = tpu.memref_slice %arg3[%mul3A_19] : memref<323584xi32, #tpu.memory_space<hbm>> -> memref<128xi32, #tpu.memory_space<hbm>>
        tpu.wait_dma2 semaphore(%run_scoped3A : memref<!tpu.dma_semaphore, #tpu.memory_space<semaphore_mem>>) src(%dma_wait3A_37 : memref<128xi32, #tpu.memory_space<hbm>>) dst(%arg8 : memref<128xi32, #tpu.memory_space<vmem>>)
        tpu.yield
      }) : () -> ()
      "tpu.region"() ({
        %run_scoped3A = tpu.sem_alloc : memref<!tpu.dma_semaphore, #tpu.memory_space<semaphore_mem>>
        %dma_start3A_34 = tpu.memref_slice %arg4[%mul3A_19] : memref<323584xi32, #tpu.memory_space<hbm>> -> memref<128xi32, #tpu.memory_space<hbm>>
        %dma_start3A_35 = tpu.memref_slice %arg4[%mul3A_19] : memref<323584xi32, #tpu.memory_space<hbm>> -> memref<128xi32, #tpu.memory_space<hbm>>
        tpu.enqueue_dma source(%dma_start3A_35 : memref<128xi32, #tpu.memory_space<hbm>>) target(%arg9 : memref<128xi32, #tpu.memory_space<vmem>>) target_semaphore(%run_scoped3A : memref<!tpu.dma_semaphore, #tpu.memory_space<semaphore_mem>>)
        %dma_wait3A_36 = tpu.memref_slice %arg4[%mul3A_19] : memref<323584xi32, #tpu.memory_space<hbm>> -> memref<128xi32, #tpu.memory_space<hbm>>
        %dma_wait3A_37 = tpu.memref_slice %arg4[%mul3A_19] : memref<323584xi32, #tpu.memory_space<hbm>> -> memref<128xi32, #tpu.memory_space<hbm>>
        tpu.wait_dma2 semaphore(%run_scoped3A : memref<!tpu.dma_semaphore, #tpu.memory_space<semaphore_mem>>) src(%dma_wait3A_37 : memref<128xi32, #tpu.memory_space<hbm>>) dst(%arg9 : memref<128xi32, #tpu.memory_space<vmem>>)
        tpu.yield
      }) : () -> ()
      %dma_start3A = arith.constant 0 : i32
      %dma_start3A_20 = arith.constant 0 : i32
      %dma_start3A_21 = tpu.memref_slice %arg2[%dma_start3A, %dma_start3A_20] : memref<10112x128xf32, #tpu.memory_space<hbm>> -> memref<10112x128xf32, #tpu.memory_space<hbm>>
      tpu.enqueue_indirect_dma source(%dma_start3A_21 : memref<10112x128xf32, #tpu.memory_space<hbm>>) target(%arg12 : memref<128x128xf32, #tpu.memory_space<vmem>>) offsets(%arg8 : memref<128xi32, #tpu.memory_space<vmem>>) semaphore(%arg14 : memref<!tpu.dma_semaphore, #tpu.memory_space<semaphore_mem>>)
      %scan3A = arith.constant 0 : i32
      %scan3A_22 = arith.constant 0 : i32
      %scan3A_23 = arith.constant 22 : i32
      %scan3A_24 = arith.addi %scan3A_22, %scan3A_23 : i32
      %scan3A_25 = arith.constant 1 : i32
      scf.for %scan3A_34 = %scan3A_22 to %scan3A_24 step %scan3A_25  : i32 {
        %mul3A_35 = arith.constant 2 : i32
        %mul3A_36 = arith.muli %mul3A_35, %scan3A_34 : i32
        %add3A_37 = arith.constant 1 : i32
        %add3A_38 = arith.addi %mul3A_36, %add3A_37 : i32
        %mul3A_39 = arith.constant 128 : i32
        %mul3A_40 = arith.muli %add3A_38, %mul3A_39 : i32
        %add3A_41 = arith.addi %mul3A_19, %mul3A_40 : i32
        "tpu.region"() ({
          %run_scoped3A = tpu.sem_alloc : memref<!tpu.dma_semaphore, #tpu.memory_space<semaphore_mem>>
          %dma_start3A_57 = tpu.memref_slice %arg3[%add3A_41] : memref<323584xi32, #tpu.memory_space<hbm>> -> memref<128xi32, #tpu.memory_space<hbm>>
          %dma_start3A_58 = tpu.memref_slice %arg3[%add3A_41] : memref<323584xi32, #tpu.memory_space<hbm>> -> memref<128xi32, #tpu.memory_space<hbm>>
          tpu.enqueue_dma source(%dma_start3A_58 : memref<128xi32, #tpu.memory_space<hbm>>) target(%arg10 : memref<128xi32, #tpu.memory_space<vmem>>) target_semaphore(%run_scoped3A : memref<!tpu.dma_semaphore, #tpu.memory_space<semaphore_mem>>)
          %dma_wait3A_59 = tpu.memref_slice %arg3[%add3A_41] : memref<323584xi32, #tpu.memory_space<hbm>> -> memref<128xi32, #tpu.memory_space<hbm>>
          %dma_wait3A_60 = tpu.memref_slice %arg3[%add3A_41] : memref<323584xi32, #tpu.memory_space<hbm>> -> memref<128xi32, #tpu.memory_space<hbm>>
          tpu.wait_dma2 semaphore(%run_scoped3A : memref<!tpu.dma_semaphore, #tpu.memory_space<semaphore_mem>>) src(%dma_wait3A_60 : memref<128xi32, #tpu.memory_space<hbm>>) dst(%arg10 : memref<128xi32, #tpu.memory_space<vmem>>)
          tpu.yield
        }) : () -> ()
        "tpu.region"() ({
          %run_scoped3A = tpu.sem_alloc : memref<!tpu.dma_semaphore, #tpu.memory_space<semaphore_mem>>
          %dma_start3A_57 = tpu.memref_slice %arg4[%add3A_41] : memref<323584xi32, #tpu.memory_space<hbm>> -> memref<128xi32, #tpu.memory_space<hbm>>
          %dma_start3A_58 = tpu.memref_slice %arg4[%add3A_41] : memref<323584xi32, #tpu.memory_space<hbm>> -> memref<128xi32, #tpu.memory_space<hbm>>
          tpu.enqueue_dma source(%dma_start3A_58 : memref<128xi32, #tpu.memory_space<hbm>>) target(%arg11 : memref<128xi32, #tpu.memory_space<vmem>>) target_semaphore(%run_scoped3A : memref<!tpu.dma_semaphore, #tpu.memory_space<semaphore_mem>>)
          %dma_wait3A_59 = tpu.memref_slice %arg4[%add3A_41] : memref<323584xi32, #tpu.memory_space<hbm>> -> memref<128xi32, #tpu.memory_space<hbm>>
          %dma_wait3A_60 = tpu.memref_slice %arg4[%add3A_41] : memref<323584xi32, #tpu.memory_space<hbm>> -> memref<128xi32, #tpu.memory_space<hbm>>
          tpu.wait_dma2 semaphore(%run_scoped3A : memref<!tpu.dma_semaphore, #tpu.memory_space<semaphore_mem>>) src(%dma_wait3A_60 : memref<128xi32, #tpu.memory_space<hbm>>) dst(%arg11 : memref<128xi32, #tpu.memory_space<vmem>>)
          tpu.yield
        }) : () -> ()
        %dma_start3A_42 = arith.constant 0 : i32
        %dma_start3A_43 = arith.constant 0 : i32
        %dma_start3A_44 = tpu.memref_slice %arg2[%dma_start3A_42, %dma_start3A_43] : memref<10112x128xf32, #tpu.memory_space<hbm>> -> memref<10112x128xf32, #tpu.memory_space<hbm>>
        tpu.enqueue_indirect_dma source(%dma_start3A_44 : memref<10112x128xf32, #tpu.memory_space<hbm>>) target(%arg13 : memref<128x128xf32, #tpu.memory_space<vmem>>) offsets(%arg10 : memref<128xi32, #tpu.memory_space<vmem>>) semaphore(%arg15 : memref<!tpu.dma_semaphore, #tpu.memory_space<semaphore_mem>>)
        %dma_wait3A_45 = arith.constant 0 : i32
        %dma_wait3A_46 = arith.constant 0 : i32
        %dma_wait3A_47 = tpu.memref_slice %arg2[%dma_wait3A_45, %dma_wait3A_46] : memref<10112x128xf32, #tpu.memory_space<hbm>> -> memref<10112x128xf32, #tpu.memory_space<hbm>>
        tpu.wait_indirect_dma semaphore(%arg14 : memref<!tpu.dma_semaphore, #tpu.memory_space<semaphore_mem>>) src(%dma_wait3A_47 : memref<10112x128xf32, #tpu.memory_space<hbm>>) dst(%arg12 : memref<128x128xf32, #tpu.memory_space<vmem>>)
        "tpu.region"() ({
          %run_scoped3A = tpu.sem_alloc : memref<!tpu.dma_semaphore, #tpu.memory_space<semaphore_mem>>
          %dma_start3A_57 = arith.constant 0 : i32
          %dma_start3A_58 = arith.constant 0 : i32
          %dma_start3A_59 = tpu.memref_slice %arg7[%dma_start3A_57, %dma_start3A_58] : memref<10112x128xf32, #tpu.memory_space<vmem_shared>> -> memref<10112x128xf32, #tpu.memory_space<vmem_shared>>
          tpu.enqueue_indirect_dma source(%arg12 : memref<128x128xf32, #tpu.memory_space<vmem>>) target(%dma_start3A_59 : memref<10112x128xf32, #tpu.memory_space<vmem_shared>>) offsets(%arg9 : memref<128xi32, #tpu.memory_space<vmem>>) semaphore(%run_scoped3A : memref<!tpu.dma_semaphore, #tpu.memory_space<semaphore_mem>>) {add = true}
          %dma_wait3A_60 = arith.constant 0 : i32
          %dma_wait3A_61 = arith.constant 0 : i32
          %dma_wait3A_62 = tpu.memref_slice %arg7[%dma_wait3A_60, %dma_wait3A_61] : memref<10112x128xf32, #tpu.memory_space<vmem_shared>> -> memref<10112x128xf32, #tpu.memory_space<vmem_shared>>
          tpu.wait_indirect_dma semaphore(%run_scoped3A : memref<!tpu.dma_semaphore, #tpu.memory_space<semaphore_mem>>) src(%arg12 : memref<128x128xf32, #tpu.memory_space<vmem>>) dst(%dma_wait3A_62 : memref<10112x128xf32, #tpu.memory_space<vmem_shared>>)
          tpu.yield
        }) : () -> ()
        %add3A_48 = arith.constant 1 : i32
        %add3A_49 = arith.addi %scan3A_34, %add3A_48 : i32
        %lt3A = arith.constant 22 : i32
        %lt3A_50 = arith.cmpi slt, %add3A_49, %lt3A : i32
        %convert_element_type3A_51 = arith.extui %lt3A_50 : i1 to i32
        %cond3A_52 = arith.constant 0 : i32
        %cond3A_53 = arith.cmpi ne, %convert_element_type3A_51, %cond3A_52 : i32
        scf.if %cond3A_53 {
          %mul3A_57 = arith.constant 2 : i32
          %mul3A_58 = arith.muli %mul3A_57, %scan3A_34 : i32
          %add3A_59 = arith.constant 2 : i32
          %add3A_60 = arith.addi %mul3A_58, %add3A_59 : i32
          %mul3A_61 = arith.constant 128 : i32
          %mul3A_62 = arith.muli %add3A_60, %mul3A_61 : i32
          %add3A_63 = arith.addi %mul3A_19, %mul3A_62 : i32
          "tpu.region"() ({
            %run_scoped3A = tpu.sem_alloc : memref<!tpu.dma_semaphore, #tpu.memory_space<semaphore_mem>>
            %dma_start3A_67 = tpu.memref_slice %arg3[%add3A_63] : memref<323584xi32, #tpu.memory_space<hbm>> -> memref<128xi32, #tpu.memory_space<hbm>>
            %dma_start3A_68 = tpu.memref_slice %arg3[%add3A_63] : memref<323584xi32, #tpu.memory_space<hbm>> -> memref<128xi32, #tpu.memory_space<hbm>>
            tpu.enqueue_dma source(%dma_start3A_68 : memref<128xi32, #tpu.memory_space<hbm>>) target(%arg8 : memref<128xi32, #tpu.memory_space<vmem>>) target_semaphore(%run_scoped3A : memref<!tpu.dma_semaphore, #tpu.memory_space<semaphore_mem>>)
            %dma_wait3A_69 = tpu.memref_slice %arg3[%add3A_63] : memref<323584xi32, #tpu.memory_space<hbm>> -> memref<128xi32, #tpu.memory_space<hbm>>
            %dma_wait3A_70 = tpu.memref_slice %arg3[%add3A_63] : memref<323584xi32, #tpu.memory_space<hbm>> -> memref<128xi32, #tpu.memory_space<hbm>>
            tpu.wait_dma2 semaphore(%run_scoped3A : memref<!tpu.dma_semaphore, #tpu.memory_space<semaphore_mem>>) src(%dma_wait3A_70 : memref<128xi32, #tpu.memory_space<hbm>>) dst(%arg8 : memref<128xi32, #tpu.memory_space<vmem>>)
            tpu.yield
          }) : () -> ()
          "tpu.region"() ({
            %run_scoped3A = tpu.sem_alloc : memref<!tpu.dma_semaphore, #tpu.memory_space<semaphore_mem>>
            %dma_start3A_67 = tpu.memref_slice %arg4[%add3A_63] : memref<323584xi32, #tpu.memory_space<hbm>> -> memref<128xi32, #tpu.memory_space<hbm>>
            %dma_start3A_68 = tpu.memref_slice %arg4[%add3A_63] : memref<323584xi32, #tpu.memory_space<hbm>> -> memref<128xi32, #tpu.memory_space<hbm>>
            tpu.enqueue_dma source(%dma_start3A_68 : memref<128xi32, #tpu.memory_space<hbm>>) target(%arg9 : memref<128xi32, #tpu.memory_space<vmem>>) target_semaphore(%run_scoped3A : memref<!tpu.dma_semaphore, #tpu.memory_space<semaphore_mem>>)
            %dma_wait3A_69 = tpu.memref_slice %arg4[%add3A_63] : memref<323584xi32, #tpu.memory_space<hbm>> -> memref<128xi32, #tpu.memory_space<hbm>>
            %dma_wait3A_70 = tpu.memref_slice %arg4[%add3A_63] : memref<323584xi32, #tpu.memory_space<hbm>> -> memref<128xi32, #tpu.memory_space<hbm>>
            tpu.wait_dma2 semaphore(%run_scoped3A : memref<!tpu.dma_semaphore, #tpu.memory_space<semaphore_mem>>) src(%dma_wait3A_70 : memref<128xi32, #tpu.memory_space<hbm>>) dst(%arg9 : memref<128xi32, #tpu.memory_space<vmem>>)
            tpu.yield
          }) : () -> ()
          %dma_start3A_64 = arith.constant 0 : i32
          %dma_start3A_65 = arith.constant 0 : i32
          %dma_start3A_66 = tpu.memref_slice %arg2[%dma_start3A_64, %dma_start3A_65] : memref<10112x128xf32, #tpu.memory_space<hbm>> -> memref<10112x128xf32, #tpu.memory_space<hbm>>
          tpu.enqueue_indirect_dma source(%dma_start3A_66 : memref<10112x128xf32, #tpu.memory_space<hbm>>) target(%arg12 : memref<128x128xf32, #tpu.memory_space<vmem>>) offsets(%arg8 : memref<128xi32, #tpu.memory_space<vmem>>) semaphore(%arg14 : memref<!tpu.dma_semaphore, #tpu.memory_space<semaphore_mem>>)
        } else {
        }
        %dma_wait3A_54 = arith.constant 0 : i32
        %dma_wait3A_55 = arith.constant 0 : i32
        %dma_wait3A_56 = tpu.memref_slice %arg2[%dma_wait3A_54, %dma_wait3A_55] : memref<10112x128xf32, #tpu.memory_space<hbm>> -> memref<10112x128xf32, #tpu.memory_space<hbm>>
        tpu.wait_indirect_dma semaphore(%arg15 : memref<!tpu.dma_semaphore, #tpu.memory_space<semaphore_mem>>) src(%dma_wait3A_56 : memref<10112x128xf32, #tpu.memory_space<hbm>>) dst(%arg13 : memref<128x128xf32, #tpu.memory_space<vmem>>)
        "tpu.region"() ({
          %run_scoped3A = tpu.sem_alloc : memref<!tpu.dma_semaphore, #tpu.memory_space<semaphore_mem>>
          %dma_start3A_57 = arith.constant 0 : i32
          %dma_start3A_58 = arith.constant 0 : i32
          %dma_start3A_59 = tpu.memref_slice %arg7[%dma_start3A_57, %dma_start3A_58] : memref<10112x128xf32, #tpu.memory_space<vmem_shared>> -> memref<10112x128xf32, #tpu.memory_space<vmem_shared>>
          tpu.enqueue_indirect_dma source(%arg13 : memref<128x128xf32, #tpu.memory_space<vmem>>) target(%dma_start3A_59 : memref<10112x128xf32, #tpu.memory_space<vmem_shared>>) offsets(%arg11 : memref<128xi32, #tpu.memory_space<vmem>>) semaphore(%run_scoped3A : memref<!tpu.dma_semaphore, #tpu.memory_space<semaphore_mem>>) {add = true}
          %dma_wait3A_60 = arith.constant 0 : i32
          %dma_wait3A_61 = arith.constant 0 : i32
          %dma_wait3A_62 = tpu.memref_slice %arg7[%dma_wait3A_60, %dma_wait3A_61] : memref<10112x128xf32, #tpu.memory_space<vmem_shared>> -> memref<10112x128xf32, #tpu.memory_space<vmem_shared>>
          tpu.wait_indirect_dma semaphore(%run_scoped3A : memref<!tpu.dma_semaphore, #tpu.memory_space<semaphore_mem>>) src(%arg13 : memref<128x128xf32, #tpu.memory_space<vmem>>) dst(%dma_wait3A_62 : memref<10112x128xf32, #tpu.memory_space<vmem_shared>>)
          tpu.yield
        }) : () -> ()
      }
      %scan3A_26 = arith.constant 22 : i32
      %add3A_27 = arith.constant 5632 : i32
      %add3A_28 = arith.addi %mul3A_19, %add3A_27 : i32
      "tpu.region"() ({
        %run_scoped3A = tpu.sem_alloc : memref<!tpu.dma_semaphore, #tpu.memory_space<semaphore_mem>>
        %dma_start3A_34 = tpu.memref_slice %arg3[%add3A_28] : memref<323584xi32, #tpu.memory_space<hbm>> -> memref<128xi32, #tpu.memory_space<hbm>>
        %dma_start3A_35 = tpu.memref_slice %arg3[%add3A_28] : memref<323584xi32, #tpu.memory_space<hbm>> -> memref<128xi32, #tpu.memory_space<hbm>>
        tpu.enqueue_dma source(%dma_start3A_35 : memref<128xi32, #tpu.memory_space<hbm>>) target(%arg10 : memref<128xi32, #tpu.memory_space<vmem>>) target_semaphore(%run_scoped3A : memref<!tpu.dma_semaphore, #tpu.memory_space<semaphore_mem>>)
        %dma_wait3A_36 = tpu.memref_slice %arg3[%add3A_28] : memref<323584xi32, #tpu.memory_space<hbm>> -> memref<128xi32, #tpu.memory_space<hbm>>
        %dma_wait3A_37 = tpu.memref_slice %arg3[%add3A_28] : memref<323584xi32, #tpu.memory_space<hbm>> -> memref<128xi32, #tpu.memory_space<hbm>>
        tpu.wait_dma2 semaphore(%run_scoped3A : memref<!tpu.dma_semaphore, #tpu.memory_space<semaphore_mem>>) src(%dma_wait3A_37 : memref<128xi32, #tpu.memory_space<hbm>>) dst(%arg10 : memref<128xi32, #tpu.memory_space<vmem>>)
        tpu.yield
      }) : () -> ()
      "tpu.region"() ({
        %run_scoped3A = tpu.sem_alloc : memref<!tpu.dma_semaphore, #tpu.memory_space<semaphore_mem>>
        %dma_start3A_34 = tpu.memref_slice %arg4[%add3A_28] : memref<323584xi32, #tpu.memory_space<hbm>> -> memref<128xi32, #tpu.memory_space<hbm>>
        %dma_start3A_35 = tpu.memref_slice %arg4[%add3A_28] : memref<323584xi32, #tpu.memory_space<hbm>> -> memref<128xi32, #tpu.memory_space<hbm>>
        tpu.enqueue_dma source(%dma_start3A_35 : memref<128xi32, #tpu.memory_space<hbm>>) target(%arg11 : memref<128xi32, #tpu.memory_space<vmem>>) target_semaphore(%run_scoped3A : memref<!tpu.dma_semaphore, #tpu.memory_space<semaphore_mem>>)
        %dma_wait3A_36 = tpu.memref_slice %arg4[%add3A_28] : memref<323584xi32, #tpu.memory_space<hbm>> -> memref<128xi32, #tpu.memory_space<hbm>>
        %dma_wait3A_37 = tpu.memref_slice %arg4[%add3A_28] : memref<323584xi32, #tpu.memory_space<hbm>> -> memref<128xi32, #tpu.memory_space<hbm>>
        tpu.wait_dma2 semaphore(%run_scoped3A : memref<!tpu.dma_semaphore, #tpu.memory_space<semaphore_mem>>) src(%dma_wait3A_37 : memref<128xi32, #tpu.memory_space<hbm>>) dst(%arg11 : memref<128xi32, #tpu.memory_space<vmem>>)
        tpu.yield
      }) : () -> ()
      %dma_start3A_29 = arith.constant 0 : i32
      %dma_start3A_30 = arith.constant 0 : i32
      %dma_start3A_31 = tpu.memref_slice %arg2[%dma_start3A_29, %dma_start3A_30] : memref<10112x128xf32, #tpu.memory_space<hbm>> -> memref<10112x128xf32, #tpu.memory_space<hbm>>
      tpu.enqueue_indirect_dma source(%dma_start3A_31 : memref<10112x128xf32, #tpu.memory_space<hbm>>) target(%arg13 : memref<128x128xf32, #tpu.memory_space<vmem>>) offsets(%arg10 : memref<128xi32, #tpu.memory_space<vmem>>) semaphore(%arg15 : memref<!tpu.dma_semaphore, #tpu.memory_space<semaphore_mem>>)
      %dma_wait3A = arith.constant 0 : i32
      %dma_wait3A_32 = arith.constant 0 : i32
      %dma_wait3A_33 = tpu.memref_slice %arg2[%dma_wait3A, %dma_wait3A_32] : memref<10112x128xf32, #tpu.memory_space<hbm>> -> memref<10112x128xf32, #tpu.memory_space<hbm>>
      tpu.wait_indirect_dma semaphore(%arg15 : memref<!tpu.dma_semaphore, #tpu.memory_space<semaphore_mem>>) src(%dma_wait3A_33 : memref<10112x128xf32, #tpu.memory_space<hbm>>) dst(%arg13 : memref<128x128xf32, #tpu.memory_space<vmem>>)
      "tpu.region"() ({
        %run_scoped3A = tpu.sem_alloc : memref<!tpu.dma_semaphore, #tpu.memory_space<semaphore_mem>>
        %dma_start3A_34 = arith.constant 0 : i32
        %dma_start3A_35 = arith.constant 0 : i32
        %dma_start3A_36 = tpu.memref_slice %arg7[%dma_start3A_34, %dma_start3A_35] : memref<10112x128xf32, #tpu.memory_space<vmem_shared>> -> memref<10112x128xf32, #tpu.memory_space<vmem_shared>>
        tpu.enqueue_indirect_dma source(%arg13 : memref<128x128xf32, #tpu.memory_space<vmem>>) target(%dma_start3A_36 : memref<10112x128xf32, #tpu.memory_space<vmem_shared>>) offsets(%arg11 : memref<128xi32, #tpu.memory_space<vmem>>) semaphore(%run_scoped3A : memref<!tpu.dma_semaphore, #tpu.memory_space<semaphore_mem>>) {add = true}
        %dma_wait3A_37 = arith.constant 0 : i32
        %dma_wait3A_38 = arith.constant 0 : i32
        %dma_wait3A_39 = tpu.memref_slice %arg7[%dma_wait3A_37, %dma_wait3A_38] : memref<10112x128xf32, #tpu.memory_space<vmem_shared>> -> memref<10112x128xf32, #tpu.memory_space<vmem_shared>>
        tpu.wait_indirect_dma semaphore(%run_scoped3A : memref<!tpu.dma_semaphore, #tpu.memory_space<semaphore_mem>>) src(%arg13 : memref<128x128xf32, #tpu.memory_space<vmem>>) dst(%dma_wait3A_39 : memref<10112x128xf32, #tpu.memory_space<vmem_shared>>)
        tpu.yield
      }) : () -> ()
    } else {
    }
    %barrier3A_10 = arith.constant 0 : index
    tpu.barrier barrier_id(%barrier3A_10)
    %mul3A_11 = arith.constant 632 : i32
    %mul3A_12 = arith.muli %arg1, %mul3A_11 : i32
    %mul3A_13 = arith.constant 632 : i32
    %mul3A_14 = arith.muli %arg1, %mul3A_13 : i32
    "tpu.region"() ({
      %run_scoped3A = tpu.sem_alloc : memref<!tpu.dma_semaphore, #tpu.memory_space<semaphore_mem>>
      %dma_start3A = arith.constant 0 : i32
      %dma_start3A_15 = arith.constant 0 : i32
      %dma_start3A_16 = tpu.memref_slice %arg6[%arg0, %dma_start3A, %dma_start3A_15] : memref<2x10112x128xf32, #tpu.memory_space<hbm>> -> memref<1x10112x128xf32, #tpu.memory_space<hbm>>
      %dma_start3A_17 = tpu.memref_squeeze %dma_start3A_16 : memref<1x10112x128xf32, #tpu.memory_space<hbm>> -> memref<10112x128xf32, #tpu.memory_space<hbm>>
      %dma_start3A_18 = arith.constant 0 : i32
      %dma_start3A_19 = tpu.memref_slice %dma_start3A_17[%mul3A_14, %dma_start3A_18] : memref<10112x128xf32, #tpu.memory_space<hbm>> -> memref<632x128xf32, #tpu.memory_space<hbm>>
      %dma_start3A_20 = arith.constant 0 : i32
      %dma_start3A_21 = tpu.memref_slice %arg7[%mul3A_12, %dma_start3A_20] : memref<10112x128xf32, #tpu.memory_space<vmem_shared>> -> memref<632x128xf32, #tpu.memory_space<vmem_shared>>
      tpu.enqueue_dma source(%dma_start3A_21 : memref<632x128xf32, #tpu.memory_space<vmem_shared>>) target(%dma_start3A_19 : memref<632x128xf32, #tpu.memory_space<hbm>>) target_semaphore(%run_scoped3A : memref<!tpu.dma_semaphore, #tpu.memory_space<semaphore_mem>>)
      %dma_wait3A = arith.constant 0 : i32
      %dma_wait3A_22 = arith.constant 0 : i32
      %dma_wait3A_23 = tpu.memref_slice %arg6[%arg0, %dma_wait3A, %dma_wait3A_22] : memref<2x10112x128xf32, #tpu.memory_space<hbm>> -> memref<1x10112x128xf32, #tpu.memory_space<hbm>>
      %dma_wait3A_24 = tpu.memref_squeeze %dma_wait3A_23 : memref<1x10112x128xf32, #tpu.memory_space<hbm>> -> memref<10112x128xf32, #tpu.memory_space<hbm>>
      %dma_wait3A_25 = arith.constant 0 : i32
      %dma_wait3A_26 = tpu.memref_slice %dma_wait3A_24[%mul3A_14, %dma_wait3A_25] : memref<10112x128xf32, #tpu.memory_space<hbm>> -> memref<632x128xf32, #tpu.memory_space<hbm>>
      %dma_wait3A_27 = arith.constant 0 : i32
      %dma_wait3A_28 = tpu.memref_slice %arg7[%mul3A_12, %dma_wait3A_27] : memref<10112x128xf32, #tpu.memory_space<vmem_shared>> -> memref<632x128xf32, #tpu.memory_space<vmem_shared>>
      tpu.wait_dma2 semaphore(%run_scoped3A : memref<!tpu.dma_semaphore, #tpu.memory_space<semaphore_mem>>) src(%dma_wait3A_28 : memref<632x128xf32, #tpu.memory_space<vmem_shared>>) dst(%dma_wait3A_26 : memref<632x128xf32, #tpu.memory_space<hbm>>)
      tpu.yield
    }) : () -> ()
    return
  }
}

#map = affine_map<(d0, d1) -> (0, 0)>
#map1 = affine_map<(d0, d1) -> (0)>
#map2 = affine_map<(d0, d1) -> (0, 0, 0)>
module attributes {stable_mosaic.version = 14 : i64} {
  func.func @body(%arg0: i32, %arg1: i32, %arg2: memref<10112x128xf32, #tpu.memory_space<hbm>>, %arg3: memref<323584xi32, #tpu.memory_space<hbm>>, %arg4: memref<323584xi32, #tpu.memory_space<hbm>>, %arg5: memref<10112x128xf32, #tpu.memory_space<hbm>>, %arg6: memref<2x10112x128xf32, #tpu.memory_space<hbm>>, %arg7: memref<10112x128xf32, #tpu.memory_space<vmem_shared>>, %arg8: memref<128xi32, #tpu.memory_space<vmem>>, %arg9: memref<128xi32, #tpu.memory_space<vmem>>, %arg10: memref<128xi32, #tpu.memory_space<vmem>>, %arg11: memref<128xi32, #tpu.memory_space<vmem>>, %arg12: memref<128x128xf32, #tpu.memory_space<vmem>>, %arg13: memref<128x128xf32, #tpu.memory_space<vmem>>, %arg14: memref<!tpu.dma_semaphore, #tpu.memory_space<semaphore_mem>>, %arg15: memref<!tpu.dma_semaphore, #tpu.memory_space<semaphore_mem>>) attributes {dimension_semantics = [#tpu.dimension_semantics<core_parallel>, #tpu.dimension_semantics<subcore_parallel>], iteration_bounds = array<i64: 2, 16>, scalar_prefetch = 0 : i64, scratch_operands = 9 : i64, tpu.core_type = #tpu.core_type<sc_vector_subcore>, window_params = [{transform_indices = #map}, {transform_indices = #map1}, {transform_indices = #map1}, {transform_indices = #map}, {transform_indices = #map2}]} {
    %mul3A = arith.constant 632 : i32
    %mul3A_0 = arith.muli %arg1, %mul3A : i32
    %mul3A_1 = arith.constant 632 : i32
    %mul3A_2 = arith.muli %arg1, %mul3A_1 : i32
    "tpu.region"() ({
      %run_scoped3A = tpu.sem_alloc : memref<!tpu.dma_semaphore, #tpu.memory_space<semaphore_mem>>
      %dma_start3A = arith.constant 0 : i32
      %dma_start3A_15 = tpu.memref_slice %arg7[%mul3A_2, %dma_start3A] : memref<10112x128xf32, #tpu.memory_space<vmem_shared>> -> memref<632x128xf32, #tpu.memory_space<vmem_shared>>
      %dma_start3A_16 = arith.constant 0 : i32
      %dma_start3A_17 = tpu.memref_slice %arg5[%mul3A_0, %dma_start3A_16] : memref<10112x128xf32, #tpu.memory_space<hbm>> -> memref<632x128xf32, #tpu.memory_space<hbm>>
      tpu.enqueue_dma source(%dma_start3A_17 : memref<632x128xf32, #tpu.memory_space<hbm>>) target(%dma_start3A_15 : memref<632x128xf32, #tpu.memory_space<vmem_shared>>) target_semaphore(%run_scoped3A : memref<!tpu.dma_semaphore, #tpu.memory_space<semaphore_mem>>)
      %dma_wait3A = arith.constant 0 : i32
      %dma_wait3A_18 = tpu.memref_slice %arg7[%mul3A_2, %dma_wait3A] : memref<10112x128xf32, #tpu.memory_space<vmem_shared>> -> memref<632x128xf32, #tpu.memory_space<vmem_shared>>
      %dma_wait3A_19 = arith.constant 0 : i32
      %dma_wait3A_20 = tpu.memref_slice %arg5[%mul3A_0, %dma_wait3A_19] : memref<10112x128xf32, #tpu.memory_space<hbm>> -> memref<632x128xf32, #tpu.memory_space<hbm>>
      tpu.wait_dma2 semaphore(%run_scoped3A : memref<!tpu.dma_semaphore, #tpu.memory_space<semaphore_mem>>) src(%dma_wait3A_20 : memref<632x128xf32, #tpu.memory_space<hbm>>) dst(%dma_wait3A_18 : memref<632x128xf32, #tpu.memory_space<vmem_shared>>)
      tpu.yield
    }) : () -> ()
    %barrier3A = arith.constant 0 : index
    tpu.barrier barrier_id(%barrier3A)
    %eq3A = arith.constant 0 : i32
    %eq3A_3 = arith.cmpi eq, %arg0, %eq3A : i32
    %convert_element_type3A = arith.extui %eq3A_3 : i1 to i32
    %cond3A = arith.constant 0 : i32
    %cond3A_4 = arith.cmpi ne, %convert_element_type3A, %cond3A : i32
    scf.if %cond3A_4 {
      %mul3A_15 = arith.constant 113 : i32
      %mul3A_16 = arith.muli %arg1, %mul3A_15 : i32
      %mul3A_17 = arith.constant 128 : i32
      %mul3A_18 = arith.muli %mul3A_16, %mul3A_17 : i32
      "tpu.region"() ({
        %run_scoped3A = tpu.sem_alloc : memref<!tpu.dma_semaphore, #tpu.memory_space<semaphore_mem>>
        %dma_start3A_32 = tpu.memref_slice %arg3[%mul3A_18] : memref<323584xi32, #tpu.memory_space<hbm>> -> memref<128xi32, #tpu.memory_space<hbm>>
        %dma_start3A_33 = tpu.memref_slice %arg3[%mul3A_18] : memref<323584xi32, #tpu.memory_space<hbm>> -> memref<128xi32, #tpu.memory_space<hbm>>
        tpu.enqueue_dma source(%dma_start3A_33 : memref<128xi32, #tpu.memory_space<hbm>>) target(%arg8 : memref<128xi32, #tpu.memory_space<vmem>>) target_semaphore(%run_scoped3A : memref<!tpu.dma_semaphore, #tpu.memory_space<semaphore_mem>>)
        %dma_wait3A_34 = tpu.memref_slice %arg3[%mul3A_18] : memref<323584xi32, #tpu.memory_space<hbm>> -> memref<128xi32, #tpu.memory_space<hbm>>
        %dma_wait3A_35 = tpu.memref_slice %arg3[%mul3A_18] : memref<323584xi32, #tpu.memory_space<hbm>> -> memref<128xi32, #tpu.memory_space<hbm>>
        tpu.wait_dma2 semaphore(%run_scoped3A : memref<!tpu.dma_semaphore, #tpu.memory_space<semaphore_mem>>) src(%dma_wait3A_35 : memref<128xi32, #tpu.memory_space<hbm>>) dst(%arg8 : memref<128xi32, #tpu.memory_space<vmem>>)
        tpu.yield
      }) : () -> ()
      "tpu.region"() ({
        %run_scoped3A = tpu.sem_alloc : memref<!tpu.dma_semaphore, #tpu.memory_space<semaphore_mem>>
        %dma_start3A_32 = tpu.memref_slice %arg4[%mul3A_18] : memref<323584xi32, #tpu.memory_space<hbm>> -> memref<128xi32, #tpu.memory_space<hbm>>
        %dma_start3A_33 = tpu.memref_slice %arg4[%mul3A_18] : memref<323584xi32, #tpu.memory_space<hbm>> -> memref<128xi32, #tpu.memory_space<hbm>>
        tpu.enqueue_dma source(%dma_start3A_33 : memref<128xi32, #tpu.memory_space<hbm>>) target(%arg9 : memref<128xi32, #tpu.memory_space<vmem>>) target_semaphore(%run_scoped3A : memref<!tpu.dma_semaphore, #tpu.memory_space<semaphore_mem>>)
        %dma_wait3A_34 = tpu.memref_slice %arg4[%mul3A_18] : memref<323584xi32, #tpu.memory_space<hbm>> -> memref<128xi32, #tpu.memory_space<hbm>>
        %dma_wait3A_35 = tpu.memref_slice %arg4[%mul3A_18] : memref<323584xi32, #tpu.memory_space<hbm>> -> memref<128xi32, #tpu.memory_space<hbm>>
        tpu.wait_dma2 semaphore(%run_scoped3A : memref<!tpu.dma_semaphore, #tpu.memory_space<semaphore_mem>>) src(%dma_wait3A_35 : memref<128xi32, #tpu.memory_space<hbm>>) dst(%arg9 : memref<128xi32, #tpu.memory_space<vmem>>)
        tpu.yield
      }) : () -> ()
      %dma_start3A = arith.constant 0 : i32
      %dma_start3A_19 = arith.constant 0 : i32
      %dma_start3A_20 = tpu.memref_slice %arg2[%dma_start3A, %dma_start3A_19] : memref<10112x128xf32, #tpu.memory_space<hbm>> -> memref<10112x128xf32, #tpu.memory_space<hbm>>
      tpu.enqueue_indirect_dma source(%dma_start3A_20 : memref<10112x128xf32, #tpu.memory_space<hbm>>) target(%arg12 : memref<128x128xf32, #tpu.memory_space<vmem>>) offsets(%arg8 : memref<128xi32, #tpu.memory_space<vmem>>) semaphore(%arg14 : memref<!tpu.dma_semaphore, #tpu.memory_space<semaphore_mem>>)
      %scan3A = arith.constant 0 : i32
      %scan3A_21 = arith.constant 0 : i32
      %scan3A_22 = arith.constant 56 : i32
      %scan3A_23 = arith.addi %scan3A_21, %scan3A_22 : i32
      %scan3A_24 = arith.constant 1 : i32
      scf.for %scan3A_32 = %scan3A_21 to %scan3A_23 step %scan3A_24  : i32 {
        %mul3A_33 = arith.constant 2 : i32
        %mul3A_34 = arith.muli %mul3A_33, %scan3A_32 : i32
        %add3A_35 = arith.constant 1 : i32
        %add3A_36 = arith.addi %mul3A_34, %add3A_35 : i32
        %mul3A_37 = arith.constant 128 : i32
        %mul3A_38 = arith.muli %add3A_36, %mul3A_37 : i32
        %add3A_39 = arith.addi %mul3A_18, %mul3A_38 : i32
        "tpu.region"() ({
          %run_scoped3A = tpu.sem_alloc : memref<!tpu.dma_semaphore, #tpu.memory_space<semaphore_mem>>
          %dma_start3A_55 = tpu.memref_slice %arg3[%add3A_39] : memref<323584xi32, #tpu.memory_space<hbm>> -> memref<128xi32, #tpu.memory_space<hbm>>
          %dma_start3A_56 = tpu.memref_slice %arg3[%add3A_39] : memref<323584xi32, #tpu.memory_space<hbm>> -> memref<128xi32, #tpu.memory_space<hbm>>
          tpu.enqueue_dma source(%dma_start3A_56 : memref<128xi32, #tpu.memory_space<hbm>>) target(%arg10 : memref<128xi32, #tpu.memory_space<vmem>>) target_semaphore(%run_scoped3A : memref<!tpu.dma_semaphore, #tpu.memory_space<semaphore_mem>>)
          %dma_wait3A_57 = tpu.memref_slice %arg3[%add3A_39] : memref<323584xi32, #tpu.memory_space<hbm>> -> memref<128xi32, #tpu.memory_space<hbm>>
          %dma_wait3A_58 = tpu.memref_slice %arg3[%add3A_39] : memref<323584xi32, #tpu.memory_space<hbm>> -> memref<128xi32, #tpu.memory_space<hbm>>
          tpu.wait_dma2 semaphore(%run_scoped3A : memref<!tpu.dma_semaphore, #tpu.memory_space<semaphore_mem>>) src(%dma_wait3A_58 : memref<128xi32, #tpu.memory_space<hbm>>) dst(%arg10 : memref<128xi32, #tpu.memory_space<vmem>>)
          tpu.yield
        }) : () -> ()
        "tpu.region"() ({
          %run_scoped3A = tpu.sem_alloc : memref<!tpu.dma_semaphore, #tpu.memory_space<semaphore_mem>>
          %dma_start3A_55 = tpu.memref_slice %arg4[%add3A_39] : memref<323584xi32, #tpu.memory_space<hbm>> -> memref<128xi32, #tpu.memory_space<hbm>>
          %dma_start3A_56 = tpu.memref_slice %arg4[%add3A_39] : memref<323584xi32, #tpu.memory_space<hbm>> -> memref<128xi32, #tpu.memory_space<hbm>>
          tpu.enqueue_dma source(%dma_start3A_56 : memref<128xi32, #tpu.memory_space<hbm>>) target(%arg11 : memref<128xi32, #tpu.memory_space<vmem>>) target_semaphore(%run_scoped3A : memref<!tpu.dma_semaphore, #tpu.memory_space<semaphore_mem>>)
          %dma_wait3A_57 = tpu.memref_slice %arg4[%add3A_39] : memref<323584xi32, #tpu.memory_space<hbm>> -> memref<128xi32, #tpu.memory_space<hbm>>
          %dma_wait3A_58 = tpu.memref_slice %arg4[%add3A_39] : memref<323584xi32, #tpu.memory_space<hbm>> -> memref<128xi32, #tpu.memory_space<hbm>>
          tpu.wait_dma2 semaphore(%run_scoped3A : memref<!tpu.dma_semaphore, #tpu.memory_space<semaphore_mem>>) src(%dma_wait3A_58 : memref<128xi32, #tpu.memory_space<hbm>>) dst(%arg11 : memref<128xi32, #tpu.memory_space<vmem>>)
          tpu.yield
        }) : () -> ()
        %dma_start3A_40 = arith.constant 0 : i32
        %dma_start3A_41 = arith.constant 0 : i32
        %dma_start3A_42 = tpu.memref_slice %arg2[%dma_start3A_40, %dma_start3A_41] : memref<10112x128xf32, #tpu.memory_space<hbm>> -> memref<10112x128xf32, #tpu.memory_space<hbm>>
        tpu.enqueue_indirect_dma source(%dma_start3A_42 : memref<10112x128xf32, #tpu.memory_space<hbm>>) target(%arg13 : memref<128x128xf32, #tpu.memory_space<vmem>>) offsets(%arg10 : memref<128xi32, #tpu.memory_space<vmem>>) semaphore(%arg15 : memref<!tpu.dma_semaphore, #tpu.memory_space<semaphore_mem>>)
        %dma_wait3A_43 = arith.constant 0 : i32
        %dma_wait3A_44 = arith.constant 0 : i32
        %dma_wait3A_45 = tpu.memref_slice %arg2[%dma_wait3A_43, %dma_wait3A_44] : memref<10112x128xf32, #tpu.memory_space<hbm>> -> memref<10112x128xf32, #tpu.memory_space<hbm>>
        tpu.wait_indirect_dma semaphore(%arg14 : memref<!tpu.dma_semaphore, #tpu.memory_space<semaphore_mem>>) src(%dma_wait3A_45 : memref<10112x128xf32, #tpu.memory_space<hbm>>) dst(%arg12 : memref<128x128xf32, #tpu.memory_space<vmem>>)
        "tpu.region"() ({
          %run_scoped3A = tpu.sem_alloc : memref<!tpu.dma_semaphore, #tpu.memory_space<semaphore_mem>>
          %dma_start3A_55 = arith.constant 0 : i32
          %dma_start3A_56 = arith.constant 0 : i32
          %dma_start3A_57 = tpu.memref_slice %arg7[%dma_start3A_55, %dma_start3A_56] : memref<10112x128xf32, #tpu.memory_space<vmem_shared>> -> memref<10112x128xf32, #tpu.memory_space<vmem_shared>>
          tpu.enqueue_indirect_dma source(%arg12 : memref<128x128xf32, #tpu.memory_space<vmem>>) target(%dma_start3A_57 : memref<10112x128xf32, #tpu.memory_space<vmem_shared>>) offsets(%arg9 : memref<128xi32, #tpu.memory_space<vmem>>) semaphore(%run_scoped3A : memref<!tpu.dma_semaphore, #tpu.memory_space<semaphore_mem>>) {add = true}
          %dma_wait3A_58 = arith.constant 0 : i32
          %dma_wait3A_59 = arith.constant 0 : i32
          %dma_wait3A_60 = tpu.memref_slice %arg7[%dma_wait3A_58, %dma_wait3A_59] : memref<10112x128xf32, #tpu.memory_space<vmem_shared>> -> memref<10112x128xf32, #tpu.memory_space<vmem_shared>>
          tpu.wait_indirect_dma semaphore(%run_scoped3A : memref<!tpu.dma_semaphore, #tpu.memory_space<semaphore_mem>>) src(%arg12 : memref<128x128xf32, #tpu.memory_space<vmem>>) dst(%dma_wait3A_60 : memref<10112x128xf32, #tpu.memory_space<vmem_shared>>)
          tpu.yield
        }) : () -> ()
        %add3A_46 = arith.constant 1 : i32
        %add3A_47 = arith.addi %scan3A_32, %add3A_46 : i32
        %lt3A = arith.constant 56 : i32
        %lt3A_48 = arith.cmpi slt, %add3A_47, %lt3A : i32
        %convert_element_type3A_49 = arith.extui %lt3A_48 : i1 to i32
        %cond3A_50 = arith.constant 0 : i32
        %cond3A_51 = arith.cmpi ne, %convert_element_type3A_49, %cond3A_50 : i32
        scf.if %cond3A_51 {
          %mul3A_55 = arith.constant 2 : i32
          %mul3A_56 = arith.muli %mul3A_55, %scan3A_32 : i32
          %add3A_57 = arith.constant 2 : i32
          %add3A_58 = arith.addi %mul3A_56, %add3A_57 : i32
          %mul3A_59 = arith.constant 128 : i32
          %mul3A_60 = arith.muli %add3A_58, %mul3A_59 : i32
          %add3A_61 = arith.addi %mul3A_18, %mul3A_60 : i32
          "tpu.region"() ({
            %run_scoped3A = tpu.sem_alloc : memref<!tpu.dma_semaphore, #tpu.memory_space<semaphore_mem>>
            %dma_start3A_65 = tpu.memref_slice %arg3[%add3A_61] : memref<323584xi32, #tpu.memory_space<hbm>> -> memref<128xi32, #tpu.memory_space<hbm>>
            %dma_start3A_66 = tpu.memref_slice %arg3[%add3A_61] : memref<323584xi32, #tpu.memory_space<hbm>> -> memref<128xi32, #tpu.memory_space<hbm>>
            tpu.enqueue_dma source(%dma_start3A_66 : memref<128xi32, #tpu.memory_space<hbm>>) target(%arg8 : memref<128xi32, #tpu.memory_space<vmem>>) target_semaphore(%run_scoped3A : memref<!tpu.dma_semaphore, #tpu.memory_space<semaphore_mem>>)
            %dma_wait3A_67 = tpu.memref_slice %arg3[%add3A_61] : memref<323584xi32, #tpu.memory_space<hbm>> -> memref<128xi32, #tpu.memory_space<hbm>>
            %dma_wait3A_68 = tpu.memref_slice %arg3[%add3A_61] : memref<323584xi32, #tpu.memory_space<hbm>> -> memref<128xi32, #tpu.memory_space<hbm>>
            tpu.wait_dma2 semaphore(%run_scoped3A : memref<!tpu.dma_semaphore, #tpu.memory_space<semaphore_mem>>) src(%dma_wait3A_68 : memref<128xi32, #tpu.memory_space<hbm>>) dst(%arg8 : memref<128xi32, #tpu.memory_space<vmem>>)
            tpu.yield
          }) : () -> ()
          "tpu.region"() ({
            %run_scoped3A = tpu.sem_alloc : memref<!tpu.dma_semaphore, #tpu.memory_space<semaphore_mem>>
            %dma_start3A_65 = tpu.memref_slice %arg4[%add3A_61] : memref<323584xi32, #tpu.memory_space<hbm>> -> memref<128xi32, #tpu.memory_space<hbm>>
            %dma_start3A_66 = tpu.memref_slice %arg4[%add3A_61] : memref<323584xi32, #tpu.memory_space<hbm>> -> memref<128xi32, #tpu.memory_space<hbm>>
            tpu.enqueue_dma source(%dma_start3A_66 : memref<128xi32, #tpu.memory_space<hbm>>) target(%arg9 : memref<128xi32, #tpu.memory_space<vmem>>) target_semaphore(%run_scoped3A : memref<!tpu.dma_semaphore, #tpu.memory_space<semaphore_mem>>)
            %dma_wait3A_67 = tpu.memref_slice %arg4[%add3A_61] : memref<323584xi32, #tpu.memory_space<hbm>> -> memref<128xi32, #tpu.memory_space<hbm>>
            %dma_wait3A_68 = tpu.memref_slice %arg4[%add3A_61] : memref<323584xi32, #tpu.memory_space<hbm>> -> memref<128xi32, #tpu.memory_space<hbm>>
            tpu.wait_dma2 semaphore(%run_scoped3A : memref<!tpu.dma_semaphore, #tpu.memory_space<semaphore_mem>>) src(%dma_wait3A_68 : memref<128xi32, #tpu.memory_space<hbm>>) dst(%arg9 : memref<128xi32, #tpu.memory_space<vmem>>)
            tpu.yield
          }) : () -> ()
          %dma_start3A_62 = arith.constant 0 : i32
          %dma_start3A_63 = arith.constant 0 : i32
          %dma_start3A_64 = tpu.memref_slice %arg2[%dma_start3A_62, %dma_start3A_63] : memref<10112x128xf32, #tpu.memory_space<hbm>> -> memref<10112x128xf32, #tpu.memory_space<hbm>>
          tpu.enqueue_indirect_dma source(%dma_start3A_64 : memref<10112x128xf32, #tpu.memory_space<hbm>>) target(%arg12 : memref<128x128xf32, #tpu.memory_space<vmem>>) offsets(%arg8 : memref<128xi32, #tpu.memory_space<vmem>>) semaphore(%arg14 : memref<!tpu.dma_semaphore, #tpu.memory_space<semaphore_mem>>)
        } else {
        }
        %dma_wait3A_52 = arith.constant 0 : i32
        %dma_wait3A_53 = arith.constant 0 : i32
        %dma_wait3A_54 = tpu.memref_slice %arg2[%dma_wait3A_52, %dma_wait3A_53] : memref<10112x128xf32, #tpu.memory_space<hbm>> -> memref<10112x128xf32, #tpu.memory_space<hbm>>
        tpu.wait_indirect_dma semaphore(%arg15 : memref<!tpu.dma_semaphore, #tpu.memory_space<semaphore_mem>>) src(%dma_wait3A_54 : memref<10112x128xf32, #tpu.memory_space<hbm>>) dst(%arg13 : memref<128x128xf32, #tpu.memory_space<vmem>>)
        "tpu.region"() ({
          %run_scoped3A = tpu.sem_alloc : memref<!tpu.dma_semaphore, #tpu.memory_space<semaphore_mem>>
          %dma_start3A_55 = arith.constant 0 : i32
          %dma_start3A_56 = arith.constant 0 : i32
          %dma_start3A_57 = tpu.memref_slice %arg7[%dma_start3A_55, %dma_start3A_56] : memref<10112x128xf32, #tpu.memory_space<vmem_shared>> -> memref<10112x128xf32, #tpu.memory_space<vmem_shared>>
          tpu.enqueue_indirect_dma source(%arg13 : memref<128x128xf32, #tpu.memory_space<vmem>>) target(%dma_start3A_57 : memref<10112x128xf32, #tpu.memory_space<vmem_shared>>) offsets(%arg11 : memref<128xi32, #tpu.memory_space<vmem>>) semaphore(%run_scoped3A : memref<!tpu.dma_semaphore, #tpu.memory_space<semaphore_mem>>) {add = true}
          %dma_wait3A_58 = arith.constant 0 : i32
          %dma_wait3A_59 = arith.constant 0 : i32
          %dma_wait3A_60 = tpu.memref_slice %arg7[%dma_wait3A_58, %dma_wait3A_59] : memref<10112x128xf32, #tpu.memory_space<vmem_shared>> -> memref<10112x128xf32, #tpu.memory_space<vmem_shared>>
          tpu.wait_indirect_dma semaphore(%run_scoped3A : memref<!tpu.dma_semaphore, #tpu.memory_space<semaphore_mem>>) src(%arg13 : memref<128x128xf32, #tpu.memory_space<vmem>>) dst(%dma_wait3A_60 : memref<10112x128xf32, #tpu.memory_space<vmem_shared>>)
          tpu.yield
        }) : () -> ()
      }
      %scan3A_25 = arith.constant 56 : i32
      %add3A = arith.constant 14336 : i32
      %add3A_26 = arith.addi %mul3A_18, %add3A : i32
      "tpu.region"() ({
        %run_scoped3A = tpu.sem_alloc : memref<!tpu.dma_semaphore, #tpu.memory_space<semaphore_mem>>
        %dma_start3A_32 = tpu.memref_slice %arg3[%add3A_26] : memref<323584xi32, #tpu.memory_space<hbm>> -> memref<128xi32, #tpu.memory_space<hbm>>
        %dma_start3A_33 = tpu.memref_slice %arg3[%add3A_26] : memref<323584xi32, #tpu.memory_space<hbm>> -> memref<128xi32, #tpu.memory_space<hbm>>
        tpu.enqueue_dma source(%dma_start3A_33 : memref<128xi32, #tpu.memory_space<hbm>>) target(%arg10 : memref<128xi32, #tpu.memory_space<vmem>>) target_semaphore(%run_scoped3A : memref<!tpu.dma_semaphore, #tpu.memory_space<semaphore_mem>>)
        %dma_wait3A_34 = tpu.memref_slice %arg3[%add3A_26] : memref<323584xi32, #tpu.memory_space<hbm>> -> memref<128xi32, #tpu.memory_space<hbm>>
        %dma_wait3A_35 = tpu.memref_slice %arg3[%add3A_26] : memref<323584xi32, #tpu.memory_space<hbm>> -> memref<128xi32, #tpu.memory_space<hbm>>
        tpu.wait_dma2 semaphore(%run_scoped3A : memref<!tpu.dma_semaphore, #tpu.memory_space<semaphore_mem>>) src(%dma_wait3A_35 : memref<128xi32, #tpu.memory_space<hbm>>) dst(%arg10 : memref<128xi32, #tpu.memory_space<vmem>>)
        tpu.yield
      }) : () -> ()
      "tpu.region"() ({
        %run_scoped3A = tpu.sem_alloc : memref<!tpu.dma_semaphore, #tpu.memory_space<semaphore_mem>>
        %dma_start3A_32 = tpu.memref_slice %arg4[%add3A_26] : memref<323584xi32, #tpu.memory_space<hbm>> -> memref<128xi32, #tpu.memory_space<hbm>>
        %dma_start3A_33 = tpu.memref_slice %arg4[%add3A_26] : memref<323584xi32, #tpu.memory_space<hbm>> -> memref<128xi32, #tpu.memory_space<hbm>>
        tpu.enqueue_dma source(%dma_start3A_33 : memref<128xi32, #tpu.memory_space<hbm>>) target(%arg11 : memref<128xi32, #tpu.memory_space<vmem>>) target_semaphore(%run_scoped3A : memref<!tpu.dma_semaphore, #tpu.memory_space<semaphore_mem>>)
        %dma_wait3A_34 = tpu.memref_slice %arg4[%add3A_26] : memref<323584xi32, #tpu.memory_space<hbm>> -> memref<128xi32, #tpu.memory_space<hbm>>
        %dma_wait3A_35 = tpu.memref_slice %arg4[%add3A_26] : memref<323584xi32, #tpu.memory_space<hbm>> -> memref<128xi32, #tpu.memory_space<hbm>>
        tpu.wait_dma2 semaphore(%run_scoped3A : memref<!tpu.dma_semaphore, #tpu.memory_space<semaphore_mem>>) src(%dma_wait3A_35 : memref<128xi32, #tpu.memory_space<hbm>>) dst(%arg11 : memref<128xi32, #tpu.memory_space<vmem>>)
        tpu.yield
      }) : () -> ()
      %dma_start3A_27 = arith.constant 0 : i32
      %dma_start3A_28 = arith.constant 0 : i32
      %dma_start3A_29 = tpu.memref_slice %arg2[%dma_start3A_27, %dma_start3A_28] : memref<10112x128xf32, #tpu.memory_space<hbm>> -> memref<10112x128xf32, #tpu.memory_space<hbm>>
      tpu.enqueue_indirect_dma source(%dma_start3A_29 : memref<10112x128xf32, #tpu.memory_space<hbm>>) target(%arg13 : memref<128x128xf32, #tpu.memory_space<vmem>>) offsets(%arg10 : memref<128xi32, #tpu.memory_space<vmem>>) semaphore(%arg15 : memref<!tpu.dma_semaphore, #tpu.memory_space<semaphore_mem>>)
      %dma_wait3A = arith.constant 0 : i32
      %dma_wait3A_30 = arith.constant 0 : i32
      %dma_wait3A_31 = tpu.memref_slice %arg2[%dma_wait3A, %dma_wait3A_30] : memref<10112x128xf32, #tpu.memory_space<hbm>> -> memref<10112x128xf32, #tpu.memory_space<hbm>>
      tpu.wait_indirect_dma semaphore(%arg15 : memref<!tpu.dma_semaphore, #tpu.memory_space<semaphore_mem>>) src(%dma_wait3A_31 : memref<10112x128xf32, #tpu.memory_space<hbm>>) dst(%arg13 : memref<128x128xf32, #tpu.memory_space<vmem>>)
      "tpu.region"() ({
        %run_scoped3A = tpu.sem_alloc : memref<!tpu.dma_semaphore, #tpu.memory_space<semaphore_mem>>
        %dma_start3A_32 = arith.constant 0 : i32
        %dma_start3A_33 = arith.constant 0 : i32
        %dma_start3A_34 = tpu.memref_slice %arg7[%dma_start3A_32, %dma_start3A_33] : memref<10112x128xf32, #tpu.memory_space<vmem_shared>> -> memref<10112x128xf32, #tpu.memory_space<vmem_shared>>
        tpu.enqueue_indirect_dma source(%arg13 : memref<128x128xf32, #tpu.memory_space<vmem>>) target(%dma_start3A_34 : memref<10112x128xf32, #tpu.memory_space<vmem_shared>>) offsets(%arg11 : memref<128xi32, #tpu.memory_space<vmem>>) semaphore(%run_scoped3A : memref<!tpu.dma_semaphore, #tpu.memory_space<semaphore_mem>>) {add = true}
        %dma_wait3A_35 = arith.constant 0 : i32
        %dma_wait3A_36 = arith.constant 0 : i32
        %dma_wait3A_37 = tpu.memref_slice %arg7[%dma_wait3A_35, %dma_wait3A_36] : memref<10112x128xf32, #tpu.memory_space<vmem_shared>> -> memref<10112x128xf32, #tpu.memory_space<vmem_shared>>
        tpu.wait_indirect_dma semaphore(%run_scoped3A : memref<!tpu.dma_semaphore, #tpu.memory_space<semaphore_mem>>) src(%arg13 : memref<128x128xf32, #tpu.memory_space<vmem>>) dst(%dma_wait3A_37 : memref<10112x128xf32, #tpu.memory_space<vmem_shared>>)
        tpu.yield
      }) : () -> ()
    } else {
    }
    %eq3A_5 = arith.constant 1 : i32
    %eq3A_6 = arith.cmpi eq, %arg0, %eq3A_5 : i32
    %convert_element_type3A_7 = arith.extui %eq3A_6 : i1 to i32
    %cond3A_8 = arith.constant 0 : i32
    %cond3A_9 = arith.cmpi ne, %convert_element_type3A_7, %cond3A_8 : i32
    scf.if %cond3A_9 {
      %mul3A_15 = arith.constant 45 : i32
      %mul3A_16 = arith.muli %arg1, %mul3A_15 : i32
      %add3A = arith.constant 1808 : i32
      %add3A_17 = arith.addi %add3A, %mul3A_16 : i32
      %mul3A_18 = arith.constant 128 : i32
      %mul3A_19 = arith.muli %add3A_17, %mul3A_18 : i32
      "tpu.region"() ({
        %run_scoped3A = tpu.sem_alloc : memref<!tpu.dma_semaphore, #tpu.memory_space<semaphore_mem>>
        %dma_start3A_34 = tpu.memref_slice %arg3[%mul3A_19] : memref<323584xi32, #tpu.memory_space<hbm>> -> memref<128xi32, #tpu.memory_space<hbm>>
        %dma_start3A_35 = tpu.memref_slice %arg3[%mul3A_19] : memref<323584xi32, #tpu.memory_space<hbm>> -> memref<128xi32, #tpu.memory_space<hbm>>
        tpu.enqueue_dma source(%dma_start3A_35 : memref<128xi32, #tpu.memory_space<hbm>>) target(%arg8 : memref<128xi32, #tpu.memory_space<vmem>>) target_semaphore(%run_scoped3A : memref<!tpu.dma_semaphore, #tpu.memory_space<semaphore_mem>>)
        %dma_wait3A_36 = tpu.memref_slice %arg3[%mul3A_19] : memref<323584xi32, #tpu.memory_space<hbm>> -> memref<128xi32, #tpu.memory_space<hbm>>
        %dma_wait3A_37 = tpu.memref_slice %arg3[%mul3A_19] : memref<323584xi32, #tpu.memory_space<hbm>> -> memref<128xi32, #tpu.memory_space<hbm>>
        tpu.wait_dma2 semaphore(%run_scoped3A : memref<!tpu.dma_semaphore, #tpu.memory_space<semaphore_mem>>) src(%dma_wait3A_37 : memref<128xi32, #tpu.memory_space<hbm>>) dst(%arg8 : memref<128xi32, #tpu.memory_space<vmem>>)
        tpu.yield
      }) : () -> ()
      "tpu.region"() ({
        %run_scoped3A = tpu.sem_alloc : memref<!tpu.dma_semaphore, #tpu.memory_space<semaphore_mem>>
        %dma_start3A_34 = tpu.memref_slice %arg4[%mul3A_19] : memref<323584xi32, #tpu.memory_space<hbm>> -> memref<128xi32, #tpu.memory_space<hbm>>
        %dma_start3A_35 = tpu.memref_slice %arg4[%mul3A_19] : memref<323584xi32, #tpu.memory_space<hbm>> -> memref<128xi32, #tpu.memory_space<hbm>>
        tpu.enqueue_dma source(%dma_start3A_35 : memref<128xi32, #tpu.memory_space<hbm>>) target(%arg9 : memref<128xi32, #tpu.memory_space<vmem>>) target_semaphore(%run_scoped3A : memref<!tpu.dma_semaphore, #tpu.memory_space<semaphore_mem>>)
        %dma_wait3A_36 = tpu.memref_slice %arg4[%mul3A_19] : memref<323584xi32, #tpu.memory_space<hbm>> -> memref<128xi32, #tpu.memory_space<hbm>>
        %dma_wait3A_37 = tpu.memref_slice %arg4[%mul3A_19] : memref<323584xi32, #tpu.memory_space<hbm>> -> memref<128xi32, #tpu.memory_space<hbm>>
        tpu.wait_dma2 semaphore(%run_scoped3A : memref<!tpu.dma_semaphore, #tpu.memory_space<semaphore_mem>>) src(%dma_wait3A_37 : memref<128xi32, #tpu.memory_space<hbm>>) dst(%arg9 : memref<128xi32, #tpu.memory_space<vmem>>)
        tpu.yield
      }) : () -> ()
      %dma_start3A = arith.constant 0 : i32
      %dma_start3A_20 = arith.constant 0 : i32
      %dma_start3A_21 = tpu.memref_slice %arg2[%dma_start3A, %dma_start3A_20] : memref<10112x128xf32, #tpu.memory_space<hbm>> -> memref<10112x128xf32, #tpu.memory_space<hbm>>
      tpu.enqueue_indirect_dma source(%dma_start3A_21 : memref<10112x128xf32, #tpu.memory_space<hbm>>) target(%arg12 : memref<128x128xf32, #tpu.memory_space<vmem>>) offsets(%arg8 : memref<128xi32, #tpu.memory_space<vmem>>) semaphore(%arg14 : memref<!tpu.dma_semaphore, #tpu.memory_space<semaphore_mem>>)
      %scan3A = arith.constant 0 : i32
      %scan3A_22 = arith.constant 0 : i32
      %scan3A_23 = arith.constant 22 : i32
      %scan3A_24 = arith.addi %scan3A_22, %scan3A_23 : i32
      %scan3A_25 = arith.constant 1 : i32
      scf.for %scan3A_34 = %scan3A_22 to %scan3A_24 step %scan3A_25  : i32 {
        %mul3A_35 = arith.constant 2 : i32
        %mul3A_36 = arith.muli %mul3A_35, %scan3A_34 : i32
        %add3A_37 = arith.constant 1 : i32
        %add3A_38 = arith.addi %mul3A_36, %add3A_37 : i32
        %mul3A_39 = arith.constant 128 : i32
        %mul3A_40 = arith.muli %add3A_38, %mul3A_39 : i32
        %add3A_41 = arith.addi %mul3A_19, %mul3A_40 : i32
        "tpu.region"() ({
          %run_scoped3A = tpu.sem_alloc : memref<!tpu.dma_semaphore, #tpu.memory_space<semaphore_mem>>
          %dma_start3A_57 = tpu.memref_slice %arg3[%add3A_41] : memref<323584xi32, #tpu.memory_space<hbm>> -> memref<128xi32, #tpu.memory_space<hbm>>
          %dma_start3A_58 = tpu.memref_slice %arg3[%add3A_41] : memref<323584xi32, #tpu.memory_space<hbm>> -> memref<128xi32, #tpu.memory_space<hbm>>
          tpu.enqueue_dma source(%dma_start3A_58 : memref<128xi32, #tpu.memory_space<hbm>>) target(%arg10 : memref<128xi32, #tpu.memory_space<vmem>>) target_semaphore(%run_scoped3A : memref<!tpu.dma_semaphore, #tpu.memory_space<semaphore_mem>>)
          %dma_wait3A_59 = tpu.memref_slice %arg3[%add3A_41] : memref<323584xi32, #tpu.memory_space<hbm>> -> memref<128xi32, #tpu.memory_space<hbm>>
          %dma_wait3A_60 = tpu.memref_slice %arg3[%add3A_41] : memref<323584xi32, #tpu.memory_space<hbm>> -> memref<128xi32, #tpu.memory_space<hbm>>
          tpu.wait_dma2 semaphore(%run_scoped3A : memref<!tpu.dma_semaphore, #tpu.memory_space<semaphore_mem>>) src(%dma_wait3A_60 : memref<128xi32, #tpu.memory_space<hbm>>) dst(%arg10 : memref<128xi32, #tpu.memory_space<vmem>>)
          tpu.yield
        }) : () -> ()
        "tpu.region"() ({
          %run_scoped3A = tpu.sem_alloc : memref<!tpu.dma_semaphore, #tpu.memory_space<semaphore_mem>>
          %dma_start3A_57 = tpu.memref_slice %arg4[%add3A_41] : memref<323584xi32, #tpu.memory_space<hbm>> -> memref<128xi32, #tpu.memory_space<hbm>>
          %dma_start3A_58 = tpu.memref_slice %arg4[%add3A_41] : memref<323584xi32, #tpu.memory_space<hbm>> -> memref<128xi32, #tpu.memory_space<hbm>>
          tpu.enqueue_dma source(%dma_start3A_58 : memref<128xi32, #tpu.memory_space<hbm>>) target(%arg11 : memref<128xi32, #tpu.memory_space<vmem>>) target_semaphore(%run_scoped3A : memref<!tpu.dma_semaphore, #tpu.memory_space<semaphore_mem>>)
          %dma_wait3A_59 = tpu.memref_slice %arg4[%add3A_41] : memref<323584xi32, #tpu.memory_space<hbm>> -> memref<128xi32, #tpu.memory_space<hbm>>
          %dma_wait3A_60 = tpu.memref_slice %arg4[%add3A_41] : memref<323584xi32, #tpu.memory_space<hbm>> -> memref<128xi32, #tpu.memory_space<hbm>>
          tpu.wait_dma2 semaphore(%run_scoped3A : memref<!tpu.dma_semaphore, #tpu.memory_space<semaphore_mem>>) src(%dma_wait3A_60 : memref<128xi32, #tpu.memory_space<hbm>>) dst(%arg11 : memref<128xi32, #tpu.memory_space<vmem>>)
          tpu.yield
        }) : () -> ()
        %dma_start3A_42 = arith.constant 0 : i32
        %dma_start3A_43 = arith.constant 0 : i32
        %dma_start3A_44 = tpu.memref_slice %arg2[%dma_start3A_42, %dma_start3A_43] : memref<10112x128xf32, #tpu.memory_space<hbm>> -> memref<10112x128xf32, #tpu.memory_space<hbm>>
        tpu.enqueue_indirect_dma source(%dma_start3A_44 : memref<10112x128xf32, #tpu.memory_space<hbm>>) target(%arg13 : memref<128x128xf32, #tpu.memory_space<vmem>>) offsets(%arg10 : memref<128xi32, #tpu.memory_space<vmem>>) semaphore(%arg15 : memref<!tpu.dma_semaphore, #tpu.memory_space<semaphore_mem>>)
        %dma_wait3A_45 = arith.constant 0 : i32
        %dma_wait3A_46 = arith.constant 0 : i32
        %dma_wait3A_47 = tpu.memref_slice %arg2[%dma_wait3A_45, %dma_wait3A_46] : memref<10112x128xf32, #tpu.memory_space<hbm>> -> memref<10112x128xf32, #tpu.memory_space<hbm>>
        tpu.wait_indirect_dma semaphore(%arg14 : memref<!tpu.dma_semaphore, #tpu.memory_space<semaphore_mem>>) src(%dma_wait3A_47 : memref<10112x128xf32, #tpu.memory_space<hbm>>) dst(%arg12 : memref<128x128xf32, #tpu.memory_space<vmem>>)
        "tpu.region"() ({
          %run_scoped3A = tpu.sem_alloc : memref<!tpu.dma_semaphore, #tpu.memory_space<semaphore_mem>>
          %dma_start3A_57 = arith.constant 0 : i32
          %dma_start3A_58 = arith.constant 0 : i32
          %dma_start3A_59 = tpu.memref_slice %arg7[%dma_start3A_57, %dma_start3A_58] : memref<10112x128xf32, #tpu.memory_space<vmem_shared>> -> memref<10112x128xf32, #tpu.memory_space<vmem_shared>>
          tpu.enqueue_indirect_dma source(%arg12 : memref<128x128xf32, #tpu.memory_space<vmem>>) target(%dma_start3A_59 : memref<10112x128xf32, #tpu.memory_space<vmem_shared>>) offsets(%arg9 : memref<128xi32, #tpu.memory_space<vmem>>) semaphore(%run_scoped3A : memref<!tpu.dma_semaphore, #tpu.memory_space<semaphore_mem>>) {add = true}
          %dma_wait3A_60 = arith.constant 0 : i32
          %dma_wait3A_61 = arith.constant 0 : i32
          %dma_wait3A_62 = tpu.memref_slice %arg7[%dma_wait3A_60, %dma_wait3A_61] : memref<10112x128xf32, #tpu.memory_space<vmem_shared>> -> memref<10112x128xf32, #tpu.memory_space<vmem_shared>>
          tpu.wait_indirect_dma semaphore(%run_scoped3A : memref<!tpu.dma_semaphore, #tpu.memory_space<semaphore_mem>>) src(%arg12 : memref<128x128xf32, #tpu.memory_space<vmem>>) dst(%dma_wait3A_62 : memref<10112x128xf32, #tpu.memory_space<vmem_shared>>)
          tpu.yield
        }) : () -> ()
        %add3A_48 = arith.constant 1 : i32
        %add3A_49 = arith.addi %scan3A_34, %add3A_48 : i32
        %lt3A = arith.constant 22 : i32
        %lt3A_50 = arith.cmpi slt, %add3A_49, %lt3A : i32
        %convert_element_type3A_51 = arith.extui %lt3A_50 : i1 to i32
        %cond3A_52 = arith.constant 0 : i32
        %cond3A_53 = arith.cmpi ne, %convert_element_type3A_51, %cond3A_52 : i32
        scf.if %cond3A_53 {
          %mul3A_57 = arith.constant 2 : i32
          %mul3A_58 = arith.muli %mul3A_57, %scan3A_34 : i32
          %add3A_59 = arith.constant 2 : i32
          %add3A_60 = arith.addi %mul3A_58, %add3A_59 : i32
          %mul3A_61 = arith.constant 128 : i32
          %mul3A_62 = arith.muli %add3A_60, %mul3A_61 : i32
          %add3A_63 = arith.addi %mul3A_19, %mul3A_62 : i32
          "tpu.region"() ({
            %run_scoped3A = tpu.sem_alloc : memref<!tpu.dma_semaphore, #tpu.memory_space<semaphore_mem>>
            %dma_start3A_67 = tpu.memref_slice %arg3[%add3A_63] : memref<323584xi32, #tpu.memory_space<hbm>> -> memref<128xi32, #tpu.memory_space<hbm>>
            %dma_start3A_68 = tpu.memref_slice %arg3[%add3A_63] : memref<323584xi32, #tpu.memory_space<hbm>> -> memref<128xi32, #tpu.memory_space<hbm>>
            tpu.enqueue_dma source(%dma_start3A_68 : memref<128xi32, #tpu.memory_space<hbm>>) target(%arg8 : memref<128xi32, #tpu.memory_space<vmem>>) target_semaphore(%run_scoped3A : memref<!tpu.dma_semaphore, #tpu.memory_space<semaphore_mem>>)
            %dma_wait3A_69 = tpu.memref_slice %arg3[%add3A_63] : memref<323584xi32, #tpu.memory_space<hbm>> -> memref<128xi32, #tpu.memory_space<hbm>>
            %dma_wait3A_70 = tpu.memref_slice %arg3[%add3A_63] : memref<323584xi32, #tpu.memory_space<hbm>> -> memref<128xi32, #tpu.memory_space<hbm>>
            tpu.wait_dma2 semaphore(%run_scoped3A : memref<!tpu.dma_semaphore, #tpu.memory_space<semaphore_mem>>) src(%dma_wait3A_70 : memref<128xi32, #tpu.memory_space<hbm>>) dst(%arg8 : memref<128xi32, #tpu.memory_space<vmem>>)
            tpu.yield
          }) : () -> ()
          "tpu.region"() ({
            %run_scoped3A = tpu.sem_alloc : memref<!tpu.dma_semaphore, #tpu.memory_space<semaphore_mem>>
            %dma_start3A_67 = tpu.memref_slice %arg4[%add3A_63] : memref<323584xi32, #tpu.memory_space<hbm>> -> memref<128xi32, #tpu.memory_space<hbm>>
            %dma_start3A_68 = tpu.memref_slice %arg4[%add3A_63] : memref<323584xi32, #tpu.memory_space<hbm>> -> memref<128xi32, #tpu.memory_space<hbm>>
            tpu.enqueue_dma source(%dma_start3A_68 : memref<128xi32, #tpu.memory_space<hbm>>) target(%arg9 : memref<128xi32, #tpu.memory_space<vmem>>) target_semaphore(%run_scoped3A : memref<!tpu.dma_semaphore, #tpu.memory_space<semaphore_mem>>)
            %dma_wait3A_69 = tpu.memref_slice %arg4[%add3A_63] : memref<323584xi32, #tpu.memory_space<hbm>> -> memref<128xi32, #tpu.memory_space<hbm>>
            %dma_wait3A_70 = tpu.memref_slice %arg4[%add3A_63] : memref<323584xi32, #tpu.memory_space<hbm>> -> memref<128xi32, #tpu.memory_space<hbm>>
            tpu.wait_dma2 semaphore(%run_scoped3A : memref<!tpu.dma_semaphore, #tpu.memory_space<semaphore_mem>>) src(%dma_wait3A_70 : memref<128xi32, #tpu.memory_space<hbm>>) dst(%arg9 : memref<128xi32, #tpu.memory_space<vmem>>)
            tpu.yield
          }) : () -> ()
          %dma_start3A_64 = arith.constant 0 : i32
          %dma_start3A_65 = arith.constant 0 : i32
          %dma_start3A_66 = tpu.memref_slice %arg2[%dma_start3A_64, %dma_start3A_65] : memref<10112x128xf32, #tpu.memory_space<hbm>> -> memref<10112x128xf32, #tpu.memory_space<hbm>>
          tpu.enqueue_indirect_dma source(%dma_start3A_66 : memref<10112x128xf32, #tpu.memory_space<hbm>>) target(%arg12 : memref<128x128xf32, #tpu.memory_space<vmem>>) offsets(%arg8 : memref<128xi32, #tpu.memory_space<vmem>>) semaphore(%arg14 : memref<!tpu.dma_semaphore, #tpu.memory_space<semaphore_mem>>)
        } else {
        }
        %dma_wait3A_54 = arith.constant 0 : i32
        %dma_wait3A_55 = arith.constant 0 : i32
        %dma_wait3A_56 = tpu.memref_slice %arg2[%dma_wait3A_54, %dma_wait3A_55] : memref<10112x128xf32, #tpu.memory_space<hbm>> -> memref<10112x128xf32, #tpu.memory_space<hbm>>
        tpu.wait_indirect_dma semaphore(%arg15 : memref<!tpu.dma_semaphore, #tpu.memory_space<semaphore_mem>>) src(%dma_wait3A_56 : memref<10112x128xf32, #tpu.memory_space<hbm>>) dst(%arg13 : memref<128x128xf32, #tpu.memory_space<vmem>>)
        "tpu.region"() ({
          %run_scoped3A = tpu.sem_alloc : memref<!tpu.dma_semaphore, #tpu.memory_space<semaphore_mem>>
          %dma_start3A_57 = arith.constant 0 : i32
          %dma_start3A_58 = arith.constant 0 : i32
          %dma_start3A_59 = tpu.memref_slice %arg7[%dma_start3A_57, %dma_start3A_58] : memref<10112x128xf32, #tpu.memory_space<vmem_shared>> -> memref<10112x128xf32, #tpu.memory_space<vmem_shared>>
          tpu.enqueue_indirect_dma source(%arg13 : memref<128x128xf32, #tpu.memory_space<vmem>>) target(%dma_start3A_59 : memref<10112x128xf32, #tpu.memory_space<vmem_shared>>) offsets(%arg11 : memref<128xi32, #tpu.memory_space<vmem>>) semaphore(%run_scoped3A : memref<!tpu.dma_semaphore, #tpu.memory_space<semaphore_mem>>) {add = true}
          %dma_wait3A_60 = arith.constant 0 : i32
          %dma_wait3A_61 = arith.constant 0 : i32
          %dma_wait3A_62 = tpu.memref_slice %arg7[%dma_wait3A_60, %dma_wait3A_61] : memref<10112x128xf32, #tpu.memory_space<vmem_shared>> -> memref<10112x128xf32, #tpu.memory_space<vmem_shared>>
          tpu.wait_indirect_dma semaphore(%run_scoped3A : memref<!tpu.dma_semaphore, #tpu.memory_space<semaphore_mem>>) src(%arg13 : memref<128x128xf32, #tpu.memory_space<vmem>>) dst(%dma_wait3A_62 : memref<10112x128xf32, #tpu.memory_space<vmem_shared>>)
          tpu.yield
        }) : () -> ()
      }
      %scan3A_26 = arith.constant 22 : i32
      %add3A_27 = arith.constant 5632 : i32
      %add3A_28 = arith.addi %mul3A_19, %add3A_27 : i32
      "tpu.region"() ({
        %run_scoped3A = tpu.sem_alloc : memref<!tpu.dma_semaphore, #tpu.memory_space<semaphore_mem>>
        %dma_start3A_34 = tpu.memref_slice %arg3[%add3A_28] : memref<323584xi32, #tpu.memory_space<hbm>> -> memref<128xi32, #tpu.memory_space<hbm>>
        %dma_start3A_35 = tpu.memref_slice %arg3[%add3A_28] : memref<323584xi32, #tpu.memory_space<hbm>> -> memref<128xi32, #tpu.memory_space<hbm>>
        tpu.enqueue_dma source(%dma_start3A_35 : memref<128xi32, #tpu.memory_space<hbm>>) target(%arg10 : memref<128xi32, #tpu.memory_space<vmem>>) target_semaphore(%run_scoped3A : memref<!tpu.dma_semaphore, #tpu.memory_space<semaphore_mem>>)
        %dma_wait3A_36 = tpu.memref_slice %arg3[%add3A_28] : memref<323584xi32, #tpu.memory_space<hbm>> -> memref<128xi32, #tpu.memory_space<hbm>>
        %dma_wait3A_37 = tpu.memref_slice %arg3[%add3A_28] : memref<323584xi32, #tpu.memory_space<hbm>> -> memref<128xi32, #tpu.memory_space<hbm>>
        tpu.wait_dma2 semaphore(%run_scoped3A : memref<!tpu.dma_semaphore, #tpu.memory_space<semaphore_mem>>) src(%dma_wait3A_37 : memref<128xi32, #tpu.memory_space<hbm>>) dst(%arg10 : memref<128xi32, #tpu.memory_space<vmem>>)
        tpu.yield
      }) : () -> ()
      "tpu.region"() ({
        %run_scoped3A = tpu.sem_alloc : memref<!tpu.dma_semaphore, #tpu.memory_space<semaphore_mem>>
        %dma_start3A_34 = tpu.memref_slice %arg4[%add3A_28] : memref<323584xi32, #tpu.memory_space<hbm>> -> memref<128xi32, #tpu.memory_space<hbm>>
        %dma_start3A_35 = tpu.memref_slice %arg4[%add3A_28] : memref<323584xi32, #tpu.memory_space<hbm>> -> memref<128xi32, #tpu.memory_space<hbm>>
        tpu.enqueue_dma source(%dma_start3A_35 : memref<128xi32, #tpu.memory_space<hbm>>) target(%arg11 : memref<128xi32, #tpu.memory_space<vmem>>) target_semaphore(%run_scoped3A : memref<!tpu.dma_semaphore, #tpu.memory_space<semaphore_mem>>)
        %dma_wait3A_36 = tpu.memref_slice %arg4[%add3A_28] : memref<323584xi32, #tpu.memory_space<hbm>> -> memref<128xi32, #tpu.memory_space<hbm>>
        %dma_wait3A_37 = tpu.memref_slice %arg4[%add3A_28] : memref<323584xi32, #tpu.memory_space<hbm>> -> memref<128xi32, #tpu.memory_space<hbm>>
        tpu.wait_dma2 semaphore(%run_scoped3A : memref<!tpu.dma_semaphore, #tpu.memory_space<semaphore_mem>>) src(%dma_wait3A_37 : memref<128xi32, #tpu.memory_space<hbm>>) dst(%arg11 : memref<128xi32, #tpu.memory_space<vmem>>)
        tpu.yield
      }) : () -> ()
      %dma_start3A_29 = arith.constant 0 : i32
      %dma_start3A_30 = arith.constant 0 : i32
      %dma_start3A_31 = tpu.memref_slice %arg2[%dma_start3A_29, %dma_start3A_30] : memref<10112x128xf32, #tpu.memory_space<hbm>> -> memref<10112x128xf32, #tpu.memory_space<hbm>>
      tpu.enqueue_indirect_dma source(%dma_start3A_31 : memref<10112x128xf32, #tpu.memory_space<hbm>>) target(%arg13 : memref<128x128xf32, #tpu.memory_space<vmem>>) offsets(%arg10 : memref<128xi32, #tpu.memory_space<vmem>>) semaphore(%arg15 : memref<!tpu.dma_semaphore, #tpu.memory_space<semaphore_mem>>)
      %dma_wait3A = arith.constant 0 : i32
      %dma_wait3A_32 = arith.constant 0 : i32
      %dma_wait3A_33 = tpu.memref_slice %arg2[%dma_wait3A, %dma_wait3A_32] : memref<10112x128xf32, #tpu.memory_space<hbm>> -> memref<10112x128xf32, #tpu.memory_space<hbm>>
      tpu.wait_indirect_dma semaphore(%arg15 : memref<!tpu.dma_semaphore, #tpu.memory_space<semaphore_mem>>) src(%dma_wait3A_33 : memref<10112x128xf32, #tpu.memory_space<hbm>>) dst(%arg13 : memref<128x128xf32, #tpu.memory_space<vmem>>)
      "tpu.region"() ({
        %run_scoped3A = tpu.sem_alloc : memref<!tpu.dma_semaphore, #tpu.memory_space<semaphore_mem>>
        %dma_start3A_34 = arith.constant 0 : i32
        %dma_start3A_35 = arith.constant 0 : i32
        %dma_start3A_36 = tpu.memref_slice %arg7[%dma_start3A_34, %dma_start3A_35] : memref<10112x128xf32, #tpu.memory_space<vmem_shared>> -> memref<10112x128xf32, #tpu.memory_space<vmem_shared>>
        tpu.enqueue_indirect_dma source(%arg13 : memref<128x128xf32, #tpu.memory_space<vmem>>) target(%dma_start3A_36 : memref<10112x128xf32, #tpu.memory_space<vmem_shared>>) offsets(%arg11 : memref<128xi32, #tpu.memory_space<vmem>>) semaphore(%run_scoped3A : memref<!tpu.dma_semaphore, #tpu.memory_space<semaphore_mem>>) {add = true}
        %dma_wait3A_37 = arith.constant 0 : i32
        %dma_wait3A_38 = arith.constant 0 : i32
        %dma_wait3A_39 = tpu.memref_slice %arg7[%dma_wait3A_37, %dma_wait3A_38] : memref<10112x128xf32, #tpu.memory_space<vmem_shared>> -> memref<10112x128xf32, #tpu.memory_space<vmem_shared>>
        tpu.wait_indirect_dma semaphore(%run_scoped3A : memref<!tpu.dma_semaphore, #tpu.memory_space<semaphore_mem>>) src(%arg13 : memref<128x128xf32, #tpu.memory_space<vmem>>) dst(%dma_wait3A_39 : memref<10112x128xf32, #tpu.memory_space<vmem_shared>>)
        tpu.yield
      }) : () -> ()
    } else {
    }
    %barrier3A_10 = arith.constant 0 : index
    tpu.barrier barrier_id(%barrier3A_10)
    %mul3A_11 = arith.constant 632 : i32
    %mul3A_12 = arith.muli %arg1, %mul3A_11 : i32
    %mul3A_13 = arith.constant 632 : i32
    %mul3A_14 = arith.muli %arg1, %mul3A_13 : i32
    "tpu.region"() ({
      %run_scoped3A = tpu.sem_alloc : memref<!tpu.dma_semaphore, #tpu.memory_space<semaphore_mem>>
      %dma_start3A = arith.constant 0 : i32
      %dma_start3A_15 = arith.constant 0 : i32
      %dma_start3A_16 = tpu.memref_slice %arg6[%arg0, %dma_start3A, %dma_start3A_15] : memref<2x10112x128xf32, #tpu.memory_space<hbm>> -> memref<1x10112x128xf32, #tpu.memory_space<hbm>>
      %dma_start3A_17 = tpu.memref_squeeze %dma_start3A_16 : memref<1x10112x128xf32, #tpu.memory_space<hbm>> -> memref<10112x128xf32, #tpu.memory_space<hbm>>
      %dma_start3A_18 = arith.constant 0 : i32
      %dma_start3A_19 = tpu.memref_slice %dma_start3A_17[%mul3A_14, %dma_start3A_18] : memref<10112x128xf32, #tpu.memory_space<hbm>> -> memref<632x128xf32, #tpu.memory_space<hbm>>
      %dma_start3A_20 = arith.constant 0 : i32
      %dma_start3A_21 = tpu.memref_slice %arg7[%mul3A_12, %dma_start3A_20] : memref<10112x128xf32, #tpu.memory_space<vmem_shared>> -> memref<632x128xf32, #tpu.memory_space<vmem_shared>>
      tpu.enqueue_dma source(%dma_start3A_21 : memref<632x128xf32, #tpu.memory_space<vmem_shared>>) target(%dma_start3A_19 : memref<632x128xf32, #tpu.memory_space<hbm>>) target_semaphore(%run_scoped3A : memref<!tpu.dma_semaphore, #tpu.memory_space<semaphore_mem>>)
      %dma_wait3A = arith.constant 0 : i32
      %dma_wait3A_22 = arith.constant 0 : i32
      %dma_wait3A_23 = tpu.memref_slice %arg6[%arg0, %dma_wait3A, %dma_wait3A_22] : memref<2x10112x128xf32, #tpu.memory_space<hbm>> -> memref<1x10112x128xf32, #tpu.memory_space<hbm>>
      %dma_wait3A_24 = tpu.memref_squeeze %dma_wait3A_23 : memref<1x10112x128xf32, #tpu.memory_space<hbm>> -> memref<10112x128xf32, #tpu.memory_space<hbm>>
      %dma_wait3A_25 = arith.constant 0 : i32
      %dma_wait3A_26 = tpu.memref_slice %dma_wait3A_24[%mul3A_14, %dma_wait3A_25] : memref<10112x128xf32, #tpu.memory_space<hbm>> -> memref<632x128xf32, #tpu.memory_space<hbm>>
      %dma_wait3A_27 = arith.constant 0 : i32
      %dma_wait3A_28 = tpu.memref_slice %arg7[%mul3A_12, %dma_wait3A_27] : memref<10112x128xf32, #tpu.memory_space<vmem_shared>> -> memref<632x128xf32, #tpu.memory_space<vmem_shared>>
      tpu.wait_dma2 semaphore(%run_scoped3A : memref<!tpu.dma_semaphore, #tpu.memory_space<semaphore_mem>>) src(%dma_wait3A_28 : memref<632x128xf32, #tpu.memory_space<vmem_shared>>) dst(%dma_wait3A_26 : memref<632x128xf32, #tpu.memory_space<hbm>>)
      tpu.yield
    }) : () -> ()
    return
  }
}

#map = affine_map<(d0, d1) -> (0, 0)>
#map1 = affine_map<(d0, d1) -> (0)>
module attributes {stable_mosaic.version = 14 : i64} {
  func.func @body(%arg0: i32, %arg1: i32, %arg2: memref<10112x128xf32, #tpu.memory_space<hbm>>, %arg3: memref<51200xi32, #tpu.memory_space<hbm>>, %arg4: memref<51200xi32, #tpu.memory_space<hbm>>, %arg5: memref<51200x128xf32, #tpu.memory_space<hbm>>, %arg6: memref<51200x128xf32, #tpu.memory_space<hbm>>, %arg7: memref<128xi32, #tpu.memory_space<vmem>>, %arg8: memref<128xi32, #tpu.memory_space<vmem>>, %arg9: memref<128x128xf32, #tpu.memory_space<vmem>>, %arg10: memref<128x128xf32, #tpu.memory_space<vmem>>, %arg11: memref<!tpu.dma_semaphore, #tpu.memory_space<semaphore_mem>>, %arg12: memref<!tpu.dma_semaphore, #tpu.memory_space<semaphore_mem>>) attributes {dimension_semantics = [#tpu.dimension_semantics<core_parallel>, #tpu.dimension_semantics<subcore_parallel>], iteration_bounds = array<i64: 2, 16>, scalar_prefetch = 0 : i64, scratch_operands = 6 : i64, tpu.core_type = #tpu.core_type<sc_vector_subcore>, window_params = [{transform_indices = #map}, {transform_indices = #map1}, {transform_indices = #map1}, {transform_indices = #map}, {transform_indices = #map}]} {
    %eq3A = arith.constant 0 : i32
    %eq3A_0 = arith.cmpi eq, %arg0, %eq3A : i32
    %convert_element_type3A = arith.extui %eq3A_0 : i1 to i32
    %cond3A = arith.constant 0 : i32
    %cond3A_1 = arith.cmpi ne, %convert_element_type3A, %cond3A : i32
    scf.if %cond3A_1 {
      %mul3A = arith.constant 20 : i32
      %mul3A_7 = arith.muli %arg1, %mul3A : i32
      %mul3A_8 = arith.constant 128 : i32
      %mul3A_9 = arith.muli %mul3A_7, %mul3A_8 : i32
      "tpu.region"() ({
        %run_scoped3A = tpu.sem_alloc : memref<!tpu.dma_semaphore, #tpu.memory_space<semaphore_mem>>
        %dma_start3A_17 = tpu.memref_slice %arg3[%mul3A_9] : memref<51200xi32, #tpu.memory_space<hbm>> -> memref<128xi32, #tpu.memory_space<hbm>>
        %dma_start3A_18 = tpu.memref_slice %arg3[%mul3A_9] : memref<51200xi32, #tpu.memory_space<hbm>> -> memref<128xi32, #tpu.memory_space<hbm>>
        tpu.enqueue_dma source(%dma_start3A_18 : memref<128xi32, #tpu.memory_space<hbm>>) target(%arg7 : memref<128xi32, #tpu.memory_space<vmem>>) target_semaphore(%run_scoped3A : memref<!tpu.dma_semaphore, #tpu.memory_space<semaphore_mem>>)
        %dma_wait3A = tpu.memref_slice %arg3[%mul3A_9] : memref<51200xi32, #tpu.memory_space<hbm>> -> memref<128xi32, #tpu.memory_space<hbm>>
        %dma_wait3A_19 = tpu.memref_slice %arg3[%mul3A_9] : memref<51200xi32, #tpu.memory_space<hbm>> -> memref<128xi32, #tpu.memory_space<hbm>>
        tpu.wait_dma2 semaphore(%run_scoped3A : memref<!tpu.dma_semaphore, #tpu.memory_space<semaphore_mem>>) src(%dma_wait3A_19 : memref<128xi32, #tpu.memory_space<hbm>>) dst(%arg7 : memref<128xi32, #tpu.memory_space<vmem>>)
        tpu.yield
      }) : () -> ()
      %dma_start3A = arith.constant 0 : i32
      %dma_start3A_10 = arith.constant 0 : i32
      %dma_start3A_11 = tpu.memref_slice %arg2[%dma_start3A, %dma_start3A_10] : memref<10112x128xf32, #tpu.memory_space<hbm>> -> memref<10112x128xf32, #tpu.memory_space<hbm>>
      tpu.enqueue_indirect_dma source(%dma_start3A_11 : memref<10112x128xf32, #tpu.memory_space<hbm>>) target(%arg9 : memref<128x128xf32, #tpu.memory_space<vmem>>) offsets(%arg7 : memref<128xi32, #tpu.memory_space<vmem>>) semaphore(%arg11 : memref<!tpu.dma_semaphore, #tpu.memory_space<semaphore_mem>>)
      %scan3A = arith.constant 0 : i32
      %scan3A_12 = arith.constant 0 : i32
      %scan3A_13 = arith.constant 20 : i32
      %scan3A_14 = arith.addi %scan3A_12, %scan3A_13 : i32
      %scan3A_15 = arith.constant 1 : i32
      scf.for %scan3A_17 = %scan3A_12 to %scan3A_14 step %scan3A_15  : i32 {
        %mul3A_18 = arith.constant 128 : i32
        %mul3A_19 = arith.muli %scan3A_17, %mul3A_18 : i32
        %add3A = arith.addi %mul3A_9, %mul3A_19 : i32
        "tpu.region"() ({
          %run_scoped3A = tpu.sem_alloc : memref<!tpu.dma_semaphore, #tpu.memory_space<semaphore_mem>>
          %dma_start3A_34 = tpu.memref_slice %arg4[%add3A] : memref<51200xi32, #tpu.memory_space<hbm>> -> memref<128xi32, #tpu.memory_space<hbm>>
          %dma_start3A_35 = tpu.memref_slice %arg4[%add3A] : memref<51200xi32, #tpu.memory_space<hbm>> -> memref<128xi32, #tpu.memory_space<hbm>>
          tpu.enqueue_dma source(%dma_start3A_35 : memref<128xi32, #tpu.memory_space<hbm>>) target(%arg8 : memref<128xi32, #tpu.memory_space<vmem>>) target_semaphore(%run_scoped3A : memref<!tpu.dma_semaphore, #tpu.memory_space<semaphore_mem>>)
          %dma_wait3A_36 = tpu.memref_slice %arg4[%add3A] : memref<51200xi32, #tpu.memory_space<hbm>> -> memref<128xi32, #tpu.memory_space<hbm>>
          %dma_wait3A_37 = tpu.memref_slice %arg4[%add3A] : memref<51200xi32, #tpu.memory_space<hbm>> -> memref<128xi32, #tpu.memory_space<hbm>>
          tpu.wait_dma2 semaphore(%run_scoped3A : memref<!tpu.dma_semaphore, #tpu.memory_space<semaphore_mem>>) src(%dma_wait3A_37 : memref<128xi32, #tpu.memory_space<hbm>>) dst(%arg8 : memref<128xi32, #tpu.memory_space<vmem>>)
          tpu.yield
        }) : () -> ()
        %dma_start3A_20 = arith.constant 0 : i32
        %dma_start3A_21 = arith.constant 0 : i32
        %dma_start3A_22 = tpu.memref_slice %arg2[%dma_start3A_20, %dma_start3A_21] : memref<10112x128xf32, #tpu.memory_space<hbm>> -> memref<10112x128xf32, #tpu.memory_space<hbm>>
        tpu.enqueue_indirect_dma source(%dma_start3A_22 : memref<10112x128xf32, #tpu.memory_space<hbm>>) target(%arg10 : memref<128x128xf32, #tpu.memory_space<vmem>>) offsets(%arg8 : memref<128xi32, #tpu.memory_space<vmem>>) semaphore(%arg12 : memref<!tpu.dma_semaphore, #tpu.memory_space<semaphore_mem>>)
        %dma_wait3A = arith.constant 0 : i32
        %dma_wait3A_23 = arith.constant 0 : i32
        %dma_wait3A_24 = tpu.memref_slice %arg2[%dma_wait3A, %dma_wait3A_23] : memref<10112x128xf32, #tpu.memory_space<hbm>> -> memref<10112x128xf32, #tpu.memory_space<hbm>>
        tpu.wait_indirect_dma semaphore(%arg11 : memref<!tpu.dma_semaphore, #tpu.memory_space<semaphore_mem>>) src(%dma_wait3A_24 : memref<10112x128xf32, #tpu.memory_space<hbm>>) dst(%arg9 : memref<128x128xf32, #tpu.memory_space<vmem>>)
        "tpu.region"() ({
          %run_scoped3A = tpu.sem_alloc : memref<!tpu.dma_semaphore, #tpu.memory_space<semaphore_mem>>
          %dma_start3A_34 = arith.constant 0 : i32
          %dma_start3A_35 = tpu.memref_slice %arg5[%add3A, %dma_start3A_34] : memref<51200x128xf32, #tpu.memory_space<hbm>> -> memref<128x128xf32, #tpu.memory_space<hbm>>
          %dma_start3A_36 = arith.constant 0 : i32
          %dma_start3A_37 = tpu.memref_slice %arg5[%add3A, %dma_start3A_36] : memref<51200x128xf32, #tpu.memory_space<hbm>> -> memref<128x128xf32, #tpu.memory_space<hbm>>
          tpu.enqueue_dma source(%arg9 : memref<128x128xf32, #tpu.memory_space<vmem>>) target(%dma_start3A_37 : memref<128x128xf32, #tpu.memory_space<hbm>>) target_semaphore(%run_scoped3A : memref<!tpu.dma_semaphore, #tpu.memory_space<semaphore_mem>>)
          %dma_wait3A_38 = arith.constant 0 : i32
          %dma_wait3A_39 = tpu.memref_slice %arg5[%add3A, %dma_wait3A_38] : memref<51200x128xf32, #tpu.memory_space<hbm>> -> memref<128x128xf32, #tpu.memory_space<hbm>>
          %dma_wait3A_40 = arith.constant 0 : i32
          %dma_wait3A_41 = tpu.memref_slice %arg5[%add3A, %dma_wait3A_40] : memref<51200x128xf32, #tpu.memory_space<hbm>> -> memref<128x128xf32, #tpu.memory_space<hbm>>
          tpu.wait_dma2 semaphore(%run_scoped3A : memref<!tpu.dma_semaphore, #tpu.memory_space<semaphore_mem>>) src(%arg9 : memref<128x128xf32, #tpu.memory_space<vmem>>) dst(%dma_wait3A_41 : memref<128x128xf32, #tpu.memory_space<hbm>>)
          tpu.yield
        }) : () -> ()
        %add3A_25 = arith.constant 1 : i32
        %add3A_26 = arith.addi %scan3A_17, %add3A_25 : i32
        %lt3A = arith.constant 20 : i32
        %lt3A_27 = arith.cmpi slt, %add3A_26, %lt3A : i32
        %convert_element_type3A_28 = arith.extui %lt3A_27 : i1 to i32
        %cond3A_29 = arith.constant 0 : i32
        %cond3A_30 = arith.cmpi ne, %convert_element_type3A_28, %cond3A_29 : i32
        scf.if %cond3A_30 {
          %add3A_34 = arith.constant 128 : i32
          %add3A_35 = arith.addi %add3A, %add3A_34 : i32
          "tpu.region"() ({
            %run_scoped3A = tpu.sem_alloc : memref<!tpu.dma_semaphore, #tpu.memory_space<semaphore_mem>>
            %dma_start3A_39 = tpu.memref_slice %arg3[%add3A_35] : memref<51200xi32, #tpu.memory_space<hbm>> -> memref<128xi32, #tpu.memory_space<hbm>>
            %dma_start3A_40 = tpu.memref_slice %arg3[%add3A_35] : memref<51200xi32, #tpu.memory_space<hbm>> -> memref<128xi32, #tpu.memory_space<hbm>>
            tpu.enqueue_dma source(%dma_start3A_40 : memref<128xi32, #tpu.memory_space<hbm>>) target(%arg7 : memref<128xi32, #tpu.memory_space<vmem>>) target_semaphore(%run_scoped3A : memref<!tpu.dma_semaphore, #tpu.memory_space<semaphore_mem>>)
            %dma_wait3A_41 = tpu.memref_slice %arg3[%add3A_35] : memref<51200xi32, #tpu.memory_space<hbm>> -> memref<128xi32, #tpu.memory_space<hbm>>
            %dma_wait3A_42 = tpu.memref_slice %arg3[%add3A_35] : memref<51200xi32, #tpu.memory_space<hbm>> -> memref<128xi32, #tpu.memory_space<hbm>>
            tpu.wait_dma2 semaphore(%run_scoped3A : memref<!tpu.dma_semaphore, #tpu.memory_space<semaphore_mem>>) src(%dma_wait3A_42 : memref<128xi32, #tpu.memory_space<hbm>>) dst(%arg7 : memref<128xi32, #tpu.memory_space<vmem>>)
            tpu.yield
          }) : () -> ()
          %dma_start3A_36 = arith.constant 0 : i32
          %dma_start3A_37 = arith.constant 0 : i32
          %dma_start3A_38 = tpu.memref_slice %arg2[%dma_start3A_36, %dma_start3A_37] : memref<10112x128xf32, #tpu.memory_space<hbm>> -> memref<10112x128xf32, #tpu.memory_space<hbm>>
          tpu.enqueue_indirect_dma source(%dma_start3A_38 : memref<10112x128xf32, #tpu.memory_space<hbm>>) target(%arg9 : memref<128x128xf32, #tpu.memory_space<vmem>>) offsets(%arg7 : memref<128xi32, #tpu.memory_space<vmem>>) semaphore(%arg11 : memref<!tpu.dma_semaphore, #tpu.memory_space<semaphore_mem>>)
        } else {
        }
        %dma_wait3A_31 = arith.constant 0 : i32
        %dma_wait3A_32 = arith.constant 0 : i32
        %dma_wait3A_33 = tpu.memref_slice %arg2[%dma_wait3A_31, %dma_wait3A_32] : memref<10112x128xf32, #tpu.memory_space<hbm>> -> memref<10112x128xf32, #tpu.memory_space<hbm>>
        tpu.wait_indirect_dma semaphore(%arg12 : memref<!tpu.dma_semaphore, #tpu.memory_space<semaphore_mem>>) src(%dma_wait3A_33 : memref<10112x128xf32, #tpu.memory_space<hbm>>) dst(%arg10 : memref<128x128xf32, #tpu.memory_space<vmem>>)
        "tpu.region"() ({
          %run_scoped3A = tpu.sem_alloc : memref<!tpu.dma_semaphore, #tpu.memory_space<semaphore_mem>>
          %dma_start3A_34 = arith.constant 0 : i32
          %dma_start3A_35 = tpu.memref_slice %arg6[%add3A, %dma_start3A_34] : memref<51200x128xf32, #tpu.memory_space<hbm>> -> memref<128x128xf32, #tpu.memory_space<hbm>>
          %dma_start3A_36 = arith.constant 0 : i32
          %dma_start3A_37 = tpu.memref_slice %arg6[%add3A, %dma_start3A_36] : memref<51200x128xf32, #tpu.memory_space<hbm>> -> memref<128x128xf32, #tpu.memory_space<hbm>>
          tpu.enqueue_dma source(%arg10 : memref<128x128xf32, #tpu.memory_space<vmem>>) target(%dma_start3A_37 : memref<128x128xf32, #tpu.memory_space<hbm>>) target_semaphore(%run_scoped3A : memref<!tpu.dma_semaphore, #tpu.memory_space<semaphore_mem>>)
          %dma_wait3A_38 = arith.constant 0 : i32
          %dma_wait3A_39 = tpu.memref_slice %arg6[%add3A, %dma_wait3A_38] : memref<51200x128xf32, #tpu.memory_space<hbm>> -> memref<128x128xf32, #tpu.memory_space<hbm>>
          %dma_wait3A_40 = arith.constant 0 : i32
          %dma_wait3A_41 = tpu.memref_slice %arg6[%add3A, %dma_wait3A_40] : memref<51200x128xf32, #tpu.memory_space<hbm>> -> memref<128x128xf32, #tpu.memory_space<hbm>>
          tpu.wait_dma2 semaphore(%run_scoped3A : memref<!tpu.dma_semaphore, #tpu.memory_space<semaphore_mem>>) src(%arg10 : memref<128x128xf32, #tpu.memory_space<vmem>>) dst(%dma_wait3A_41 : memref<128x128xf32, #tpu.memory_space<hbm>>)
          tpu.yield
        }) : () -> ()
      }
      %scan3A_16 = arith.constant 20 : i32
    } else {
    }
    %eq3A_2 = arith.constant 1 : i32
    %eq3A_3 = arith.cmpi eq, %arg0, %eq3A_2 : i32
    %convert_element_type3A_4 = arith.extui %eq3A_3 : i1 to i32
    %cond3A_5 = arith.constant 0 : i32
    %cond3A_6 = arith.cmpi ne, %convert_element_type3A_4, %cond3A_5 : i32
    scf.if %cond3A_6 {
      %mul3A = arith.constant 5 : i32
      %mul3A_7 = arith.muli %arg1, %mul3A : i32
      %add3A = arith.constant 320 : i32
      %add3A_8 = arith.addi %add3A, %mul3A_7 : i32
      %mul3A_9 = arith.constant 128 : i32
      %mul3A_10 = arith.muli %add3A_8, %mul3A_9 : i32
      "tpu.region"() ({
        %run_scoped3A = tpu.sem_alloc : memref<!tpu.dma_semaphore, #tpu.memory_space<semaphore_mem>>
        %dma_start3A_18 = tpu.memref_slice %arg3[%mul3A_10] : memref<51200xi32, #tpu.memory_space<hbm>> -> memref<128xi32, #tpu.memory_space<hbm>>
        %dma_start3A_19 = tpu.memref_slice %arg3[%mul3A_10] : memref<51200xi32, #tpu.memory_space<hbm>> -> memref<128xi32, #tpu.memory_space<hbm>>
        tpu.enqueue_dma source(%dma_start3A_19 : memref<128xi32, #tpu.memory_space<hbm>>) target(%arg7 : memref<128xi32, #tpu.memory_space<vmem>>) target_semaphore(%run_scoped3A : memref<!tpu.dma_semaphore, #tpu.memory_space<semaphore_mem>>)
        %dma_wait3A = tpu.memref_slice %arg3[%mul3A_10] : memref<51200xi32, #tpu.memory_space<hbm>> -> memref<128xi32, #tpu.memory_space<hbm>>
        %dma_wait3A_20 = tpu.memref_slice %arg3[%mul3A_10] : memref<51200xi32, #tpu.memory_space<hbm>> -> memref<128xi32, #tpu.memory_space<hbm>>
        tpu.wait_dma2 semaphore(%run_scoped3A : memref<!tpu.dma_semaphore, #tpu.memory_space<semaphore_mem>>) src(%dma_wait3A_20 : memref<128xi32, #tpu.memory_space<hbm>>) dst(%arg7 : memref<128xi32, #tpu.memory_space<vmem>>)
        tpu.yield
      }) : () -> ()
      %dma_start3A = arith.constant 0 : i32
      %dma_start3A_11 = arith.constant 0 : i32
      %dma_start3A_12 = tpu.memref_slice %arg2[%dma_start3A, %dma_start3A_11] : memref<10112x128xf32, #tpu.memory_space<hbm>> -> memref<10112x128xf32, #tpu.memory_space<hbm>>
      tpu.enqueue_indirect_dma source(%dma_start3A_12 : memref<10112x128xf32, #tpu.memory_space<hbm>>) target(%arg9 : memref<128x128xf32, #tpu.memory_space<vmem>>) offsets(%arg7 : memref<128xi32, #tpu.memory_space<vmem>>) semaphore(%arg11 : memref<!tpu.dma_semaphore, #tpu.memory_space<semaphore_mem>>)
      %scan3A = arith.constant 0 : i32
      %scan3A_13 = arith.constant 0 : i32
      %scan3A_14 = arith.constant 5 : i32
      %scan3A_15 = arith.addi %scan3A_13, %scan3A_14 : i32
      %scan3A_16 = arith.constant 1 : i32
      scf.for %scan3A_18 = %scan3A_13 to %scan3A_15 step %scan3A_16  : i32 {
        %mul3A_19 = arith.constant 128 : i32
        %mul3A_20 = arith.muli %scan3A_18, %mul3A_19 : i32
        %add3A_21 = arith.addi %mul3A_10, %mul3A_20 : i32
        "tpu.region"() ({
          %run_scoped3A = tpu.sem_alloc : memref<!tpu.dma_semaphore, #tpu.memory_space<semaphore_mem>>
          %dma_start3A_36 = tpu.memref_slice %arg4[%add3A_21] : memref<51200xi32, #tpu.memory_space<hbm>> -> memref<128xi32, #tpu.memory_space<hbm>>
          %dma_start3A_37 = tpu.memref_slice %arg4[%add3A_21] : memref<51200xi32, #tpu.memory_space<hbm>> -> memref<128xi32, #tpu.memory_space<hbm>>
          tpu.enqueue_dma source(%dma_start3A_37 : memref<128xi32, #tpu.memory_space<hbm>>) target(%arg8 : memref<128xi32, #tpu.memory_space<vmem>>) target_semaphore(%run_scoped3A : memref<!tpu.dma_semaphore, #tpu.memory_space<semaphore_mem>>)
          %dma_wait3A_38 = tpu.memref_slice %arg4[%add3A_21] : memref<51200xi32, #tpu.memory_space<hbm>> -> memref<128xi32, #tpu.memory_space<hbm>>
          %dma_wait3A_39 = tpu.memref_slice %arg4[%add3A_21] : memref<51200xi32, #tpu.memory_space<hbm>> -> memref<128xi32, #tpu.memory_space<hbm>>
          tpu.wait_dma2 semaphore(%run_scoped3A : memref<!tpu.dma_semaphore, #tpu.memory_space<semaphore_mem>>) src(%dma_wait3A_39 : memref<128xi32, #tpu.memory_space<hbm>>) dst(%arg8 : memref<128xi32, #tpu.memory_space<vmem>>)
          tpu.yield
        }) : () -> ()
        %dma_start3A_22 = arith.constant 0 : i32
        %dma_start3A_23 = arith.constant 0 : i32
        %dma_start3A_24 = tpu.memref_slice %arg2[%dma_start3A_22, %dma_start3A_23] : memref<10112x128xf32, #tpu.memory_space<hbm>> -> memref<10112x128xf32, #tpu.memory_space<hbm>>
        tpu.enqueue_indirect_dma source(%dma_start3A_24 : memref<10112x128xf32, #tpu.memory_space<hbm>>) target(%arg10 : memref<128x128xf32, #tpu.memory_space<vmem>>) offsets(%arg8 : memref<128xi32, #tpu.memory_space<vmem>>) semaphore(%arg12 : memref<!tpu.dma_semaphore, #tpu.memory_space<semaphore_mem>>)
        %dma_wait3A = arith.constant 0 : i32
        %dma_wait3A_25 = arith.constant 0 : i32
        %dma_wait3A_26 = tpu.memref_slice %arg2[%dma_wait3A, %dma_wait3A_25] : memref<10112x128xf32, #tpu.memory_space<hbm>> -> memref<10112x128xf32, #tpu.memory_space<hbm>>
        tpu.wait_indirect_dma semaphore(%arg11 : memref<!tpu.dma_semaphore, #tpu.memory_space<semaphore_mem>>) src(%dma_wait3A_26 : memref<10112x128xf32, #tpu.memory_space<hbm>>) dst(%arg9 : memref<128x128xf32, #tpu.memory_space<vmem>>)
        "tpu.region"() ({
          %run_scoped3A = tpu.sem_alloc : memref<!tpu.dma_semaphore, #tpu.memory_space<semaphore_mem>>
          %dma_start3A_36 = arith.constant 0 : i32
          %dma_start3A_37 = tpu.memref_slice %arg5[%add3A_21, %dma_start3A_36] : memref<51200x128xf32, #tpu.memory_space<hbm>> -> memref<128x128xf32, #tpu.memory_space<hbm>>
          %dma_start3A_38 = arith.constant 0 : i32
          %dma_start3A_39 = tpu.memref_slice %arg5[%add3A_21, %dma_start3A_38] : memref<51200x128xf32, #tpu.memory_space<hbm>> -> memref<128x128xf32, #tpu.memory_space<hbm>>
          tpu.enqueue_dma source(%arg9 : memref<128x128xf32, #tpu.memory_space<vmem>>) target(%dma_start3A_39 : memref<128x128xf32, #tpu.memory_space<hbm>>) target_semaphore(%run_scoped3A : memref<!tpu.dma_semaphore, #tpu.memory_space<semaphore_mem>>)
          %dma_wait3A_40 = arith.constant 0 : i32
          %dma_wait3A_41 = tpu.memref_slice %arg5[%add3A_21, %dma_wait3A_40] : memref<51200x128xf32, #tpu.memory_space<hbm>> -> memref<128x128xf32, #tpu.memory_space<hbm>>
          %dma_wait3A_42 = arith.constant 0 : i32
          %dma_wait3A_43 = tpu.memref_slice %arg5[%add3A_21, %dma_wait3A_42] : memref<51200x128xf32, #tpu.memory_space<hbm>> -> memref<128x128xf32, #tpu.memory_space<hbm>>
          tpu.wait_dma2 semaphore(%run_scoped3A : memref<!tpu.dma_semaphore, #tpu.memory_space<semaphore_mem>>) src(%arg9 : memref<128x128xf32, #tpu.memory_space<vmem>>) dst(%dma_wait3A_43 : memref<128x128xf32, #tpu.memory_space<hbm>>)
          tpu.yield
        }) : () -> ()
        %add3A_27 = arith.constant 1 : i32
        %add3A_28 = arith.addi %scan3A_18, %add3A_27 : i32
        %lt3A = arith.constant 5 : i32
        %lt3A_29 = arith.cmpi slt, %add3A_28, %lt3A : i32
        %convert_element_type3A_30 = arith.extui %lt3A_29 : i1 to i32
        %cond3A_31 = arith.constant 0 : i32
        %cond3A_32 = arith.cmpi ne, %convert_element_type3A_30, %cond3A_31 : i32
        scf.if %cond3A_32 {
          %add3A_36 = arith.constant 128 : i32
          %add3A_37 = arith.addi %add3A_21, %add3A_36 : i32
          "tpu.region"() ({
            %run_scoped3A = tpu.sem_alloc : memref<!tpu.dma_semaphore, #tpu.memory_space<semaphore_mem>>
            %dma_start3A_41 = tpu.memref_slice %arg3[%add3A_37] : memref<51200xi32, #tpu.memory_space<hbm>> -> memref<128xi32, #tpu.memory_space<hbm>>
            %dma_start3A_42 = tpu.memref_slice %arg3[%add3A_37] : memref<51200xi32, #tpu.memory_space<hbm>> -> memref<128xi32, #tpu.memory_space<hbm>>
            tpu.enqueue_dma source(%dma_start3A_42 : memref<128xi32, #tpu.memory_space<hbm>>) target(%arg7 : memref<128xi32, #tpu.memory_space<vmem>>) target_semaphore(%run_scoped3A : memref<!tpu.dma_semaphore, #tpu.memory_space<semaphore_mem>>)
            %dma_wait3A_43 = tpu.memref_slice %arg3[%add3A_37] : memref<51200xi32, #tpu.memory_space<hbm>> -> memref<128xi32, #tpu.memory_space<hbm>>
            %dma_wait3A_44 = tpu.memref_slice %arg3[%add3A_37] : memref<51200xi32, #tpu.memory_space<hbm>> -> memref<128xi32, #tpu.memory_space<hbm>>
            tpu.wait_dma2 semaphore(%run_scoped3A : memref<!tpu.dma_semaphore, #tpu.memory_space<semaphore_mem>>) src(%dma_wait3A_44 : memref<128xi32, #tpu.memory_space<hbm>>) dst(%arg7 : memref<128xi32, #tpu.memory_space<vmem>>)
            tpu.yield
          }) : () -> ()
          %dma_start3A_38 = arith.constant 0 : i32
          %dma_start3A_39 = arith.constant 0 : i32
          %dma_start3A_40 = tpu.memref_slice %arg2[%dma_start3A_38, %dma_start3A_39] : memref<10112x128xf32, #tpu.memory_space<hbm>> -> memref<10112x128xf32, #tpu.memory_space<hbm>>
          tpu.enqueue_indirect_dma source(%dma_start3A_40 : memref<10112x128xf32, #tpu.memory_space<hbm>>) target(%arg9 : memref<128x128xf32, #tpu.memory_space<vmem>>) offsets(%arg7 : memref<128xi32, #tpu.memory_space<vmem>>) semaphore(%arg11 : memref<!tpu.dma_semaphore, #tpu.memory_space<semaphore_mem>>)
        } else {
        }
        %dma_wait3A_33 = arith.constant 0 : i32
        %dma_wait3A_34 = arith.constant 0 : i32
        %dma_wait3A_35 = tpu.memref_slice %arg2[%dma_wait3A_33, %dma_wait3A_34] : memref<10112x128xf32, #tpu.memory_space<hbm>> -> memref<10112x128xf32, #tpu.memory_space<hbm>>
        tpu.wait_indirect_dma semaphore(%arg12 : memref<!tpu.dma_semaphore, #tpu.memory_space<semaphore_mem>>) src(%dma_wait3A_35 : memref<10112x128xf32, #tpu.memory_space<hbm>>) dst(%arg10 : memref<128x128xf32, #tpu.memory_space<vmem>>)
        "tpu.region"() ({
          %run_scoped3A = tpu.sem_alloc : memref<!tpu.dma_semaphore, #tpu.memory_space<semaphore_mem>>
          %dma_start3A_36 = arith.constant 0 : i32
          %dma_start3A_37 = tpu.memref_slice %arg6[%add3A_21, %dma_start3A_36] : memref<51200x128xf32, #tpu.memory_space<hbm>> -> memref<128x128xf32, #tpu.memory_space<hbm>>
          %dma_start3A_38 = arith.constant 0 : i32
          %dma_start3A_39 = tpu.memref_slice %arg6[%add3A_21, %dma_start3A_38] : memref<51200x128xf32, #tpu.memory_space<hbm>> -> memref<128x128xf32, #tpu.memory_space<hbm>>
          tpu.enqueue_dma source(%arg10 : memref<128x128xf32, #tpu.memory_space<vmem>>) target(%dma_start3A_39 : memref<128x128xf32, #tpu.memory_space<hbm>>) target_semaphore(%run_scoped3A : memref<!tpu.dma_semaphore, #tpu.memory_space<semaphore_mem>>)
          %dma_wait3A_40 = arith.constant 0 : i32
          %dma_wait3A_41 = tpu.memref_slice %arg6[%add3A_21, %dma_wait3A_40] : memref<51200x128xf32, #tpu.memory_space<hbm>> -> memref<128x128xf32, #tpu.memory_space<hbm>>
          %dma_wait3A_42 = arith.constant 0 : i32
          %dma_wait3A_43 = tpu.memref_slice %arg6[%add3A_21, %dma_wait3A_42] : memref<51200x128xf32, #tpu.memory_space<hbm>> -> memref<128x128xf32, #tpu.memory_space<hbm>>
          tpu.wait_dma2 semaphore(%run_scoped3A : memref<!tpu.dma_semaphore, #tpu.memory_space<semaphore_mem>>) src(%arg10 : memref<128x128xf32, #tpu.memory_space<vmem>>) dst(%dma_wait3A_43 : memref<128x128xf32, #tpu.memory_space<hbm>>)
          tpu.yield
        }) : () -> ()
      }
      %scan3A_17 = arith.constant 5 : i32
    } else {
    }
    return
  }
}

#map = affine_map<(d0, d1) -> (0, 0)>
#map1 = affine_map<(d0, d1) -> (0)>
module attributes {stable_mosaic.version = 14 : i64} {
  func.func @body(%arg0: i32, %arg1: i32, %arg2: memref<10112x128xf32, #tpu.memory_space<hbm>>, %arg3: memref<51200xi32, #tpu.memory_space<hbm>>, %arg4: memref<51200xi32, #tpu.memory_space<hbm>>, %arg5: memref<51200x128xf32, #tpu.memory_space<hbm>>, %arg6: memref<51200x128xf32, #tpu.memory_space<hbm>>, %arg7: memref<128xi32, #tpu.memory_space<vmem>>, %arg8: memref<128xi32, #tpu.memory_space<vmem>>, %arg9: memref<128x128xf32, #tpu.memory_space<vmem>>, %arg10: memref<128x128xf32, #tpu.memory_space<vmem>>, %arg11: memref<!tpu.dma_semaphore, #tpu.memory_space<semaphore_mem>>, %arg12: memref<!tpu.dma_semaphore, #tpu.memory_space<semaphore_mem>>) attributes {dimension_semantics = [#tpu.dimension_semantics<core_parallel>, #tpu.dimension_semantics<subcore_parallel>], iteration_bounds = array<i64: 2, 16>, scalar_prefetch = 0 : i64, scratch_operands = 6 : i64, tpu.core_type = #tpu.core_type<sc_vector_subcore>, window_params = [{transform_indices = #map}, {transform_indices = #map1}, {transform_indices = #map1}, {transform_indices = #map}, {transform_indices = #map}]} {
    %eq3A = arith.constant 0 : i32
    %eq3A_0 = arith.cmpi eq, %arg0, %eq3A : i32
    %convert_element_type3A = arith.extui %eq3A_0 : i1 to i32
    %cond3A = arith.constant 0 : i32
    %cond3A_1 = arith.cmpi ne, %convert_element_type3A, %cond3A : i32
    scf.if %cond3A_1 {
      %mul3A = arith.constant 20 : i32
      %mul3A_7 = arith.muli %arg1, %mul3A : i32
      %mul3A_8 = arith.constant 128 : i32
      %mul3A_9 = arith.muli %mul3A_7, %mul3A_8 : i32
      "tpu.region"() ({
        %run_scoped3A = tpu.sem_alloc : memref<!tpu.dma_semaphore, #tpu.memory_space<semaphore_mem>>
        %dma_start3A_17 = tpu.memref_slice %arg3[%mul3A_9] : memref<51200xi32, #tpu.memory_space<hbm>> -> memref<128xi32, #tpu.memory_space<hbm>>
        %dma_start3A_18 = tpu.memref_slice %arg3[%mul3A_9] : memref<51200xi32, #tpu.memory_space<hbm>> -> memref<128xi32, #tpu.memory_space<hbm>>
        tpu.enqueue_dma source(%dma_start3A_18 : memref<128xi32, #tpu.memory_space<hbm>>) target(%arg7 : memref<128xi32, #tpu.memory_space<vmem>>) target_semaphore(%run_scoped3A : memref<!tpu.dma_semaphore, #tpu.memory_space<semaphore_mem>>)
        %dma_wait3A = tpu.memref_slice %arg3[%mul3A_9] : memref<51200xi32, #tpu.memory_space<hbm>> -> memref<128xi32, #tpu.memory_space<hbm>>
        %dma_wait3A_19 = tpu.memref_slice %arg3[%mul3A_9] : memref<51200xi32, #tpu.memory_space<hbm>> -> memref<128xi32, #tpu.memory_space<hbm>>
        tpu.wait_dma2 semaphore(%run_scoped3A : memref<!tpu.dma_semaphore, #tpu.memory_space<semaphore_mem>>) src(%dma_wait3A_19 : memref<128xi32, #tpu.memory_space<hbm>>) dst(%arg7 : memref<128xi32, #tpu.memory_space<vmem>>)
        tpu.yield
      }) : () -> ()
      %dma_start3A = arith.constant 0 : i32
      %dma_start3A_10 = arith.constant 0 : i32
      %dma_start3A_11 = tpu.memref_slice %arg2[%dma_start3A, %dma_start3A_10] : memref<10112x128xf32, #tpu.memory_space<hbm>> -> memref<10112x128xf32, #tpu.memory_space<hbm>>
      tpu.enqueue_indirect_dma source(%dma_start3A_11 : memref<10112x128xf32, #tpu.memory_space<hbm>>) target(%arg9 : memref<128x128xf32, #tpu.memory_space<vmem>>) offsets(%arg7 : memref<128xi32, #tpu.memory_space<vmem>>) semaphore(%arg11 : memref<!tpu.dma_semaphore, #tpu.memory_space<semaphore_mem>>)
      %scan3A = arith.constant 0 : i32
      %scan3A_12 = arith.constant 0 : i32
      %scan3A_13 = arith.constant 20 : i32
      %scan3A_14 = arith.addi %scan3A_12, %scan3A_13 : i32
      %scan3A_15 = arith.constant 1 : i32
      scf.for %scan3A_17 = %scan3A_12 to %scan3A_14 step %scan3A_15  : i32 {
        %mul3A_18 = arith.constant 128 : i32
        %mul3A_19 = arith.muli %scan3A_17, %mul3A_18 : i32
        %add3A = arith.addi %mul3A_9, %mul3A_19 : i32
        "tpu.region"() ({
          %run_scoped3A = tpu.sem_alloc : memref<!tpu.dma_semaphore, #tpu.memory_space<semaphore_mem>>
          %dma_start3A_34 = tpu.memref_slice %arg4[%add3A] : memref<51200xi32, #tpu.memory_space<hbm>> -> memref<128xi32, #tpu.memory_space<hbm>>
          %dma_start3A_35 = tpu.memref_slice %arg4[%add3A] : memref<51200xi32, #tpu.memory_space<hbm>> -> memref<128xi32, #tpu.memory_space<hbm>>
          tpu.enqueue_dma source(%dma_start3A_35 : memref<128xi32, #tpu.memory_space<hbm>>) target(%arg8 : memref<128xi32, #tpu.memory_space<vmem>>) target_semaphore(%run_scoped3A : memref<!tpu.dma_semaphore, #tpu.memory_space<semaphore_mem>>)
          %dma_wait3A_36 = tpu.memref_slice %arg4[%add3A] : memref<51200xi32, #tpu.memory_space<hbm>> -> memref<128xi32, #tpu.memory_space<hbm>>
          %dma_wait3A_37 = tpu.memref_slice %arg4[%add3A] : memref<51200xi32, #tpu.memory_space<hbm>> -> memref<128xi32, #tpu.memory_space<hbm>>
          tpu.wait_dma2 semaphore(%run_scoped3A : memref<!tpu.dma_semaphore, #tpu.memory_space<semaphore_mem>>) src(%dma_wait3A_37 : memref<128xi32, #tpu.memory_space<hbm>>) dst(%arg8 : memref<128xi32, #tpu.memory_space<vmem>>)
          tpu.yield
        }) : () -> ()
        %dma_start3A_20 = arith.constant 0 : i32
        %dma_start3A_21 = arith.constant 0 : i32
        %dma_start3A_22 = tpu.memref_slice %arg2[%dma_start3A_20, %dma_start3A_21] : memref<10112x128xf32, #tpu.memory_space<hbm>> -> memref<10112x128xf32, #tpu.memory_space<hbm>>
        tpu.enqueue_indirect_dma source(%dma_start3A_22 : memref<10112x128xf32, #tpu.memory_space<hbm>>) target(%arg10 : memref<128x128xf32, #tpu.memory_space<vmem>>) offsets(%arg8 : memref<128xi32, #tpu.memory_space<vmem>>) semaphore(%arg12 : memref<!tpu.dma_semaphore, #tpu.memory_space<semaphore_mem>>)
        %dma_wait3A = arith.constant 0 : i32
        %dma_wait3A_23 = arith.constant 0 : i32
        %dma_wait3A_24 = tpu.memref_slice %arg2[%dma_wait3A, %dma_wait3A_23] : memref<10112x128xf32, #tpu.memory_space<hbm>> -> memref<10112x128xf32, #tpu.memory_space<hbm>>
        tpu.wait_indirect_dma semaphore(%arg11 : memref<!tpu.dma_semaphore, #tpu.memory_space<semaphore_mem>>) src(%dma_wait3A_24 : memref<10112x128xf32, #tpu.memory_space<hbm>>) dst(%arg9 : memref<128x128xf32, #tpu.memory_space<vmem>>)
        "tpu.region"() ({
          %run_scoped3A = tpu.sem_alloc : memref<!tpu.dma_semaphore, #tpu.memory_space<semaphore_mem>>
          %dma_start3A_34 = arith.constant 0 : i32
          %dma_start3A_35 = tpu.memref_slice %arg5[%add3A, %dma_start3A_34] : memref<51200x128xf32, #tpu.memory_space<hbm>> -> memref<128x128xf32, #tpu.memory_space<hbm>>
          %dma_start3A_36 = arith.constant 0 : i32
          %dma_start3A_37 = tpu.memref_slice %arg5[%add3A, %dma_start3A_36] : memref<51200x128xf32, #tpu.memory_space<hbm>> -> memref<128x128xf32, #tpu.memory_space<hbm>>
          tpu.enqueue_dma source(%arg9 : memref<128x128xf32, #tpu.memory_space<vmem>>) target(%dma_start3A_37 : memref<128x128xf32, #tpu.memory_space<hbm>>) target_semaphore(%run_scoped3A : memref<!tpu.dma_semaphore, #tpu.memory_space<semaphore_mem>>)
          %dma_wait3A_38 = arith.constant 0 : i32
          %dma_wait3A_39 = tpu.memref_slice %arg5[%add3A, %dma_wait3A_38] : memref<51200x128xf32, #tpu.memory_space<hbm>> -> memref<128x128xf32, #tpu.memory_space<hbm>>
          %dma_wait3A_40 = arith.constant 0 : i32
          %dma_wait3A_41 = tpu.memref_slice %arg5[%add3A, %dma_wait3A_40] : memref<51200x128xf32, #tpu.memory_space<hbm>> -> memref<128x128xf32, #tpu.memory_space<hbm>>
          tpu.wait_dma2 semaphore(%run_scoped3A : memref<!tpu.dma_semaphore, #tpu.memory_space<semaphore_mem>>) src(%arg9 : memref<128x128xf32, #tpu.memory_space<vmem>>) dst(%dma_wait3A_41 : memref<128x128xf32, #tpu.memory_space<hbm>>)
          tpu.yield
        }) : () -> ()
        %add3A_25 = arith.constant 1 : i32
        %add3A_26 = arith.addi %scan3A_17, %add3A_25 : i32
        %lt3A = arith.constant 20 : i32
        %lt3A_27 = arith.cmpi slt, %add3A_26, %lt3A : i32
        %convert_element_type3A_28 = arith.extui %lt3A_27 : i1 to i32
        %cond3A_29 = arith.constant 0 : i32
        %cond3A_30 = arith.cmpi ne, %convert_element_type3A_28, %cond3A_29 : i32
        scf.if %cond3A_30 {
          %add3A_34 = arith.constant 128 : i32
          %add3A_35 = arith.addi %add3A, %add3A_34 : i32
          "tpu.region"() ({
            %run_scoped3A = tpu.sem_alloc : memref<!tpu.dma_semaphore, #tpu.memory_space<semaphore_mem>>
            %dma_start3A_39 = tpu.memref_slice %arg3[%add3A_35] : memref<51200xi32, #tpu.memory_space<hbm>> -> memref<128xi32, #tpu.memory_space<hbm>>
            %dma_start3A_40 = tpu.memref_slice %arg3[%add3A_35] : memref<51200xi32, #tpu.memory_space<hbm>> -> memref<128xi32, #tpu.memory_space<hbm>>
            tpu.enqueue_dma source(%dma_start3A_40 : memref<128xi32, #tpu.memory_space<hbm>>) target(%arg7 : memref<128xi32, #tpu.memory_space<vmem>>) target_semaphore(%run_scoped3A : memref<!tpu.dma_semaphore, #tpu.memory_space<semaphore_mem>>)
            %dma_wait3A_41 = tpu.memref_slice %arg3[%add3A_35] : memref<51200xi32, #tpu.memory_space<hbm>> -> memref<128xi32, #tpu.memory_space<hbm>>
            %dma_wait3A_42 = tpu.memref_slice %arg3[%add3A_35] : memref<51200xi32, #tpu.memory_space<hbm>> -> memref<128xi32, #tpu.memory_space<hbm>>
            tpu.wait_dma2 semaphore(%run_scoped3A : memref<!tpu.dma_semaphore, #tpu.memory_space<semaphore_mem>>) src(%dma_wait3A_42 : memref<128xi32, #tpu.memory_space<hbm>>) dst(%arg7 : memref<128xi32, #tpu.memory_space<vmem>>)
            tpu.yield
          }) : () -> ()
          %dma_start3A_36 = arith.constant 0 : i32
          %dma_start3A_37 = arith.constant 0 : i32
          %dma_start3A_38 = tpu.memref_slice %arg2[%dma_start3A_36, %dma_start3A_37] : memref<10112x128xf32, #tpu.memory_space<hbm>> -> memref<10112x128xf32, #tpu.memory_space<hbm>>
          tpu.enqueue_indirect_dma source(%dma_start3A_38 : memref<10112x128xf32, #tpu.memory_space<hbm>>) target(%arg9 : memref<128x128xf32, #tpu.memory_space<vmem>>) offsets(%arg7 : memref<128xi32, #tpu.memory_space<vmem>>) semaphore(%arg11 : memref<!tpu.dma_semaphore, #tpu.memory_space<semaphore_mem>>)
        } else {
        }
        %dma_wait3A_31 = arith.constant 0 : i32
        %dma_wait3A_32 = arith.constant 0 : i32
        %dma_wait3A_33 = tpu.memref_slice %arg2[%dma_wait3A_31, %dma_wait3A_32] : memref<10112x128xf32, #tpu.memory_space<hbm>> -> memref<10112x128xf32, #tpu.memory_space<hbm>>
        tpu.wait_indirect_dma semaphore(%arg12 : memref<!tpu.dma_semaphore, #tpu.memory_space<semaphore_mem>>) src(%dma_wait3A_33 : memref<10112x128xf32, #tpu.memory_space<hbm>>) dst(%arg10 : memref<128x128xf32, #tpu.memory_space<vmem>>)
        "tpu.region"() ({
          %run_scoped3A = tpu.sem_alloc : memref<!tpu.dma_semaphore, #tpu.memory_space<semaphore_mem>>
          %dma_start3A_34 = arith.constant 0 : i32
          %dma_start3A_35 = tpu.memref_slice %arg6[%add3A, %dma_start3A_34] : memref<51200x128xf32, #tpu.memory_space<hbm>> -> memref<128x128xf32, #tpu.memory_space<hbm>>
          %dma_start3A_36 = arith.constant 0 : i32
          %dma_start3A_37 = tpu.memref_slice %arg6[%add3A, %dma_start3A_36] : memref<51200x128xf32, #tpu.memory_space<hbm>> -> memref<128x128xf32, #tpu.memory_space<hbm>>
          tpu.enqueue_dma source(%arg10 : memref<128x128xf32, #tpu.memory_space<vmem>>) target(%dma_start3A_37 : memref<128x128xf32, #tpu.memory_space<hbm>>) target_semaphore(%run_scoped3A : memref<!tpu.dma_semaphore, #tpu.memory_space<semaphore_mem>>)
          %dma_wait3A_38 = arith.constant 0 : i32
          %dma_wait3A_39 = tpu.memref_slice %arg6[%add3A, %dma_wait3A_38] : memref<51200x128xf32, #tpu.memory_space<hbm>> -> memref<128x128xf32, #tpu.memory_space<hbm>>
          %dma_wait3A_40 = arith.constant 0 : i32
          %dma_wait3A_41 = tpu.memref_slice %arg6[%add3A, %dma_wait3A_40] : memref<51200x128xf32, #tpu.memory_space<hbm>> -> memref<128x128xf32, #tpu.memory_space<hbm>>
          tpu.wait_dma2 semaphore(%run_scoped3A : memref<!tpu.dma_semaphore, #tpu.memory_space<semaphore_mem>>) src(%arg10 : memref<128x128xf32, #tpu.memory_space<vmem>>) dst(%dma_wait3A_41 : memref<128x128xf32, #tpu.memory_space<hbm>>)
          tpu.yield
        }) : () -> ()
      }
      %scan3A_16 = arith.constant 20 : i32
    } else {
    }
    %eq3A_2 = arith.constant 1 : i32
    %eq3A_3 = arith.cmpi eq, %arg0, %eq3A_2 : i32
    %convert_element_type3A_4 = arith.extui %eq3A_3 : i1 to i32
    %cond3A_5 = arith.constant 0 : i32
    %cond3A_6 = arith.cmpi ne, %convert_element_type3A_4, %cond3A_5 : i32
    scf.if %cond3A_6 {
      %mul3A = arith.constant 5 : i32
      %mul3A_7 = arith.muli %arg1, %mul3A : i32
      %add3A = arith.constant 320 : i32
      %add3A_8 = arith.addi %add3A, %mul3A_7 : i32
      %mul3A_9 = arith.constant 128 : i32
      %mul3A_10 = arith.muli %add3A_8, %mul3A_9 : i32
      "tpu.region"() ({
        %run_scoped3A = tpu.sem_alloc : memref<!tpu.dma_semaphore, #tpu.memory_space<semaphore_mem>>
        %dma_start3A_18 = tpu.memref_slice %arg3[%mul3A_10] : memref<51200xi32, #tpu.memory_space<hbm>> -> memref<128xi32, #tpu.memory_space<hbm>>
        %dma_start3A_19 = tpu.memref_slice %arg3[%mul3A_10] : memref<51200xi32, #tpu.memory_space<hbm>> -> memref<128xi32, #tpu.memory_space<hbm>>
        tpu.enqueue_dma source(%dma_start3A_19 : memref<128xi32, #tpu.memory_space<hbm>>) target(%arg7 : memref<128xi32, #tpu.memory_space<vmem>>) target_semaphore(%run_scoped3A : memref<!tpu.dma_semaphore, #tpu.memory_space<semaphore_mem>>)
        %dma_wait3A = tpu.memref_slice %arg3[%mul3A_10] : memref<51200xi32, #tpu.memory_space<hbm>> -> memref<128xi32, #tpu.memory_space<hbm>>
        %dma_wait3A_20 = tpu.memref_slice %arg3[%mul3A_10] : memref<51200xi32, #tpu.memory_space<hbm>> -> memref<128xi32, #tpu.memory_space<hbm>>
        tpu.wait_dma2 semaphore(%run_scoped3A : memref<!tpu.dma_semaphore, #tpu.memory_space<semaphore_mem>>) src(%dma_wait3A_20 : memref<128xi32, #tpu.memory_space<hbm>>) dst(%arg7 : memref<128xi32, #tpu.memory_space<vmem>>)
        tpu.yield
      }) : () -> ()
      %dma_start3A = arith.constant 0 : i32
      %dma_start3A_11 = arith.constant 0 : i32
      %dma_start3A_12 = tpu.memref_slice %arg2[%dma_start3A, %dma_start3A_11] : memref<10112x128xf32, #tpu.memory_space<hbm>> -> memref<10112x128xf32, #tpu.memory_space<hbm>>
      tpu.enqueue_indirect_dma source(%dma_start3A_12 : memref<10112x128xf32, #tpu.memory_space<hbm>>) target(%arg9 : memref<128x128xf32, #tpu.memory_space<vmem>>) offsets(%arg7 : memref<128xi32, #tpu.memory_space<vmem>>) semaphore(%arg11 : memref<!tpu.dma_semaphore, #tpu.memory_space<semaphore_mem>>)
      %scan3A = arith.constant 0 : i32
      %scan3A_13 = arith.constant 0 : i32
      %scan3A_14 = arith.constant 5 : i32
      %scan3A_15 = arith.addi %scan3A_13, %scan3A_14 : i32
      %scan3A_16 = arith.constant 1 : i32
      scf.for %scan3A_18 = %scan3A_13 to %scan3A_15 step %scan3A_16  : i32 {
        %mul3A_19 = arith.constant 128 : i32
        %mul3A_20 = arith.muli %scan3A_18, %mul3A_19 : i32
        %add3A_21 = arith.addi %mul3A_10, %mul3A_20 : i32
        "tpu.region"() ({
          %run_scoped3A = tpu.sem_alloc : memref<!tpu.dma_semaphore, #tpu.memory_space<semaphore_mem>>
          %dma_start3A_36 = tpu.memref_slice %arg4[%add3A_21] : memref<51200xi32, #tpu.memory_space<hbm>> -> memref<128xi32, #tpu.memory_space<hbm>>
          %dma_start3A_37 = tpu.memref_slice %arg4[%add3A_21] : memref<51200xi32, #tpu.memory_space<hbm>> -> memref<128xi32, #tpu.memory_space<hbm>>
          tpu.enqueue_dma source(%dma_start3A_37 : memref<128xi32, #tpu.memory_space<hbm>>) target(%arg8 : memref<128xi32, #tpu.memory_space<vmem>>) target_semaphore(%run_scoped3A : memref<!tpu.dma_semaphore, #tpu.memory_space<semaphore_mem>>)
          %dma_wait3A_38 = tpu.memref_slice %arg4[%add3A_21] : memref<51200xi32, #tpu.memory_space<hbm>> -> memref<128xi32, #tpu.memory_space<hbm>>
          %dma_wait3A_39 = tpu.memref_slice %arg4[%add3A_21] : memref<51200xi32, #tpu.memory_space<hbm>> -> memref<128xi32, #tpu.memory_space<hbm>>
          tpu.wait_dma2 semaphore(%run_scoped3A : memref<!tpu.dma_semaphore, #tpu.memory_space<semaphore_mem>>) src(%dma_wait3A_39 : memref<128xi32, #tpu.memory_space<hbm>>) dst(%arg8 : memref<128xi32, #tpu.memory_space<vmem>>)
          tpu.yield
        }) : () -> ()
        %dma_start3A_22 = arith.constant 0 : i32
        %dma_start3A_23 = arith.constant 0 : i32
        %dma_start3A_24 = tpu.memref_slice %arg2[%dma_start3A_22, %dma_start3A_23] : memref<10112x128xf32, #tpu.memory_space<hbm>> -> memref<10112x128xf32, #tpu.memory_space<hbm>>
        tpu.enqueue_indirect_dma source(%dma_start3A_24 : memref<10112x128xf32, #tpu.memory_space<hbm>>) target(%arg10 : memref<128x128xf32, #tpu.memory_space<vmem>>) offsets(%arg8 : memref<128xi32, #tpu.memory_space<vmem>>) semaphore(%arg12 : memref<!tpu.dma_semaphore, #tpu.memory_space<semaphore_mem>>)
        %dma_wait3A = arith.constant 0 : i32
        %dma_wait3A_25 = arith.constant 0 : i32
        %dma_wait3A_26 = tpu.memref_slice %arg2[%dma_wait3A, %dma_wait3A_25] : memref<10112x128xf32, #tpu.memory_space<hbm>> -> memref<10112x128xf32, #tpu.memory_space<hbm>>
        tpu.wait_indirect_dma semaphore(%arg11 : memref<!tpu.dma_semaphore, #tpu.memory_space<semaphore_mem>>) src(%dma_wait3A_26 : memref<10112x128xf32, #tpu.memory_space<hbm>>) dst(%arg9 : memref<128x128xf32, #tpu.memory_space<vmem>>)
        "tpu.region"() ({
          %run_scoped3A = tpu.sem_alloc : memref<!tpu.dma_semaphore, #tpu.memory_space<semaphore_mem>>
          %dma_start3A_36 = arith.constant 0 : i32
          %dma_start3A_37 = tpu.memref_slice %arg5[%add3A_21, %dma_start3A_36] : memref<51200x128xf32, #tpu.memory_space<hbm>> -> memref<128x128xf32, #tpu.memory_space<hbm>>
          %dma_start3A_38 = arith.constant 0 : i32
          %dma_start3A_39 = tpu.memref_slice %arg5[%add3A_21, %dma_start3A_38] : memref<51200x128xf32, #tpu.memory_space<hbm>> -> memref<128x128xf32, #tpu.memory_space<hbm>>
          tpu.enqueue_dma source(%arg9 : memref<128x128xf32, #tpu.memory_space<vmem>>) target(%dma_start3A_39 : memref<128x128xf32, #tpu.memory_space<hbm>>) target_semaphore(%run_scoped3A : memref<!tpu.dma_semaphore, #tpu.memory_space<semaphore_mem>>)
          %dma_wait3A_40 = arith.constant 0 : i32
          %dma_wait3A_41 = tpu.memref_slice %arg5[%add3A_21, %dma_wait3A_40] : memref<51200x128xf32, #tpu.memory_space<hbm>> -> memref<128x128xf32, #tpu.memory_space<hbm>>
          %dma_wait3A_42 = arith.constant 0 : i32
          %dma_wait3A_43 = tpu.memref_slice %arg5[%add3A_21, %dma_wait3A_42] : memref<51200x128xf32, #tpu.memory_space<hbm>> -> memref<128x128xf32, #tpu.memory_space<hbm>>
          tpu.wait_dma2 semaphore(%run_scoped3A : memref<!tpu.dma_semaphore, #tpu.memory_space<semaphore_mem>>) src(%arg9 : memref<128x128xf32, #tpu.memory_space<vmem>>) dst(%dma_wait3A_43 : memref<128x128xf32, #tpu.memory_space<hbm>>)
          tpu.yield
        }) : () -> ()
        %add3A_27 = arith.constant 1 : i32
        %add3A_28 = arith.addi %scan3A_18, %add3A_27 : i32
        %lt3A = arith.constant 5 : i32
        %lt3A_29 = arith.cmpi slt, %add3A_28, %lt3A : i32
        %convert_element_type3A_30 = arith.extui %lt3A_29 : i1 to i32
        %cond3A_31 = arith.constant 0 : i32
        %cond3A_32 = arith.cmpi ne, %convert_element_type3A_30, %cond3A_31 : i32
        scf.if %cond3A_32 {
          %add3A_36 = arith.constant 128 : i32
          %add3A_37 = arith.addi %add3A_21, %add3A_36 : i32
          "tpu.region"() ({
            %run_scoped3A = tpu.sem_alloc : memref<!tpu.dma_semaphore, #tpu.memory_space<semaphore_mem>>
            %dma_start3A_41 = tpu.memref_slice %arg3[%add3A_37] : memref<51200xi32, #tpu.memory_space<hbm>> -> memref<128xi32, #tpu.memory_space<hbm>>
            %dma_start3A_42 = tpu.memref_slice %arg3[%add3A_37] : memref<51200xi32, #tpu.memory_space<hbm>> -> memref<128xi32, #tpu.memory_space<hbm>>
            tpu.enqueue_dma source(%dma_start3A_42 : memref<128xi32, #tpu.memory_space<hbm>>) target(%arg7 : memref<128xi32, #tpu.memory_space<vmem>>) target_semaphore(%run_scoped3A : memref<!tpu.dma_semaphore, #tpu.memory_space<semaphore_mem>>)
            %dma_wait3A_43 = tpu.memref_slice %arg3[%add3A_37] : memref<51200xi32, #tpu.memory_space<hbm>> -> memref<128xi32, #tpu.memory_space<hbm>>
            %dma_wait3A_44 = tpu.memref_slice %arg3[%add3A_37] : memref<51200xi32, #tpu.memory_space<hbm>> -> memref<128xi32, #tpu.memory_space<hbm>>
            tpu.wait_dma2 semaphore(%run_scoped3A : memref<!tpu.dma_semaphore, #tpu.memory_space<semaphore_mem>>) src(%dma_wait3A_44 : memref<128xi32, #tpu.memory_space<hbm>>) dst(%arg7 : memref<128xi32, #tpu.memory_space<vmem>>)
            tpu.yield
          }) : () -> ()
          %dma_start3A_38 = arith.constant 0 : i32
          %dma_start3A_39 = arith.constant 0 : i32
          %dma_start3A_40 = tpu.memref_slice %arg2[%dma_start3A_38, %dma_start3A_39] : memref<10112x128xf32, #tpu.memory_space<hbm>> -> memref<10112x128xf32, #tpu.memory_space<hbm>>
          tpu.enqueue_indirect_dma source(%dma_start3A_40 : memref<10112x128xf32, #tpu.memory_space<hbm>>) target(%arg9 : memref<128x128xf32, #tpu.memory_space<vmem>>) offsets(%arg7 : memref<128xi32, #tpu.memory_space<vmem>>) semaphore(%arg11 : memref<!tpu.dma_semaphore, #tpu.memory_space<semaphore_mem>>)
        } else {
        }
        %dma_wait3A_33 = arith.constant 0 : i32
        %dma_wait3A_34 = arith.constant 0 : i32
        %dma_wait3A_35 = tpu.memref_slice %arg2[%dma_wait3A_33, %dma_wait3A_34] : memref<10112x128xf32, #tpu.memory_space<hbm>> -> memref<10112x128xf32, #tpu.memory_space<hbm>>
        tpu.wait_indirect_dma semaphore(%arg12 : memref<!tpu.dma_semaphore, #tpu.memory_space<semaphore_mem>>) src(%dma_wait3A_35 : memref<10112x128xf32, #tpu.memory_space<hbm>>) dst(%arg10 : memref<128x128xf32, #tpu.memory_space<vmem>>)
        "tpu.region"() ({
          %run_scoped3A = tpu.sem_alloc : memref<!tpu.dma_semaphore, #tpu.memory_space<semaphore_mem>>
          %dma_start3A_36 = arith.constant 0 : i32
          %dma_start3A_37 = tpu.memref_slice %arg6[%add3A_21, %dma_start3A_36] : memref<51200x128xf32, #tpu.memory_space<hbm>> -> memref<128x128xf32, #tpu.memory_space<hbm>>
          %dma_start3A_38 = arith.constant 0 : i32
          %dma_start3A_39 = tpu.memref_slice %arg6[%add3A_21, %dma_start3A_38] : memref<51200x128xf32, #tpu.memory_space<hbm>> -> memref<128x128xf32, #tpu.memory_space<hbm>>
          tpu.enqueue_dma source(%arg10 : memref<128x128xf32, #tpu.memory_space<vmem>>) target(%dma_start3A_39 : memref<128x128xf32, #tpu.memory_space<hbm>>) target_semaphore(%run_scoped3A : memref<!tpu.dma_semaphore, #tpu.memory_space<semaphore_mem>>)
          %dma_wait3A_40 = arith.constant 0 : i32
          %dma_wait3A_41 = tpu.memref_slice %arg6[%add3A_21, %dma_wait3A_40] : memref<51200x128xf32, #tpu.memory_space<hbm>> -> memref<128x128xf32, #tpu.memory_space<hbm>>
          %dma_wait3A_42 = arith.constant 0 : i32
          %dma_wait3A_43 = tpu.memref_slice %arg6[%add3A_21, %dma_wait3A_42] : memref<51200x128xf32, #tpu.memory_space<hbm>> -> memref<128x128xf32, #tpu.memory_space<hbm>>
          tpu.wait_dma2 semaphore(%run_scoped3A : memref<!tpu.dma_semaphore, #tpu.memory_space<semaphore_mem>>) src(%arg10 : memref<128x128xf32, #tpu.memory_space<vmem>>) dst(%dma_wait3A_43 : memref<128x128xf32, #tpu.memory_space<hbm>>)
          tpu.yield
        }) : () -> ()
      }
      %scan3A_17 = arith.constant 5 : i32
    } else {
    }
    return
  }
}

module attributes {stable_mosaic.version = 14 : i64} {
  func.func @body(%arg0: i32, %arg1: memref<1x1264x128xf32, #tpu.memory_space<vmem>>, %arg2: memref<1x1264x128xf32, #tpu.memory_space<vmem>>, %arg3: memref<1264x128xf32, #tpu.memory_space<vmem>>, %arg4: memref<1264x1xf32, #tpu.memory_space<vmem>>, %arg5: memref<128x128xf32, #tpu.memory_space<vmem>>, %arg6: memref<1x128xf32, #tpu.memory_space<vmem>>, %arg7: memref<1x128xf32, #tpu.memory_space<vmem>>, %arg8: memref<1x128xf32, #tpu.memory_space<vmem>>, %arg9: memref<1264x128xf32, #tpu.memory_space<vmem>>) attributes {dimension_semantics = [#tpu.dimension_semantics<arbitrary>], iteration_bounds = array<i64: 8>, scalar_prefetch = 0 : i64, scratch_operands = 0 : i64, tpu.core_type = #tpu.core_type<tc>, window_params = [{transform_indices = @transform_0, window_bounds = array<i64: 1, 1264, 128>}, {transform_indices = @transform_1, window_bounds = array<i64: 1, 1264, 128>}, {transform_indices = @transform_2, window_bounds = array<i64: 1264, 128>}, {transform_indices = @transform_3, window_bounds = array<i64: 1264, 1>}, {pipeline_mode = #tpu.pipeline_mode<synchronous>, transform_indices = @transform_4, window_bounds = array<i64: 128, 128>}, {pipeline_mode = #tpu.pipeline_mode<synchronous>, transform_indices = @transform_5, window_bounds = array<i64: 1, 128>}, {pipeline_mode = #tpu.pipeline_mode<synchronous>, transform_indices = @transform_6, window_bounds = array<i64: 1, 128>}, {pipeline_mode = #tpu.pipeline_mode<synchronous>, transform_indices = @transform_7, window_bounds = array<i64: 1, 128>}, {transform_indices = @transform_8, window_bounds = array<i64: 1264, 128>}]} {
    %get3A = arith.constant 0 : index
    %get3A_0 = arith.constant 0 : index
    %get3A_1 = vector.load %arg4[%get3A, %get3A_0] : memref<1264x1xf32, #tpu.memory_space<vmem>>, vector<1264x1xf32>
    %get3A_2 = arith.constant 0 : index
    %get3A_3 = arith.constant 0 : index
    %get3A_4 = arith.constant 0 : index
    %get3A_5 = vector.load %arg1[%get3A_2, %get3A_3, %get3A_4] : memref<1x1264x128xf32, #tpu.memory_space<vmem>>, vector<1x1264x128xf32>
    %get3A_6 = vector.shape_cast %get3A_5 : vector<1x1264x128xf32> to vector<1264x128xf32>
    %get3A_7 = arith.constant 0 : index
    %get3A_8 = arith.constant 0 : index
    %get3A_9 = arith.constant 0 : index
    %get3A_10 = vector.load %arg2[%get3A_7, %get3A_8, %get3A_9] : memref<1x1264x128xf32, #tpu.memory_space<vmem>>, vector<1x1264x128xf32>
    %get3A_11 = vector.shape_cast %get3A_10 : vector<1x1264x128xf32> to vector<1264x128xf32>
    %add3A = arith.addf %get3A_6, %get3A_11 : vector<1264x128xf32>
    %get3A_12 = arith.constant 0 : index
    %get3A_13 = arith.constant 0 : index
    %get3A_14 = vector.load %arg3[%get3A_12, %get3A_13] : memref<1264x128xf32, #tpu.memory_space<vmem>>, vector<1264x128xf32>
    %add3A_15 = arith.addf %add3A, %get3A_14 : vector<1264x128xf32>
    %mul3A = vector.broadcast %get3A_1 : vector<1264x1xf32> to vector<1264x128xf32>
    %mul3A_16 = arith.mulf %mul3A, %add3A_15 : vector<1264x128xf32>
    %get3A_17 = arith.constant 0 : index
    %get3A_18 = arith.constant 0 : index
    %get3A_19 = vector.load %arg6[%get3A_17, %get3A_18] : memref<1x128xf32, #tpu.memory_space<vmem>>, vector<1x128xf32>
    %add3A_20 = vector.broadcast %get3A_19 : vector<1x128xf32> to vector<1264x128xf32>
    %add3A_21 = arith.addf %mul3A_16, %add3A_20 : vector<1264x128xf32>
    %get3A_22 = arith.constant 0 : index
    %get3A_23 = arith.constant 0 : index
    %get3A_24 = vector.load %arg7[%get3A_22, %get3A_23] : memref<1x128xf32, #tpu.memory_space<vmem>>, vector<1x128xf32>
    %mul3A_25 = arith.constant 0.999994993 : f32
    %mul3A_26 = vector.broadcast %mul3A_25 : f32 to vector<1x128xf32>
    %mul3A_27 = arith.mulf %get3A_24, %mul3A_26 : vector<1x128xf32>
    %mul3A_28 = vector.broadcast %mul3A_27 : vector<1x128xf32> to vector<1264x128xf32>
    %mul3A_29 = arith.mulf %add3A_21, %mul3A_28 : vector<1264x128xf32>
    %get3A_30 = arith.constant 0 : index
    %get3A_31 = arith.constant 0 : index
    %get3A_32 = vector.load %arg8[%get3A_30, %get3A_31] : memref<1x128xf32, #tpu.memory_space<vmem>>, vector<1x128xf32>
    %add3A_33 = vector.broadcast %get3A_32 : vector<1x128xf32> to vector<1264x128xf32>
    %add3A_34 = arith.addf %mul3A_29, %add3A_33 : vector<1264x128xf32>
    %max3A = arith.constant 0.000000e+00 : f32
    %max3A_35 = vector.broadcast %max3A : f32 to vector<1264x128xf32>
    %max3A_36 = arith.maximumf %add3A_34, %max3A_35 : vector<1264x128xf32>
    %get3A_37 = arith.constant 0 : index
    %get3A_38 = arith.constant 0 : index
    %get3A_39 = vector.load %arg5[%get3A_37, %get3A_38] : memref<128x128xf32, #tpu.memory_space<vmem>>, vector<128x128xf32>
    %dot_general3A = arith.constant dense<0.000000e+00> : vector<1264x128xf32>
    %dot_general3A_40 = tpu.matmul %max3A_36, %get3A_39, %dot_general3A {dimension_numbers = #tpu.dot_dimension_numbers<[1], [0], [0], [1], [0, 0, 1, 1], [], []>, transpose_lhs_hint = false} : vector<1264x128xf32>, vector<128x128xf32>, vector<1264x128xf32> -> vector<1264x128xf32>
    %mul3A_41 = vector.broadcast %get3A_1 : vector<1264x1xf32> to vector<1264x128xf32>
    %mul3A_42 = arith.mulf %dot_general3A_40, %mul3A_41 : vector<1264x128xf32>
    %swap3A = arith.constant 0 : index
    %swap3A_43 = arith.constant 0 : index
    %swap3A_44 = vector.load %arg9[%swap3A, %swap3A_43] : memref<1264x128xf32, #tpu.memory_space<vmem>>, vector<1264x128xf32>
    tpu.vector_store %arg9[%swap3A, %swap3A_43], %mul3A_42 {strides = array<i32>} : memref<1264x128xf32, #tpu.memory_space<vmem>>, vector<1264x128xf32>,
    return
  }
  func.func @transform_0(%arg0: i32) -> (i32, i32, i32) {
    %c0_i32 = arith.constant 0 : i32
    %c0_i32_0 = arith.constant 0 : i32
    %c0_i32_1 = arith.constant 0 : i32
    return %c0_i32, %arg0, %c0_i32_0 : i32, i32, i32
  }
  func.func @transform_1(%arg0: i32) -> (i32, i32, i32) {
    %c1_i32 = arith.constant 1 : i32
    %c0_i32 = arith.constant 0 : i32
    %c0_i32_0 = arith.constant 0 : i32
    return %c1_i32, %arg0, %c0_i32 : i32, i32, i32
  }
  func.func @transform_2(%arg0: i32) -> (i32, i32) {
    %c0_i32 = arith.constant 0 : i32
    %c0_i32_0 = arith.constant 0 : i32
    return %arg0, %c0_i32 : i32, i32
  }
  func.func @transform_3(%arg0: i32) -> (i32, i32) {
    %c0_i32 = arith.constant 0 : i32
    %c0_i32_0 = arith.constant 0 : i32
    return %arg0, %c0_i32 : i32, i32
  }
  func.func @transform_4(%arg0: i32) -> (i32, i32) {
    %c0_i32 = arith.constant 0 : i32
    %c0_i32_0 = arith.constant 0 : i32
    %c0_i32_1 = arith.constant 0 : i32
    return %c0_i32, %c0_i32_0 : i32, i32
  }
  func.func @transform_5(%arg0: i32) -> (i32, i32) {
    %c0_i32 = arith.constant 0 : i32
    %c0_i32_0 = arith.constant 0 : i32
    %c0_i32_1 = arith.constant 0 : i32
    return %c0_i32, %c0_i32_0 : i32, i32
  }
  func.func @transform_6(%arg0: i32) -> (i32, i32) {
    %c0_i32 = arith.constant 0 : i32
    %c0_i32_0 = arith.constant 0 : i32
    %c0_i32_1 = arith.constant 0 : i32
    return %c0_i32, %c0_i32_0 : i32, i32
  }
  func.func @transform_7(%arg0: i32) -> (i32, i32) {
    %c0_i32 = arith.constant 0 : i32
    %c0_i32_0 = arith.constant 0 : i32
    %c0_i32_1 = arith.constant 0 : i32
    return %c0_i32, %c0_i32_0 : i32, i32
  }
  func.func @transform_8(%arg0: i32) -> (i32, i32) {
    %c0_i32 = arith.constant 0 : i32
    %c0_i32_0 = arith.constant 0 : i32
    return %arg0, %c0_i32 : i32, i32
  }
}

module attributes {stable_mosaic.version = 14 : i64} {
  func.func @body(%arg0: i32, %arg1: memref<1264x128xf32, #tpu.memory_space<vmem>>, %arg2: memref<1x1264x128xf32, #tpu.memory_space<vmem>>, %arg3: memref<1x1264x128xf32, #tpu.memory_space<vmem>>, %arg4: memref<128x128xf32, #tpu.memory_space<vmem>>, %arg5: memref<1264x128xf32, #tpu.memory_space<vmem>>, %arg6: memref<1264x1xf32, #tpu.memory_space<vmem>>) attributes {dimension_semantics = [#tpu.dimension_semantics<arbitrary>], iteration_bounds = array<i64: 8>, scalar_prefetch = 0 : i64, scratch_operands = 0 : i64, tpu.core_type = #tpu.core_type<tc>, window_params = [{transform_indices = @transform_0, window_bounds = array<i64: 1264, 128>}, {transform_indices = @transform_1, window_bounds = array<i64: 1, 1264, 128>}, {transform_indices = @transform_2, window_bounds = array<i64: 1, 1264, 128>}, {pipeline_mode = #tpu.pipeline_mode<synchronous>, transform_indices = @transform_3, window_bounds = array<i64: 128, 128>}, {transform_indices = @transform_4, window_bounds = array<i64: 1264, 128>}, {transform_indices = @transform_5, window_bounds = array<i64: 1264, 1>}]} {
    %get3A = arith.constant 0 : index
    %get3A_0 = arith.constant 0 : index
    %get3A_1 = arith.constant 0 : index
    %get3A_2 = vector.load %arg2[%get3A, %get3A_0, %get3A_1] : memref<1x1264x128xf32, #tpu.memory_space<vmem>>, vector<1x1264x128xf32>
    %get3A_3 = vector.shape_cast %get3A_2 : vector<1x1264x128xf32> to vector<1264x128xf32>
    %slice3A = vector.extract_strided_slice %get3A_3 {offsets = [0, 0], sizes = [1264, 1], strides = [1, 1]} : vector<1264x128xf32> to vector<1264x1xf32>
    %get3A_4 = arith.constant 0 : index
    %get3A_5 = arith.constant 0 : index
    %get3A_6 = arith.constant 0 : index
    %get3A_7 = vector.load %arg3[%get3A_4, %get3A_5, %get3A_6] : memref<1x1264x128xf32, #tpu.memory_space<vmem>>, vector<1x1264x128xf32>
    %get3A_8 = vector.shape_cast %get3A_7 : vector<1x1264x128xf32> to vector<1264x128xf32>
    %slice3A_9 = vector.extract_strided_slice %get3A_8 {offsets = [0, 0], sizes = [1264, 1], strides = [1, 1]} : vector<1264x128xf32> to vector<1264x1xf32>
    %add3A = arith.addf %slice3A, %slice3A_9 : vector<1264x1xf32>
    %add3A_10 = arith.constant 1.000000e+00 : f32
    %add3A_11 = vector.broadcast %add3A_10 : f32 to vector<1264x1xf32>
    %add3A_12 = arith.addf %add3A, %add3A_11 : vector<1264x1xf32>
    %rsqrt3A = math.rsqrt %add3A_12 : vector<1264x1xf32>
    %get3A_13 = arith.constant 0 : index
    %get3A_14 = arith.constant 0 : index
    %get3A_15 = vector.load %arg1[%get3A_13, %get3A_14] : memref<1264x128xf32, #tpu.memory_space<vmem>>, vector<1264x128xf32>
    %get3A_16 = arith.constant 0 : index
    %get3A_17 = arith.constant 0 : index
    %get3A_18 = vector.load %arg4[%get3A_16, %get3A_17] : memref<128x128xf32, #tpu.memory_space<vmem>>, vector<128x128xf32>
    %dot_general3A = arith.constant dense<0.000000e+00> : vector<1264x128xf32>
    %dot_general3A_19 = tpu.matmul %get3A_15, %get3A_18, %dot_general3A {dimension_numbers = #tpu.dot_dimension_numbers<[1], [0], [0], [1], [0, 0, 1, 1], [], []>, transpose_lhs_hint = false} : vector<1264x128xf32>, vector<128x128xf32>, vector<1264x128xf32> -> vector<1264x128xf32>
    %mul3A = vector.broadcast %rsqrt3A : vector<1264x1xf32> to vector<1264x128xf32>
    %mul3A_20 = arith.mulf %dot_general3A_19, %mul3A : vector<1264x128xf32>
    %swap3A = arith.constant 0 : index
    %swap3A_21 = arith.constant 0 : index
    %swap3A_22 = vector.load %arg5[%swap3A, %swap3A_21] : memref<1264x128xf32, #tpu.memory_space<vmem>>, vector<1264x128xf32>
    tpu.vector_store %arg5[%swap3A, %swap3A_21], %mul3A_20 {strides = array<i32>} : memref<1264x128xf32, #tpu.memory_space<vmem>>, vector<1264x128xf32>,
    %swap3A_23 = arith.constant 0 : index
    %swap3A_24 = arith.constant 0 : index
    %swap3A_25 = vector.load %arg6[%swap3A_23, %swap3A_24] : memref<1264x1xf32, #tpu.memory_space<vmem>>, vector<1264x1xf32>
    tpu.vector_store %arg6[%swap3A_23, %swap3A_24], %rsqrt3A {strides = array<i32>} : memref<1264x1xf32, #tpu.memory_space<vmem>>, vector<1264x1xf32>,
    return
  }
  func.func @transform_0(%arg0: i32) -> (i32, i32) {
    %c0_i32 = arith.constant 0 : i32
    %c0_i32_0 = arith.constant 0 : i32
    return %arg0, %c0_i32 : i32, i32
  }
  func.func @transform_1(%arg0: i32) -> (i32, i32, i32) {
    %c0_i32 = arith.constant 0 : i32
    %c0_i32_0 = arith.constant 0 : i32
    %c0_i32_1 = arith.constant 0 : i32
    return %c0_i32, %arg0, %c0_i32_0 : i32, i32, i32
  }
  func.func @transform_2(%arg0: i32) -> (i32, i32, i32) {
    %c1_i32 = arith.constant 1 : i32
    %c0_i32 = arith.constant 0 : i32
    %c0_i32_0 = arith.constant 0 : i32
    return %c1_i32, %arg0, %c0_i32 : i32, i32, i32
  }
  func.func @transform_3(%arg0: i32) -> (i32, i32) {
    %c0_i32 = arith.constant 0 : i32
    %c0_i32_0 = arith.constant 0 : i32
    %c0_i32_1 = arith.constant 0 : i32
    return %c0_i32, %c0_i32_0 : i32, i32
  }
  func.func @transform_4(%arg0: i32) -> (i32, i32) {
    %c0_i32 = arith.constant 0 : i32
    %c0_i32_0 = arith.constant 0 : i32
    return %arg0, %c0_i32 : i32, i32
  }
  func.func @transform_5(%arg0: i32) -> (i32, i32) {
    %c0_i32 = arith.constant 0 : i32
    %c0_i32_0 = arith.constant 0 : i32
    return %arg0, %c0_i32 : i32, i32
  }
}

module attributes {stable_mosaic.version = 14 : i64} {
  func.func @body(%arg0: i32, %arg1: memref<1x1264x128xf32, #tpu.memory_space<vmem>>, %arg2: memref<1x1264x128xf32, #tpu.memory_space<vmem>>, %arg3: memref<1264x128xf32, #tpu.memory_space<vmem>>, %arg4: memref<1264x1xf32, #tpu.memory_space<vmem>>, %arg5: memref<128x128xf32, #tpu.memory_space<vmem>>, %arg6: memref<1x128xf32, #tpu.memory_space<vmem>>, %arg7: memref<1x128xf32, #tpu.memory_space<vmem>>, %arg8: memref<1x128xf32, #tpu.memory_space<vmem>>, %arg9: memref<1264x128xf32, #tpu.memory_space<vmem>>) attributes {dimension_semantics = [#tpu.dimension_semantics<arbitrary>], iteration_bounds = array<i64: 8>, scalar_prefetch = 0 : i64, scratch_operands = 0 : i64, tpu.core_type = #tpu.core_type<tc>, window_params = [{transform_indices = @transform_0, window_bounds = array<i64: 1, 1264, 128>}, {transform_indices = @transform_1, window_bounds = array<i64: 1, 1264, 128>}, {transform_indices = @transform_2, window_bounds = array<i64: 1264, 128>}, {transform_indices = @transform_3, window_bounds = array<i64: 1264, 1>}, {pipeline_mode = #tpu.pipeline_mode<synchronous>, transform_indices = @transform_4, window_bounds = array<i64: 128, 128>}, {pipeline_mode = #tpu.pipeline_mode<synchronous>, transform_indices = @transform_5, window_bounds = array<i64: 1, 128>}, {pipeline_mode = #tpu.pipeline_mode<synchronous>, transform_indices = @transform_6, window_bounds = array<i64: 1, 128>}, {pipeline_mode = #tpu.pipeline_mode<synchronous>, transform_indices = @transform_7, window_bounds = array<i64: 1, 128>}, {transform_indices = @transform_8, window_bounds = array<i64: 1264, 128>}]} {
    %get3A = arith.constant 0 : index
    %get3A_0 = arith.constant 0 : index
    %get3A_1 = vector.load %arg4[%get3A, %get3A_0] : memref<1264x1xf32, #tpu.memory_space<vmem>>, vector<1264x1xf32>
    %get3A_2 = arith.constant 0 : index
    %get3A_3 = arith.constant 0 : index
    %get3A_4 = arith.constant 0 : index
    %get3A_5 = vector.load %arg1[%get3A_2, %get3A_3, %get3A_4] : memref<1x1264x128xf32, #tpu.memory_space<vmem>>, vector<1x1264x128xf32>
    %get3A_6 = vector.shape_cast %get3A_5 : vector<1x1264x128xf32> to vector<1264x128xf32>
    %get3A_7 = arith.constant 0 : index
    %get3A_8 = arith.constant 0 : index
    %get3A_9 = arith.constant 0 : index
    %get3A_10 = vector.load %arg2[%get3A_7, %get3A_8, %get3A_9] : memref<1x1264x128xf32, #tpu.memory_space<vmem>>, vector<1x1264x128xf32>
    %get3A_11 = vector.shape_cast %get3A_10 : vector<1x1264x128xf32> to vector<1264x128xf32>
    %add3A = arith.addf %get3A_6, %get3A_11 : vector<1264x128xf32>
    %get3A_12 = arith.constant 0 : index
    %get3A_13 = arith.constant 0 : index
    %get3A_14 = vector.load %arg3[%get3A_12, %get3A_13] : memref<1264x128xf32, #tpu.memory_space<vmem>>, vector<1264x128xf32>
    %add3A_15 = arith.addf %add3A, %get3A_14 : vector<1264x128xf32>
    %mul3A = vector.broadcast %get3A_1 : vector<1264x1xf32> to vector<1264x128xf32>
    %mul3A_16 = arith.mulf %mul3A, %add3A_15 : vector<1264x128xf32>
    %get3A_17 = arith.constant 0 : index
    %get3A_18 = arith.constant 0 : index
    %get3A_19 = vector.load %arg6[%get3A_17, %get3A_18] : memref<1x128xf32, #tpu.memory_space<vmem>>, vector<1x128xf32>
    %add3A_20 = vector.broadcast %get3A_19 : vector<1x128xf32> to vector<1264x128xf32>
    %add3A_21 = arith.addf %mul3A_16, %add3A_20 : vector<1264x128xf32>
    %get3A_22 = arith.constant 0 : index
    %get3A_23 = arith.constant 0 : index
    %get3A_24 = vector.load %arg7[%get3A_22, %get3A_23] : memref<1x128xf32, #tpu.memory_space<vmem>>, vector<1x128xf32>
    %mul3A_25 = arith.constant 0.999994993 : f32
    %mul3A_26 = vector.broadcast %mul3A_25 : f32 to vector<1x128xf32>
    %mul3A_27 = arith.mulf %get3A_24, %mul3A_26 : vector<1x128xf32>
    %mul3A_28 = vector.broadcast %mul3A_27 : vector<1x128xf32> to vector<1264x128xf32>
    %mul3A_29 = arith.mulf %add3A_21, %mul3A_28 : vector<1264x128xf32>
    %get3A_30 = arith.constant 0 : index
    %get3A_31 = arith.constant 0 : index
    %get3A_32 = vector.load %arg8[%get3A_30, %get3A_31] : memref<1x128xf32, #tpu.memory_space<vmem>>, vector<1x128xf32>
    %add3A_33 = vector.broadcast %get3A_32 : vector<1x128xf32> to vector<1264x128xf32>
    %add3A_34 = arith.addf %mul3A_29, %add3A_33 : vector<1264x128xf32>
    %swap3A = arith.constant 0 : index
    %swap3A_35 = arith.constant 0 : index
    %swap3A_36 = vector.load %arg9[%swap3A, %swap3A_35] : memref<1264x128xf32, #tpu.memory_space<vmem>>, vector<1264x128xf32>
    tpu.vector_store %arg9[%swap3A, %swap3A_35], %add3A_34 {strides = array<i32>} : memref<1264x128xf32, #tpu.memory_space<vmem>>, vector<1264x128xf32>,
    return
  }
  func.func @transform_0(%arg0: i32) -> (i32, i32, i32) {
    %c0_i32 = arith.constant 0 : i32
    %c0_i32_0 = arith.constant 0 : i32
    %c0_i32_1 = arith.constant 0 : i32
    return %c0_i32, %arg0, %c0_i32_0 : i32, i32, i32
  }
  func.func @transform_1(%arg0: i32) -> (i32, i32, i32) {
    %c1_i32 = arith.constant 1 : i32
    %c0_i32 = arith.constant 0 : i32
    %c0_i32_0 = arith.constant 0 : i32
    return %c1_i32, %arg0, %c0_i32 : i32, i32, i32
  }
  func.func @transform_2(%arg0: i32) -> (i32, i32) {
    %c0_i32 = arith.constant 0 : i32
    %c0_i32_0 = arith.constant 0 : i32
    return %arg0, %c0_i32 : i32, i32
  }
  func.func @transform_3(%arg0: i32) -> (i32, i32) {
    %c0_i32 = arith.constant 0 : i32
    %c0_i32_0 = arith.constant 0 : i32
    return %arg0, %c0_i32 : i32, i32
  }
  func.func @transform_4(%arg0: i32) -> (i32, i32) {
    %c0_i32 = arith.constant 0 : i32
    %c0_i32_0 = arith.constant 0 : i32
    %c0_i32_1 = arith.constant 0 : i32
    return %c0_i32, %c0_i32_0 : i32, i32
  }
  func.func @transform_5(%arg0: i32) -> (i32, i32) {
    %c0_i32 = arith.constant 0 : i32
    %c0_i32_0 = arith.constant 0 : i32
    %c0_i32_1 = arith.constant 0 : i32
    return %c0_i32, %c0_i32_0 : i32, i32
  }
  func.func @transform_6(%arg0: i32) -> (i32, i32) {
    %c0_i32 = arith.constant 0 : i32
    %c0_i32_0 = arith.constant 0 : i32
    %c0_i32_1 = arith.constant 0 : i32
    return %c0_i32, %c0_i32_0 : i32, i32
  }
  func.func @transform_7(%arg0: i32) -> (i32, i32) {
    %c0_i32 = arith.constant 0 : i32
    %c0_i32_0 = arith.constant 0 : i32
    %c0_i32_1 = arith.constant 0 : i32
    return %c0_i32, %c0_i32_0 : i32, i32
  }
  func.func @transform_8(%arg0: i32) -> (i32, i32) {
    %c0_i32 = arith.constant 0 : i32
    %c0_i32_0 = arith.constant 0 : i32
    return %arg0, %c0_i32 : i32, i32
  }
}

module attributes {stable_mosaic.version = 14 : i64} {
  func.func @body(%arg0: i32, %arg1: memref<512x128xf32, #tpu.memory_space<vmem>>, %arg2: memref<512x128xf32, #tpu.memory_space<vmem>>, %arg3: memref<128x256xf32, #tpu.memory_space<vmem>>, %arg4: memref<128x256xf32, #tpu.memory_space<vmem>>, %arg5: memref<1x256xf32, #tpu.memory_space<vmem>>, %arg6: memref<1x256xf32, #tpu.memory_space<vmem>>, %arg7: memref<1x256xf32, #tpu.memory_space<vmem>>, %arg8: memref<256x128xf32, #tpu.memory_space<vmem>>, %arg9: memref<1x128xf32, #tpu.memory_space<vmem>>, %arg10: memref<1x128xf32, #tpu.memory_space<vmem>>, %arg11: memref<1x128xf32, #tpu.memory_space<vmem>>, %arg12: memref<128x64xf32, #tpu.memory_space<vmem>>, %arg13: memref<1x64xf32, #tpu.memory_space<vmem>>, %arg14: memref<64x1xf32, #tpu.memory_space<vmem>>, %arg15: memref<1x1xf32, #tpu.memory_space<vmem>>, %arg16: memref<512x1xf32, #tpu.memory_space<vmem>>) attributes {dimension_semantics = [#tpu.dimension_semantics<arbitrary>], iteration_bounds = array<i64: 100>, scalar_prefetch = 0 : i64, scratch_operands = 0 : i64, tpu.core_type = #tpu.core_type<tc>, window_params = [{transform_indices = @transform_0, window_bounds = array<i64: 512, 128>}, {transform_indices = @transform_1, window_bounds = array<i64: 512, 128>}, {pipeline_mode = #tpu.pipeline_mode<synchronous>, transform_indices = @transform_2, window_bounds = array<i64: 128, 256>}, {pipeline_mode = #tpu.pipeline_mode<synchronous>, transform_indices = @transform_3, window_bounds = array<i64: 128, 256>}, {pipeline_mode = #tpu.pipeline_mode<synchronous>, transform_indices = @transform_4, window_bounds = array<i64: 1, 256>}, {pipeline_mode = #tpu.pipeline_mode<synchronous>, transform_indices = @transform_5, window_bounds = array<i64: 1, 256>}, {pipeline_mode = #tpu.pipeline_mode<synchronous>, transform_indices = @transform_6, window_bounds = array<i64: 1, 256>}, {pipeline_mode = #tpu.pipeline_mode<synchronous>, transform_indices = @transform_7, window_bounds = array<i64: 256, 128>}, {pipeline_mode = #tpu.pipeline_mode<synchronous>, transform_indices = @transform_8, window_bounds = array<i64: 1, 128>}, {pipeline_mode = #tpu.pipeline_mode<synchronous>, transform_indices = @transform_9, window_bounds = array<i64: 1, 128>}, {pipeline_mode = #tpu.pipeline_mode<synchronous>, transform_indices = @transform_10, window_bounds = array<i64: 1, 128>}, {pipeline_mode = #tpu.pipeline_mode<synchronous>, transform_indices = @transform_11, window_bounds = array<i64: 128, 64>}, {pipeline_mode = #tpu.pipeline_mode<synchronous>, transform_indices = @transform_12, window_bounds = array<i64: 1, 64>}, {pipeline_mode = #tpu.pipeline_mode<synchronous>, transform_indices = @transform_13, window_bounds = array<i64: 64, 1>}, {pipeline_mode = #tpu.pipeline_mode<synchronous>, transform_indices = @transform_14, window_bounds = array<i64: 1, 1>}, {transform_indices = @transform_15, window_bounds = array<i64: 512, 1>}]} {
    %get3A = arith.constant 0 : index
    %get3A_0 = arith.constant 0 : index
    %get3A_1 = vector.load %arg1[%get3A, %get3A_0] : memref<512x128xf32, #tpu.memory_space<vmem>>, vector<512x128xf32>
    %get3A_2 = arith.constant 0 : index
    %get3A_3 = arith.constant 0 : index
    %get3A_4 = vector.load %arg3[%get3A_2, %get3A_3] : memref<128x256xf32, #tpu.memory_space<vmem>>, vector<128x256xf32>
    %dot_general3A = arith.constant dense<0.000000e+00> : vector<512x256xf32>
    %dot_general3A_5 = tpu.matmul %get3A_1, %get3A_4, %dot_general3A {dimension_numbers = #tpu.dot_dimension_numbers<[1], [0], [0], [1], [0, 0, 1, 1], [], []>, transpose_lhs_hint = false} : vector<512x128xf32>, vector<128x256xf32>, vector<512x256xf32> -> vector<512x256xf32>
    %get3A_6 = arith.constant 0 : index
    %get3A_7 = arith.constant 0 : index
    %get3A_8 = vector.load %arg2[%get3A_6, %get3A_7] : memref<512x128xf32, #tpu.memory_space<vmem>>, vector<512x128xf32>
    %get3A_9 = arith.constant 0 : index
    %get3A_10 = arith.constant 0 : index
    %get3A_11 = vector.load %arg4[%get3A_9, %get3A_10] : memref<128x256xf32, #tpu.memory_space<vmem>>, vector<128x256xf32>
    %dot_general3A_12 = arith.constant dense<0.000000e+00> : vector<512x256xf32>
    %dot_general3A_13 = tpu.matmul %get3A_8, %get3A_11, %dot_general3A_12 {dimension_numbers = #tpu.dot_dimension_numbers<[1], [0], [0], [1], [0, 0, 1, 1], [], []>, transpose_lhs_hint = false} : vector<512x128xf32>, vector<128x256xf32>, vector<512x256xf32> -> vector<512x256xf32>
    %add3A = arith.addf %dot_general3A_5, %dot_general3A_13 : vector<512x256xf32>
    %get3A_14 = arith.constant 0 : index
    %get3A_15 = arith.constant 0 : index
    %get3A_16 = vector.load %arg5[%get3A_14, %get3A_15] : memref<1x256xf32, #tpu.memory_space<vmem>>, vector<1x256xf32>
    %add3A_17 = vector.broadcast %get3A_16 : vector<1x256xf32> to vector<512x256xf32>
    %add3A_18 = arith.addf %add3A, %add3A_17 : vector<512x256xf32>
    %get3A_19 = arith.constant 0 : index
    %get3A_20 = arith.constant 0 : index
    %get3A_21 = vector.load %arg6[%get3A_19, %get3A_20] : memref<1x256xf32, #tpu.memory_space<vmem>>, vector<1x256xf32>
    %mul3A = arith.constant 0.999994993 : f32
    %mul3A_22 = vector.broadcast %mul3A : f32 to vector<1x256xf32>
    %mul3A_23 = arith.mulf %get3A_21, %mul3A_22 : vector<1x256xf32>
    %mul3A_24 = vector.broadcast %mul3A_23 : vector<1x256xf32> to vector<512x256xf32>
    %mul3A_25 = arith.mulf %add3A_18, %mul3A_24 : vector<512x256xf32>
    %get3A_26 = arith.constant 0 : index
    %get3A_27 = arith.constant 0 : index
    %get3A_28 = vector.load %arg7[%get3A_26, %get3A_27] : memref<1x256xf32, #tpu.memory_space<vmem>>, vector<1x256xf32>
    %add3A_29 = vector.broadcast %get3A_28 : vector<1x256xf32> to vector<512x256xf32>
    %add3A_30 = arith.addf %mul3A_25, %add3A_29 : vector<512x256xf32>
    %max3A = arith.constant 0.000000e+00 : f32
    %max3A_31 = vector.broadcast %max3A : f32 to vector<512x256xf32>
    %max3A_32 = arith.maximumf %add3A_30, %max3A_31 : vector<512x256xf32>
    %get3A_33 = arith.constant 0 : index
    %get3A_34 = arith.constant 0 : index
    %get3A_35 = vector.load %arg8[%get3A_33, %get3A_34] : memref<256x128xf32, #tpu.memory_space<vmem>>, vector<256x128xf32>
    %dot_general3A_36 = arith.constant dense<0.000000e+00> : vector<512x128xf32>
    %dot_general3A_37 = tpu.matmul %max3A_32, %get3A_35, %dot_general3A_36 {dimension_numbers = #tpu.dot_dimension_numbers<[1], [0], [0], [1], [0, 0, 1, 1], [], []>, transpose_lhs_hint = false} : vector<512x256xf32>, vector<256x128xf32>, vector<512x128xf32> -> vector<512x128xf32>
    %get3A_38 = arith.constant 0 : index
    %get3A_39 = arith.constant 0 : index
    %get3A_40 = vector.load %arg9[%get3A_38, %get3A_39] : memref<1x128xf32, #tpu.memory_space<vmem>>, vector<1x128xf32>
    %add3A_41 = vector.broadcast %get3A_40 : vector<1x128xf32> to vector<512x128xf32>
    %add3A_42 = arith.addf %dot_general3A_37, %add3A_41 : vector<512x128xf32>
    %get3A_43 = arith.constant 0 : index
    %get3A_44 = arith.constant 0 : index
    %get3A_45 = vector.load %arg10[%get3A_43, %get3A_44] : memref<1x128xf32, #tpu.memory_space<vmem>>, vector<1x128xf32>
    %mul3A_46 = arith.constant 0.999994993 : f32
    %mul3A_47 = vector.broadcast %mul3A_46 : f32 to vector<1x128xf32>
    %mul3A_48 = arith.mulf %get3A_45, %mul3A_47 : vector<1x128xf32>
    %mul3A_49 = vector.broadcast %mul3A_48 : vector<1x128xf32> to vector<512x128xf32>
    %mul3A_50 = arith.mulf %add3A_42, %mul3A_49 : vector<512x128xf32>
    %get3A_51 = arith.constant 0 : index
    %get3A_52 = arith.constant 0 : index
    %get3A_53 = vector.load %arg11[%get3A_51, %get3A_52] : memref<1x128xf32, #tpu.memory_space<vmem>>, vector<1x128xf32>
    %add3A_54 = vector.broadcast %get3A_53 : vector<1x128xf32> to vector<512x128xf32>
    %add3A_55 = arith.addf %mul3A_50, %add3A_54 : vector<512x128xf32>
    %max3A_56 = arith.constant 0.000000e+00 : f32
    %max3A_57 = vector.broadcast %max3A_56 : f32 to vector<512x128xf32>
    %max3A_58 = arith.maximumf %add3A_55, %max3A_57 : vector<512x128xf32>
    %get3A_59 = arith.constant 0 : index
    %get3A_60 = arith.constant 0 : index
    %get3A_61 = vector.load %arg12[%get3A_59, %get3A_60] : memref<128x64xf32, #tpu.memory_space<vmem>>, vector<128x64xf32>
    %dot_general3A_62 = arith.constant dense<0.000000e+00> : vector<512x64xf32>
    %dot_general3A_63 = tpu.matmul %max3A_58, %get3A_61, %dot_general3A_62 {dimension_numbers = #tpu.dot_dimension_numbers<[1], [0], [0], [1], [0, 0, 1, 1], [], []>, transpose_lhs_hint = false} : vector<512x128xf32>, vector<128x64xf32>, vector<512x64xf32> -> vector<512x64xf32>
    %get3A_64 = arith.constant 0 : index
    %get3A_65 = arith.constant 0 : index
    %get3A_66 = vector.load %arg13[%get3A_64, %get3A_65] : memref<1x64xf32, #tpu.memory_space<vmem>>, vector<1x64xf32>
    %add3A_67 = vector.broadcast %get3A_66 : vector<1x64xf32> to vector<512x64xf32>
    %add3A_68 = arith.addf %dot_general3A_63, %add3A_67 : vector<512x64xf32>
    %max3A_69 = arith.constant 0.000000e+00 : f32
    %max3A_70 = vector.broadcast %max3A_69 : f32 to vector<512x64xf32>
    %max3A_71 = arith.maximumf %add3A_68, %max3A_70 : vector<512x64xf32>
    %get3A_72 = arith.constant 0 : index
    %get3A_73 = arith.constant 0 : index
    %get3A_74 = vector.load %arg14[%get3A_72, %get3A_73] : memref<64x1xf32, #tpu.memory_space<vmem>>, vector<64x1xf32>
    %dot_general3A_75 = arith.constant dense<0.000000e+00> : vector<512x1xf32>
    %dot_general3A_76 = tpu.matmul %max3A_71, %get3A_74, %dot_general3A_75 {dimension_numbers = #tpu.dot_dimension_numbers<[1], [0], [0], [1], [0, 0, 1, 1], [], []>, transpose_lhs_hint = false} : vector<512x64xf32>, vector<64x1xf32>, vector<512x1xf32> -> vector<512x1xf32>
    %get3A_77 = arith.constant 0 : index
    %get3A_78 = arith.constant 0 : index
    %get3A_79 = vector.load %arg15[%get3A_77, %get3A_78] : memref<1x1xf32, #tpu.memory_space<vmem>>, vector<1x1xf32>
    %add3A_80 = vector.broadcast %get3A_79 : vector<1x1xf32> to vector<512x1xf32>
    %add3A_81 = arith.addf %dot_general3A_76, %add3A_80 : vector<512x1xf32>
    %swap3A = arith.constant 0 : index
    %swap3A_82 = arith.constant 0 : index
    %swap3A_83 = vector.load %arg16[%swap3A, %swap3A_82] : memref<512x1xf32, #tpu.memory_space<vmem>>, vector<512x1xf32>
    tpu.vector_store %arg16[%swap3A, %swap3A_82], %add3A_81 {strides = array<i32>} : memref<512x1xf32, #tpu.memory_space<vmem>>, vector<512x1xf32>,
    return
  }
  func.func @transform_0(%arg0: i32) -> (i32, i32) {
    %c0_i32 = arith.constant 0 : i32
    %c0_i32_0 = arith.constant 0 : i32
    return %arg0, %c0_i32 : i32, i32
  }
  func.func @transform_1(%arg0: i32) -> (i32, i32) {
    %c0_i32 = arith.constant 0 : i32
    %c0_i32_0 = arith.constant 0 : i32
    return %arg0, %c0_i32 : i32, i32
  }
  func.func @transform_2(%arg0: i32) -> (i32, i32) {
    %c0_i32 = arith.constant 0 : i32
    %c0_i32_0 = arith.constant 0 : i32
    %c0_i32_1 = arith.constant 0 : i32
    return %c0_i32, %c0_i32_0 : i32, i32
  }
  func.func @transform_3(%arg0: i32) -> (i32, i32) {
    %c0_i32 = arith.constant 0 : i32
    %c0_i32_0 = arith.constant 0 : i32
    %c0_i32_1 = arith.constant 0 : i32
    return %c0_i32, %c0_i32_0 : i32, i32
  }
  func.func @transform_4(%arg0: i32) -> (i32, i32) {
    %c0_i32 = arith.constant 0 : i32
    %c0_i32_0 = arith.constant 0 : i32
    %c0_i32_1 = arith.constant 0 : i32
    return %c0_i32, %c0_i32_0 : i32, i32
  }
  func.func @transform_5(%arg0: i32) -> (i32, i32) {
    %c0_i32 = arith.constant 0 : i32
    %c0_i32_0 = arith.constant 0 : i32
    %c0_i32_1 = arith.constant 0 : i32
    return %c0_i32, %c0_i32_0 : i32, i32
  }
  func.func @transform_6(%arg0: i32) -> (i32, i32) {
    %c0_i32 = arith.constant 0 : i32
    %c0_i32_0 = arith.constant 0 : i32
    %c0_i32_1 = arith.constant 0 : i32
    return %c0_i32, %c0_i32_0 : i32, i32
  }
  func.func @transform_7(%arg0: i32) -> (i32, i32) {
    %c0_i32 = arith.constant 0 : i32
    %c0_i32_0 = arith.constant 0 : i32
    %c0_i32_1 = arith.constant 0 : i32
    return %c0_i32, %c0_i32_0 : i32, i32
  }
  func.func @transform_8(%arg0: i32) -> (i32, i32) {
    %c0_i32 = arith.constant 0 : i32
    %c0_i32_0 = arith.constant 0 : i32
    %c0_i32_1 = arith.constant 0 : i32
    return %c0_i32, %c0_i32_0 : i32, i32
  }
  func.func @transform_9(%arg0: i32) -> (i32, i32) {
    %c0_i32 = arith.constant 0 : i32
    %c0_i32_0 = arith.constant 0 : i32
    %c0_i32_1 = arith.constant 0 : i32
    return %c0_i32, %c0_i32_0 : i32, i32
  }
  func.func @transform_10(%arg0: i32) -> (i32, i32) {
    %c0_i32 = arith.constant 0 : i32
    %c0_i32_0 = arith.constant 0 : i32
    %c0_i32_1 = arith.constant 0 : i32
    return %c0_i32, %c0_i32_0 : i32, i32
  }
  func.func @transform_11(%arg0: i32) -> (i32, i32) {
    %c0_i32 = arith.constant 0 : i32
    %c0_i32_0 = arith.constant 0 : i32
    %c0_i32_1 = arith.constant 0 : i32
    return %c0_i32, %c0_i32_0 : i32, i32
  }
  func.func @transform_12(%arg0: i32) -> (i32, i32) {
    %c0_i32 = arith.constant 0 : i32
    %c0_i32_0 = arith.constant 0 : i32
    %c0_i32_1 = arith.constant 0 : i32
    return %c0_i32, %c0_i32_0 : i32, i32
  }
  func.func @transform_13(%arg0: i32) -> (i32, i32) {
    %c0_i32 = arith.constant 0 : i32
    %c0_i32_0 = arith.constant 0 : i32
    %c0_i32_1 = arith.constant 0 : i32
    return %c0_i32, %c0_i32_0 : i32, i32
  }
  func.func @transform_14(%arg0: i32) -> (i32, i32) {
    %c0_i32 = arith.constant 0 : i32
    %c0_i32_0 = arith.constant 0 : i32
    %c0_i32_1 = arith.constant 0 : i32
    return %c0_i32, %c0_i32_0 : i32, i32
  }
  func.func @transform_15(%arg0: i32) -> (i32, i32) {
    %c0_i32 = arith.constant 0 : i32
    %c0_i32_0 = arith.constant 0 : i32
    return %arg0, %c0_i32 : i32, i32
  }
}

</mosaic_0001>

<sc_bundles>
// kernel: kernel.14.cloned.1.call-start
scs
__scs_entry_jumppad:
0x0: {  	(pc) =	sbr.rel $0x88, $3  }
0x1: {  	(tag) =	ssettag $0x0;
	lr =	simm.s32 $0x1  }
0x2: {  	[smem:$0x3F86] =	sst lr;
	_ =	strace $0xD0000000  }
0x3: {  	_ = 	snop  }
0x4: {  	_ = 	snop  }
0x5: {  	_ = 	snop  }
0x6: {  	_ = 	snop  }
0x7: {  	_ = 	snop  }
__scs_overlays_trampoline_lowered:
0x8: {  	[smem:$0x3F95] =	sst s0  }
0x9: {  	[smem:$0x3F96] =	sst s1  }
0xa: {  	[smem:$0x3F97] =	sst s2  }
0xb: {  	[smem:$0x3F98] =	sst s3  }
0xc: {  	[smem:$0x3F99] =	sst s4  }
0xd: {  	[smem:$0x3F9A] =	sst s5  }
0xe: {  	[smem:$0x3F9B] =	sst s6  }
0xf: {  	[smem:$0x3F9C] =	sst s7  }
0x10: {  	[smem:$0x3F9D] =	sst s8  }
0x11: {  	[smem:$0x3F9E] =	sst s9;
	s0 =	simm.s32 @!p0 $0x0  }
0x12: {  	s1 =	sld [smem:$0x3F84];
	s0 =	simm.s32 @p0 $0x1  }
0x13: {  	[smem:$0x3F9F] =	sst s0;
	s0 =	simm.s32 @!p1 $0x0  }
0x14: {  	s2 =	sld [smem:$0x3F83];
	s0 =	simm.s32 @p1 $0x1  }
0x15: {  	[smem:$0x3FA0] =	sst s0;
	s0 =	simm.s32 @!p2 $0x0  }
0x16: {  	s3 =	sld [smem:$0x3FDB];
	s0 =	simm.s32 @p2 $0x1  }
0x17: {  	s4 =	simm.s32 $0x1BF5;
	[smem:$0x3FA2] =	sst s0  }
0x18: {  	s0 =	sld [smem:$0x3F85];
	_ =	swait.ge [sflag:s4], $0x0  }
0x19: {  	s7 =	sld [smem:$0x3F86]  }
0x1a: {  	s8 =	sadd.s32 $0xFFFFE003, lr  }
0x1b: {  	s9 =	sadd.s32 $0xFFFFFEF7, lr;
	s5 =	simm.s32 $0xFFFFFFFF;
	p2 =	slt.u32 s8, $0xFFFFF086  }
0x1c: {  	p1 =	slt.u32 s9, $0xF7A;
	s5 =	simm.s32 @!p2 $0x0  }
0x1d: {  	s5 =	simm.s32 @p1 $0x1;
	p0 =	seq.s32 s7, s2  }
0x1e: {  	s7 =	smul.u32 @!p0 $0xF7A, s2;
	p2 =	seq.s32 @!p0 s5, $0x0  }
0x1f: {  	s9 =	smul.u32 $0xF7A, s1;
	s8 =	simm.s32 @!p0 $0x1BF5;
	p2 =	por !p2, p0  }
0x20: {  	[sflag:s8] =	ssyncset.s32 @!p0 $0xFFFFF086;
	s6 =	sadd.s32 @!p0 s3, s7;
	s7 =	simm.s32 @!p0 $0x108  }
0x21: {  	s3 =	sadd.s32 s3, s9;
	s6 =	sadd.s32 @!p0 $0x88, s6;
	s7 =	simm.s32 @p2 $0x1082  }
0x22: {  	[simem:s7], [sflag:s8] =	dma.local @!p0 [hbm:s6], $0xF7A  }
0x23: {  	s9 =	sor.u32 $0xD0000000, s2;
	s6 =	simm.s32 $0x108;
	_ =	swait.ge @!p0 [sflag:s8], $0x0  }
0x24: {  	s3 =	sadd.s32 $0x88, s3;
	s6 =	simm.s32 @!p1 $0x1082;
	[sflag:s4] =	ssyncset.s32 $0xFFFFF086  }
0x25: {  	[simem:s6], [sflag:s4] =	dma.local [hbm:s3], $0xF7A  }
0x26: {  	[smem:$0x3F86] =	sst s1;
	(tag) =	ssettag s2;
	_ =	strace s9  }
0x27: {  	s1 =	sld [smem:$0x3F96]  }
0x28: {  	s2 =	sld [smem:$0x3F97]  }
0x29: {  	s4 =	sld [smem:$0x3F99]  }
0x2a: {  	p0 =	seq.s32 s5, $0x0;
	s5 =	sld [smem:$0x3F9A]  }
0x2b: {  	s6 =	sld [smem:$0x3F9B]  }
0x2c: {  	s7 =	sld [smem:$0x3F9C]  }
0x2d: {  	s3 =	simm.s32 $0x108;
	s8 =	sld [smem:$0x3F9D]  }
0x2e: {  	s3 =	simm.s32 @!p0 $0x1082;
	s9 =	sld [smem:$0x3F9E]  }
0x2f: {  	lr =	sadd.s32 s0, s3;
	s0 =	sld [smem:$0x3F95]  }
0x30: {  	s3 =	sld [smem:$0x3F98]  }
0x31: {  	[smem:$0x3FA1] =	sst s10  }
0x32: {  	s10 =	sld [smem:$0x3F9F];
	_ =	sdelay $0x3  }
0x33: {  	p0 =	seq.s32 s10, $0x1;
	s10 =	sld [smem:$0x3FA1];
	_ =	sdelay $0x3  }
0x34: {  	[smem:$0x3FA1] =	sst s10  }
0x35: {  	s10 =	sld [smem:$0x3FA0];
	_ =	sdelay $0x3  }
0x36: {  	p1 =	seq.s32 s10, $0x1;
	s10 =	sld [smem:$0x3FA1];
	_ =	sdelay $0x3  }
0x37: {  	[smem:$0x3FA1] =	sst s10  }
0x38: {  	s10 =	sld [smem:$0x3FA2]  }
0x39: {  	_ = 	snop;
	(pc) =	sbr.ind lr, $3  }
0x3a: {  	_ = 	snop  }
0x3b: {  	_ = 	snop  }
0x3c: {  	p2 =	seq.s32 s10, $0x1;
	s10 =	sld [smem:$0x3FA1]  }
0x3d: {  	_ =	shalt  }
0x3e: {  	_ =	shalt  }
0x3f: {  	_ =	shalt  }
0x40: {  	_ =	shalt  }
0x41: {  	_ =	shalt  }
0x42: {  	_ =	shalt  }
0x43: {  	_ =	shalt  }
0x44: {  	_ =	shalt  }
0x45: {  	_ =	shalt  }
0x46: {  	_ =	shalt  }
0x47: {  	_ =	shalt  }
0x48: {  	_ =	shalt  }
0x49: {  	_ =	shalt  }
0x4a: {  	_ =	shalt  }
0x4b: {  	_ =	shalt  }
0x4c: {  	_ =	shalt  }
0x4d: {  	_ =	shalt  }
0x4e: {  	_ =	shalt  }
0x4f: {  	_ =	shalt  }
0x50: {  	_ =	shalt  }
0x51: {  	_ =	shalt  }
0x52: {  	_ =	shalt  }
0x53: {  	_ =	shalt  }
0x54: {  	_ =	shalt  }
0x55: {  	_ =	shalt  }
0x56: {  	_ =	shalt  }
0x57: {  	_ =	shalt  }
0x58: {  	_ =	shalt  }
0x59: {  	_ =	shalt  }
0x5a: {  	_ =	shalt  }
0x5b: {  	_ =	shalt  }
0x5c: {  	_ =	shalt  }
0x5d: {  	_ =	shalt  }
0x5e: {  	_ =	shalt  }
0x5f: {  	_ =	shalt  }
0x60: {  	_ =	shalt  }
0x61: {  	_ =	shalt  }
0x62: {  	_ =	shalt  }
0x63: {  	_ =	shalt  }
0x64: {  	_ =	shalt  }
0x65: {  	_ =	shalt  }
0x66: {  	_ =	shalt  }
0x67: {  	_ =	shalt  }
0x68: {  	_ =	shalt  }
0x69: {  	_ =	shalt  }
0x6a: {  	_ =	shalt  }
0x6b: {  	_ =	shalt  }
0x6c: {  	_ =	shalt  }
0x6d: {  	_ =	shalt  }
0x6e: {  	_ =	shalt  }
0x6f: {  	_ =	shalt  }
0x70: {  	_ =	shalt  }
0x71: {  	_ =	shalt  }
0x72: {  	_ =	shalt  }
0x73: {  	_ =	shalt  }
0x74: {  	_ =	shalt  }
0x75: {  	_ =	shalt  }
0x76: {  	_ =	shalt  }
0x77: {  	_ =	shalt  }
0x78: {  	_ =	shalt  }
0x79: {  	_ =	shalt  }
0x7a: {  	_ =	shalt  }
0x7b: {  	_ =	shalt  }
0x7c: {  	_ =	shalt  }
0x7d: {  	_ =	shalt  }
0x7e: {  	_ =	shalt  }
0x7f: {  	_ =	shalt  }
0x80: {  	_ =	shalt  }
0x81: {  	_ =	shalt  }
0x82: {  	_ =	shalt  }
0x83: {  	_ =	shalt  }
0x84: {  	_ =	shalt  }
0x85: {  	_ =	shalt  }
0x86: {  	_ =	shalt  }
0x87: {  	_ =	shalt  }
.Lfunc_end0:
.L_simem_size_0:
called_computation_lowered:
.L_overlay_start_0:
0x88: {  	s2 =	sld [smem:$0x3FD9]  }
0x89: {  	s3 =	sld [smem:$0x3FFE];
	_ =	sdelay $0x1  }
0x8a: {  	s1 =	srdreg.scid  }
0x8b: {  	s0 =	sand.u32 $0x1, s1  }
0x8c: {  	s17 =	sshll.u32 s0, $0xA;
	s2 =	sadd.s32 s3, s2  }
0x8d: {  	s2 =	sadd.s32 s2, s17  }
0x8e: {  	[smem:$0x3FAD] =	sst s2  }
0x8f: {  	_ = 	snop  }
0x90: {  	s2 =	sld [smem:$0x3FD0];
	(tm) =	ssettm $0x1  }
0x91: {  	s18 =	sld [smem:$0x3FFB];
	_ =	sdelay $0x3  }
0x92: {  	_ =	strace s18  }
0x93: {  	s3 =	sld [smem:$0x3FFC];
	_ =	sdelay $0x3  }
0x94: {  	_ =	strace s3  }
0x95: {  	s3 =	sld [smem:$0x3FFD];
	_ =	sdelay $0x3  }
0x96: {  	_ =	strace s3  }
0x97: {  	_ =	strace $0x8FFFFFFF  }
0x98: {  	s19 =	sld [smem:$0x3FDB];
	_ =	sdelay $0x1  }
0x99: {  	s4 =	simm.s32 $_scs_section_size  }
0x9a: {  	s5 =	simm.s32 $_size__tile_overlayer_lowered;
	s6 =	simm.s32 $_tile_overlayer_lowered  }
0x9b: {  	s22 =	simm.s32 $0x1BFF;
	s21 =	sshll.u32 s6, $0x1;
	s3 =	sadd.s32 s4, s19  }
0x9c: {  	s7 =	simm.s32 $0x0;
	s20 =	sshll.u32 s5, $0x1;
	s5 =	sadd.s32 s21, s3  }
0x9d: {  	[timem:s7], [sflag:s22] =	dma.local [hbm:s5], s20  }
0x9e: {  	_ =	swait.ge [sflag:s22], s20  }
0x9f: {  	s4 =	ssub.s32 $0x0, s20;
	[sflag:s22] =	ssyncset.done $0x0  }
0xa0: {  	[sflag:s22] =	ssyncadd.s32 s4;
	_ =	sdelay $0x1  }
0xa1: {  	s23 =	simm.s32 $0x1B8B  }
0xa2: {  	_ =	swait.ge [sflag:s23], $0x1  }
0xa3: {  	[sflag:s23] =	ssyncset.done $0x0  }
0xa4: {  	s25 =	simm.s32 $0x1B8E;
	s24 =	sld [smem:$0x3FFE];
	[sflag:s23] =	ssyncadd.s32 $0xFFFFFFFF  }
0xa5: {  	s26 =	simm.s32 $execute0_lowered;
	[smem:$0x3FD2] =	sst s25  }
0xa6: {  	s5 =	sshll.u32 s26, $0x1;
	_ =	strace $0x80000046;
	[dreg:$0x1] =	wrdreg $0xFFFFFFFF  }
0xa7: {  	s28 =	simm.s32 $_size_execute0_lowered;
	s3 =	sadd.s32 s3, s5;
	[dreg:$0x0] =	wrdreg $0x0  }
0xa8: {  	s5 =	sshll.u32 s28, $0x1;
	[dreg:$0x2] =	wrdreg s3  }
0xa9: {  	[dreg:$0x3] =	wrdreg s5  }
0xaa: {  	[dreg:$0x4] =	wrdreg $0xC0  }
0xab: {  	_ =	task [dreg:s7], $0x5FFFF  }
0xac: {  	[dreg:$0x1] =	wrdreg $0xFFFFFFFF  }
0xad: {  	[dreg:$0x0] =	wrdreg $0x60  }
0xae: {  	[dreg:$0x2] =	wrdreg s24  }
0xaf: {  	[dreg:$0x3] =	wrdreg s2  }
0xb0: {  	[dreg:$0x4] =	wrdreg $0x0  }
0xb1: {  	[dreg:$0x5] =	wrdreg $0x9  }
0xb2: {  	_ =	task.clear_ibuf [dreg:s7], $0x6FFFF;
	_ =	strace $0x90000046  }
0xb3: {  	s29 =	simm.s32 $0x9;
	_ =	strace $0x80000048  }
0xb4: {  	_ =	swait.ge [sflag:s29], $0x1  }
0xb5: {  	[sflag:s29] =	ssyncadd.s32 $0xFFFFFFFF  }
0xb6: {  	_ =	strace $0x90000048  }
0xb7: {  	_ =	sfence  }
0xb8: {  	s30 =	sld [smem:$0x0];
	_ =	sdelay $0x2  }
0xb9: {  	s31 =	sshll.u32 s1, $0xD;
	s1 =	sshrl.u32 s1, $0x2  }
0xba: {  	s3 =	sand.u32 $0x4000, s31;
	s1 =	sadd.s32 s1, s30  }
0xbb: {  	s0 =	sor.u32 s3, s0;
	s1 =	sshll.u32 s1, $0x11  }
0xbc: {  	s0 =	sor.u32 s1, s0  }
0xbd: {  	s0 =	sadd.s32 $0x8F2B, s0  }
0xbe: {  	[sflag:s0] =	ssyncadd.remote.s32 $0x1  }
0xbf: {  	_ =	sfence.sel $0xFFFF  }
0xc0: {  	[dreg:$0x0] =	wrdreg $0xFFFFFFFF;
	(pc) =	sbr.abs _section_cstart, $3  }
0xc1: {  	[dreg:$0x1] =	wrdreg $0xFFFFFFFF  }
0xc2: {  	_ =	task.clear_ibuf [dreg:s7], $0x2FFFF;
	_ =	strace $0x9FFFFFFF  }
0xc3: {  	(tm) =	ssettm $0x7FFFFFFF  }
tec
execute0_lowered:
.L_overlay_start_1:
0x0: {  	(tag) =	ssettag $0x1  }
0x1: {  	s5 =	rddreg [dreg:$0x0]  }
0x2: {  	s2 =	rddreg [dreg:$0x1]  }
0x3: {  	s3 =	rddreg [dreg:$0x2];
	s1 =	stileid.u32  }
0x4: {  	s0 =	rddreg [dreg:$0x3];
	s4 =	simm.s32 $0x0;
	s6 =	smul.u32 $0x9E0, s1  }
0x5: {  	s7 =	srdreg.scid;
	s13 =	simm.s32 $0x80;
	s14 =	smul.u32 $0x2780, s1  }
0x6: {  	[smem:$0x7FF] =	sst s4;
	s7 =	sand.u32 $0x1, s7;
	s10 =	smul.u32 $0x4F000, s1  }
0x7: {  	s30 =	sshll.u32 s1, $0x6;
	_ =	strace $0x80000047;
	s8 =	smul.u32 $0x27800, s7  }
0x8: {  	s26 =	ssub.s32 $0x2, s7;
	s7 =	smul.u32 $0x4F0, s7;
	s9 =	sadd.s32 s6, s5  }
0x9: {  	s11 =	sadd.s32 s14, s5;
	s28 =	sshrl.u32 s26, $0x1;
	s29 =	sshrl.u32 s10, $0x2  }
0xa: {  	s6 =	sor.u32 $0x1C01, s30;
	s8 =	sadd.s32 s8, s5;
	s12 =	ssub.s32 s26, s28  }
0xb: {  	s10 =	sadd.s32 s29, s3;
	s5 =	sadd.s32 $0xF400, s11;
	s31 =	sadd.s32 s7, s9  }
0xc: {  	s11 =	simm.s32 $0x13C80;
	s15 =	sadd.s32 $0x36C00, s8;
	s7 =	smax.u32 s12, $0x1  }
0xd: {  	s8 =	sadd.s32 $0x5600, s31;
	s9 =	sshrl.u32 s10, $0x3;
	s10 =	simm.s32 $0x1  }
0xe: {  	s12 =	simm.s32 $0x13C00;
	s14 =	sadd.s32 s14, s15;
	s15 =	simm.s32 $0x0  }
.LBB2_1:
0xf: {  	[spmem:s9], [sflag:s6] =	dma.local [hbm:s5], $0x2780  }
0x10: {  	_ =	swait.ge [sflag:s10], $0x2780  }
0x11: {  	[sflag:s10] =	ssyncset.done $0x0  }
0x12: {  	[sflag:s10] =	ssyncadd.s32 $0xFFFFD880  }
0x13: {  	[tilespmem:s11], [sflag:$0x1] =	stream.linear.gather [hbm4b:s2+s4], $0x4000, $0x38;
	[tilespmem:$0x17C80] =	vst v63  }
0x14: {  	_ =	swait.ge [sflag:s10], $0x4000  }
0x15: {  	[sflag:s10] =	ssyncset.done $0x0  }
0x16: {  	[sflag:s10] =	ssyncadd.s32 $0xFFFFC000  }
0x17: {  	s16 =	sadd.s32 $0x0, s8;
	[bflag:$0x0] =	sbarrier.arrive $0xFFFF  }
0x18: {  	[tilespmem:s12], [sflag:$0x1] =	stream.linear.gather [hbm4b:s16+s4], $0x80, $0x38;
	[tilespmem:$0x17C80] =	vst v63  }
0x19: {  	_ =	swait.ge [sflag:s10], $0x80  }
0x1a: {  	[sflag:s10] =	ssyncset.done $0x0  }
0x1b: {  	[sflag:s10] =	ssyncadd.s32 $0xFFFFFF80  }
0x1c: {  	[spmem:s3] =	stream.indirect.scatter.add.f32 [tilespmem:s11], [sflag:$0x1], $0x80, s12, s13, $0xb8;
	[tilespmem:$0x17C80] =	vst v63  }
0x1d: {  	_ =	swait.ge [sflag:s10], $0x4000  }
0x1e: {  	s17 =	simm.s32 $0x20;
	s16 =	simm.s32 $0x10;
	[sflag:s10] =	ssyncset.done $0x0  }
.LBB2_2:
0x1f: {  	s18 =	sadd.s32 s16, s8  }
0x20: {  	[sflag:s10] =	ssyncadd.s32 $0xFFFFC000;
	s16 =	smov.u32 s17;
	s19 =	sadd.s32 $0x10, s17  }
0x21: {  	[tilespmem:s12], [sflag:$0x1] =	stream.linear.gather [hbm4b:s18+s4], $0x80, $0x38;
	[tilespmem:$0x17C80] =	vst v63  }
0x22: {  	p0 =	sne.s32 s17, $0x4E0;
	_ =	swait.ge [sflag:s10], $0x80  }
.Ltmp0:
0x23: {  	[sflag:s10] =	ssyncset.done $0x0;
	(pc) =	sbr.rel @p0 .LBB2_2-.Ltmp0, $4  }
0x24: {  	[sflag:s10] =	ssyncadd.s32 $0xFFFFFF80  }
0x25: {  	[spmem:s3] =	stream.indirect.scatter.add.f32 [tilespmem:s11], [sflag:$0x1], $0x80, s12, s13, $0xb8;
	[tilespmem:$0x17C80] =	vst v63  }
0x26: {  	_ =	swait.ge [sflag:s10], $0x4000  }
0x27: {  	s17 =	smov.u32 s19;
	[sflag:s10] =	ssyncset.done $0x0  }
0x28: {  	s16 =	sadd.s32 s16, s8;
	[sflag:s10] =	ssyncadd.s32 $0xFFFFC000  }
0x29: {  	[tilespmem:s12], [sflag:$0x1] =	stream.linear.gather [hbm4b:s16+s4], $0x80, $0x38;
	[tilespmem:$0x17C80] =	vst v63  }
0x2a: {  	_ =	swait.ge [sflag:s10], $0x80  }
0x2b: {  	[sflag:s10] =	ssyncset.done $0x0  }
0x2c: {  	[sflag:s10] =	ssyncadd.s32 $0xFFFFFF80  }
0x2d: {  	[spmem:s3] =	stream.indirect.scatter.add.f32 [tilespmem:s11], [sflag:$0x1], $0x80, s12, s13, $0xb8;
	[tilespmem:$0x17C80] =	vst v63  }
0x2e: {  	_ =	swait.ge [sflag:s10], $0x4000  }
0x2f: {  	s15 =	sadd.s32 $0x1, s15;
	[sflag:s10] =	ssyncset.done $0x0  }
0x30: {  	p0 =	sne.s32 s15, s7;
	[sflag:s10] =	ssyncadd.s32 $0xFFFFC000  }
.Ltmp1:
0x31: {  	[bflag:$0x0] =	sbarrier.arrive $0xFFFF;
	(pc) =	sbr.rel @p0 .LBB2_1-.Ltmp1, $4  }
0x32: {  	[hbm:s14], [sflag:s6] =	dma.local [spmem:s9], $0x2780  }
0x33: {  	_ =	swait.ge [sflag:s10], $0x2780  }
0x34: {  	[sflag:s10] =	ssyncset.done $0x0  }
0x35: {  	[sflag:s10] =	ssyncadd.s32 $0xFFFFD880  }
0x36: {  	_ =	sfence.sel $0x180000  }
0x37: {  	[bflag:$0x0] =	sbarrier.arrive $0xFFFF  }
0x38: {  	p0 =	sne.s32 s1, $0x0;
	_ =	strace $0x90000047  }
0x39: {  	s0 =	sadd.s32 @!p0 $0x100000, s0;
	[bflag:$0x2] =	sbarrier.arrive $0xFFFF  }
0x3a: {  	[sflag:s0] =	ssyncadd.tile.s32 @!p0 $0x1;
	_ =	shalt  }
.Lfunc_end2:
_tile_overlayer_lowered:
.L_overlay_start_2:
0x3b: {  	(tag) =	ssettag $0x2  }
0x3c: {  	s0 =	rddreg [dreg:$0x0];
	s2 =	stileid.u32  }
0x3d: {  	s1 =	rddreg [dreg:$0x1];
	p0 =	sne.s32 s2, $0x0  }
0x3e: {  	s3 =	rddreg [dreg:$0x2];
	[bflag:$0x3] =	sbarrier.arrive $0xFFFF;
	s2 =	simm.s32 @!p0 $0x1C01  }
0x3f: {  	[timem:s3], [sflag:s2] =	dma.local @!p0 [hbm:s0], s1  }
0x40: {  	s0 =	simm.s32 @!p0 $0x1  }
0x41: {  	_ =	swait.ge @!p0 [sflag:s0], s1  }
0x42: {  	s1 =	ssub.s32 @!p0 $0x0, s1;
	[sflag:s0] =	ssyncset.done @!p0 $0x0  }
0x43: {  	[sflag:s0] =	ssyncadd.s32 @!p0 s1  }
0x44: {  	[bflag:$0x3] =	sbarrier.arrive $0xFFFF  }
0x45: {  	_ =	shalt  }

// kernel: kernel.17.cloned.1.call-start
scs
__scs_entry_jumppad:
0x0: {  	(pc) =	sbr.rel $0x88, $3  }
0x1: {  	(tag) =	ssettag $0x0;
	lr =	simm.s32 $0x1  }
0x2: {  	[smem:$0x3F86] =	sst lr;
	_ =	strace $0xD0000000  }
0x3: {  	_ = 	snop  }
0x4: {  	_ = 	snop  }
0x5: {  	_ = 	snop  }
0x6: {  	_ = 	snop  }
0x7: {  	_ = 	snop  }
__scs_overlays_trampoline_lowered:
0x8: {  	[smem:$0x3F95] =	sst s0  }
0x9: {  	[smem:$0x3F96] =	sst s1  }
0xa: {  	[smem:$0x3F97] =	sst s2  }
0xb: {  	[smem:$0x3F98] =	sst s3  }
0xc: {  	[smem:$0x3F99] =	sst s4  }
0xd: {  	[smem:$0x3F9A] =	sst s5  }
0xe: {  	[smem:$0x3F9B] =	sst s6  }
0xf: {  	[smem:$0x3F9C] =	sst s7  }
0x10: {  	[smem:$0x3F9D] =	sst s8  }
0x11: {  	[smem:$0x3F9E] =	sst s9;
	s0 =	simm.s32 @!p0 $0x0  }
0x12: {  	s1 =	sld [smem:$0x3F84];
	s0 =	simm.s32 @p0 $0x1  }
0x13: {  	[smem:$0x3F9F] =	sst s0;
	s0 =	simm.s32 @!p1 $0x0  }
0x14: {  	s2 =	sld [smem:$0x3F83];
	s0 =	simm.s32 @p1 $0x1  }
0x15: {  	[smem:$0x3FA0] =	sst s0;
	s0 =	simm.s32 @!p2 $0x0  }
0x16: {  	s3 =	sld [smem:$0x3FDB];
	s0 =	simm.s32 @p2 $0x1  }
0x17: {  	s4 =	simm.s32 $0x1BF5;
	[smem:$0x3FA2] =	sst s0  }
0x18: {  	s0 =	sld [smem:$0x3F85];
	_ =	swait.ge [sflag:s4], $0x0  }
0x19: {  	s7 =	sld [smem:$0x3F86]  }
0x1a: {  	s8 =	sadd.s32 $0xFFFFE003, lr  }
0x1b: {  	s9 =	sadd.s32 $0xFFFFFEF7, lr;
	s5 =	simm.s32 $0xFFFFFFFF;
	p2 =	slt.u32 s8, $0xFFFFF086  }
0x1c: {  	p1 =	slt.u32 s9, $0xF7A;
	s5 =	simm.s32 @!p2 $0x0  }
0x1d: {  	s5 =	simm.s32 @p1 $0x1;
	p0 =	seq.s32 s7, s2  }
0x1e: {  	s7 =	smul.u32 @!p0 $0xF7A, s2;
	p2 =	seq.s32 @!p0 s5, $0x0  }
0x1f: {  	s9 =	smul.u32 $0xF7A, s1;
	s8 =	simm.s32 @!p0 $0x1BF5;
	p2 =	por !p2, p0  }
0x20: {  	[sflag:s8] =	ssyncset.s32 @!p0 $0xFFFFF086;
	s6 =	sadd.s32 @!p0 s3, s7;
	s7 =	simm.s32 @!p0 $0x108  }
0x21: {  	s3 =	sadd.s32 s3, s9;
	s6 =	sadd.s32 @!p0 $0x88, s6;
	s7 =	simm.s32 @p2 $0x1082  }
0x22: {  	[simem:s7], [sflag:s8] =	dma.local @!p0 [hbm:s6], $0xF7A  }
0x23: {  	s9 =	sor.u32 $0xD0000000, s2;
	s6 =	simm.s32 $0x108;
	_ =	swait.ge @!p0 [sflag:s8], $0x0  }
0x24: {  	s3 =	sadd.s32 $0x88, s3;
	s6 =	simm.s32 @!p1 $0x1082;
	[sflag:s4] =	ssyncset.s32 $0xFFFFF086  }
0x25: {  	[simem:s6], [sflag:s4] =	dma.local [hbm:s3], $0xF7A  }
0x26: {  	[smem:$0x3F86] =	sst s1;
	(tag) =	ssettag s2;
	_ =	strace s9  }
0x27: {  	s1 =	sld [smem:$0x3F96]  }
0x28: {  	s2 =	sld [smem:$0x3F97]  }
0x29: {  	s4 =	sld [smem:$0x3F99]  }
0x2a: {  	p0 =	seq.s32 s5, $0x0;
	s5 =	sld [smem:$0x3F9A]  }
0x2b: {  	s6 =	sld [smem:$0x3F9B]  }
0x2c: {  	s7 =	sld [smem:$0x3F9C]  }
0x2d: {  	s3 =	simm.s32 $0x108;
	s8 =	sld [smem:$0x3F9D]  }
0x2e: {  	s3 =	simm.s32 @!p0 $0x1082;
	s9 =	sld [smem:$0x3F9E]  }
0x2f: {  	lr =	sadd.s32 s0, s3;
	s0 =	sld [smem:$0x3F95]  }
0x30: {  	s3 =	sld [smem:$0x3F98]  }
0x31: {  	[smem:$0x3FA1] =	sst s10  }
0x32: {  	s10 =	sld [smem:$0x3F9F];
	_ =	sdelay $0x3  }
0x33: {  	p0 =	seq.s32 s10, $0x1;
	s10 =	sld [smem:$0x3FA1];
	_ =	sdelay $0x3  }
0x34: {  	[smem:$0x3FA1] =	sst s10  }
0x35: {  	s10 =	sld [smem:$0x3FA0];
	_ =	sdelay $0x3  }
0x36: {  	p1 =	seq.s32 s10, $0x1;
	s10 =	sld [smem:$0x3FA1];
	_ =	sdelay $0x3  }
0x37: {  	[smem:$0x3FA1] =	sst s10  }
0x38: {  	s10 =	sld [smem:$0x3FA2]  }
0x39: {  	_ = 	snop;
	(pc) =	sbr.ind lr, $3  }
0x3a: {  	_ = 	snop  }
0x3b: {  	_ = 	snop  }
0x3c: {  	p2 =	seq.s32 s10, $0x1;
	s10 =	sld [smem:$0x3FA1]  }
0x3d: {  	_ =	shalt  }
0x3e: {  	_ =	shalt  }
0x3f: {  	_ =	shalt  }
0x40: {  	_ =	shalt  }
0x41: {  	_ =	shalt  }
0x42: {  	_ =	shalt  }
0x43: {  	_ =	shalt  }
0x44: {  	_ =	shalt  }
0x45: {  	_ =	shalt  }
0x46: {  	_ =	shalt  }
0x47: {  	_ =	shalt  }
0x48: {  	_ =	shalt  }
0x49: {  	_ =	shalt  }
0x4a: {  	_ =	shalt  }
0x4b: {  	_ =	shalt  }
0x4c: {  	_ =	shalt  }
0x4d: {  	_ =	shalt  }
0x4e: {  	_ =	shalt  }
0x4f: {  	_ =	shalt  }
0x50: {  	_ =	shalt  }
0x51: {  	_ =	shalt  }
0x52: {  	_ =	shalt  }
0x53: {  	_ =	shalt  }
0x54: {  	_ =	shalt  }
0x55: {  	_ =	shalt  }
0x56: {  	_ =	shalt  }
0x57: {  	_ =	shalt  }
0x58: {  	_ =	shalt  }
0x59: {  	_ =	shalt  }
0x5a: {  	_ =	shalt  }
0x5b: {  	_ =	shalt  }
0x5c: {  	_ =	shalt  }
0x5d: {  	_ =	shalt  }
0x5e: {  	_ =	shalt  }
0x5f: {  	_ =	shalt  }
0x60: {  	_ =	shalt  }
0x61: {  	_ =	shalt  }
0x62: {  	_ =	shalt  }
0x63: {  	_ =	shalt  }
0x64: {  	_ =	shalt  }
0x65: {  	_ =	shalt  }
0x66: {  	_ =	shalt  }
0x67: {  	_ =	shalt  }
0x68: {  	_ =	shalt  }
0x69: {  	_ =	shalt  }
0x6a: {  	_ =	shalt  }
0x6b: {  	_ =	shalt  }
0x6c: {  	_ =	shalt  }
0x6d: {  	_ =	shalt  }
0x6e: {  	_ =	shalt  }
0x6f: {  	_ =	shalt  }
0x70: {  	_ =	shalt  }
0x71: {  	_ =	shalt  }
0x72: {  	_ =	shalt  }
0x73: {  	_ =	shalt  }
0x74: {  	_ =	shalt  }
0x75: {  	_ =	shalt  }
0x76: {  	_ =	shalt  }
0x77: {  	_ =	shalt  }
0x78: {  	_ =	shalt  }
0x79: {  	_ =	shalt  }
0x7a: {  	_ =	shalt  }
0x7b: {  	_ =	shalt  }
0x7c: {  	_ =	shalt  }
0x7d: {  	_ =	shalt  }
0x7e: {  	_ =	shalt  }
0x7f: {  	_ =	shalt  }
0x80: {  	_ =	shalt  }
0x81: {  	_ =	shalt  }
0x82: {  	_ =	shalt  }
0x83: {  	_ =	shalt  }
0x84: {  	_ =	shalt  }
0x85: {  	_ =	shalt  }
0x86: {  	_ =	shalt  }
0x87: {  	_ =	shalt  }
.Lfunc_end0:
.L_simem_size_0:
called_computation.1_lowered:
.L_overlay_start_0:
0x88: {  	s2 =	sld [smem:$0x3FD9]  }
0x89: {  	s3 =	sld [smem:$0x3FFE];
	_ =	sdelay $0x1  }
0x8a: {  	s1 =	srdreg.scid  }
0x8b: {  	s0 =	sand.u32 $0x1, s1  }
0x8c: {  	s16 =	sshll.u32 s0, $0xA;
	s2 =	sadd.s32 s3, s2  }
0x8d: {  	s2 =	sadd.s32 s2, s16  }
0x8e: {  	[smem:$0x3FAD] =	sst s2  }
0x8f: {  	_ = 	snop  }
0x90: {  	(tm) =	ssettm $0x1  }
0x91: {  	s17 =	sld [smem:$0x3FFB];
	_ =	sdelay $0x3  }
0x92: {  	_ =	strace s17  }
0x93: {  	s2 =	sld [smem:$0x3FFC];
	_ =	sdelay $0x3  }
0x94: {  	_ =	strace s2  }
0x95: {  	s2 =	sld [smem:$0x3FFD];
	_ =	sdelay $0x3  }
0x96: {  	_ =	strace s2  }
0x97: {  	_ =	strace $0x8FFFFFFF  }
0x98: {  	s18 =	sld [smem:$0x3FDB];
	_ =	sdelay $0x1  }
0x99: {  	s19 =	simm.s32 $_scs_section_size  }
0x9a: {  	s4 =	simm.s32 $_size__tile_overlayer_lowered;
	s5 =	simm.s32 $_tile_overlayer_lowered  }
0x9b: {  	s22 =	simm.s32 $0x1BFF;
	s21 =	sshll.u32 s5, $0x1;
	s2 =	sadd.s32 s19, s18  }
0x9c: {  	s6 =	simm.s32 $0x0;
	s20 =	sshll.u32 s4, $0x1;
	s4 =	sadd.s32 s21, s2  }
0x9d: {  	[timem:s6], [sflag:s22] =	dma.local [hbm:s4], s20  }
0x9e: {  	_ =	swait.ge [sflag:s22], s20  }
0x9f: {  	s3 =	ssub.s32 $0x0, s20;
	[sflag:s22] =	ssyncset.done $0x0  }
0xa0: {  	[sflag:s22] =	ssyncadd.s32 s3;
	_ =	sdelay $0x1  }
0xa1: {  	s23 =	simm.s32 $0x1B8B  }
0xa2: {  	_ =	swait.ge [sflag:s23], $0x1  }
0xa3: {  	[sflag:s23] =	ssyncset.done $0x0  }
0xa4: {  	s25 =	simm.s32 $0x1B8E;
	s24 =	sld [smem:$0x3FFE];
	[sflag:s23] =	ssyncadd.s32 $0xFFFFFFFF  }
0xa5: {  	s26 =	simm.s32 $execute0_lowered;
	[smem:$0x3FD2] =	sst s25  }
0xa6: {  	s4 =	sshll.u32 s26, $0x1;
	_ =	strace $0x80000049;
	[dreg:$0x1] =	wrdreg $0xFFFFFFFF  }
0xa7: {  	s28 =	simm.s32 $_size_execute0_lowered;
	s2 =	sadd.s32 s2, s4;
	[dreg:$0x0] =	wrdreg $0x0  }
0xa8: {  	s4 =	sshll.u32 s28, $0x1;
	[dreg:$0x2] =	wrdreg s2  }
0xa9: {  	[dreg:$0x3] =	wrdreg s4  }
0xaa: {  	[dreg:$0x4] =	wrdreg $0xC0  }
0xab: {  	_ =	task [dreg:s6], $0x5FFFF  }
0xac: {  	[dreg:$0x1] =	wrdreg $0xFFFFFFFF  }
0xad: {  	[dreg:$0x0] =	wrdreg $0x60  }
0xae: {  	[dreg:$0x2] =	wrdreg s24  }
0xaf: {  	[dreg:$0x3] =	wrdreg $0x0  }
0xb0: {  	[dreg:$0x4] =	wrdreg $0x9  }
0xb1: {  	_ =	task.clear_ibuf [dreg:s6], $0x5FFFF;
	_ =	strace $0x90000049  }
0xb2: {  	s29 =	simm.s32 $0x9;
	_ =	strace $0x8000004B  }
0xb3: {  	_ =	swait.ge [sflag:s29], $0x1  }
0xb4: {  	[sflag:s29] =	ssyncadd.s32 $0xFFFFFFFF  }
0xb5: {  	_ =	strace $0x9000004B  }
0xb6: {  	_ =	sfence  }
0xb7: {  	s30 =	sld [smem:$0x0];
	_ =	sdelay $0x2  }
0xb8: {  	s31 =	sshll.u32 s1, $0xD;
	s1 =	sshrl.u32 s1, $0x2  }
0xb9: {  	s3 =	sand.u32 $0x4000, s31;
	s1 =	sadd.s32 s1, s30  }
0xba: {  	s0 =	sor.u32 s3, s0;
	s1 =	sshll.u32 s1, $0x11  }
0xbb: {  	s0 =	sor.u32 s1, s0  }
0xbc: {  	s0 =	sadd.s32 $0x8F2B, s0  }
0xbd: {  	[sflag:s0] =	ssyncadd.remote.s32 $0x1  }
0xbe: {  	_ =	sfence.sel $0xFFFF  }
0xbf: {  	[dreg:$0x0] =	wrdreg $0xFFFFFFFF;
	(pc) =	sbr.abs _section_cstart, $3  }
0xc0: {  	[dreg:$0x1] =	wrdreg $0xFFFFFFFF  }
0xc1: {  	_ =	task.clear_ibuf [dreg:s6], $0x2FFFF;
	_ =	strace $0x9FFFFFFF  }
0xc2: {  	(tm) =	ssettm $0x7FFFFFFF  }
0xc3: {  	_ =	shalt  }
tec
execute0_lowered:
.L_overlay_start_1:
0x0: {  	(tag) =	ssettag $0x1  }
0x1: {  	s0 =	rddreg [dreg:$0x0]  }
0x2: {  	s1 =	rddreg [dreg:$0x1]  }
0x3: {  	s3 =	simm.s32 $0x0;
	s17 =	stileid.u32;
	s2 =	srdreg.scid  }
0x4: {  	s28 =	simm.s32 $0x80;
	s29 =	simm.s32 $0x13E00;
	s10 =	smul.u32 $0x2780, s17  }
0x5: {  	s30 =	simm.s32 $0x13D00;
	s31 =	simm.s32 $0x13D80;
	s11 =	smul.u32 $0x4F000, s17  }
0x6: {  	[smem:$0x7FF] =	sst s3;
	s4 =	sadd.s32 $0x36C00, s0;
	s12 =	smul.u32 $0x3880, s17  }
0x7: {  	s2 =	sand.u32 $0x1, s2;
	s5 =	sadd.s32 $0x85C00, s0;
	s26 =	smul.u32 $0x1680, s17  }
0x8: {  	s6 =	sadd.s32 $0x5600, s0;
	s15 =	sshll.u32 s17, $0x6;
	s23 =	smul.u32 $0x710, s17  }
0x9: {  	_ =	strace $0x8000004A;
	s7 =	smul.u32 $0x27800, s2;
	s9 =	ssub.s32 $0x2, s2  }
0xa: {  	p0 =	seq.s32 s2, $0x1;
	s8 =	sadd.s32 s10, s0;
	s24 =	sshrl.u32 s9, $0x1  }
0xb: {  	s25 =	sshrl.u32 s11, $0x2;
	s14 =	sshrl.u32 s12, $0x3;
	s20 =	sadd.s32 $0x3800, s12  }
0xc: {  	s22 =	sadd.s32 $0x39E00, s26;
	s11 =	simm.s32 $0x0;
	s0 =	sadd.s32 s7, s0  }
0xd: {  	s13 =	ssub.s32 s9, s24;
	s7 =	sadd.s32 s25, s1;
	[dreg:$0x6] =	wrdreg s20  }
0xe: {  	s8 =	sadd.s32 $0xF400, s8;
	s9 =	sor.u32 $0x1C03, s15;
	[dreg:$0x9] =	wrdreg s22  }
0xf: {  	s15 =	sshrl.u32 s26, $0x3;
	s16 =	sadd.s32 s5, s14;
	[dreg:$0x3] =	wrdreg s7  }
0x10: {  	s19 =	sadd.s32 s6, s14;
	s24 =	smul.u32 $0x2D0, s17;
	[dreg:$0x4] =	wrdreg s16  }
0x11: {  	s25 =	sadd.s32 $0x3780, s12;
	s26 =	sadd.s32 $0x39D80, s26;
	[dreg:$0x5] =	wrdreg s19  }
0x12: {  	s20 =	sadd.s32 s23, s5;
	s18 =	sadd.s32 $0x7100, s15;
	[dreg:$0xa] =	wrdreg s25  }
0x13: {  	s0 =	sadd.s32 $0x8FA00, s0;
	s16 =	smax.u32 s13, $0x1;
	[dreg:$0xb] =	wrdreg s26  }
.Ltmp0:
0x14: {  	s19 =	sadd.s32 s23, s6;
	s23 =	simm.s32 $0x3;
	(pc) =	sbr.rel .LBB2_1-.Ltmp0, $4  }
0x15: {  	s25 =	simm.s32 $0x13C00;
	s26 =	simm.s32 $0x13C80;
	s21 =	sadd.s32 s5, s18  }
0x16: {  	s2 =	sadd.s32 s6, s18;
	s22 =	sadd.s32 s24, s5;
	[dreg:$0x7] =	wrdreg s21  }
0x17: {  	[dreg:$0x8] =	wrdreg s2;
	s21 =	sadd.s32 s24, s6;
	s24 =	sadd.s32 s10, s0  }
0x18: {  	s0 =	simm.s32 $0x17E00;
	s2 =	simm.s32 $0x1;
	s10 =	simm.s32 $0x2  }
.LBB2_7:
0x19: {  	s7 =	sadd.s32 $0x73B0, s15;
	[sflag:s23] =	ssyncadd.s32 $0xFFFFC000  }
0x1a: {  	[tilespmem:s30], [sflag:$0x3] =	stream.linear.gather [hbm4b:s7+s3], $0x80, $0x38;
	[tilespmem:$0x1BE00] =	vst v63  }
0x1b: {  	_ =	swait.ge [sflag:s23], $0x80  }
0x1c: {  	s17 =	sadd.s32 s14, s21;
	[sflag:s23] =	ssyncset.done $0x0  }
0x1d: {  	s12 =	sadd.s32 $0x73B0, s17;
	[sflag:s23] =	ssyncadd.s32 $0xFFFFFF80  }
0x1e: {  	[tilespmem:s31], [sflag:$0x3] =	stream.linear.gather [hbm4b:s12+s3], $0x80, $0x38;
	[tilespmem:$0x1BE00] =	vst v63  }
0x1f: {  	_ =	swait.ge [sflag:s23], $0x80  }
0x20: {  	[sflag:s23] =	ssyncset.done $0x0  }
0x21: {  	[sflag:s23] =	ssyncadd.s32 $0xFFFFFF80  }
0x22: {  	[tilespmem:s0], [sflag:$0x2] =	stream.indirect.gather [hbm4b:s4+s28], $0x80, s30, s28, $0xb8;
	[tilespmem:$0x1BE00] =	vst v63  }
0x23: {  	_ =	swait.ge [sflag:s2], $0x4000  }
0x24: {  	[sflag:s2] =	ssyncset.done $0x0  }
0x25: {  	[sflag:s2] =	ssyncadd.s32 $0xFFFFC000  }
0x26: {  	[spmem:s1] =	stream.indirect.scatter.add.f32 [tilespmem:s29], [sflag:$0x3], $0x80, s26, s28, $0xb8;
	[tilespmem:$0x1BE00] =	vst v63  }
0x27: {  	_ =	swait.ge [sflag:s23], $0x4000  }
0x28: {  	[sflag:s23] =	ssyncset.done $0x0  }
0x29: {  	s18 =	sadd.s32 $0x73C0, s15;
	[sflag:s23] =	ssyncadd.s32 $0xFFFFC000  }
0x2a: {  	[tilespmem:s25], [sflag:$0x3] =	stream.linear.gather [hbm4b:s18+s3], $0x80, $0x38;
	[tilespmem:$0x1BE00] =	vst v63  }
0x2b: {  	_ =	swait.ge [sflag:s23], $0x80  }
0x2c: {  	[sflag:s23] =	ssyncset.done $0x0  }
0x2d: {  	s7 =	sadd.s32 $0x73C0, s17;
	[sflag:s23] =	ssyncadd.s32 $0xFFFFFF80  }
0x2e: {  	[tilespmem:s26], [sflag:$0x3] =	stream.linear.gather [hbm4b:s7+s3], $0x80, $0x38;
	[tilespmem:$0x1BE00] =	vst v63  }
0x2f: {  	_ =	swait.ge [sflag:s23], $0x80  }
0x30: {  	[sflag:s23] =	ssyncset.done $0x0  }
0x31: {  	[sflag:s23] =	ssyncadd.s32 $0xFFFFFF80  }
0x32: {  	[tilespmem:s29], [sflag:$0x1] =	stream.indirect.gather [hbm4b:s4+s28], $0x80, s25, s28, $0xb8;
	[tilespmem:$0x1BE00] =	vst v63  }
0x33: {  	_ =	swait.ge [sflag:s10], $0x4000  }
0x34: {  	[sflag:s10] =	ssyncset.done $0x0  }
0x35: {  	[sflag:s10] =	ssyncadd.s32 $0xFFFFC000  }
0x36: {  	[spmem:s1] =	stream.indirect.scatter.add.f32 [tilespmem:s0], [sflag:$0x3], $0x80, s31, s28, $0xb8;
	[tilespmem:$0x1BE00] =	vst v63  }
0x37: {  	_ =	swait.ge [sflag:s23], $0x4000  }
0x38: {  	[sflag:s23] =	ssyncset.done $0x0;
	s14 =	rddreg [dreg:$0xb]  }
0x39: {  	s12 =	rddreg [dreg:$0x9];
	[sflag:s23] =	ssyncadd.s32 $0xFFFFC000  }
.LBB2_8:
0x3a: {  	s7 =	sshrl.u32 s14, $0x3  }
0x3b: {  	s14 =	sadd.s32 s5, s7  }
0x3c: {  	[tilespmem:s30], [sflag:$0x3] =	stream.linear.gather [hbm4b:s14+s3], $0x80, $0x38;
	[tilespmem:$0x1BE00] =	vst v63  }
0x3d: {  	_ =	swait.ge [sflag:s23], $0x80  }
0x3e: {  	[sflag:s23] =	ssyncset.done $0x0  }
0x3f: {  	s7 =	sadd.s32 s6, s7;
	[sflag:s23] =	ssyncadd.s32 $0xFFFFFF80  }
0x40: {  	[tilespmem:s31], [sflag:$0x3] =	stream.linear.gather [hbm4b:s7+s3], $0x80, $0x38;
	[tilespmem:$0x1BE00] =	vst v63  }
0x41: {  	_ =	swait.ge [sflag:s23], $0x80  }
0x42: {  	[sflag:s23] =	ssyncset.done $0x0  }
0x43: {  	[sflag:s23] =	ssyncadd.s32 $0xFFFFFF80  }
0x44: {  	[tilespmem:s0], [sflag:$0x2] =	stream.indirect.gather [hbm4b:s4+s28], $0x80, s30, s28, $0xb8;
	[tilespmem:$0x1BE00] =	vst v63  }
0x45: {  	_ =	swait.ge [sflag:s2], $0x4000  }
0x46: {  	[sflag:s2] =	ssyncset.done $0x0  }
0x47: {  	[sflag:s2] =	ssyncadd.s32 $0xFFFFC000  }
0x48: {  	[spmem:s1] =	stream.indirect.scatter.add.f32 [tilespmem:s29], [sflag:$0x3], $0x80, s26, s28, $0xb8;
	[tilespmem:$0x1BE00] =	vst v63  }
0x49: {  	_ =	swait.ge [sflag:s23], $0x4000  }
0x4a: {  	[sflag:s23] =	ssyncset.done $0x0  }
0x4b: {  	[sflag:s23] =	ssyncadd.s32 $0xFFFFC000  }
0x4c: {  	_ =	swait.ge [sflag:s10], $0x4000  }
0x4d: {  	[sflag:s10] =	ssyncset.done $0x0  }
0x4e: {  	[sflag:s10] =	ssyncadd.s32 $0xFFFFC000  }
0x4f: {  	[spmem:s1] =	stream.indirect.scatter.add.f32 [tilespmem:s0], [sflag:$0x3], $0x80, s31, s28, $0xb8;
	[tilespmem:$0x1BE00] =	vst v63  }
0x50: {  	_ =	swait.ge [sflag:s23], $0x4000  }
0x51: {  	s18 =	sshrl.u32 s12, $0x3;
	[sflag:s23] =	ssyncset.done $0x0  }
0x52: {  	s12 =	sadd.s32 s5, s18;
	[sflag:s23] =	ssyncadd.s32 $0xFFFFC000  }
0x53: {  	[tilespmem:s30], [sflag:$0x3] =	stream.linear.gather [hbm4b:s12+s3], $0x80, $0x38;
	[tilespmem:$0x1BE00] =	vst v63  }
0x54: {  	_ =	swait.ge [sflag:s23], $0x80  }
0x55: {  	[sflag:s23] =	ssyncset.done $0x0  }
0x56: {  	s7 =	sadd.s32 s6, s18;
	[sflag:s23] =	ssyncadd.s32 $0xFFFFFF80  }
0x57: {  	[tilespmem:s31], [sflag:$0x3] =	stream.linear.gather [hbm4b:s7+s3], $0x80, $0x38;
	[tilespmem:$0x1BE00] =	vst v63  }
0x58: {  	_ =	swait.ge [sflag:s23], $0x80  }
0x59: {  	[sflag:s23] =	ssyncset.done $0x0  }
0x5a: {  	[sflag:s23] =	ssyncadd.s32 $0xFFFFFF80  }
0x5b: {  	[tilespmem:s0], [sflag:$0x2] =	stream.indirect.gather [hbm4b:s4+s28], $0x80, s30, s28, $0xb8;
	[tilespmem:$0x1BE00] =	vst v63  }
0x5c: {  	_ =	swait.ge [sflag:s10], $0x4000  }
0x5d: {  	[sflag:s10] =	ssyncset.done $0x0  }
0x5e: {  	[sflag:s10] =	ssyncadd.s32 $0xFFFFC000  }
0x5f: {  	[spmem:s1] =	stream.indirect.scatter.add.f32 [tilespmem:s0], [sflag:$0x3], $0x80, s31, s28, $0xb8;
	[tilespmem:$0x1BE00] =	vst v63  }
0x60: {  	_ =	swait.ge [sflag:s23], $0x4000  }
0x61: {  	s11 =	sadd.s32 $0x1, s11;
	[sflag:s23] =	ssyncset.done $0x0  }
0x62: {  	p1 =	sne.s32 s11, s16;
	[sflag:s23] =	ssyncadd.s32 $0xFFFFC000  }
.Ltmp1:
0x63: {  	[bflag:$0x0] =	sbarrier.arrive $0xFFFF;
	(pc) =	sbr.rel @!p1 .LBB2_9-.Ltmp1, $4  }
0x64: {  	[hbm:s24], [sflag:s9] =	dma.local [spmem:s13], $0x2780  }
0x65: {  	_ =	swait.ge [sflag:s23], $0x2780  }
0x66: {  	[sflag:s23] =	ssyncset.done $0x0  }
0x67: {  	[sflag:s23] =	ssyncadd.s32 $0xFFFFD880  }
.LBB2_1:
0x68: {  	s7 =	rddreg [dreg:$0x3]  }
0x69: {  	s13 =	sshrl.u32 s7, $0x3  }
0x6a: {  	[spmem:s13], [sflag:s9] =	dma.local [hbm:s8], $0x2780  }
.Ltmp2:
0x6b: {  	_ =	swait.ge [sflag:s23], $0x2780;
	(pc) =	sbr.rel @!p0 .LBB2_2-.Ltmp2, $3  }
0x6c: {  	[sflag:s23] =	ssyncset.done $0x0  }
0x6d: {  	[sflag:s23] =	ssyncadd.s32 $0xFFFFD880  }
0x6e: {  	[bflag:$0x0] =	sbarrier.arrive $0xFFFF;
	_ =	sdelay $0x1  }
0x6f: {  	s7 =	rddreg [dreg:$0x7]  }
0x70: {  	[tilespmem:s25], [sflag:$0x3] =	stream.linear.gather [hbm4b:s7+s3], $0x80, $0x38;
	[tilespmem:$0x1BE00] =	vst v63  }
0x71: {  	_ =	swait.ge [sflag:s23], $0x80  }
0x72: {  	[sflag:s23] =	ssyncset.done $0x0  }
0x73: {  	s14 =	rddreg [dreg:$0x8];
	[sflag:s23] =	ssyncadd.s32 $0xFFFFFF80  }
0x74: {  	[tilespmem:s26], [sflag:$0x3] =	stream.linear.gather [hbm4b:s14+s3], $0x80, $0x38;
	[tilespmem:$0x1BE00] =	vst v63  }
0x75: {  	_ =	swait.ge [sflag:s23], $0x80  }
0x76: {  	[sflag:s23] =	ssyncset.done $0x0  }
0x77: {  	s15 =	sadd.s32 $0xFFFFFD60, s22;
	[sflag:s23] =	ssyncadd.s32 $0xFFFFFF80  }
0x78: {  	[tilespmem:s29], [sflag:$0x1] =	stream.indirect.gather [hbm4b:s4+s28], $0x80, s25, s28, $0xb8;
	[tilespmem:$0x1BE00] =	vst v63  }
0x79: {  	s12 =	sadd.s32 $0x73B0, s15  }
0x7a: {  	[tilespmem:s30], [sflag:$0x3] =	stream.linear.gather [hbm4b:s12+s3], $0x80, $0x38;
	[tilespmem:$0x1BE00] =	vst v63  }
0x7b: {  	_ =	swait.ge [sflag:s23], $0x80  }
0x7c: {  	s17 =	sadd.s32 $0xFFFFFD60, s21;
	[sflag:s23] =	ssyncset.done $0x0  }
0x7d: {  	s14 =	sadd.s32 $0x73B0, s17;
	[sflag:s23] =	ssyncadd.s32 $0xFFFFFF80  }
0x7e: {  	[tilespmem:s31], [sflag:$0x3] =	stream.linear.gather [hbm4b:s14+s3], $0x80, $0x38;
	[tilespmem:$0x1BE00] =	vst v63  }
0x7f: {  	_ =	swait.ge [sflag:s23], $0x80  }
0x80: {  	[sflag:s23] =	ssyncset.done $0x0  }
0x81: {  	[sflag:s23] =	ssyncadd.s32 $0xFFFFFF80  }
0x82: {  	[tilespmem:s0], [sflag:$0x2] =	stream.indirect.gather [hbm4b:s4+s28], $0x80, s30, s28, $0xb8;
	[tilespmem:$0x1BE00] =	vst v63  }
0x83: {  	_ =	swait.ge [sflag:s2], $0x4000  }
0x84: {  	[sflag:s2] =	ssyncset.done $0x0  }
0x85: {  	[sflag:s2] =	ssyncadd.s32 $0xFFFFC000  }
0x86: {  	[spmem:s1] =	stream.indirect.scatter.add.f32 [tilespmem:s29], [sflag:$0x3], $0x80, s26, s28, $0xb8;
	[tilespmem:$0x1BE00] =	vst v63  }
0x87: {  	_ =	swait.ge [sflag:s23], $0x4000  }
0x88: {  	[sflag:s23] =	ssyncset.done $0x0  }
0x89: {  	s7 =	sadd.s32 $0x73C0, s15;
	[sflag:s23] =	ssyncadd.s32 $0xFFFFC000  }
0x8a: {  	[tilespmem:s25], [sflag:$0x3] =	stream.linear.gather [hbm4b:s7+s3], $0x80, $0x38;
	[tilespmem:$0x1BE00] =	vst v63  }
0x8b: {  	_ =	swait.ge [sflag:s23], $0x80  }
0x8c: {  	[sflag:s23] =	ssyncset.done $0x0  }
0x8d: {  	s18 =	sadd.s32 $0x73C0, s17;
	[sflag:s23] =	ssyncadd.s32 $0xFFFFFF80  }
0x8e: {  	[tilespmem:s26], [sflag:$0x3] =	stream.linear.gather [hbm4b:s18+s3], $0x80, $0x38;
	[tilespmem:$0x1BE00] =	vst v63  }
0x8f: {  	_ =	swait.ge [sflag:s23], $0x80  }
0x90: {  	[sflag:s23] =	ssyncset.done $0x0  }
0x91: {  	[sflag:s23] =	ssyncadd.s32 $0xFFFFFF80  }
0x92: {  	[tilespmem:s29], [sflag:$0x1] =	stream.indirect.gather [hbm4b:s4+s28], $0x80, s25, s28, $0xb8;
	[tilespmem:$0x1BE00] =	vst v63  }
0x93: {  	_ =	swait.ge [sflag:s10], $0x4000  }
0x94: {  	[sflag:s10] =	ssyncset.done $0x0  }
0x95: {  	[sflag:s10] =	ssyncadd.s32 $0xFFFFC000  }
0x96: {  	[spmem:s1] =	stream.indirect.scatter.add.f32 [tilespmem:s0], [sflag:$0x3], $0x80, s31, s28, $0xb8;
	[tilespmem:$0x1BE00] =	vst v63  }
0x97: {  	s15 =	sadd.s32 $0xFFFFFD80, s22;
	_ =	swait.ge [sflag:s23], $0x4000  }
0x98: {  	s17 =	simm.s32 $0xFFFFFDA0;
	s14 =	simm.s32 $0xFFFFFD80;
	[sflag:s23] =	ssyncset.done $0x0  }
.LBB2_6:
0x99: {  	s7 =	sadd.s32 $0x73B0, s15  }
0x9a: {  	[sflag:s23] =	ssyncadd.s32 $0xFFFFC000;
	s18 =	smov.u32 s17;
	s12 =	sadd.s32 $0x20, s17  }
0x9b: {  	[tilespmem:s30], [sflag:$0x3] =	stream.linear.gather [hbm4b:s7+s3], $0x80, $0x38;
	[tilespmem:$0x1BE00] =	vst v63  }
0x9c: {  	p1 =	sne.s32 s17, $0xFFFFFFE0;
	_ =	swait.ge [sflag:s23], $0x80  }
0x9d: {  	s7 =	sadd.s32 s14, s21;
	s14 =	smov.u32 s18;
	[sflag:s23] =	ssyncset.done $0x0  }
0x9e: {  	s17 =	sadd.s32 $0x73B0, s7;
	[sflag:s23] =	ssyncadd.s32 $0xFFFFFF80  }
0x9f: {  	[tilespmem:s31], [sflag:$0x3] =	stream.linear.gather [hbm4b:s17+s3], $0x80, $0x38;
	[tilespmem:$0x1BE00] =	vst v63  }
0xa0: {  	_ =	swait.ge [sflag:s23], $0x80  }
0xa1: {  	[sflag:s23] =	ssyncset.done $0x0  }
0xa2: {  	[sflag:s23] =	ssyncadd.s32 $0xFFFFFF80  }
0xa3: {  	[tilespmem:s0], [sflag:$0x2] =	stream.indirect.gather [hbm4b:s4+s28], $0x80, s30, s28, $0xb8;
	[tilespmem:$0x1BE00] =	vst v63  }
0xa4: {  	_ =	swait.ge [sflag:s2], $0x4000  }
0xa5: {  	[sflag:s2] =	ssyncset.done $0x0  }
0xa6: {  	[sflag:s2] =	ssyncadd.s32 $0xFFFFC000  }
0xa7: {  	[spmem:s1] =	stream.indirect.scatter.add.f32 [tilespmem:s29], [sflag:$0x3], $0x80, s26, s28, $0xb8;
	[tilespmem:$0x1BE00] =	vst v63  }
0xa8: {  	_ =	swait.ge [sflag:s23], $0x4000  }
0xa9: {  	[sflag:s23] =	ssyncset.done $0x0  }
0xaa: {  	s15 =	sadd.s32 $0x73C0, s15;
	[sflag:s23] =	ssyncadd.s32 $0xFFFFC000  }
0xab: {  	[tilespmem:s25], [sflag:$0x3] =	stream.linear.gather [hbm4b:s15+s3], $0x80, $0x38;
	[tilespmem:$0x1BE00] =	vst v63  }
0xac: {  	_ =	swait.ge [sflag:s23], $0x80  }
0xad: {  	[sflag:s23] =	ssyncset.done $0x0  }
0xae: {  	s7 =	sadd.s32 $0x73C0, s7;
	[sflag:s23] =	ssyncadd.s32 $0xFFFFFF80  }
0xaf: {  	[tilespmem:s26], [sflag:$0x3] =	stream.linear.gather [hbm4b:s7+s3], $0x80, $0x38;
	[tilespmem:$0x1BE00] =	vst v63  }
0xb0: {  	_ =	swait.ge [sflag:s23], $0x80  }
0xb1: {  	[sflag:s23] =	ssyncset.done $0x0  }
0xb2: {  	[sflag:s23] =	ssyncadd.s32 $0xFFFFFF80  }
0xb3: {  	[tilespmem:s29], [sflag:$0x1] =	stream.indirect.gather [hbm4b:s4+s28], $0x80, s25, s28, $0xb8;
	[tilespmem:$0x1BE00] =	vst v63  }
0xb4: {  	_ =	swait.ge [sflag:s10], $0x4000  }
.Ltmp3:
0xb5: {  	[sflag:s10] =	ssyncset.done $0x0;
	(pc) =	sbr.rel @p1 .LBB2_6-.Ltmp3, $4  }
0xb6: {  	[sflag:s10] =	ssyncadd.s32 $0xFFFFC000  }
0xb7: {  	[spmem:s1] =	stream.indirect.scatter.add.f32 [tilespmem:s0], [sflag:$0x3], $0x80, s31, s28, $0xb8;
	[tilespmem:$0x1BE00] =	vst v63  }
0xb8: {  	_ =	swait.ge [sflag:s23], $0x4000  }
0xb9: {  	s17 =	smov.u32 s12;
	s15 =	sadd.s32 s14, s22;
	[sflag:s23] =	ssyncset.done $0x0  }
.Ltmp4:
0xba: {  	_ = 	snop;
	(pc) =	sbr.rel .LBB2_7-.Ltmp4, $1  }
0xbb: {  	_ =	sdelay $0x3  }
.LBB2_2:
0xbc: {  	s7 =	rddreg [dreg:$0x4]  }
0xbd: {  	[tilespmem:s25], [sflag:$0x3] =	stream.linear.gather [hbm4b:s7+s3], $0x80, $0x38;
	[tilespmem:$0x1BE00] =	vst v63  }
0xbe: {  	_ =	swait.ge [sflag:s23], $0x80  }
0xbf: {  	[sflag:s23] =	ssyncset.done $0x0  }
0xc0: {  	s15 =	rddreg [dreg:$0x5];
	[sflag:s23] =	ssyncadd.s32 $0xFFFFFF80  }
0xc1: {  	[tilespmem:s26], [sflag:$0x3] =	stream.linear.gather [hbm4b:s15+s3], $0x80, $0x38;
	[tilespmem:$0x1BE00] =	vst v63  }
0xc2: {  	_ =	swait.ge [sflag:s23], $0x80  }
0xc3: {  	[sflag:s23] =	ssyncset.done $0x0  }
0xc4: {  	s12 =	sadd.s32 $0xFFFFF920, s20;
	[sflag:s23] =	ssyncadd.s32 $0xFFFFFF80  }
0xc5: {  	[tilespmem:s29], [sflag:$0x1] =	stream.indirect.gather [hbm4b:s4+s28], $0x80, s25, s28, $0xb8;
	[tilespmem:$0x1BE00] =	vst v63  }
0xc6: {  	s14 =	sadd.s32 $0x6F0, s12  }
0xc7: {  	[tilespmem:s30], [sflag:$0x3] =	stream.linear.gather [hbm4b:s14+s3], $0x80, $0x38;
	[tilespmem:$0x1BE00] =	vst v63  }
0xc8: {  	_ =	swait.ge [sflag:s23], $0x80  }
0xc9: {  	s17 =	sadd.s32 $0xFFFFF920, s19;
	[sflag:s23] =	ssyncset.done $0x0  }
0xca: {  	s15 =	sadd.s32 $0x6F0, s17;
	[sflag:s23] =	ssyncadd.s32 $0xFFFFFF80  }
0xcb: {  	[tilespmem:s31], [sflag:$0x3] =	stream.linear.gather [hbm4b:s15+s3], $0x80, $0x38;
	[tilespmem:$0x1BE00] =	vst v63  }
0xcc: {  	_ =	swait.ge [sflag:s23], $0x80  }
0xcd: {  	[sflag:s23] =	ssyncset.done $0x0  }
0xce: {  	[sflag:s23] =	ssyncadd.s32 $0xFFFFFF80  }
0xcf: {  	[tilespmem:s0], [sflag:$0x2] =	stream.indirect.gather [hbm4b:s4+s28], $0x80, s30, s28, $0xb8;
	[tilespmem:$0x1BE00] =	vst v63  }
0xd0: {  	_ =	swait.ge [sflag:s2], $0x4000  }
0xd1: {  	[sflag:s2] =	ssyncset.done $0x0  }
0xd2: {  	[sflag:s2] =	ssyncadd.s32 $0xFFFFC000  }
0xd3: {  	[spmem:s1] =	stream.indirect.scatter.add.f32 [tilespmem:s29], [sflag:$0x3], $0x80, s26, s28, $0xb8;
	[tilespmem:$0x1BE00] =	vst v63  }
0xd4: {  	_ =	swait.ge [sflag:s23], $0x4000  }
0xd5: {  	[sflag:s23] =	ssyncset.done $0x0  }
0xd6: {  	s12 =	sadd.s32 $0x700, s12;
	[sflag:s23] =	ssyncadd.s32 $0xFFFFC000  }
0xd7: {  	[tilespmem:s25], [sflag:$0x3] =	stream.linear.gather [hbm4b:s12+s3], $0x80, $0x38;
	[tilespmem:$0x1BE00] =	vst v63  }
0xd8: {  	_ =	swait.ge [sflag:s23], $0x80  }
0xd9: {  	[sflag:s23] =	ssyncset.done $0x0  }
0xda: {  	s18 =	sadd.s32 $0x700, s17;
	[sflag:s23] =	ssyncadd.s32 $0xFFFFFF80  }
0xdb: {  	[tilespmem:s26], [sflag:$0x3] =	stream.linear.gather [hbm4b:s18+s3], $0x80, $0x38;
	[tilespmem:$0x1BE00] =	vst v63  }
0xdc: {  	_ =	swait.ge [sflag:s23], $0x80  }
0xdd: {  	[sflag:s23] =	ssyncset.done $0x0  }
0xde: {  	[sflag:s23] =	ssyncadd.s32 $0xFFFFFF80  }
0xdf: {  	[tilespmem:s29], [sflag:$0x1] =	stream.indirect.gather [hbm4b:s4+s28], $0x80, s25, s28, $0xb8;
	[tilespmem:$0x1BE00] =	vst v63  }
0xe0: {  	_ =	swait.ge [sflag:s10], $0x4000  }
0xe1: {  	[sflag:s10] =	ssyncset.done $0x0  }
0xe2: {  	[sflag:s10] =	ssyncadd.s32 $0xFFFFC000  }
0xe3: {  	[spmem:s1] =	stream.indirect.scatter.add.f32 [tilespmem:s0], [sflag:$0x3], $0x80, s31, s28, $0xb8;
	[tilespmem:$0x1BE00] =	vst v63  }
0xe4: {  	s14 =	simm.s32 $0xFFFFF940;
	_ =	swait.ge [sflag:s23], $0x4000  }
0xe5: {  	s15 =	sadd.s32 $0xFFFFF940, s20;
	s12 =	simm.s32 $0xFFFFF960;
	[sflag:s23] =	ssyncset.done $0x0  }
.LBB2_3:
0xe6: {  	s18 =	sadd.s32 $0x6F0, s15  }
0xe7: {  	[sflag:s23] =	ssyncadd.s32 $0xFFFFC000;
	s7 =	smov.u32 s12;
	s17 =	sadd.s32 $0x20, s12  }
0xe8: {  	[tilespmem:s30], [sflag:$0x3] =	stream.linear.gather [hbm4b:s18+s3], $0x80, $0x38;
	[tilespmem:$0x1BE00] =	vst v63  }
0xe9: {  	p1 =	seq.s32 s12, $0xFFFFFFE0;
	_ =	swait.ge [sflag:s23], $0x80  }
0xea: {  	s12 =	sadd.s32 s14, s19;
	s14 =	smov.u32 s7;
	[sflag:s23] =	ssyncset.done $0x0  }
0xeb: {  	s7 =	sadd.s32 $0x6F0, s12;
	[sflag:s23] =	ssyncadd.s32 $0xFFFFFF80  }
0xec: {  	[tilespmem:s31], [sflag:$0x3] =	stream.linear.gather [hbm4b:s7+s3], $0x80, $0x38;
	[tilespmem:$0x1BE00] =	vst v63  }
0xed: {  	_ =	swait.ge [sflag:s23], $0x80  }
0xee: {  	[sflag:s23] =	ssyncset.done $0x0  }
0xef: {  	[sflag:s23] =	ssyncadd.s32 $0xFFFFFF80  }
0xf0: {  	[tilespmem:s0], [sflag:$0x2] =	stream.indirect.gather [hbm4b:s4+s28], $0x80, s30, s28, $0xb8;
	[tilespmem:$0x1BE00] =	vst v63  }
0xf1: {  	_ =	swait.ge [sflag:s2], $0x4000  }
0xf2: {  	[sflag:s2] =	ssyncset.done $0x0  }
0xf3: {  	[sflag:s2] =	ssyncadd.s32 $0xFFFFC000  }
0xf4: {  	[spmem:s1] =	stream.indirect.scatter.add.f32 [tilespmem:s29], [sflag:$0x3], $0x80, s26, s28, $0xb8;
	[tilespmem:$0x1BE00] =	vst v63  }
0xf5: {  	_ =	swait.ge [sflag:s23], $0x4000  }
0xf6: {  	[sflag:s23] =	ssyncset.done $0x0  }
0xf7: {  	s7 =	sadd.s32 $0x700, s15;
	[sflag:s23] =	ssyncadd.s32 $0xFFFFC000  }
0xf8: {  	[tilespmem:s25], [sflag:$0x3] =	stream.linear.gather [hbm4b:s7+s3], $0x80, $0x38;
	[tilespmem:$0x1BE00] =	vst v63  }
0xf9: {  	_ =	swait.ge [sflag:s23], $0x80  }
0xfa: {  	[sflag:s23] =	ssyncset.done $0x0  }
0xfb: {  	s7 =	sadd.s32 $0x700, s12;
	[sflag:s23] =	ssyncadd.s32 $0xFFFFFF80  }
0xfc: {  	[tilespmem:s26], [sflag:$0x3] =	stream.linear.gather [hbm4b:s7+s3], $0x80, $0x38;
	[tilespmem:$0x1BE00] =	vst v63  }
0xfd: {  	_ =	swait.ge [sflag:s23], $0x80  }
0xfe: {  	[sflag:s23] =	ssyncset.done $0x0  }
0xff: {  	[sflag:s23] =	ssyncadd.s32 $0xFFFFFF80  }
0x100: {  	[tilespmem:s29], [sflag:$0x1] =	stream.indirect.gather [hbm4b:s4+s28], $0x80, s25, s28, $0xb8;
	[tilespmem:$0x1BE00] =	vst v63  }
0x101: {  	_ =	swait.ge [sflag:s10], $0x4000  }
.Ltmp5:
0x102: {  	[sflag:s10] =	ssyncset.done $0x0;
	(pc) =	sbr.rel @!p1 .LBB2_3-.Ltmp5, $4  }
0x103: {  	[sflag:s10] =	ssyncadd.s32 $0xFFFFC000  }
0x104: {  	[spmem:s1] =	stream.indirect.scatter.add.f32 [tilespmem:s0], [sflag:$0x3], $0x80, s31, s28, $0xb8;
	[tilespmem:$0x1BE00] =	vst v63  }
0x105: {  	_ =	swait.ge [sflag:s23], $0x4000  }
0x106: {  	s15 =	sadd.s32 s14, s20;
	s12 =	smov.u32 s17;
	[sflag:s23] =	ssyncset.done $0x0  }
0x107: {  	s7 =	sadd.s32 $0x6F0, s15;
	[sflag:s23] =	ssyncadd.s32 $0xFFFFC000  }
0x108: {  	[tilespmem:s30], [sflag:$0x3] =	stream.linear.gather [hbm4b:s7+s3], $0x80, $0x38;
	[tilespmem:$0x1BE00] =	vst v63  }
0x109: {  	_ =	swait.ge [sflag:s23], $0x80  }
0x10a: {  	s17 =	sadd.s32 s14, s19;
	[sflag:s23] =	ssyncset.done $0x0  }
0x10b: {  	s12 =	sadd.s32 $0x6F0, s17;
	[sflag:s23] =	ssyncadd.s32 $0xFFFFFF80  }
0x10c: {  	[tilespmem:s31], [sflag:$0x3] =	stream.linear.gather [hbm4b:s12+s3], $0x80, $0x38;
	[tilespmem:$0x1BE00] =	vst v63  }
0x10d: {  	_ =	swait.ge [sflag:s23], $0x80  }
0x10e: {  	[sflag:s23] =	ssyncset.done $0x0  }
0x10f: {  	[sflag:s23] =	ssyncadd.s32 $0xFFFFFF80  }
0x110: {  	[tilespmem:s0], [sflag:$0x2] =	stream.indirect.gather [hbm4b:s4+s28], $0x80, s30, s28, $0xb8;
	[tilespmem:$0x1BE00] =	vst v63  }
0x111: {  	_ =	swait.ge [sflag:s2], $0x4000  }
0x112: {  	[sflag:s2] =	ssyncset.done $0x0  }
0x113: {  	[sflag:s2] =	ssyncadd.s32 $0xFFFFC000  }
0x114: {  	[spmem:s1] =	stream.indirect.scatter.add.f32 [tilespmem:s29], [sflag:$0x3], $0x80, s26, s28, $0xb8;
	[tilespmem:$0x1BE00] =	vst v63  }
0x115: {  	_ =	swait.ge [sflag:s23], $0x4000  }
0x116: {  	[sflag:s23] =	ssyncset.done $0x0  }
0x117: {  	s18 =	sadd.s32 $0x700, s15;
	[sflag:s23] =	ssyncadd.s32 $0xFFFFC000  }
0x118: {  	[tilespmem:s25], [sflag:$0x3] =	stream.linear.gather [hbm4b:s18+s3], $0x80, $0x38;
	[tilespmem:$0x1BE00] =	vst v63  }
0x119: {  	_ =	swait.ge [sflag:s23], $0x80  }
0x11a: {  	[sflag:s23] =	ssyncset.done $0x0  }
0x11b: {  	s7 =	sadd.s32 $0x700, s17;
	[sflag:s23] =	ssyncadd.s32 $0xFFFFFF80  }
0x11c: {  	[tilespmem:s26], [sflag:$0x3] =	stream.linear.gather [hbm4b:s7+s3], $0x80, $0x38;
	[tilespmem:$0x1BE00] =	vst v63  }
0x11d: {  	_ =	swait.ge [sflag:s23], $0x80  }
0x11e: {  	[sflag:s23] =	ssyncset.done $0x0  }
0x11f: {  	[sflag:s23] =	ssyncadd.s32 $0xFFFFFF80  }
0x120: {  	[tilespmem:s29], [sflag:$0x1] =	stream.indirect.gather [hbm4b:s4+s28], $0x80, s25, s28, $0xb8;
	[tilespmem:$0x1BE00] =	vst v63  }
0x121: {  	_ =	swait.ge [sflag:s10], $0x4000  }
0x122: {  	[sflag:s10] =	ssyncset.done $0x0  }
.Ltmp6:
0x123: {  	[sflag:s10] =	ssyncadd.s32 $0xFFFFC000;
	(pc) =	sbr.rel .LBB2_8-.Ltmp6, $4  }
0x124: {  	[spmem:s1] =	stream.indirect.scatter.add.f32 [tilespmem:s0], [sflag:$0x3], $0x80, s31, s28, $0xb8;
	[tilespmem:$0x1BE00] =	vst v63  }
0x125: {  	_ =	swait.ge [sflag:s23], $0x4000  }
0x126: {  	[sflag:s23] =	ssyncset.done $0x0;
	s14 =	rddreg [dreg:$0xa]  }
0x127: {  	s12 =	rddreg [dreg:$0x6];
	[sflag:s23] =	ssyncadd.s32 $0xFFFFC000  }
.LBB2_9:
0x128: {  	_ =	sfence.sel $0x180000  }
0x129: {  	[bflag:$0x0] =	sbarrier.arrive $0xFFFF  }
0x12a: {  	_ =	strace $0x9000004A  }
0x12b: {  	s0 =	stileid.u32;
	[bflag:$0x2] =	sbarrier.arrive $0xFFFF  }
0x12c: {  	p0 =	sne.s32 s0, $0x0;
	s0 =	rddreg [dreg:$0x2]  }
0x12d: {  	s0 =	sadd.s32 @!p0 $0x100000, s0  }
0x12e: {  	[sflag:s0] =	ssyncadd.tile.s32 @!p0 $0x1;
	_ =	shalt  }
.Lfunc_end2:
_tile_overlayer_lowered:
.L_overlay_start_2:
0x12f: {  	(tag) =	ssettag $0x2  }
0x130: {  	s0 =	rddreg [dreg:$0x0];
	s2 =	stileid.u32  }
0x131: {  	s1 =	rddreg [dreg:$0x1];
	p0 =	sne.s32 s2, $0x0  }
0x132: {  	s3 =	rddreg [dreg:$0x2];
	[bflag:$0x3] =	sbarrier.arrive $0xFFFF;
	s2 =	simm.s32 @!p0 $0x1C03  }
0x133: {  	[timem:s3], [sflag:s2] =	dma.local @!p0 [hbm:s0], s1  }
0x134: {  	s0 =	simm.s32 @!p0 $0x3  }
0x135: {  	_ =	swait.ge @!p0 [sflag:s0], s1  }
0x136: {  	s1 =	ssub.s32 @!p0 $0x0, s1;
	[sflag:s0] =	ssyncset.done @!p0 $0x0  }
0x137: {  	[sflag:s0] =	ssyncadd.s32 @!p0 s1  }
0x138: {  	[bflag:$0x3] =	sbarrier.arrive $0xFFFF  }
0x139: {  	_ =	shalt  }

// kernel: kernel.20.cloned.1.call-start
scs
__scs_entry_jumppad:
0x0: {  	(pc) =	sbr.rel $0x88, $3  }
0x1: {  	(tag) =	ssettag $0x0;
	lr =	simm.s32 $0x1  }
0x2: {  	[smem:$0x3F86] =	sst lr;
	_ =	strace $0xD0000000  }
0x3: {  	_ = 	snop  }
0x4: {  	_ = 	snop  }
0x5: {  	_ = 	snop  }
0x6: {  	_ = 	snop  }
0x7: {  	_ = 	snop  }
__scs_overlays_trampoline_lowered:
0x8: {  	[smem:$0x3F95] =	sst s0  }
0x9: {  	[smem:$0x3F96] =	sst s1  }
0xa: {  	[smem:$0x3F97] =	sst s2  }
0xb: {  	[smem:$0x3F98] =	sst s3  }
0xc: {  	[smem:$0x3F99] =	sst s4  }
0xd: {  	[smem:$0x3F9A] =	sst s5  }
0xe: {  	[smem:$0x3F9B] =	sst s6  }
0xf: {  	[smem:$0x3F9C] =	sst s7  }
0x10: {  	[smem:$0x3F9D] =	sst s8  }
0x11: {  	[smem:$0x3F9E] =	sst s9;
	s0 =	simm.s32 @!p0 $0x0  }
0x12: {  	s1 =	sld [smem:$0x3F84];
	s0 =	simm.s32 @p0 $0x1  }
0x13: {  	[smem:$0x3F9F] =	sst s0;
	s0 =	simm.s32 @!p1 $0x0  }
0x14: {  	s2 =	sld [smem:$0x3F83];
	s0 =	simm.s32 @p1 $0x1  }
0x15: {  	[smem:$0x3FA0] =	sst s0;
	s0 =	simm.s32 @!p2 $0x0  }
0x16: {  	s3 =	sld [smem:$0x3FDB];
	s0 =	simm.s32 @p2 $0x1  }
0x17: {  	s4 =	simm.s32 $0x1BF5;
	[smem:$0x3FA2] =	sst s0  }
0x18: {  	s0 =	sld [smem:$0x3F85];
	_ =	swait.ge [sflag:s4], $0x0  }
0x19: {  	s7 =	sld [smem:$0x3F86]  }
0x1a: {  	s8 =	sadd.s32 $0xFFFFE003, lr  }
0x1b: {  	s9 =	sadd.s32 $0xFFFFFEF7, lr;
	s5 =	simm.s32 $0xFFFFFFFF;
	p2 =	slt.u32 s8, $0xFFFFF086  }
0x1c: {  	p1 =	slt.u32 s9, $0xF7A;
	s5 =	simm.s32 @!p2 $0x0  }
0x1d: {  	s5 =	simm.s32 @p1 $0x1;
	p0 =	seq.s32 s7, s2  }
0x1e: {  	s7 =	smul.u32 @!p0 $0xF7A, s2;
	p2 =	seq.s32 @!p0 s5, $0x0  }
0x1f: {  	s9 =	smul.u32 $0xF7A, s1;
	s8 =	simm.s32 @!p0 $0x1BF5;
	p2 =	por !p2, p0  }
0x20: {  	[sflag:s8] =	ssyncset.s32 @!p0 $0xFFFFF086;
	s6 =	sadd.s32 @!p0 s3, s7;
	s7 =	simm.s32 @!p0 $0x108  }
0x21: {  	s3 =	sadd.s32 s3, s9;
	s6 =	sadd.s32 @!p0 $0x88, s6;
	s7 =	simm.s32 @p2 $0x1082  }
0x22: {  	[simem:s7], [sflag:s8] =	dma.local @!p0 [hbm:s6], $0xF7A  }
0x23: {  	s9 =	sor.u32 $0xD0000000, s2;
	s6 =	simm.s32 $0x108;
	_ =	swait.ge @!p0 [sflag:s8], $0x0  }
0x24: {  	s3 =	sadd.s32 $0x88, s3;
	s6 =	simm.s32 @!p1 $0x1082;
	[sflag:s4] =	ssyncset.s32 $0xFFFFF086  }
0x25: {  	[simem:s6], [sflag:s4] =	dma.local [hbm:s3], $0xF7A  }
0x26: {  	[smem:$0x3F86] =	sst s1;
	(tag) =	ssettag s2;
	_ =	strace s9  }
0x27: {  	s1 =	sld [smem:$0x3F96]  }
0x28: {  	s2 =	sld [smem:$0x3F97]  }
0x29: {  	s4 =	sld [smem:$0x3F99]  }
0x2a: {  	p0 =	seq.s32 s5, $0x0;
	s5 =	sld [smem:$0x3F9A]  }
0x2b: {  	s6 =	sld [smem:$0x3F9B]  }
0x2c: {  	s7 =	sld [smem:$0x3F9C]  }
0x2d: {  	s3 =	simm.s32 $0x108;
	s8 =	sld [smem:$0x3F9D]  }
0x2e: {  	s3 =	simm.s32 @!p0 $0x1082;
	s9 =	sld [smem:$0x3F9E]  }
0x2f: {  	lr =	sadd.s32 s0, s3;
	s0 =	sld [smem:$0x3F95]  }
0x30: {  	s3 =	sld [smem:$0x3F98]  }
0x31: {  	[smem:$0x3FA1] =	sst s10  }
0x32: {  	s10 =	sld [smem:$0x3F9F];
	_ =	sdelay $0x3  }
0x33: {  	p0 =	seq.s32 s10, $0x1;
	s10 =	sld [smem:$0x3FA1];
	_ =	sdelay $0x3  }
0x34: {  	[smem:$0x3FA1] =	sst s10  }
0x35: {  	s10 =	sld [smem:$0x3FA0];
	_ =	sdelay $0x3  }
0x36: {  	p1 =	seq.s32 s10, $0x1;
	s10 =	sld [smem:$0x3FA1];
	_ =	sdelay $0x3  }
0x37: {  	[smem:$0x3FA1] =	sst s10  }
0x38: {  	s10 =	sld [smem:$0x3FA2]  }
0x39: {  	_ = 	snop;
	(pc) =	sbr.ind lr, $3  }
0x3a: {  	_ = 	snop  }
0x3b: {  	_ = 	snop  }
0x3c: {  	p2 =	seq.s32 s10, $0x1;
	s10 =	sld [smem:$0x3FA1]  }
0x3d: {  	_ =	shalt  }
0x3e: {  	_ =	shalt  }
0x3f: {  	_ =	shalt  }
0x40: {  	_ =	shalt  }
0x41: {  	_ =	shalt  }
0x42: {  	_ =	shalt  }
0x43: {  	_ =	shalt  }
0x44: {  	_ =	shalt  }
0x45: {  	_ =	shalt  }
0x46: {  	_ =	shalt  }
0x47: {  	_ =	shalt  }
0x48: {  	_ =	shalt  }
0x49: {  	_ =	shalt  }
0x4a: {  	_ =	shalt  }
0x4b: {  	_ =	shalt  }
0x4c: {  	_ =	shalt  }
0x4d: {  	_ =	shalt  }
0x4e: {  	_ =	shalt  }
0x4f: {  	_ =	shalt  }
0x50: {  	_ =	shalt  }
0x51: {  	_ =	shalt  }
0x52: {  	_ =	shalt  }
0x53: {  	_ =	shalt  }
0x54: {  	_ =	shalt  }
0x55: {  	_ =	shalt  }
0x56: {  	_ =	shalt  }
0x57: {  	_ =	shalt  }
0x58: {  	_ =	shalt  }
0x59: {  	_ =	shalt  }
0x5a: {  	_ =	shalt  }
0x5b: {  	_ =	shalt  }
0x5c: {  	_ =	shalt  }
0x5d: {  	_ =	shalt  }
0x5e: {  	_ =	shalt  }
0x5f: {  	_ =	shalt  }
0x60: {  	_ =	shalt  }
0x61: {  	_ =	shalt  }
0x62: {  	_ =	shalt  }
0x63: {  	_ =	shalt  }
0x64: {  	_ =	shalt  }
0x65: {  	_ =	shalt  }
0x66: {  	_ =	shalt  }
0x67: {  	_ =	shalt  }
0x68: {  	_ =	shalt  }
0x69: {  	_ =	shalt  }
0x6a: {  	_ =	shalt  }
0x6b: {  	_ =	shalt  }
0x6c: {  	_ =	shalt  }
0x6d: {  	_ =	shalt  }
0x6e: {  	_ =	shalt  }
0x6f: {  	_ =	shalt  }
0x70: {  	_ =	shalt  }
0x71: {  	_ =	shalt  }
0x72: {  	_ =	shalt  }
0x73: {  	_ =	shalt  }
0x74: {  	_ =	shalt  }
0x75: {  	_ =	shalt  }
0x76: {  	_ =	shalt  }
0x77: {  	_ =	shalt  }
0x78: {  	_ =	shalt  }
0x79: {  	_ =	shalt  }
0x7a: {  	_ =	shalt  }
0x7b: {  	_ =	shalt  }
0x7c: {  	_ =	shalt  }
0x7d: {  	_ =	shalt  }
0x7e: {  	_ =	shalt  }
0x7f: {  	_ =	shalt  }
0x80: {  	_ =	shalt  }
0x81: {  	_ =	shalt  }
0x82: {  	_ =	shalt  }
0x83: {  	_ =	shalt  }
0x84: {  	_ =	shalt  }
0x85: {  	_ =	shalt  }
0x86: {  	_ =	shalt  }
0x87: {  	_ =	shalt  }
.Lfunc_end0:
.L_simem_size_0:
called_computation.2_lowered:
.L_overlay_start_0:
0x88: {  	s2 =	sld [smem:$0x3FD9]  }
0x89: {  	s3 =	sld [smem:$0x3FFE];
	_ =	sdelay $0x1  }
0x8a: {  	s1 =	srdreg.scid  }
0x8b: {  	s0 =	sand.u32 $0x1, s1  }
0x8c: {  	s16 =	sshll.u32 s0, $0xA;
	s2 =	sadd.s32 s3, s2  }
0x8d: {  	s2 =	sadd.s32 s2, s16  }
0x8e: {  	[smem:$0x3FAD] =	sst s2  }
0x8f: {  	_ = 	snop  }
0x90: {  	(tm) =	ssettm $0x1  }
0x91: {  	s17 =	sld [smem:$0x3FFB];
	_ =	sdelay $0x3  }
0x92: {  	_ =	strace s17  }
0x93: {  	s2 =	sld [smem:$0x3FFC];
	_ =	sdelay $0x3  }
0x94: {  	_ =	strace s2  }
0x95: {  	s2 =	sld [smem:$0x3FFD];
	_ =	sdelay $0x3  }
0x96: {  	_ =	strace s2  }
0x97: {  	_ =	strace $0x8FFFFFFF  }
0x98: {  	s18 =	sld [smem:$0x3FDB];
	_ =	sdelay $0x1  }
0x99: {  	s19 =	simm.s32 $_scs_section_size  }
0x9a: {  	s4 =	simm.s32 $_size__tile_overlayer_lowered;
	s5 =	simm.s32 $_tile_overlayer_lowered  }
0x9b: {  	s22 =	simm.s32 $0x1BFF;
	s21 =	sshll.u32 s5, $0x1;
	s2 =	sadd.s32 s19, s18  }
0x9c: {  	s6 =	simm.s32 $0x0;
	s20 =	sshll.u32 s4, $0x1;
	s4 =	sadd.s32 s21, s2  }
0x9d: {  	[timem:s6], [sflag:s22] =	dma.local [hbm:s4], s20  }
0x9e: {  	_ =	swait.ge [sflag:s22], s20  }
0x9f: {  	s3 =	ssub.s32 $0x0, s20;
	[sflag:s22] =	ssyncset.done $0x0  }
0xa0: {  	[sflag:s22] =	ssyncadd.s32 s3;
	_ =	sdelay $0x1  }
0xa1: {  	s23 =	simm.s32 $0x1B8B  }
0xa2: {  	_ =	swait.ge [sflag:s23], $0x1  }
0xa3: {  	[sflag:s23] =	ssyncset.done $0x0  }
0xa4: {  	s25 =	simm.s32 $0x1B8E;
	s24 =	sld [smem:$0x3FFE];
	[sflag:s23] =	ssyncadd.s32 $0xFFFFFFFF  }
0xa5: {  	s26 =	simm.s32 $execute0_lowered;
	[smem:$0x3FD2] =	sst s25  }
0xa6: {  	s4 =	sshll.u32 s26, $0x1;
	_ =	strace $0x8000004C;
	[dreg:$0x1] =	wrdreg $0xFFFFFFFF  }
0xa7: {  	s28 =	simm.s32 $_size_execute0_lowered;
	s2 =	sadd.s32 s2, s4;
	[dreg:$0x0] =	wrdreg $0x0  }
0xa8: {  	s4 =	sshll.u32 s28, $0x1;
	[dreg:$0x2] =	wrdreg s2  }
0xa9: {  	[dreg:$0x3] =	wrdreg s4  }
0xaa: {  	[dreg:$0x4] =	wrdreg $0xC0  }
0xab: {  	_ =	task [dreg:s6], $0x5FFFF  }
0xac: {  	[dreg:$0x1] =	wrdreg $0xFFFFFFFF  }
0xad: {  	[dreg:$0x0] =	wrdreg $0x60  }
0xae: {  	[dreg:$0x2] =	wrdreg s24  }
0xaf: {  	[dreg:$0x3] =	wrdreg $0x0  }
0xb0: {  	[dreg:$0x4] =	wrdreg $0x9  }
0xb1: {  	_ =	task.clear_ibuf [dreg:s6], $0x5FFFF;
	_ =	strace $0x9000004C  }
0xb2: {  	s29 =	simm.s32 $0x9;
	_ =	strace $0x8000004E  }
0xb3: {  	_ =	swait.ge [sflag:s29], $0x1  }
0xb4: {  	[sflag:s29] =	ssyncadd.s32 $0xFFFFFFFF  }
0xb5: {  	_ =	strace $0x9000004E  }
0xb6: {  	_ =	sfence  }
0xb7: {  	s30 =	sld [smem:$0x0];
	_ =	sdelay $0x2  }
0xb8: {  	s31 =	sshll.u32 s1, $0xD;
	s1 =	sshrl.u32 s1, $0x2  }
0xb9: {  	s3 =	sand.u32 $0x4000, s31;
	s1 =	sadd.s32 s1, s30  }
0xba: {  	s0 =	sor.u32 s3, s0;
	s1 =	sshll.u32 s1, $0x11  }
0xbb: {  	s0 =	sor.u32 s1, s0  }
0xbc: {  	s0 =	sadd.s32 $0x8F2B, s0  }
0xbd: {  	[sflag:s0] =	ssyncadd.remote.s32 $0x1  }
0xbe: {  	_ =	sfence.sel $0xFFFF  }
0xbf: {  	[dreg:$0x0] =	wrdreg $0xFFFFFFFF;
	(pc) =	sbr.abs _section_cstart, $3  }
0xc0: {  	[dreg:$0x1] =	wrdreg $0xFFFFFFFF  }
0xc1: {  	_ =	task.clear_ibuf [dreg:s6], $0x2FFFF;
	_ =	strace $0x9FFFFFFF  }
0xc2: {  	(tm) =	ssettm $0x7FFFFFFF  }
0xc3: {  	_ =	shalt  }
tec
execute0_lowered:
.L_overlay_start_1:
0x0: {  	(tag) =	ssettag $0x1  }
0x1: {  	s0 =	rddreg [dreg:$0x0]  }
0x2: {  	s1 =	rddreg [dreg:$0x1]  }
0x3: {  	s3 =	simm.s32 $0x0;
	s17 =	stileid.u32;
	s2 =	srdreg.scid  }
0x4: {  	s28 =	simm.s32 $0x80;
	s29 =	simm.s32 $0x13E00;
	s10 =	smul.u32 $0x2780, s17  }
0x5: {  	s30 =	simm.s32 $0x13D00;
	s31 =	simm.s32 $0x13D80;
	s11 =	smul.u32 $0x4F000, s17  }
0x6: {  	[smem:$0x7FF] =	sst s3;
	s4 =	sadd.s32 $0x36C00, s0;
	s12 =	smul.u32 $0x3880, s17  }
0x7: {  	s2 =	sand.u32 $0x1, s2;
	s5 =	sadd.s32 $0x85C00, s0;
	s26 =	smul.u32 $0x1680, s17  }
0x8: {  	s6 =	sadd.s32 $0x5600, s0;
	s15 =	sshll.u32 s17, $0x6;
	s23 =	smul.u32 $0x710, s17  }
0x9: {  	_ =	strace $0x8000004D;
	s7 =	smul.u32 $0x27800, s2;
	s9 =	ssub.s32 $0x2, s2  }
0xa: {  	p0 =	seq.s32 s2, $0x1;
	s8 =	sadd.s32 s10, s0;
	s24 =	sshrl.u32 s9, $0x1  }
0xb: {  	s25 =	sshrl.u32 s11, $0x2;
	s14 =	sshrl.u32 s12, $0x3;
	s20 =	sadd.s32 $0x3800, s12  }
0xc: {  	s22 =	sadd.s32 $0x39E00, s26;
	s11 =	simm.s32 $0x0;
	s0 =	sadd.s32 s7, s0  }
0xd: {  	s13 =	ssub.s32 s9, s24;
	s7 =	sadd.s32 s25, s1;
	[dreg:$0x6] =	wrdreg s20  }
0xe: {  	s8 =	sadd.s32 $0xF400, s8;
	s9 =	sor.u32 $0x1C03, s15;
	[dreg:$0x9] =	wrdreg s22  }
0xf: {  	s15 =	sshrl.u32 s26, $0x3;
	s16 =	sadd.s32 s5, s14;
	[dreg:$0x3] =	wrdreg s7  }
0x10: {  	s19 =	sadd.s32 s6, s14;
	s24 =	smul.u32 $0x2D0, s17;
	[dreg:$0x4] =	wrdreg s16  }
0x11: {  	s25 =	sadd.s32 $0x3780, s12;
	s26 =	sadd.s32 $0x39D80, s26;
	[dreg:$0x5] =	wrdreg s19  }
0x12: {  	s20 =	sadd.s32 s23, s5;
	s18 =	sadd.s32 $0x7100, s15;
	[dreg:$0xa] =	wrdreg s25  }
0x13: {  	s0 =	sadd.s32 $0x8FA00, s0;
	s16 =	smax.u32 s13, $0x1;
	[dreg:$0xb] =	wrdreg s26  }
.Ltmp0:
0x14: {  	s19 =	sadd.s32 s23, s6;
	s23 =	simm.s32 $0x3;
	(pc) =	sbr.rel .LBB2_1-.Ltmp0, $4  }
0x15: {  	s25 =	simm.s32 $0x13C00;
	s26 =	simm.s32 $0x13C80;
	s21 =	sadd.s32 s5, s18  }
0x16: {  	s2 =	sadd.s32 s6, s18;
	s22 =	sadd.s32 s24, s5;
	[dreg:$0x7] =	wrdreg s21  }
0x17: {  	[dreg:$0x8] =	wrdreg s2;
	s21 =	sadd.s32 s24, s6;
	s24 =	sadd.s32 s10, s0  }
0x18: {  	s0 =	simm.s32 $0x17E00;
	s2 =	simm.s32 $0x1;
	s10 =	simm.s32 $0x2  }
.LBB2_7:
0x19: {  	s7 =	sadd.s32 $0x73B0, s15;
	[sflag:s23] =	ssyncadd.s32 $0xFFFFC000  }
0x1a: {  	[tilespmem:s30], [sflag:$0x3] =	stream.linear.gather [hbm4b:s7+s3], $0x80, $0x38;
	[tilespmem:$0x1BE00] =	vst v63  }
0x1b: {  	_ =	swait.ge [sflag:s23], $0x80  }
0x1c: {  	s17 =	sadd.s32 s14, s21;
	[sflag:s23] =	ssyncset.done $0x0  }
0x1d: {  	s12 =	sadd.s32 $0x73B0, s17;
	[sflag:s23] =	ssyncadd.s32 $0xFFFFFF80  }
0x1e: {  	[tilespmem:s31], [sflag:$0x3] =	stream.linear.gather [hbm4b:s12+s3], $0x80, $0x38;
	[tilespmem:$0x1BE00] =	vst v63  }
0x1f: {  	_ =	swait.ge [sflag:s23], $0x80  }
0x20: {  	[sflag:s23] =	ssyncset.done $0x0  }
0x21: {  	[sflag:s23] =	ssyncadd.s32 $0xFFFFFF80  }
0x22: {  	[tilespmem:s0], [sflag:$0x2] =	stream.indirect.gather [hbm4b:s4+s28], $0x80, s30, s28, $0xb8;
	[tilespmem:$0x1BE00] =	vst v63  }
0x23: {  	_ =	swait.ge [sflag:s2], $0x4000  }
0x24: {  	[sflag:s2] =	ssyncset.done $0x0  }
0x25: {  	[sflag:s2] =	ssyncadd.s32 $0xFFFFC000  }
0x26: {  	[spmem:s1] =	stream.indirect.scatter.add.f32 [tilespmem:s29], [sflag:$0x3], $0x80, s26, s28, $0xb8;
	[tilespmem:$0x1BE00] =	vst v63  }
0x27: {  	_ =	swait.ge [sflag:s23], $0x4000  }
0x28: {  	[sflag:s23] =	ssyncset.done $0x0  }
0x29: {  	s18 =	sadd.s32 $0x73C0, s15;
	[sflag:s23] =	ssyncadd.s32 $0xFFFFC000  }
0x2a: {  	[tilespmem:s25], [sflag:$0x3] =	stream.linear.gather [hbm4b:s18+s3], $0x80, $0x38;
	[tilespmem:$0x1BE00] =	vst v63  }
0x2b: {  	_ =	swait.ge [sflag:s23], $0x80  }
0x2c: {  	[sflag:s23] =	ssyncset.done $0x0  }
0x2d: {  	s7 =	sadd.s32 $0x73C0, s17;
	[sflag:s23] =	ssyncadd.s32 $0xFFFFFF80  }
0x2e: {  	[tilespmem:s26], [sflag:$0x3] =	stream.linear.gather [hbm4b:s7+s3], $0x80, $0x38;
	[tilespmem:$0x1BE00] =	vst v63  }
0x2f: {  	_ =	swait.ge [sflag:s23], $0x80  }
0x30: {  	[sflag:s23] =	ssyncset.done $0x0  }
0x31: {  	[sflag:s23] =	ssyncadd.s32 $0xFFFFFF80  }
0x32: {  	[tilespmem:s29], [sflag:$0x1] =	stream.indirect.gather [hbm4b:s4+s28], $0x80, s25, s28, $0xb8;
	[tilespmem:$0x1BE00] =	vst v63  }
0x33: {  	_ =	swait.ge [sflag:s10], $0x4000  }
0x34: {  	[sflag:s10] =	ssyncset.done $0x0  }
0x35: {  	[sflag:s10] =	ssyncadd.s32 $0xFFFFC000  }
0x36: {  	[spmem:s1] =	stream.indirect.scatter.add.f32 [tilespmem:s0], [sflag:$0x3], $0x80, s31, s28, $0xb8;
	[tilespmem:$0x1BE00] =	vst v63  }
0x37: {  	_ =	swait.ge [sflag:s23], $0x4000  }
0x38: {  	[sflag:s23] =	ssyncset.done $0x0;
	s14 =	rddreg [dreg:$0xb]  }
0x39: {  	s12 =	rddreg [dreg:$0x9];
	[sflag:s23] =	ssyncadd.s32 $0xFFFFC000  }
.LBB2_8:
0x3a: {  	s7 =	sshrl.u32 s14, $0x3  }
0x3b: {  	s14 =	sadd.s32 s5, s7  }
0x3c: {  	[tilespmem:s30], [sflag:$0x3] =	stream.linear.gather [hbm4b:s14+s3], $0x80, $0x38;
	[tilespmem:$0x1BE00] =	vst v63  }
0x3d: {  	_ =	swait.ge [sflag:s23], $0x80  }
0x3e: {  	[sflag:s23] =	ssyncset.done $0x0  }
0x3f: {  	s7 =	sadd.s32 s6, s7;
	[sflag:s23] =	ssyncadd.s32 $0xFFFFFF80  }
0x40: {  	[tilespmem:s31], [sflag:$0x3] =	stream.linear.gather [hbm4b:s7+s3], $0x80, $0x38;
	[tilespmem:$0x1BE00] =	vst v63  }
0x41: {  	_ =	swait.ge [sflag:s23], $0x80  }
0x42: {  	[sflag:s23] =	ssyncset.done $0x0  }
0x43: {  	[sflag:s23] =	ssyncadd.s32 $0xFFFFFF80  }
0x44: {  	[tilespmem:s0], [sflag:$0x2] =	stream.indirect.gather [hbm4b:s4+s28], $0x80, s30, s28, $0xb8;
	[tilespmem:$0x1BE00] =	vst v63  }
0x45: {  	_ =	swait.ge [sflag:s2], $0x4000  }
0x46: {  	[sflag:s2] =	ssyncset.done $0x0  }
0x47: {  	[sflag:s2] =	ssyncadd.s32 $0xFFFFC000  }
0x48: {  	[spmem:s1] =	stream.indirect.scatter.add.f32 [tilespmem:s29], [sflag:$0x3], $0x80, s26, s28, $0xb8;
	[tilespmem:$0x1BE00] =	vst v63  }
0x49: {  	_ =	swait.ge [sflag:s23], $0x4000  }
0x4a: {  	[sflag:s23] =	ssyncset.done $0x0  }
0x4b: {  	[sflag:s23] =	ssyncadd.s32 $0xFFFFC000  }
0x4c: {  	_ =	swait.ge [sflag:s10], $0x4000  }
0x4d: {  	[sflag:s10] =	ssyncset.done $0x0  }
0x4e: {  	[sflag:s10] =	ssyncadd.s32 $0xFFFFC000  }
0x4f: {  	[spmem:s1] =	stream.indirect.scatter.add.f32 [tilespmem:s0], [sflag:$0x3], $0x80, s31, s28, $0xb8;
	[tilespmem:$0x1BE00] =	vst v63  }
0x50: {  	_ =	swait.ge [sflag:s23], $0x4000  }
0x51: {  	s18 =	sshrl.u32 s12, $0x3;
	[sflag:s23] =	ssyncset.done $0x0  }
0x52: {  	s12 =	sadd.s32 s5, s18;
	[sflag:s23] =	ssyncadd.s32 $0xFFFFC000  }
0x53: {  	[tilespmem:s30], [sflag:$0x3] =	stream.linear.gather [hbm4b:s12+s3], $0x80, $0x38;
	[tilespmem:$0x1BE00] =	vst v63  }
0x54: {  	_ =	swait.ge [sflag:s23], $0x80  }
0x55: {  	[sflag:s23] =	ssyncset.done $0x0  }
0x56: {  	s7 =	sadd.s32 s6, s18;
	[sflag:s23] =	ssyncadd.s32 $0xFFFFFF80  }
0x57: {  	[tilespmem:s31], [sflag:$0x3] =	stream.linear.gather [hbm4b:s7+s3], $0x80, $0x38;
	[tilespmem:$0x1BE00] =	vst v63  }
0x58: {  	_ =	swait.ge [sflag:s23], $0x80  }
0x59: {  	[sflag:s23] =	ssyncset.done $0x0  }
0x5a: {  	[sflag:s23] =	ssyncadd.s32 $0xFFFFFF80  }
0x5b: {  	[tilespmem:s0], [sflag:$0x2] =	stream.indirect.gather [hbm4b:s4+s28], $0x80, s30, s28, $0xb8;
	[tilespmem:$0x1BE00] =	vst v63  }
0x5c: {  	_ =	swait.ge [sflag:s10], $0x4000  }
0x5d: {  	[sflag:s10] =	ssyncset.done $0x0  }
0x5e: {  	[sflag:s10] =	ssyncadd.s32 $0xFFFFC000  }
0x5f: {  	[spmem:s1] =	stream.indirect.scatter.add.f32 [tilespmem:s0], [sflag:$0x3], $0x80, s31, s28, $0xb8;
	[tilespmem:$0x1BE00] =	vst v63  }
0x60: {  	_ =	swait.ge [sflag:s23], $0x4000  }
0x61: {  	s11 =	sadd.s32 $0x1, s11;
	[sflag:s23] =	ssyncset.done $0x0  }
0x62: {  	p1 =	sne.s32 s11, s16;
	[sflag:s23] =	ssyncadd.s32 $0xFFFFC000  }
.Ltmp1:
0x63: {  	[bflag:$0x0] =	sbarrier.arrive $0xFFFF;
	(pc) =	sbr.rel @!p1 .LBB2_9-.Ltmp1, $4  }
0x64: {  	[hbm:s24], [sflag:s9] =	dma.local [spmem:s13], $0x2780  }
0x65: {  	_ =	swait.ge [sflag:s23], $0x2780  }
0x66: {  	[sflag:s23] =	ssyncset.done $0x0  }
0x67: {  	[sflag:s23] =	ssyncadd.s32 $0xFFFFD880  }
.LBB2_1:
0x68: {  	s7 =	rddreg [dreg:$0x3]  }
0x69: {  	s13 =	sshrl.u32 s7, $0x3  }
0x6a: {  	[spmem:s13], [sflag:s9] =	dma.local [hbm:s8], $0x2780  }
.Ltmp2:
0x6b: {  	_ =	swait.ge [sflag:s23], $0x2780;
	(pc) =	sbr.rel @!p0 .LBB2_2-.Ltmp2, $3  }
0x6c: {  	[sflag:s23] =	ssyncset.done $0x0  }
0x6d: {  	[sflag:s23] =	ssyncadd.s32 $0xFFFFD880  }
0x6e: {  	[bflag:$0x0] =	sbarrier.arrive $0xFFFF;
	_ =	sdelay $0x1  }
0x6f: {  	s7 =	rddreg [dreg:$0x7]  }
0x70: {  	[tilespmem:s25], [sflag:$0x3] =	stream.linear.gather [hbm4b:s7+s3], $0x80, $0x38;
	[tilespmem:$0x1BE00] =	vst v63  }
0x71: {  	_ =	swait.ge [sflag:s23], $0x80  }
0x72: {  	[sflag:s23] =	ssyncset.done $0x0  }
0x73: {  	s14 =	rddreg [dreg:$0x8];
	[sflag:s23] =	ssyncadd.s32 $0xFFFFFF80  }
0x74: {  	[tilespmem:s26], [sflag:$0x3] =	stream.linear.gather [hbm4b:s14+s3], $0x80, $0x38;
	[tilespmem:$0x1BE00] =	vst v63  }
0x75: {  	_ =	swait.ge [sflag:s23], $0x80  }
0x76: {  	[sflag:s23] =	ssyncset.done $0x0  }
0x77: {  	s15 =	sadd.s32 $0xFFFFFD60, s22;
	[sflag:s23] =	ssyncadd.s32 $0xFFFFFF80  }
0x78: {  	[tilespmem:s29], [sflag:$0x1] =	stream.indirect.gather [hbm4b:s4+s28], $0x80, s25, s28, $0xb8;
	[tilespmem:$0x1BE00] =	vst v63  }
0x79: {  	s12 =	sadd.s32 $0x73B0, s15  }
0x7a: {  	[tilespmem:s30], [sflag:$0x3] =	stream.linear.gather [hbm4b:s12+s3], $0x80, $0x38;
	[tilespmem:$0x1BE00] =	vst v63  }
0x7b: {  	_ =	swait.ge [sflag:s23], $0x80  }
0x7c: {  	s17 =	sadd.s32 $0xFFFFFD60, s21;
	[sflag:s23] =	ssyncset.done $0x0  }
0x7d: {  	s14 =	sadd.s32 $0x73B0, s17;
	[sflag:s23] =	ssyncadd.s32 $0xFFFFFF80  }
0x7e: {  	[tilespmem:s31], [sflag:$0x3] =	stream.linear.gather [hbm4b:s14+s3], $0x80, $0x38;
	[tilespmem:$0x1BE00] =	vst v63  }
0x7f: {  	_ =	swait.ge [sflag:s23], $0x80  }
0x80: {  	[sflag:s23] =	ssyncset.done $0x0  }
0x81: {  	[sflag:s23] =	ssyncadd.s32 $0xFFFFFF80  }
0x82: {  	[tilespmem:s0], [sflag:$0x2] =	stream.indirect.gather [hbm4b:s4+s28], $0x80, s30, s28, $0xb8;
	[tilespmem:$0x1BE00] =	vst v63  }
0x83: {  	_ =	swait.ge [sflag:s2], $0x4000  }
0x84: {  	[sflag:s2] =	ssyncset.done $0x0  }
0x85: {  	[sflag:s2] =	ssyncadd.s32 $0xFFFFC000  }
0x86: {  	[spmem:s1] =	stream.indirect.scatter.add.f32 [tilespmem:s29], [sflag:$0x3], $0x80, s26, s28, $0xb8;
	[tilespmem:$0x1BE00] =	vst v63  }
0x87: {  	_ =	swait.ge [sflag:s23], $0x4000  }
0x88: {  	[sflag:s23] =	ssyncset.done $0x0  }
0x89: {  	s7 =	sadd.s32 $0x73C0, s15;
	[sflag:s23] =	ssyncadd.s32 $0xFFFFC000  }
0x8a: {  	[tilespmem:s25], [sflag:$0x3] =	stream.linear.gather [hbm4b:s7+s3], $0x80, $0x38;
	[tilespmem:$0x1BE00] =	vst v63  }
0x8b: {  	_ =	swait.ge [sflag:s23], $0x80  }
0x8c: {  	[sflag:s23] =	ssyncset.done $0x0  }
0x8d: {  	s18 =	sadd.s32 $0x73C0, s17;
	[sflag:s23] =	ssyncadd.s32 $0xFFFFFF80  }
0x8e: {  	[tilespmem:s26], [sflag:$0x3] =	stream.linear.gather [hbm4b:s18+s3], $0x80, $0x38;
	[tilespmem:$0x1BE00] =	vst v63  }
0x8f: {  	_ =	swait.ge [sflag:s23], $0x80  }
0x90: {  	[sflag:s23] =	ssyncset.done $0x0  }
0x91: {  	[sflag:s23] =	ssyncadd.s32 $0xFFFFFF80  }
0x92: {  	[tilespmem:s29], [sflag:$0x1] =	stream.indirect.gather [hbm4b:s4+s28], $0x80, s25, s28, $0xb8;
	[tilespmem:$0x1BE00] =	vst v63  }
0x93: {  	_ =	swait.ge [sflag:s10], $0x4000  }
0x94: {  	[sflag:s10] =	ssyncset.done $0x0  }
0x95: {  	[sflag:s10] =	ssyncadd.s32 $0xFFFFC000  }
0x96: {  	[spmem:s1] =	stream.indirect.scatter.add.f32 [tilespmem:s0], [sflag:$0x3], $0x80, s31, s28, $0xb8;
	[tilespmem:$0x1BE00] =	vst v63  }
0x97: {  	s15 =	sadd.s32 $0xFFFFFD80, s22;
	_ =	swait.ge [sflag:s23], $0x4000  }
0x98: {  	s17 =	simm.s32 $0xFFFFFDA0;
	s14 =	simm.s32 $0xFFFFFD80;
	[sflag:s23] =	ssyncset.done $0x0  }
.LBB2_6:
0x99: {  	s7 =	sadd.s32 $0x73B0, s15  }
0x9a: {  	[sflag:s23] =	ssyncadd.s32 $0xFFFFC000;
	s18 =	smov.u32 s17;
	s12 =	sadd.s32 $0x20, s17  }
0x9b: {  	[tilespmem:s30], [sflag:$0x3] =	stream.linear.gather [hbm4b:s7+s3], $0x80, $0x38;
	[tilespmem:$0x1BE00] =	vst v63  }
0x9c: {  	p1 =	sne.s32 s17, $0xFFFFFFE0;
	_ =	swait.ge [sflag:s23], $0x80  }
0x9d: {  	s7 =	sadd.s32 s14, s21;
	s14 =	smov.u32 s18;
	[sflag:s23] =	ssyncset.done $0x0  }
0x9e: {  	s17 =	sadd.s32 $0x73B0, s7;
	[sflag:s23] =	ssyncadd.s32 $0xFFFFFF80  }
0x9f: {  	[tilespmem:s31], [sflag:$0x3] =	stream.linear.gather [hbm4b:s17+s3], $0x80, $0x38;
	[tilespmem:$0x1BE00] =	vst v63  }
0xa0: {  	_ =	swait.ge [sflag:s23], $0x80  }
0xa1: {  	[sflag:s23] =	ssyncset.done $0x0  }
0xa2: {  	[sflag:s23] =	ssyncadd.s32 $0xFFFFFF80  }
0xa3: {  	[tilespmem:s0], [sflag:$0x2] =	stream.indirect.gather [hbm4b:s4+s28], $0x80, s30, s28, $0xb8;
	[tilespmem:$0x1BE00] =	vst v63  }
0xa4: {  	_ =	swait.ge [sflag:s2], $0x4000  }
0xa5: {  	[sflag:s2] =	ssyncset.done $0x0  }
0xa6: {  	[sflag:s2] =	ssyncadd.s32 $0xFFFFC000  }
0xa7: {  	[spmem:s1] =	stream.indirect.scatter.add.f32 [tilespmem:s29], [sflag:$0x3], $0x80, s26, s28, $0xb8;
	[tilespmem:$0x1BE00] =	vst v63  }
0xa8: {  	_ =	swait.ge [sflag:s23], $0x4000  }
0xa9: {  	[sflag:s23] =	ssyncset.done $0x0  }
0xaa: {  	s15 =	sadd.s32 $0x73C0, s15;
	[sflag:s23] =	ssyncadd.s32 $0xFFFFC000  }
0xab: {  	[tilespmem:s25], [sflag:$0x3] =	stream.linear.gather [hbm4b:s15+s3], $0x80, $0x38;
	[tilespmem:$0x1BE00] =	vst v63  }
0xac: {  	_ =	swait.ge [sflag:s23], $0x80  }
0xad: {  	[sflag:s23] =	ssyncset.done $0x0  }
0xae: {  	s7 =	sadd.s32 $0x73C0, s7;
	[sflag:s23] =	ssyncadd.s32 $0xFFFFFF80  }
0xaf: {  	[tilespmem:s26], [sflag:$0x3] =	stream.linear.gather [hbm4b:s7+s3], $0x80, $0x38;
	[tilespmem:$0x1BE00] =	vst v63  }
0xb0: {  	_ =	swait.ge [sflag:s23], $0x80  }
0xb1: {  	[sflag:s23] =	ssyncset.done $0x0  }
0xb2: {  	[sflag:s23] =	ssyncadd.s32 $0xFFFFFF80  }
0xb3: {  	[tilespmem:s29], [sflag:$0x1] =	stream.indirect.gather [hbm4b:s4+s28], $0x80, s25, s28, $0xb8;
	[tilespmem:$0x1BE00] =	vst v63  }
0xb4: {  	_ =	swait.ge [sflag:s10], $0x4000  }
.Ltmp3:
0xb5: {  	[sflag:s10] =	ssyncset.done $0x0;
	(pc) =	sbr.rel @p1 .LBB2_6-.Ltmp3, $4  }
0xb6: {  	[sflag:s10] =	ssyncadd.s32 $0xFFFFC000  }
0xb7: {  	[spmem:s1] =	stream.indirect.scatter.add.f32 [tilespmem:s0], [sflag:$0x3], $0x80, s31, s28, $0xb8;
	[tilespmem:$0x1BE00] =	vst v63  }
0xb8: {  	_ =	swait.ge [sflag:s23], $0x4000  }
0xb9: {  	s17 =	smov.u32 s12;
	s15 =	sadd.s32 s14, s22;
	[sflag:s23] =	ssyncset.done $0x0  }
.Ltmp4:
0xba: {  	_ = 	snop;
	(pc) =	sbr.rel .LBB2_7-.Ltmp4, $1  }
0xbb: {  	_ =	sdelay $0x3  }
.LBB2_2:
0xbc: {  	s7 =	rddreg [dreg:$0x4]  }
0xbd: {  	[tilespmem:s25], [sflag:$0x3] =	stream.linear.gather [hbm4b:s7+s3], $0x80, $0x38;
	[tilespmem:$0x1BE00] =	vst v63  }
0xbe: {  	_ =	swait.ge [sflag:s23], $0x80  }
0xbf: {  	[sflag:s23] =	ssyncset.done $0x0  }
0xc0: {  	s15 =	rddreg [dreg:$0x5];
	[sflag:s23] =	ssyncadd.s32 $0xFFFFFF80  }
0xc1: {  	[tilespmem:s26], [sflag:$0x3] =	stream.linear.gather [hbm4b:s15+s3], $0x80, $0x38;
	[tilespmem:$0x1BE00] =	vst v63  }
0xc2: {  	_ =	swait.ge [sflag:s23], $0x80  }
0xc3: {  	[sflag:s23] =	ssyncset.done $0x0  }
0xc4: {  	s12 =	sadd.s32 $0xFFFFF920, s20;
	[sflag:s23] =	ssyncadd.s32 $0xFFFFFF80  }
0xc5: {  	[tilespmem:s29], [sflag:$0x1] =	stream.indirect.gather [hbm4b:s4+s28], $0x80, s25, s28, $0xb8;
	[tilespmem:$0x1BE00] =	vst v63  }
0xc6: {  	s14 =	sadd.s32 $0x6F0, s12  }
0xc7: {  	[tilespmem:s30], [sflag:$0x3] =	stream.linear.gather [hbm4b:s14+s3], $0x80, $0x38;
	[tilespmem:$0x1BE00] =	vst v63  }
0xc8: {  	_ =	swait.ge [sflag:s23], $0x80  }
0xc9: {  	s17 =	sadd.s32 $0xFFFFF920, s19;
	[sflag:s23] =	ssyncset.done $0x0  }
0xca: {  	s15 =	sadd.s32 $0x6F0, s17;
	[sflag:s23] =	ssyncadd.s32 $0xFFFFFF80  }
0xcb: {  	[tilespmem:s31], [sflag:$0x3] =	stream.linear.gather [hbm4b:s15+s3], $0x80, $0x38;
	[tilespmem:$0x1BE00] =	vst v63  }
0xcc: {  	_ =	swait.ge [sflag:s23], $0x80  }
0xcd: {  	[sflag:s23] =	ssyncset.done $0x0  }
0xce: {  	[sflag:s23] =	ssyncadd.s32 $0xFFFFFF80  }
0xcf: {  	[tilespmem:s0], [sflag:$0x2] =	stream.indirect.gather [hbm4b:s4+s28], $0x80, s30, s28, $0xb8;
	[tilespmem:$0x1BE00] =	vst v63  }
0xd0: {  	_ =	swait.ge [sflag:s2], $0x4000  }
0xd1: {  	[sflag:s2] =	ssyncset.done $0x0  }
0xd2: {  	[sflag:s2] =	ssyncadd.s32 $0xFFFFC000  }
0xd3: {  	[spmem:s1] =	stream.indirect.scatter.add.f32 [tilespmem:s29], [sflag:$0x3], $0x80, s26, s28, $0xb8;
	[tilespmem:$0x1BE00] =	vst v63  }
0xd4: {  	_ =	swait.ge [sflag:s23], $0x4000  }
0xd5: {  	[sflag:s23] =	ssyncset.done $0x0  }
0xd6: {  	s12 =	sadd.s32 $0x700, s12;
	[sflag:s23] =	ssyncadd.s32 $0xFFFFC000  }
0xd7: {  	[tilespmem:s25], [sflag:$0x3] =	stream.linear.gather [hbm4b:s12+s3], $0x80, $0x38;
	[tilespmem:$0x1BE00] =	vst v63  }
0xd8: {  	_ =	swait.ge [sflag:s23], $0x80  }
0xd9: {  	[sflag:s23] =	ssyncset.done $0x0  }
0xda: {  	s18 =	sadd.s32 $0x700, s17;
	[sflag:s23] =	ssyncadd.s32 $0xFFFFFF80  }
0xdb: {  	[tilespmem:s26], [sflag:$0x3] =	stream.linear.gather [hbm4b:s18+s3], $0x80, $0x38;
	[tilespmem:$0x1BE00] =	vst v63  }
0xdc: {  	_ =	swait.ge [sflag:s23], $0x80  }
0xdd: {  	[sflag:s23] =	ssyncset.done $0x0  }
0xde: {  	[sflag:s23] =	ssyncadd.s32 $0xFFFFFF80  }
0xdf: {  	[tilespmem:s29], [sflag:$0x1] =	stream.indirect.gather [hbm4b:s4+s28], $0x80, s25, s28, $0xb8;
	[tilespmem:$0x1BE00] =	vst v63  }
0xe0: {  	_ =	swait.ge [sflag:s10], $0x4000  }
0xe1: {  	[sflag:s10] =	ssyncset.done $0x0  }
0xe2: {  	[sflag:s10] =	ssyncadd.s32 $0xFFFFC000  }
0xe3: {  	[spmem:s1] =	stream.indirect.scatter.add.f32 [tilespmem:s0], [sflag:$0x3], $0x80, s31, s28, $0xb8;
	[tilespmem:$0x1BE00] =	vst v63  }
0xe4: {  	s14 =	simm.s32 $0xFFFFF940;
	_ =	swait.ge [sflag:s23], $0x4000  }
0xe5: {  	s15 =	sadd.s32 $0xFFFFF940, s20;
	s12 =	simm.s32 $0xFFFFF960;
	[sflag:s23] =	ssyncset.done $0x0  }
.LBB2_3:
0xe6: {  	s18 =	sadd.s32 $0x6F0, s15  }
0xe7: {  	[sflag:s23] =	ssyncadd.s32 $0xFFFFC000;
	s7 =	smov.u32 s12;
	s17 =	sadd.s32 $0x20, s12  }
0xe8: {  	[tilespmem:s30], [sflag:$0x3] =	stream.linear.gather [hbm4b:s18+s3], $0x80, $0x38;
	[tilespmem:$0x1BE00] =	vst v63  }
0xe9: {  	p1 =	seq.s32 s12, $0xFFFFFFE0;
	_ =	swait.ge [sflag:s23], $0x80  }
0xea: {  	s12 =	sadd.s32 s14, s19;
	s14 =	smov.u32 s7;
	[sflag:s23] =	ssyncset.done $0x0  }
0xeb: {  	s7 =	sadd.s32 $0x6F0, s12;
	[sflag:s23] =	ssyncadd.s32 $0xFFFFFF80  }
0xec: {  	[tilespmem:s31], [sflag:$0x3] =	stream.linear.gather [hbm4b:s7+s3], $0x80, $0x38;
	[tilespmem:$0x1BE00] =	vst v63  }
0xed: {  	_ =	swait.ge [sflag:s23], $0x80  }
0xee: {  	[sflag:s23] =	ssyncset.done $0x0  }
0xef: {  	[sflag:s23] =	ssyncadd.s32 $0xFFFFFF80  }
0xf0: {  	[tilespmem:s0], [sflag:$0x2] =	stream.indirect.gather [hbm4b:s4+s28], $0x80, s30, s28, $0xb8;
	[tilespmem:$0x1BE00] =	vst v63  }
0xf1: {  	_ =	swait.ge [sflag:s2], $0x4000  }
0xf2: {  	[sflag:s2] =	ssyncset.done $0x0  }
0xf3: {  	[sflag:s2] =	ssyncadd.s32 $0xFFFFC000  }
0xf4: {  	[spmem:s1] =	stream.indirect.scatter.add.f32 [tilespmem:s29], [sflag:$0x3], $0x80, s26, s28, $0xb8;
	[tilespmem:$0x1BE00] =	vst v63  }
0xf5: {  	_ =	swait.ge [sflag:s23], $0x4000  }
0xf6: {  	[sflag:s23] =	ssyncset.done $0x0  }
0xf7: {  	s7 =	sadd.s32 $0x700, s15;
	[sflag:s23] =	ssyncadd.s32 $0xFFFFC000  }
0xf8: {  	[tilespmem:s25], [sflag:$0x3] =	stream.linear.gather [hbm4b:s7+s3], $0x80, $0x38;
	[tilespmem:$0x1BE00] =	vst v63  }
0xf9: {  	_ =	swait.ge [sflag:s23], $0x80  }
0xfa: {  	[sflag:s23] =	ssyncset.done $0x0  }
0xfb: {  	s7 =	sadd.s32 $0x700, s12;
	[sflag:s23] =	ssyncadd.s32 $0xFFFFFF80  }
0xfc: {  	[tilespmem:s26], [sflag:$0x3] =	stream.linear.gather [hbm4b:s7+s3], $0x80, $0x38;
	[tilespmem:$0x1BE00] =	vst v63  }
0xfd: {  	_ =	swait.ge [sflag:s23], $0x80  }
0xfe: {  	[sflag:s23] =	ssyncset.done $0x0  }
0xff: {  	[sflag:s23] =	ssyncadd.s32 $0xFFFFFF80  }
0x100: {  	[tilespmem:s29], [sflag:$0x1] =	stream.indirect.gather [hbm4b:s4+s28], $0x80, s25, s28, $0xb8;
	[tilespmem:$0x1BE00] =	vst v63  }
0x101: {  	_ =	swait.ge [sflag:s10], $0x4000  }
.Ltmp5:
0x102: {  	[sflag:s10] =	ssyncset.done $0x0;
	(pc) =	sbr.rel @!p1 .LBB2_3-.Ltmp5, $4  }
0x103: {  	[sflag:s10] =	ssyncadd.s32 $0xFFFFC000  }
0x104: {  	[spmem:s1] =	stream.indirect.scatter.add.f32 [tilespmem:s0], [sflag:$0x3], $0x80, s31, s28, $0xb8;
	[tilespmem:$0x1BE00] =	vst v63  }
0x105: {  	_ =	swait.ge [sflag:s23], $0x4000  }
0x106: {  	s15 =	sadd.s32 s14, s20;
	s12 =	smov.u32 s17;
	[sflag:s23] =	ssyncset.done $0x0  }
0x107: {  	s7 =	sadd.s32 $0x6F0, s15;
	[sflag:s23] =	ssyncadd.s32 $0xFFFFC000  }
0x108: {  	[tilespmem:s30], [sflag:$0x3] =	stream.linear.gather [hbm4b:s7+s3], $0x80, $0x38;
	[tilespmem:$0x1BE00] =	vst v63  }
0x109: {  	_ =	swait.ge [sflag:s23], $0x80  }
0x10a: {  	s17 =	sadd.s32 s14, s19;
	[sflag:s23] =	ssyncset.done $0x0  }
0x10b: {  	s12 =	sadd.s32 $0x6F0, s17;
	[sflag:s23] =	ssyncadd.s32 $0xFFFFFF80  }
0x10c: {  	[tilespmem:s31], [sflag:$0x3] =	stream.linear.gather [hbm4b:s12+s3], $0x80, $0x38;
	[tilespmem:$0x1BE00] =	vst v63  }
0x10d: {  	_ =	swait.ge [sflag:s23], $0x80  }
0x10e: {  	[sflag:s23] =	ssyncset.done $0x0  }
0x10f: {  	[sflag:s23] =	ssyncadd.s32 $0xFFFFFF80  }
0x110: {  	[tilespmem:s0], [sflag:$0x2] =	stream.indirect.gather [hbm4b:s4+s28], $0x80, s30, s28, $0xb8;
	[tilespmem:$0x1BE00] =	vst v63  }
0x111: {  	_ =	swait.ge [sflag:s2], $0x4000  }
0x112: {  	[sflag:s2] =	ssyncset.done $0x0  }
0x113: {  	[sflag:s2] =	ssyncadd.s32 $0xFFFFC000  }
0x114: {  	[spmem:s1] =	stream.indirect.scatter.add.f32 [tilespmem:s29], [sflag:$0x3], $0x80, s26, s28, $0xb8;
	[tilespmem:$0x1BE00] =	vst v63  }
0x115: {  	_ =	swait.ge [sflag:s23], $0x4000  }
0x116: {  	[sflag:s23] =	ssyncset.done $0x0  }
0x117: {  	s18 =	sadd.s32 $0x700, s15;
	[sflag:s23] =	ssyncadd.s32 $0xFFFFC000  }
0x118: {  	[tilespmem:s25], [sflag:$0x3] =	stream.linear.gather [hbm4b:s18+s3], $0x80, $0x38;
	[tilespmem:$0x1BE00] =	vst v63  }
0x119: {  	_ =	swait.ge [sflag:s23], $0x80  }
0x11a: {  	[sflag:s23] =	ssyncset.done $0x0  }
0x11b: {  	s7 =	sadd.s32 $0x700, s17;
	[sflag:s23] =	ssyncadd.s32 $0xFFFFFF80  }
0x11c: {  	[tilespmem:s26], [sflag:$0x3] =	stream.linear.gather [hbm4b:s7+s3], $0x80, $0x38;
	[tilespmem:$0x1BE00] =	vst v63  }
0x11d: {  	_ =	swait.ge [sflag:s23], $0x80  }
0x11e: {  	[sflag:s23] =	ssyncset.done $0x0  }
0x11f: {  	[sflag:s23] =	ssyncadd.s32 $0xFFFFFF80  }
0x120: {  	[tilespmem:s29], [sflag:$0x1] =	stream.indirect.gather [hbm4b:s4+s28], $0x80, s25, s28, $0xb8;
	[tilespmem:$0x1BE00] =	vst v63  }
0x121: {  	_ =	swait.ge [sflag:s10], $0x4000  }
0x122: {  	[sflag:s10] =	ssyncset.done $0x0  }
.Ltmp6:
0x123: {  	[sflag:s10] =	ssyncadd.s32 $0xFFFFC000;
	(pc) =	sbr.rel .LBB2_8-.Ltmp6, $4  }
0x124: {  	[spmem:s1] =	stream.indirect.scatter.add.f32 [tilespmem:s0], [sflag:$0x3], $0x80, s31, s28, $0xb8;
	[tilespmem:$0x1BE00] =	vst v63  }
0x125: {  	_ =	swait.ge [sflag:s23], $0x4000  }
0x126: {  	[sflag:s23] =	ssyncset.done $0x0;
	s14 =	rddreg [dreg:$0xa]  }
0x127: {  	s12 =	rddreg [dreg:$0x6];
	[sflag:s23] =	ssyncadd.s32 $0xFFFFC000  }
.LBB2_9:
0x128: {  	_ =	sfence.sel $0x180000  }
0x129: {  	[bflag:$0x0] =	sbarrier.arrive $0xFFFF  }
0x12a: {  	_ =	strace $0x9000004D  }
0x12b: {  	s0 =	stileid.u32;
	[bflag:$0x2] =	sbarrier.arrive $0xFFFF  }
0x12c: {  	p0 =	sne.s32 s0, $0x0;
	s0 =	rddreg [dreg:$0x2]  }
0x12d: {  	s0 =	sadd.s32 @!p0 $0x100000, s0  }
0x12e: {  	[sflag:s0] =	ssyncadd.tile.s32 @!p0 $0x1;
	_ =	shalt  }
.Lfunc_end2:
_tile_overlayer_lowered:
.L_overlay_start_2:
0x12f: {  	(tag) =	ssettag $0x2  }
0x130: {  	s0 =	rddreg [dreg:$0x0];
	s2 =	stileid.u32  }
0x131: {  	s1 =	rddreg [dreg:$0x1];
	p0 =	sne.s32 s2, $0x0  }
0x132: {  	s3 =	rddreg [dreg:$0x2];
	[bflag:$0x3] =	sbarrier.arrive $0xFFFF;
	s2 =	simm.s32 @!p0 $0x1C03  }
0x133: {  	[timem:s3], [sflag:s2] =	dma.local @!p0 [hbm:s0], s1  }
0x134: {  	s0 =	simm.s32 @!p0 $0x3  }
0x135: {  	_ =	swait.ge @!p0 [sflag:s0], s1  }
0x136: {  	s1 =	ssub.s32 @!p0 $0x0, s1;
	[sflag:s0] =	ssyncset.done @!p0 $0x0  }
0x137: {  	[sflag:s0] =	ssyncadd.s32 @!p0 s1  }
0x138: {  	[bflag:$0x3] =	sbarrier.arrive $0xFFFF  }
0x139: {  	_ =	shalt  }

// kernel: kernel.23.cloned.1.call-start
scs
__scs_entry_jumppad:
0x0: {  	(pc) =	sbr.rel $0x88, $3  }
0x1: {  	(tag) =	ssettag $0x0;
	lr =	simm.s32 $0x1  }
0x2: {  	[smem:$0x3F86] =	sst lr;
	_ =	strace $0xD0000000  }
0x3: {  	_ = 	snop  }
0x4: {  	_ = 	snop  }
0x5: {  	_ = 	snop  }
0x6: {  	_ = 	snop  }
0x7: {  	_ = 	snop  }
__scs_overlays_trampoline_lowered:
0x8: {  	[smem:$0x3F95] =	sst s0  }
0x9: {  	[smem:$0x3F96] =	sst s1  }
0xa: {  	[smem:$0x3F97] =	sst s2  }
0xb: {  	[smem:$0x3F98] =	sst s3  }
0xc: {  	[smem:$0x3F99] =	sst s4  }
0xd: {  	[smem:$0x3F9A] =	sst s5  }
0xe: {  	[smem:$0x3F9B] =	sst s6  }
0xf: {  	[smem:$0x3F9C] =	sst s7  }
0x10: {  	[smem:$0x3F9D] =	sst s8  }
0x11: {  	[smem:$0x3F9E] =	sst s9;
	s0 =	simm.s32 @!p0 $0x0  }
0x12: {  	s1 =	sld [smem:$0x3F84];
	s0 =	simm.s32 @p0 $0x1  }
0x13: {  	[smem:$0x3F9F] =	sst s0;
	s0 =	simm.s32 @!p1 $0x0  }
0x14: {  	s2 =	sld [smem:$0x3F83];
	s0 =	simm.s32 @p1 $0x1  }
0x15: {  	[smem:$0x3FA0] =	sst s0;
	s0 =	simm.s32 @!p2 $0x0  }
0x16: {  	s3 =	sld [smem:$0x3FDB];
	s0 =	simm.s32 @p2 $0x1  }
0x17: {  	s4 =	simm.s32 $0x1BF5;
	[smem:$0x3FA2] =	sst s0  }
0x18: {  	s0 =	sld [smem:$0x3F85];
	_ =	swait.ge [sflag:s4], $0x0  }
0x19: {  	s7 =	sld [smem:$0x3F86]  }
0x1a: {  	s8 =	sadd.s32 $0xFFFFE003, lr  }
0x1b: {  	s9 =	sadd.s32 $0xFFFFFEF7, lr;
	s5 =	simm.s32 $0xFFFFFFFF;
	p2 =	slt.u32 s8, $0xFFFFF086  }
0x1c: {  	p1 =	slt.u32 s9, $0xF7A;
	s5 =	simm.s32 @!p2 $0x0  }
0x1d: {  	s5 =	simm.s32 @p1 $0x1;
	p0 =	seq.s32 s7, s2  }
0x1e: {  	s7 =	smul.u32 @!p0 $0xF7A, s2;
	p2 =	seq.s32 @!p0 s5, $0x0  }
0x1f: {  	s9 =	smul.u32 $0xF7A, s1;
	s8 =	simm.s32 @!p0 $0x1BF5;
	p2 =	por !p2, p0  }
0x20: {  	[sflag:s8] =	ssyncset.s32 @!p0 $0xFFFFF086;
	s6 =	sadd.s32 @!p0 s3, s7;
	s7 =	simm.s32 @!p0 $0x108  }
0x21: {  	s3 =	sadd.s32 s3, s9;
	s6 =	sadd.s32 @!p0 $0x88, s6;
	s7 =	simm.s32 @p2 $0x1082  }
0x22: {  	[simem:s7], [sflag:s8] =	dma.local @!p0 [hbm:s6], $0xF7A  }
0x23: {  	s9 =	sor.u32 $0xD0000000, s2;
	s6 =	simm.s32 $0x108;
	_ =	swait.ge @!p0 [sflag:s8], $0x0  }
0x24: {  	s3 =	sadd.s32 $0x88, s3;
	s6 =	simm.s32 @!p1 $0x1082;
	[sflag:s4] =	ssyncset.s32 $0xFFFFF086  }
0x25: {  	[simem:s6], [sflag:s4] =	dma.local [hbm:s3], $0xF7A  }
0x26: {  	[smem:$0x3F86] =	sst s1;
	(tag) =	ssettag s2;
	_ =	strace s9  }
0x27: {  	s1 =	sld [smem:$0x3F96]  }
0x28: {  	s2 =	sld [smem:$0x3F97]  }
0x29: {  	s4 =	sld [smem:$0x3F99]  }
0x2a: {  	p0 =	seq.s32 s5, $0x0;
	s5 =	sld [smem:$0x3F9A]  }
0x2b: {  	s6 =	sld [smem:$0x3F9B]  }
0x2c: {  	s7 =	sld [smem:$0x3F9C]  }
0x2d: {  	s3 =	simm.s32 $0x108;
	s8 =	sld [smem:$0x3F9D]  }
0x2e: {  	s3 =	simm.s32 @!p0 $0x1082;
	s9 =	sld [smem:$0x3F9E]  }
0x2f: {  	lr =	sadd.s32 s0, s3;
	s0 =	sld [smem:$0x3F95]  }
0x30: {  	s3 =	sld [smem:$0x3F98]  }
0x31: {  	[smem:$0x3FA1] =	sst s10  }
0x32: {  	s10 =	sld [smem:$0x3F9F];
	_ =	sdelay $0x3  }
0x33: {  	p0 =	seq.s32 s10, $0x1;
	s10 =	sld [smem:$0x3FA1];
	_ =	sdelay $0x3  }
0x34: {  	[smem:$0x3FA1] =	sst s10  }
0x35: {  	s10 =	sld [smem:$0x3FA0];
	_ =	sdelay $0x3  }
0x36: {  	p1 =	seq.s32 s10, $0x1;
	s10 =	sld [smem:$0x3FA1];
	_ =	sdelay $0x3  }
0x37: {  	[smem:$0x3FA1] =	sst s10  }
0x38: {  	s10 =	sld [smem:$0x3FA2]  }
0x39: {  	_ = 	snop;
	(pc) =	sbr.ind lr, $3  }
0x3a: {  	_ = 	snop  }
0x3b: {  	_ = 	snop  }
0x3c: {  	p2 =	seq.s32 s10, $0x1;
	s10 =	sld [smem:$0x3FA1]  }
0x3d: {  	_ =	shalt  }
0x3e: {  	_ =	shalt  }
0x3f: {  	_ =	shalt  }
0x40: {  	_ =	shalt  }
0x41: {  	_ =	shalt  }
0x42: {  	_ =	shalt  }
0x43: {  	_ =	shalt  }
0x44: {  	_ =	shalt  }
0x45: {  	_ =	shalt  }
0x46: {  	_ =	shalt  }
0x47: {  	_ =	shalt  }
0x48: {  	_ =	shalt  }
0x49: {  	_ =	shalt  }
0x4a: {  	_ =	shalt  }
0x4b: {  	_ =	shalt  }
0x4c: {  	_ =	shalt  }
0x4d: {  	_ =	shalt  }
0x4e: {  	_ =	shalt  }
0x4f: {  	_ =	shalt  }
0x50: {  	_ =	shalt  }
0x51: {  	_ =	shalt  }
0x52: {  	_ =	shalt  }
0x53: {  	_ =	shalt  }
0x54: {  	_ =	shalt  }
0x55: {  	_ =	shalt  }
0x56: {  	_ =	shalt  }
0x57: {  	_ =	shalt  }
0x58: {  	_ =	shalt  }
0x59: {  	_ =	shalt  }
0x5a: {  	_ =	shalt  }
0x5b: {  	_ =	shalt  }
0x5c: {  	_ =	shalt  }
0x5d: {  	_ =	shalt  }
0x5e: {  	_ =	shalt  }
0x5f: {  	_ =	shalt  }
0x60: {  	_ =	shalt  }
0x61: {  	_ =	shalt  }
0x62: {  	_ =	shalt  }
0x63: {  	_ =	shalt  }
0x64: {  	_ =	shalt  }
0x65: {  	_ =	shalt  }
0x66: {  	_ =	shalt  }
0x67: {  	_ =	shalt  }
0x68: {  	_ =	shalt  }
0x69: {  	_ =	shalt  }
0x6a: {  	_ =	shalt  }
0x6b: {  	_ =	shalt  }
0x6c: {  	_ =	shalt  }
0x6d: {  	_ =	shalt  }
0x6e: {  	_ =	shalt  }
0x6f: {  	_ =	shalt  }
0x70: {  	_ =	shalt  }
0x71: {  	_ =	shalt  }
0x72: {  	_ =	shalt  }
0x73: {  	_ =	shalt  }
0x74: {  	_ =	shalt  }
0x75: {  	_ =	shalt  }
0x76: {  	_ =	shalt  }
0x77: {  	_ =	shalt  }
0x78: {  	_ =	shalt  }
0x79: {  	_ =	shalt  }
0x7a: {  	_ =	shalt  }
0x7b: {  	_ =	shalt  }
0x7c: {  	_ =	shalt  }
0x7d: {  	_ =	shalt  }
0x7e: {  	_ =	shalt  }
0x7f: {  	_ =	shalt  }
0x80: {  	_ =	shalt  }
0x81: {  	_ =	shalt  }
0x82: {  	_ =	shalt  }
0x83: {  	_ =	shalt  }
0x84: {  	_ =	shalt  }
0x85: {  	_ =	shalt  }
0x86: {  	_ =	shalt  }
0x87: {  	_ =	shalt  }
.Lfunc_end0:
.L_simem_size_0:
called_computation.3_lowered:
.L_overlay_start_0:
0x88: {  	s2 =	sld [smem:$0x3FD9]  }
0x89: {  	s3 =	sld [smem:$0x3FFE];
	_ =	sdelay $0x1  }
0x8a: {  	s1 =	srdreg.scid  }
0x8b: {  	s0 =	sand.u32 $0x1, s1  }
0x8c: {  	s16 =	sshll.u32 s0, $0xA;
	s2 =	sadd.s32 s3, s2  }
0x8d: {  	s2 =	sadd.s32 s2, s16  }
0x8e: {  	[smem:$0x3FAD] =	sst s2  }
0x8f: {  	_ = 	snop  }
0x90: {  	(tm) =	ssettm $0x1  }
0x91: {  	s17 =	sld [smem:$0x3FFB];
	_ =	sdelay $0x3  }
0x92: {  	_ =	strace s17  }
0x93: {  	s2 =	sld [smem:$0x3FFC];
	_ =	sdelay $0x3  }
0x94: {  	_ =	strace s2  }
0x95: {  	s2 =	sld [smem:$0x3FFD];
	_ =	sdelay $0x3  }
0x96: {  	_ =	strace s2  }
0x97: {  	_ =	strace $0x8FFFFFFF  }
0x98: {  	s18 =	sld [smem:$0x3FDB];
	_ =	sdelay $0x1  }
0x99: {  	s19 =	simm.s32 $_scs_section_size  }
0x9a: {  	s4 =	simm.s32 $_size__tile_overlayer_lowered;
	s5 =	simm.s32 $_tile_overlayer_lowered  }
0x9b: {  	s22 =	simm.s32 $0x1BFF;
	s21 =	sshll.u32 s5, $0x1;
	s2 =	sadd.s32 s19, s18  }
0x9c: {  	s6 =	simm.s32 $0x0;
	s20 =	sshll.u32 s4, $0x1;
	s4 =	sadd.s32 s21, s2  }
0x9d: {  	[timem:s6], [sflag:s22] =	dma.local [hbm:s4], s20  }
0x9e: {  	_ =	swait.ge [sflag:s22], s20  }
0x9f: {  	s3 =	ssub.s32 $0x0, s20;
	[sflag:s22] =	ssyncset.done $0x0  }
0xa0: {  	[sflag:s22] =	ssyncadd.s32 s3;
	_ =	sdelay $0x1  }
0xa1: {  	s23 =	simm.s32 $0x1B8B  }
0xa2: {  	_ =	swait.ge [sflag:s23], $0x1  }
0xa3: {  	[sflag:s23] =	ssyncset.done $0x0  }
0xa4: {  	s25 =	simm.s32 $0x1B8E;
	s24 =	sld [smem:$0x3FFE];
	[sflag:s23] =	ssyncadd.s32 $0xFFFFFFFF  }
0xa5: {  	s26 =	simm.s32 $execute0_lowered;
	[smem:$0x3FD2] =	sst s25  }
0xa6: {  	s4 =	sshll.u32 s26, $0x1;
	_ =	strace $0x8000004F;
	[dreg:$0x1] =	wrdreg $0xFFFFFFFF  }
0xa7: {  	s28 =	simm.s32 $_size_execute0_lowered;
	s2 =	sadd.s32 s2, s4;
	[dreg:$0x0] =	wrdreg $0x0  }
0xa8: {  	s4 =	sshll.u32 s28, $0x1;
	[dreg:$0x2] =	wrdreg s2  }
0xa9: {  	[dreg:$0x3] =	wrdreg s4  }
0xaa: {  	[dreg:$0x4] =	wrdreg $0xC0  }
0xab: {  	_ =	task [dreg:s6], $0x5FFFF  }
0xac: {  	[dreg:$0x1] =	wrdreg $0xFFFFFFFF  }
0xad: {  	[dreg:$0x0] =	wrdreg $0x60  }
0xae: {  	[dreg:$0x2] =	wrdreg s24  }
0xaf: {  	[dreg:$0x3] =	wrdreg $0x0  }
0xb0: {  	[dreg:$0x4] =	wrdreg $0x9  }
0xb1: {  	_ =	task.clear_ibuf [dreg:s6], $0x5FFFF;
	_ =	strace $0x9000004F  }
0xb2: {  	s29 =	simm.s32 $0x9;
	_ =	strace $0x80000051  }
0xb3: {  	_ =	swait.ge [sflag:s29], $0x1  }
0xb4: {  	[sflag:s29] =	ssyncadd.s32 $0xFFFFFFFF  }
0xb5: {  	_ =	strace $0x90000051  }
0xb6: {  	_ =	sfence  }
0xb7: {  	s30 =	sld [smem:$0x0];
	_ =	sdelay $0x2  }
0xb8: {  	s31 =	sshll.u32 s1, $0xD;
	s1 =	sshrl.u32 s1, $0x2  }
0xb9: {  	s3 =	sand.u32 $0x4000, s31;
	s1 =	sadd.s32 s1, s30  }
0xba: {  	s0 =	sor.u32 s3, s0;
	s1 =	sshll.u32 s1, $0x11  }
0xbb: {  	s0 =	sor.u32 s1, s0  }
0xbc: {  	s0 =	sadd.s32 $0x8F2B, s0  }
0xbd: {  	[sflag:s0] =	ssyncadd.remote.s32 $0x1  }
0xbe: {  	_ =	sfence.sel $0xFFFF  }
0xbf: {  	[dreg:$0x0] =	wrdreg $0xFFFFFFFF;
	(pc) =	sbr.abs _section_cstart, $3  }
0xc0: {  	[dreg:$0x1] =	wrdreg $0xFFFFFFFF  }
0xc1: {  	_ =	task.clear_ibuf [dreg:s6], $0x2FFFF;
	_ =	strace $0x9FFFFFFF  }
0xc2: {  	(tm) =	ssettm $0x7FFFFFFF  }
0xc3: {  	_ =	shalt  }
tec
execute0_lowered:
.L_overlay_start_1:
0x0: {  	(tag) =	ssettag $0x1  }
0x1: {  	s0 =	rddreg [dreg:$0x0]  }
0x2: {  	s1 =	rddreg [dreg:$0x1]  }
0x3: {  	s3 =	simm.s32 $0x0;
	s17 =	stileid.u32;
	s2 =	srdreg.scid  }
0x4: {  	s28 =	simm.s32 $0x80;
	s29 =	simm.s32 $0x13E00;
	s10 =	smul.u32 $0x2780, s17  }
0x5: {  	s30 =	simm.s32 $0x13D00;
	s31 =	simm.s32 $0x13D80;
	s11 =	smul.u32 $0x4F000, s17  }
0x6: {  	[smem:$0x7FF] =	sst s3;
	s4 =	sadd.s32 $0x36C00, s0;
	s12 =	smul.u32 $0x3880, s17  }
0x7: {  	s2 =	sand.u32 $0x1, s2;
	s5 =	sadd.s32 $0x85C00, s0;
	s26 =	smul.u32 $0x1680, s17  }
0x8: {  	s6 =	sadd.s32 $0x5600, s0;
	s15 =	sshll.u32 s17, $0x6;
	s23 =	smul.u32 $0x710, s17  }
0x9: {  	_ =	strace $0x80000050;
	s7 =	smul.u32 $0x27800, s2;
	s9 =	ssub.s32 $0x2, s2  }
0xa: {  	p0 =	seq.s32 s2, $0x1;
	s8 =	sadd.s32 s10, s0;
	s24 =	sshrl.u32 s9, $0x1  }
0xb: {  	s25 =	sshrl.u32 s11, $0x2;
	s14 =	sshrl.u32 s12, $0x3;
	s20 =	sadd.s32 $0x3800, s12  }
0xc: {  	s22 =	sadd.s32 $0x39E00, s26;
	s11 =	simm.s32 $0x0;
	s0 =	sadd.s32 s7, s0  }
0xd: {  	s13 =	ssub.s32 s9, s24;
	s7 =	sadd.s32 s25, s1;
	[dreg:$0x6] =	wrdreg s20  }
0xe: {  	s8 =	sadd.s32 $0xF400, s8;
	s9 =	sor.u32 $0x1C03, s15;
	[dreg:$0x9] =	wrdreg s22  }
0xf: {  	s15 =	sshrl.u32 s26, $0x3;
	s16 =	sadd.s32 s5, s14;
	[dreg:$0x3] =	wrdreg s7  }
0x10: {  	s19 =	sadd.s32 s6, s14;
	s24 =	smul.u32 $0x2D0, s17;
	[dreg:$0x4] =	wrdreg s16  }
0x11: {  	s25 =	sadd.s32 $0x3780, s12;
	s26 =	sadd.s32 $0x39D80, s26;
	[dreg:$0x5] =	wrdreg s19  }
0x12: {  	s20 =	sadd.s32 s23, s5;
	s18 =	sadd.s32 $0x7100, s15;
	[dreg:$0xa] =	wrdreg s25  }
0x13: {  	s0 =	sadd.s32 $0x8FA00, s0;
	s16 =	smax.u32 s13, $0x1;
	[dreg:$0xb] =	wrdreg s26  }
.Ltmp0:
0x14: {  	s19 =	sadd.s32 s23, s6;
	s23 =	simm.s32 $0x3;
	(pc) =	sbr.rel .LBB2_1-.Ltmp0, $4  }
0x15: {  	s25 =	simm.s32 $0x13C00;
	s26 =	simm.s32 $0x13C80;
	s21 =	sadd.s32 s5, s18  }
0x16: {  	s2 =	sadd.s32 s6, s18;
	s22 =	sadd.s32 s24, s5;
	[dreg:$0x7] =	wrdreg s21  }
0x17: {  	[dreg:$0x8] =	wrdreg s2;
	s21 =	sadd.s32 s24, s6;
	s24 =	sadd.s32 s10, s0  }
0x18: {  	s0 =	simm.s32 $0x17E00;
	s2 =	simm.s32 $0x1;
	s10 =	simm.s32 $0x2  }
.LBB2_7:
0x19: {  	s7 =	sadd.s32 $0x73B0, s15;
	[sflag:s23] =	ssyncadd.s32 $0xFFFFC000  }
0x1a: {  	[tilespmem:s30], [sflag:$0x3] =	stream.linear.gather [hbm4b:s7+s3], $0x80, $0x38;
	[tilespmem:$0x1BE00] =	vst v63  }
0x1b: {  	_ =	swait.ge [sflag:s23], $0x80  }
0x1c: {  	s17 =	sadd.s32 s14, s21;
	[sflag:s23] =	ssyncset.done $0x0  }
0x1d: {  	s12 =	sadd.s32 $0x73B0, s17;
	[sflag:s23] =	ssyncadd.s32 $0xFFFFFF80  }
0x1e: {  	[tilespmem:s31], [sflag:$0x3] =	stream.linear.gather [hbm4b:s12+s3], $0x80, $0x38;
	[tilespmem:$0x1BE00] =	vst v63  }
0x1f: {  	_ =	swait.ge [sflag:s23], $0x80  }
0x20: {  	[sflag:s23] =	ssyncset.done $0x0  }
0x21: {  	[sflag:s23] =	ssyncadd.s32 $0xFFFFFF80  }
0x22: {  	[tilespmem:s0], [sflag:$0x2] =	stream.indirect.gather [hbm4b:s4+s28], $0x80, s30, s28, $0xb8;
	[tilespmem:$0x1BE00] =	vst v63  }
0x23: {  	_ =	swait.ge [sflag:s2], $0x4000  }
0x24: {  	[sflag:s2] =	ssyncset.done $0x0  }
0x25: {  	[sflag:s2] =	ssyncadd.s32 $0xFFFFC000  }
0x26: {  	[spmem:s1] =	stream.indirect.scatter.add.f32 [tilespmem:s29], [sflag:$0x3], $0x80, s26, s28, $0xb8;
	[tilespmem:$0x1BE00] =	vst v63  }
0x27: {  	_ =	swait.ge [sflag:s23], $0x4000  }
0x28: {  	[sflag:s23] =	ssyncset.done $0x0  }
0x29: {  	s18 =	sadd.s32 $0x73C0, s15;
	[sflag:s23] =	ssyncadd.s32 $0xFFFFC000  }
0x2a: {  	[tilespmem:s25], [sflag:$0x3] =	stream.linear.gather [hbm4b:s18+s3], $0x80, $0x38;
	[tilespmem:$0x1BE00] =	vst v63  }
0x2b: {  	_ =	swait.ge [sflag:s23], $0x80  }
0x2c: {  	[sflag:s23] =	ssyncset.done $0x0  }
0x2d: {  	s7 =	sadd.s32 $0x73C0, s17;
	[sflag:s23] =	ssyncadd.s32 $0xFFFFFF80  }
0x2e: {  	[tilespmem:s26], [sflag:$0x3] =	stream.linear.gather [hbm4b:s7+s3], $0x80, $0x38;
	[tilespmem:$0x1BE00] =	vst v63  }
0x2f: {  	_ =	swait.ge [sflag:s23], $0x80  }
0x30: {  	[sflag:s23] =	ssyncset.done $0x0  }
0x31: {  	[sflag:s23] =	ssyncadd.s32 $0xFFFFFF80  }
0x32: {  	[tilespmem:s29], [sflag:$0x1] =	stream.indirect.gather [hbm4b:s4+s28], $0x80, s25, s28, $0xb8;
	[tilespmem:$0x1BE00] =	vst v63  }
0x33: {  	_ =	swait.ge [sflag:s10], $0x4000  }
0x34: {  	[sflag:s10] =	ssyncset.done $0x0  }
0x35: {  	[sflag:s10] =	ssyncadd.s32 $0xFFFFC000  }
0x36: {  	[spmem:s1] =	stream.indirect.scatter.add.f32 [tilespmem:s0], [sflag:$0x3], $0x80, s31, s28, $0xb8;
	[tilespmem:$0x1BE00] =	vst v63  }
0x37: {  	_ =	swait.ge [sflag:s23], $0x4000  }
0x38: {  	[sflag:s23] =	ssyncset.done $0x0;
	s14 =	rddreg [dreg:$0xb]  }
0x39: {  	s12 =	rddreg [dreg:$0x9];
	[sflag:s23] =	ssyncadd.s32 $0xFFFFC000  }
.LBB2_8:
0x3a: {  	s7 =	sshrl.u32 s14, $0x3  }
0x3b: {  	s14 =	sadd.s32 s5, s7  }
0x3c: {  	[tilespmem:s30], [sflag:$0x3] =	stream.linear.gather [hbm4b:s14+s3], $0x80, $0x38;
	[tilespmem:$0x1BE00] =	vst v63  }
0x3d: {  	_ =	swait.ge [sflag:s23], $0x80  }
0x3e: {  	[sflag:s23] =	ssyncset.done $0x0  }
0x3f: {  	s7 =	sadd.s32 s6, s7;
	[sflag:s23] =	ssyncadd.s32 $0xFFFFFF80  }
0x40: {  	[tilespmem:s31], [sflag:$0x3] =	stream.linear.gather [hbm4b:s7+s3], $0x80, $0x38;
	[tilespmem:$0x1BE00] =	vst v63  }
0x41: {  	_ =	swait.ge [sflag:s23], $0x80  }
0x42: {  	[sflag:s23] =	ssyncset.done $0x0  }
0x43: {  	[sflag:s23] =	ssyncadd.s32 $0xFFFFFF80  }
0x44: {  	[tilespmem:s0], [sflag:$0x2] =	stream.indirect.gather [hbm4b:s4+s28], $0x80, s30, s28, $0xb8;
	[tilespmem:$0x1BE00] =	vst v63  }
0x45: {  	_ =	swait.ge [sflag:s2], $0x4000  }
0x46: {  	[sflag:s2] =	ssyncset.done $0x0  }
0x47: {  	[sflag:s2] =	ssyncadd.s32 $0xFFFFC000  }
0x48: {  	[spmem:s1] =	stream.indirect.scatter.add.f32 [tilespmem:s29], [sflag:$0x3], $0x80, s26, s28, $0xb8;
	[tilespmem:$0x1BE00] =	vst v63  }
0x49: {  	_ =	swait.ge [sflag:s23], $0x4000  }
0x4a: {  	[sflag:s23] =	ssyncset.done $0x0  }
0x4b: {  	[sflag:s23] =	ssyncadd.s32 $0xFFFFC000  }
0x4c: {  	_ =	swait.ge [sflag:s10], $0x4000  }
0x4d: {  	[sflag:s10] =	ssyncset.done $0x0  }
0x4e: {  	[sflag:s10] =	ssyncadd.s32 $0xFFFFC000  }
0x4f: {  	[spmem:s1] =	stream.indirect.scatter.add.f32 [tilespmem:s0], [sflag:$0x3], $0x80, s31, s28, $0xb8;
	[tilespmem:$0x1BE00] =	vst v63  }
0x50: {  	_ =	swait.ge [sflag:s23], $0x4000  }
0x51: {  	s18 =	sshrl.u32 s12, $0x3;
	[sflag:s23] =	ssyncset.done $0x0  }
0x52: {  	s12 =	sadd.s32 s5, s18;
	[sflag:s23] =	ssyncadd.s32 $0xFFFFC000  }
0x53: {  	[tilespmem:s30], [sflag:$0x3] =	stream.linear.gather [hbm4b:s12+s3], $0x80, $0x38;
	[tilespmem:$0x1BE00] =	vst v63  }
0x54: {  	_ =	swait.ge [sflag:s23], $0x80  }
0x55: {  	[sflag:s23] =	ssyncset.done $0x0  }
0x56: {  	s7 =	sadd.s32 s6, s18;
	[sflag:s23] =	ssyncadd.s32 $0xFFFFFF80  }
0x57: {  	[tilespmem:s31], [sflag:$0x3] =	stream.linear.gather [hbm4b:s7+s3], $0x80, $0x38;
	[tilespmem:$0x1BE00] =	vst v63  }
0x58: {  	_ =	swait.ge [sflag:s23], $0x80  }
0x59: {  	[sflag:s23] =	ssyncset.done $0x0  }
0x5a: {  	[sflag:s23] =	ssyncadd.s32 $0xFFFFFF80  }
0x5b: {  	[tilespmem:s0], [sflag:$0x2] =	stream.indirect.gather [hbm4b:s4+s28], $0x80, s30, s28, $0xb8;
	[tilespmem:$0x1BE00] =	vst v63  }
0x5c: {  	_ =	swait.ge [sflag:s10], $0x4000  }
0x5d: {  	[sflag:s10] =	ssyncset.done $0x0  }
0x5e: {  	[sflag:s10] =	ssyncadd.s32 $0xFFFFC000  }
0x5f: {  	[spmem:s1] =	stream.indirect.scatter.add.f32 [tilespmem:s0], [sflag:$0x3], $0x80, s31, s28, $0xb8;
	[tilespmem:$0x1BE00] =	vst v63  }
0x60: {  	_ =	swait.ge [sflag:s23], $0x4000  }
0x61: {  	s11 =	sadd.s32 $0x1, s11;
	[sflag:s23] =	ssyncset.done $0x0  }
0x62: {  	p1 =	sne.s32 s11, s16;
	[sflag:s23] =	ssyncadd.s32 $0xFFFFC000  }
.Ltmp1:
0x63: {  	[bflag:$0x0] =	sbarrier.arrive $0xFFFF;
	(pc) =	sbr.rel @!p1 .LBB2_9-.Ltmp1, $4  }
0x64: {  	[hbm:s24], [sflag:s9] =	dma.local [spmem:s13], $0x2780  }
0x65: {  	_ =	swait.ge [sflag:s23], $0x2780  }
0x66: {  	[sflag:s23] =	ssyncset.done $0x0  }
0x67: {  	[sflag:s23] =	ssyncadd.s32 $0xFFFFD880  }
.LBB2_1:
0x68: {  	s7 =	rddreg [dreg:$0x3]  }
0x69: {  	s13 =	sshrl.u32 s7, $0x3  }
0x6a: {  	[spmem:s13], [sflag:s9] =	dma.local [hbm:s8], $0x2780  }
.Ltmp2:
0x6b: {  	_ =	swait.ge [sflag:s23], $0x2780;
	(pc) =	sbr.rel @!p0 .LBB2_2-.Ltmp2, $3  }
0x6c: {  	[sflag:s23] =	ssyncset.done $0x0  }
0x6d: {  	[sflag:s23] =	ssyncadd.s32 $0xFFFFD880  }
0x6e: {  	[bflag:$0x0] =	sbarrier.arrive $0xFFFF;
	_ =	sdelay $0x1  }
0x6f: {  	s7 =	rddreg [dreg:$0x7]  }
0x70: {  	[tilespmem:s25], [sflag:$0x3] =	stream.linear.gather [hbm4b:s7+s3], $0x80, $0x38;
	[tilespmem:$0x1BE00] =	vst v63  }
0x71: {  	_ =	swait.ge [sflag:s23], $0x80  }
0x72: {  	[sflag:s23] =	ssyncset.done $0x0  }
0x73: {  	s14 =	rddreg [dreg:$0x8];
	[sflag:s23] =	ssyncadd.s32 $0xFFFFFF80  }
0x74: {  	[tilespmem:s26], [sflag:$0x3] =	stream.linear.gather [hbm4b:s14+s3], $0x80, $0x38;
	[tilespmem:$0x1BE00] =	vst v63  }
0x75: {  	_ =	swait.ge [sflag:s23], $0x80  }
0x76: {  	[sflag:s23] =	ssyncset.done $0x0  }
0x77: {  	s15 =	sadd.s32 $0xFFFFFD60, s22;
	[sflag:s23] =	ssyncadd.s32 $0xFFFFFF80  }
0x78: {  	[tilespmem:s29], [sflag:$0x1] =	stream.indirect.gather [hbm4b:s4+s28], $0x80, s25, s28, $0xb8;
	[tilespmem:$0x1BE00] =	vst v63  }
0x79: {  	s12 =	sadd.s32 $0x73B0, s15  }
0x7a: {  	[tilespmem:s30], [sflag:$0x3] =	stream.linear.gather [hbm4b:s12+s3], $0x80, $0x38;
	[tilespmem:$0x1BE00] =	vst v63  }
0x7b: {  	_ =	swait.ge [sflag:s23], $0x80  }
0x7c: {  	s17 =	sadd.s32 $0xFFFFFD60, s21;
	[sflag:s23] =	ssyncset.done $0x0  }
0x7d: {  	s14 =	sadd.s32 $0x73B0, s17;
	[sflag:s23] =	ssyncadd.s32 $0xFFFFFF80  }
0x7e: {  	[tilespmem:s31], [sflag:$0x3] =	stream.linear.gather [hbm4b:s14+s3], $0x80, $0x38;
	[tilespmem:$0x1BE00] =	vst v63  }
0x7f: {  	_ =	swait.ge [sflag:s23], $0x80  }
0x80: {  	[sflag:s23] =	ssyncset.done $0x0  }
0x81: {  	[sflag:s23] =	ssyncadd.s32 $0xFFFFFF80  }
0x82: {  	[tilespmem:s0], [sflag:$0x2] =	stream.indirect.gather [hbm4b:s4+s28], $0x80, s30, s28, $0xb8;
	[tilespmem:$0x1BE00] =	vst v63  }
0x83: {  	_ =	swait.ge [sflag:s2], $0x4000  }
0x84: {  	[sflag:s2] =	ssyncset.done $0x0  }
0x85: {  	[sflag:s2] =	ssyncadd.s32 $0xFFFFC000  }
0x86: {  	[spmem:s1] =	stream.indirect.scatter.add.f32 [tilespmem:s29], [sflag:$0x3], $0x80, s26, s28, $0xb8;
	[tilespmem:$0x1BE00] =	vst v63  }
0x87: {  	_ =	swait.ge [sflag:s23], $0x4000  }
0x88: {  	[sflag:s23] =	ssyncset.done $0x0  }
0x89: {  	s7 =	sadd.s32 $0x73C0, s15;
	[sflag:s23] =	ssyncadd.s32 $0xFFFFC000  }
0x8a: {  	[tilespmem:s25], [sflag:$0x3] =	stream.linear.gather [hbm4b:s7+s3], $0x80, $0x38;
	[tilespmem:$0x1BE00] =	vst v63  }
0x8b: {  	_ =	swait.ge [sflag:s23], $0x80  }
0x8c: {  	[sflag:s23] =	ssyncset.done $0x0  }
0x8d: {  	s18 =	sadd.s32 $0x73C0, s17;
	[sflag:s23] =	ssyncadd.s32 $0xFFFFFF80  }
0x8e: {  	[tilespmem:s26], [sflag:$0x3] =	stream.linear.gather [hbm4b:s18+s3], $0x80, $0x38;
	[tilespmem:$0x1BE00] =	vst v63  }
0x8f: {  	_ =	swait.ge [sflag:s23], $0x80  }
0x90: {  	[sflag:s23] =	ssyncset.done $0x0  }
0x91: {  	[sflag:s23] =	ssyncadd.s32 $0xFFFFFF80  }
0x92: {  	[tilespmem:s29], [sflag:$0x1] =	stream.indirect.gather [hbm4b:s4+s28], $0x80, s25, s28, $0xb8;
	[tilespmem:$0x1BE00] =	vst v63  }
0x93: {  	_ =	swait.ge [sflag:s10], $0x4000  }
0x94: {  	[sflag:s10] =	ssyncset.done $0x0  }
0x95: {  	[sflag:s10] =	ssyncadd.s32 $0xFFFFC000  }
0x96: {  	[spmem:s1] =	stream.indirect.scatter.add.f32 [tilespmem:s0], [sflag:$0x3], $0x80, s31, s28, $0xb8;
	[tilespmem:$0x1BE00] =	vst v63  }
0x97: {  	s15 =	sadd.s32 $0xFFFFFD80, s22;
	_ =	swait.ge [sflag:s23], $0x4000  }
0x98: {  	s17 =	simm.s32 $0xFFFFFDA0;
	s14 =	simm.s32 $0xFFFFFD80;
	[sflag:s23] =	ssyncset.done $0x0  }
.LBB2_6:
0x99: {  	s7 =	sadd.s32 $0x73B0, s15  }
0x9a: {  	[sflag:s23] =	ssyncadd.s32 $0xFFFFC000;
	s18 =	smov.u32 s17;
	s12 =	sadd.s32 $0x20, s17  }
0x9b: {  	[tilespmem:s30], [sflag:$0x3] =	stream.linear.gather [hbm4b:s7+s3], $0x80, $0x38;
	[tilespmem:$0x1BE00] =	vst v63  }
0x9c: {  	p1 =	sne.s32 s17, $0xFFFFFFE0;
	_ =	swait.ge [sflag:s23], $0x80  }
0x9d: {  	s7 =	sadd.s32 s14, s21;
	s14 =	smov.u32 s18;
	[sflag:s23] =	ssyncset.done $0x0  }
0x9e: {  	s17 =	sadd.s32 $0x73B0, s7;
	[sflag:s23] =	ssyncadd.s32 $0xFFFFFF80  }
0x9f: {  	[tilespmem:s31], [sflag:$0x3] =	stream.linear.gather [hbm4b:s17+s3], $0x80, $0x38;
	[tilespmem:$0x1BE00] =	vst v63  }
0xa0: {  	_ =	swait.ge [sflag:s23], $0x80  }
0xa1: {  	[sflag:s23] =	ssyncset.done $0x0  }
0xa2: {  	[sflag:s23] =	ssyncadd.s32 $0xFFFFFF80  }
0xa3: {  	[tilespmem:s0], [sflag:$0x2] =	stream.indirect.gather [hbm4b:s4+s28], $0x80, s30, s28, $0xb8;
	[tilespmem:$0x1BE00] =	vst v63  }
0xa4: {  	_ =	swait.ge [sflag:s2], $0x4000  }
0xa5: {  	[sflag:s2] =	ssyncset.done $0x0  }
0xa6: {  	[sflag:s2] =	ssyncadd.s32 $0xFFFFC000  }
0xa7: {  	[spmem:s1] =	stream.indirect.scatter.add.f32 [tilespmem:s29], [sflag:$0x3], $0x80, s26, s28, $0xb8;
	[tilespmem:$0x1BE00] =	vst v63  }
0xa8: {  	_ =	swait.ge [sflag:s23], $0x4000  }
0xa9: {  	[sflag:s23] =	ssyncset.done $0x0  }
0xaa: {  	s15 =	sadd.s32 $0x73C0, s15;
	[sflag:s23] =	ssyncadd.s32 $0xFFFFC000  }
0xab: {  	[tilespmem:s25], [sflag:$0x3] =	stream.linear.gather [hbm4b:s15+s3], $0x80, $0x38;
	[tilespmem:$0x1BE00] =	vst v63  }
0xac: {  	_ =	swait.ge [sflag:s23], $0x80  }
0xad: {  	[sflag:s23] =	ssyncset.done $0x0  }
0xae: {  	s7 =	sadd.s32 $0x73C0, s7;
	[sflag:s23] =	ssyncadd.s32 $0xFFFFFF80  }
0xaf: {  	[tilespmem:s26], [sflag:$0x3] =	stream.linear.gather [hbm4b:s7+s3], $0x80, $0x38;
	[tilespmem:$0x1BE00] =	vst v63  }
0xb0: {  	_ =	swait.ge [sflag:s23], $0x80  }
0xb1: {  	[sflag:s23] =	ssyncset.done $0x0  }
0xb2: {  	[sflag:s23] =	ssyncadd.s32 $0xFFFFFF80  }
0xb3: {  	[tilespmem:s29], [sflag:$0x1] =	stream.indirect.gather [hbm4b:s4+s28], $0x80, s25, s28, $0xb8;
	[tilespmem:$0x1BE00] =	vst v63  }
0xb4: {  	_ =	swait.ge [sflag:s10], $0x4000  }
.Ltmp3:
0xb5: {  	[sflag:s10] =	ssyncset.done $0x0;
	(pc) =	sbr.rel @p1 .LBB2_6-.Ltmp3, $4  }
0xb6: {  	[sflag:s10] =	ssyncadd.s32 $0xFFFFC000  }
0xb7: {  	[spmem:s1] =	stream.indirect.scatter.add.f32 [tilespmem:s0], [sflag:$0x3], $0x80, s31, s28, $0xb8;
	[tilespmem:$0x1BE00] =	vst v63  }
0xb8: {  	_ =	swait.ge [sflag:s23], $0x4000  }
0xb9: {  	s17 =	smov.u32 s12;
	s15 =	sadd.s32 s14, s22;
	[sflag:s23] =	ssyncset.done $0x0  }
.Ltmp4:
0xba: {  	_ = 	snop;
	(pc) =	sbr.rel .LBB2_7-.Ltmp4, $1  }
0xbb: {  	_ =	sdelay $0x3  }
.LBB2_2:
0xbc: {  	s7 =	rddreg [dreg:$0x4]  }
0xbd: {  	[tilespmem:s25], [sflag:$0x3] =	stream.linear.gather [hbm4b:s7+s3], $0x80, $0x38;
	[tilespmem:$0x1BE00] =	vst v63  }
0xbe: {  	_ =	swait.ge [sflag:s23], $0x80  }
0xbf: {  	[sflag:s23] =	ssyncset.done $0x0  }
0xc0: {  	s15 =	rddreg [dreg:$0x5];
	[sflag:s23] =	ssyncadd.s32 $0xFFFFFF80  }
0xc1: {  	[tilespmem:s26], [sflag:$0x3] =	stream.linear.gather [hbm4b:s15+s3], $0x80, $0x38;
	[tilespmem:$0x1BE00] =	vst v63  }
0xc2: {  	_ =	swait.ge [sflag:s23], $0x80  }
0xc3: {  	[sflag:s23] =	ssyncset.done $0x0  }
0xc4: {  	s12 =	sadd.s32 $0xFFFFF920, s20;
	[sflag:s23] =	ssyncadd.s32 $0xFFFFFF80  }
0xc5: {  	[tilespmem:s29], [sflag:$0x1] =	stream.indirect.gather [hbm4b:s4+s28], $0x80, s25, s28, $0xb8;
	[tilespmem:$0x1BE00] =	vst v63  }
0xc6: {  	s14 =	sadd.s32 $0x6F0, s12  }
0xc7: {  	[tilespmem:s30], [sflag:$0x3] =	stream.linear.gather [hbm4b:s14+s3], $0x80, $0x38;
	[tilespmem:$0x1BE00] =	vst v63  }
0xc8: {  	_ =	swait.ge [sflag:s23], $0x80  }
0xc9: {  	s17 =	sadd.s32 $0xFFFFF920, s19;
	[sflag:s23] =	ssyncset.done $0x0  }
0xca: {  	s15 =	sadd.s32 $0x6F0, s17;
	[sflag:s23] =	ssyncadd.s32 $0xFFFFFF80  }
0xcb: {  	[tilespmem:s31], [sflag:$0x3] =	stream.linear.gather [hbm4b:s15+s3], $0x80, $0x38;
	[tilespmem:$0x1BE00] =	vst v63  }
0xcc: {  	_ =	swait.ge [sflag:s23], $0x80  }
0xcd: {  	[sflag:s23] =	ssyncset.done $0x0  }
0xce: {  	[sflag:s23] =	ssyncadd.s32 $0xFFFFFF80  }
0xcf: {  	[tilespmem:s0], [sflag:$0x2] =	stream.indirect.gather [hbm4b:s4+s28], $0x80, s30, s28, $0xb8;
	[tilespmem:$0x1BE00] =	vst v63  }
0xd0: {  	_ =	swait.ge [sflag:s2], $0x4000  }
0xd1: {  	[sflag:s2] =	ssyncset.done $0x0  }
0xd2: {  	[sflag:s2] =	ssyncadd.s32 $0xFFFFC000  }
0xd3: {  	[spmem:s1] =	stream.indirect.scatter.add.f32 [tilespmem:s29], [sflag:$0x3], $0x80, s26, s28, $0xb8;
	[tilespmem:$0x1BE00] =	vst v63  }
0xd4: {  	_ =	swait.ge [sflag:s23], $0x4000  }
0xd5: {  	[sflag:s23] =	ssyncset.done $0x0  }
0xd6: {  	s12 =	sadd.s32 $0x700, s12;
	[sflag:s23] =	ssyncadd.s32 $0xFFFFC000  }
0xd7: {  	[tilespmem:s25], [sflag:$0x3] =	stream.linear.gather [hbm4b:s12+s3], $0x80, $0x38;
	[tilespmem:$0x1BE00] =	vst v63  }
0xd8: {  	_ =	swait.ge [sflag:s23], $0x80  }
0xd9: {  	[sflag:s23] =	ssyncset.done $0x0  }
0xda: {  	s18 =	sadd.s32 $0x700, s17;
	[sflag:s23] =	ssyncadd.s32 $0xFFFFFF80  }
0xdb: {  	[tilespmem:s26], [sflag:$0x3] =	stream.linear.gather [hbm4b:s18+s3], $0x80, $0x38;
	[tilespmem:$0x1BE00] =	vst v63  }
0xdc: {  	_ =	swait.ge [sflag:s23], $0x80  }
0xdd: {  	[sflag:s23] =	ssyncset.done $0x0  }
0xde: {  	[sflag:s23] =	ssyncadd.s32 $0xFFFFFF80  }
0xdf: {  	[tilespmem:s29], [sflag:$0x1] =	stream.indirect.gather [hbm4b:s4+s28], $0x80, s25, s28, $0xb8;
	[tilespmem:$0x1BE00] =	vst v63  }
0xe0: {  	_ =	swait.ge [sflag:s10], $0x4000  }
0xe1: {  	[sflag:s10] =	ssyncset.done $0x0  }
0xe2: {  	[sflag:s10] =	ssyncadd.s32 $0xFFFFC000  }
0xe3: {  	[spmem:s1] =	stream.indirect.scatter.add.f32 [tilespmem:s0], [sflag:$0x3], $0x80, s31, s28, $0xb8;
	[tilespmem:$0x1BE00] =	vst v63  }
0xe4: {  	s14 =	simm.s32 $0xFFFFF940;
	_ =	swait.ge [sflag:s23], $0x4000  }
0xe5: {  	s15 =	sadd.s32 $0xFFFFF940, s20;
	s12 =	simm.s32 $0xFFFFF960;
	[sflag:s23] =	ssyncset.done $0x0  }
.LBB2_3:
0xe6: {  	s18 =	sadd.s32 $0x6F0, s15  }
0xe7: {  	[sflag:s23] =	ssyncadd.s32 $0xFFFFC000;
	s7 =	smov.u32 s12;
	s17 =	sadd.s32 $0x20, s12  }
0xe8: {  	[tilespmem:s30], [sflag:$0x3] =	stream.linear.gather [hbm4b:s18+s3], $0x80, $0x38;
	[tilespmem:$0x1BE00] =	vst v63  }
0xe9: {  	p1 =	seq.s32 s12, $0xFFFFFFE0;
	_ =	swait.ge [sflag:s23], $0x80  }
0xea: {  	s12 =	sadd.s32 s14, s19;
	s14 =	smov.u32 s7;
	[sflag:s23] =	ssyncset.done $0x0  }
0xeb: {  	s7 =	sadd.s32 $0x6F0, s12;
	[sflag:s23] =	ssyncadd.s32 $0xFFFFFF80  }
0xec: {  	[tilespmem:s31], [sflag:$0x3] =	stream.linear.gather [hbm4b:s7+s3], $0x80, $0x38;
	[tilespmem:$0x1BE00] =	vst v63  }
0xed: {  	_ =	swait.ge [sflag:s23], $0x80  }
0xee: {  	[sflag:s23] =	ssyncset.done $0x0  }
0xef: {  	[sflag:s23] =	ssyncadd.s32 $0xFFFFFF80  }
0xf0: {  	[tilespmem:s0], [sflag:$0x2] =	stream.indirect.gather [hbm4b:s4+s28], $0x80, s30, s28, $0xb8;
	[tilespmem:$0x1BE00] =	vst v63  }
0xf1: {  	_ =	swait.ge [sflag:s2], $0x4000  }
0xf2: {  	[sflag:s2] =	ssyncset.done $0x0  }
0xf3: {  	[sflag:s2] =	ssyncadd.s32 $0xFFFFC000  }
0xf4: {  	[spmem:s1] =	stream.indirect.scatter.add.f32 [tilespmem:s29], [sflag:$0x3], $0x80, s26, s28, $0xb8;
	[tilespmem:$0x1BE00] =	vst v63  }
0xf5: {  	_ =	swait.ge [sflag:s23], $0x4000  }
0xf6: {  	[sflag:s23] =	ssyncset.done $0x0  }
0xf7: {  	s7 =	sadd.s32 $0x700, s15;
	[sflag:s23] =	ssyncadd.s32 $0xFFFFC000  }
0xf8: {  	[tilespmem:s25], [sflag:$0x3] =	stream.linear.gather [hbm4b:s7+s3], $0x80, $0x38;
	[tilespmem:$0x1BE00] =	vst v63  }
0xf9: {  	_ =	swait.ge [sflag:s23], $0x80  }
0xfa: {  	[sflag:s23] =	ssyncset.done $0x0  }
0xfb: {  	s7 =	sadd.s32 $0x700, s12;
	[sflag:s23] =	ssyncadd.s32 $0xFFFFFF80  }
0xfc: {  	[tilespmem:s26], [sflag:$0x3] =	stream.linear.gather [hbm4b:s7+s3], $0x80, $0x38;
	[tilespmem:$0x1BE00] =	vst v63  }
0xfd: {  	_ =	swait.ge [sflag:s23], $0x80  }
0xfe: {  	[sflag:s23] =	ssyncset.done $0x0  }
0xff: {  	[sflag:s23] =	ssyncadd.s32 $0xFFFFFF80  }
0x100: {  	[tilespmem:s29], [sflag:$0x1] =	stream.indirect.gather [hbm4b:s4+s28], $0x80, s25, s28, $0xb8;
	[tilespmem:$0x1BE00] =	vst v63  }
0x101: {  	_ =	swait.ge [sflag:s10], $0x4000  }
.Ltmp5:
0x102: {  	[sflag:s10] =	ssyncset.done $0x0;
	(pc) =	sbr.rel @!p1 .LBB2_3-.Ltmp5, $4  }
0x103: {  	[sflag:s10] =	ssyncadd.s32 $0xFFFFC000  }
0x104: {  	[spmem:s1] =	stream.indirect.scatter.add.f32 [tilespmem:s0], [sflag:$0x3], $0x80, s31, s28, $0xb8;
	[tilespmem:$0x1BE00] =	vst v63  }
0x105: {  	_ =	swait.ge [sflag:s23], $0x4000  }
0x106: {  	s15 =	sadd.s32 s14, s20;
	s12 =	smov.u32 s17;
	[sflag:s23] =	ssyncset.done $0x0  }
0x107: {  	s7 =	sadd.s32 $0x6F0, s15;
	[sflag:s23] =	ssyncadd.s32 $0xFFFFC000  }
0x108: {  	[tilespmem:s30], [sflag:$0x3] =	stream.linear.gather [hbm4b:s7+s3], $0x80, $0x38;
	[tilespmem:$0x1BE00] =	vst v63  }
0x109: {  	_ =	swait.ge [sflag:s23], $0x80  }
0x10a: {  	s17 =	sadd.s32 s14, s19;
	[sflag:s23] =	ssyncset.done $0x0  }
0x10b: {  	s12 =	sadd.s32 $0x6F0, s17;
	[sflag:s23] =	ssyncadd.s32 $0xFFFFFF80  }
0x10c: {  	[tilespmem:s31], [sflag:$0x3] =	stream.linear.gather [hbm4b:s12+s3], $0x80, $0x38;
	[tilespmem:$0x1BE00] =	vst v63  }
0x10d: {  	_ =	swait.ge [sflag:s23], $0x80  }
0x10e: {  	[sflag:s23] =	ssyncset.done $0x0  }
0x10f: {  	[sflag:s23] =	ssyncadd.s32 $0xFFFFFF80  }
0x110: {  	[tilespmem:s0], [sflag:$0x2] =	stream.indirect.gather [hbm4b:s4+s28], $0x80, s30, s28, $0xb8;
	[tilespmem:$0x1BE00] =	vst v63  }
0x111: {  	_ =	swait.ge [sflag:s2], $0x4000  }
0x112: {  	[sflag:s2] =	ssyncset.done $0x0  }
0x113: {  	[sflag:s2] =	ssyncadd.s32 $0xFFFFC000  }
0x114: {  	[spmem:s1] =	stream.indirect.scatter.add.f32 [tilespmem:s29], [sflag:$0x3], $0x80, s26, s28, $0xb8;
	[tilespmem:$0x1BE00] =	vst v63  }
0x115: {  	_ =	swait.ge [sflag:s23], $0x4000  }
0x116: {  	[sflag:s23] =	ssyncset.done $0x0  }
0x117: {  	s18 =	sadd.s32 $0x700, s15;
	[sflag:s23] =	ssyncadd.s32 $0xFFFFC000  }
0x118: {  	[tilespmem:s25], [sflag:$0x3] =	stream.linear.gather [hbm4b:s18+s3], $0x80, $0x38;
	[tilespmem:$0x1BE00] =	vst v63  }
0x119: {  	_ =	swait.ge [sflag:s23], $0x80  }
0x11a: {  	[sflag:s23] =	ssyncset.done $0x0  }
0x11b: {  	s7 =	sadd.s32 $0x700, s17;
	[sflag:s23] =	ssyncadd.s32 $0xFFFFFF80  }
0x11c: {  	[tilespmem:s26], [sflag:$0x3] =	stream.linear.gather [hbm4b:s7+s3], $0x80, $0x38;
	[tilespmem:$0x1BE00] =	vst v63  }
0x11d: {  	_ =	swait.ge [sflag:s23], $0x80  }
0x11e: {  	[sflag:s23] =	ssyncset.done $0x0  }
0x11f: {  	[sflag:s23] =	ssyncadd.s32 $0xFFFFFF80  }
0x120: {  	[tilespmem:s29], [sflag:$0x1] =	stream.indirect.gather [hbm4b:s4+s28], $0x80, s25, s28, $0xb8;
	[tilespmem:$0x1BE00] =	vst v63  }
0x121: {  	_ =	swait.ge [sflag:s10], $0x4000  }
0x122: {  	[sflag:s10] =	ssyncset.done $0x0  }
.Ltmp6:
0x123: {  	[sflag:s10] =	ssyncadd.s32 $0xFFFFC000;
	(pc) =	sbr.rel .LBB2_8-.Ltmp6, $4  }
0x124: {  	[spmem:s1] =	stream.indirect.scatter.add.f32 [tilespmem:s0], [sflag:$0x3], $0x80, s31, s28, $0xb8;
	[tilespmem:$0x1BE00] =	vst v63  }
0x125: {  	_ =	swait.ge [sflag:s23], $0x4000  }
0x126: {  	[sflag:s23] =	ssyncset.done $0x0;
	s14 =	rddreg [dreg:$0xa]  }
0x127: {  	s12 =	rddreg [dreg:$0x6];
	[sflag:s23] =	ssyncadd.s32 $0xFFFFC000  }
.LBB2_9:
0x128: {  	_ =	sfence.sel $0x180000  }
0x129: {  	[bflag:$0x0] =	sbarrier.arrive $0xFFFF  }
0x12a: {  	_ =	strace $0x90000050  }
0x12b: {  	s0 =	stileid.u32;
	[bflag:$0x2] =	sbarrier.arrive $0xFFFF  }
0x12c: {  	p0 =	sne.s32 s0, $0x0;
	s0 =	rddreg [dreg:$0x2]  }
0x12d: {  	s0 =	sadd.s32 @!p0 $0x100000, s0  }
0x12e: {  	[sflag:s0] =	ssyncadd.tile.s32 @!p0 $0x1;
	_ =	shalt  }
.Lfunc_end2:
_tile_overlayer_lowered:
.L_overlay_start_2:
0x12f: {  	(tag) =	ssettag $0x2  }
0x130: {  	s0 =	rddreg [dreg:$0x0];
	s2 =	stileid.u32  }
0x131: {  	s1 =	rddreg [dreg:$0x1];
	p0 =	sne.s32 s2, $0x0  }
0x132: {  	s3 =	rddreg [dreg:$0x2];
	[bflag:$0x3] =	sbarrier.arrive $0xFFFF;
	s2 =	simm.s32 @!p0 $0x1C03  }
0x133: {  	[timem:s3], [sflag:s2] =	dma.local @!p0 [hbm:s0], s1  }
0x134: {  	s0 =	simm.s32 @!p0 $0x3  }
0x135: {  	_ =	swait.ge @!p0 [sflag:s0], s1  }
0x136: {  	s1 =	ssub.s32 @!p0 $0x0, s1;
	[sflag:s0] =	ssyncset.done @!p0 $0x0  }
0x137: {  	[sflag:s0] =	ssyncadd.s32 @!p0 s1  }
0x138: {  	[bflag:$0x3] =	sbarrier.arrive $0xFFFF  }
0x139: {  	_ =	shalt  }

// kernel: kernel.26.cloned.1.call-start
scs
__scs_entry_jumppad:
0x0: {  	(pc) =	sbr.rel $0x88, $3  }
0x1: {  	(tag) =	ssettag $0x0;
	lr =	simm.s32 $0x1  }
0x2: {  	[smem:$0x3F86] =	sst lr;
	_ =	strace $0xD0000000  }
0x3: {  	_ = 	snop  }
0x4: {  	_ = 	snop  }
0x5: {  	_ = 	snop  }
0x6: {  	_ = 	snop  }
0x7: {  	_ = 	snop  }
__scs_overlays_trampoline_lowered:
0x8: {  	[smem:$0x3F95] =	sst s0  }
0x9: {  	[smem:$0x3F96] =	sst s1  }
0xa: {  	[smem:$0x3F97] =	sst s2  }
0xb: {  	[smem:$0x3F98] =	sst s3  }
0xc: {  	[smem:$0x3F99] =	sst s4  }
0xd: {  	[smem:$0x3F9A] =	sst s5  }
0xe: {  	[smem:$0x3F9B] =	sst s6  }
0xf: {  	[smem:$0x3F9C] =	sst s7  }
0x10: {  	[smem:$0x3F9D] =	sst s8  }
0x11: {  	[smem:$0x3F9E] =	sst s9;
	s0 =	simm.s32 @!p0 $0x0  }
0x12: {  	s1 =	sld [smem:$0x3F84];
	s0 =	simm.s32 @p0 $0x1  }
0x13: {  	[smem:$0x3F9F] =	sst s0;
	s0 =	simm.s32 @!p1 $0x0  }
0x14: {  	s2 =	sld [smem:$0x3F83];
	s0 =	simm.s32 @p1 $0x1  }
0x15: {  	[smem:$0x3FA0] =	sst s0;
	s0 =	simm.s32 @!p2 $0x0  }
0x16: {  	s3 =	sld [smem:$0x3FDB];
	s0 =	simm.s32 @p2 $0x1  }
0x17: {  	s4 =	simm.s32 $0x1BF5;
	[smem:$0x3FA2] =	sst s0  }
0x18: {  	s0 =	sld [smem:$0x3F85];
	_ =	swait.ge [sflag:s4], $0x0  }
0x19: {  	s7 =	sld [smem:$0x3F86]  }
0x1a: {  	s8 =	sadd.s32 $0xFFFFE003, lr  }
0x1b: {  	s9 =	sadd.s32 $0xFFFFFEF7, lr;
	s5 =	simm.s32 $0xFFFFFFFF;
	p2 =	slt.u32 s8, $0xFFFFF086  }
0x1c: {  	p1 =	slt.u32 s9, $0xF7A;
	s5 =	simm.s32 @!p2 $0x0  }
0x1d: {  	s5 =	simm.s32 @p1 $0x1;
	p0 =	seq.s32 s7, s2  }
0x1e: {  	s7 =	smul.u32 @!p0 $0xF7A, s2;
	p2 =	seq.s32 @!p0 s5, $0x0  }
0x1f: {  	s9 =	smul.u32 $0xF7A, s1;
	s8 =	simm.s32 @!p0 $0x1BF5;
	p2 =	por !p2, p0  }
0x20: {  	[sflag:s8] =	ssyncset.s32 @!p0 $0xFFFFF086;
	s6 =	sadd.s32 @!p0 s3, s7;
	s7 =	simm.s32 @!p0 $0x108  }
0x21: {  	s3 =	sadd.s32 s3, s9;
	s6 =	sadd.s32 @!p0 $0x88, s6;
	s7 =	simm.s32 @p2 $0x1082  }
0x22: {  	[simem:s7], [sflag:s8] =	dma.local @!p0 [hbm:s6], $0xF7A  }
0x23: {  	s9 =	sor.u32 $0xD0000000, s2;
	s6 =	simm.s32 $0x108;
	_ =	swait.ge @!p0 [sflag:s8], $0x0  }
0x24: {  	s3 =	sadd.s32 $0x88, s3;
	s6 =	simm.s32 @!p1 $0x1082;
	[sflag:s4] =	ssyncset.s32 $0xFFFFF086  }
0x25: {  	[simem:s6], [sflag:s4] =	dma.local [hbm:s3], $0xF7A  }
0x26: {  	[smem:$0x3F86] =	sst s1;
	(tag) =	ssettag s2;
	_ =	strace s9  }
0x27: {  	s1 =	sld [smem:$0x3F96]  }
0x28: {  	s2 =	sld [smem:$0x3F97]  }
0x29: {  	s4 =	sld [smem:$0x3F99]  }
0x2a: {  	p0 =	seq.s32 s5, $0x0;
	s5 =	sld [smem:$0x3F9A]  }
0x2b: {  	s6 =	sld [smem:$0x3F9B]  }
0x2c: {  	s7 =	sld [smem:$0x3F9C]  }
0x2d: {  	s3 =	simm.s32 $0x108;
	s8 =	sld [smem:$0x3F9D]  }
0x2e: {  	s3 =	simm.s32 @!p0 $0x1082;
	s9 =	sld [smem:$0x3F9E]  }
0x2f: {  	lr =	sadd.s32 s0, s3;
	s0 =	sld [smem:$0x3F95]  }
0x30: {  	s3 =	sld [smem:$0x3F98]  }
0x31: {  	[smem:$0x3FA1] =	sst s10  }
0x32: {  	s10 =	sld [smem:$0x3F9F];
	_ =	sdelay $0x3  }
0x33: {  	p0 =	seq.s32 s10, $0x1;
	s10 =	sld [smem:$0x3FA1];
	_ =	sdelay $0x3  }
0x34: {  	[smem:$0x3FA1] =	sst s10  }
0x35: {  	s10 =	sld [smem:$0x3FA0];
	_ =	sdelay $0x3  }
0x36: {  	p1 =	seq.s32 s10, $0x1;
	s10 =	sld [smem:$0x3FA1];
	_ =	sdelay $0x3  }
0x37: {  	[smem:$0x3FA1] =	sst s10  }
0x38: {  	s10 =	sld [smem:$0x3FA2]  }
0x39: {  	_ = 	snop;
	(pc) =	sbr.ind lr, $3  }
0x3a: {  	_ = 	snop  }
0x3b: {  	_ = 	snop  }
0x3c: {  	p2 =	seq.s32 s10, $0x1;
	s10 =	sld [smem:$0x3FA1]  }
0x3d: {  	_ =	shalt  }
0x3e: {  	_ =	shalt  }
0x3f: {  	_ =	shalt  }
0x40: {  	_ =	shalt  }
0x41: {  	_ =	shalt  }
0x42: {  	_ =	shalt  }
0x43: {  	_ =	shalt  }
0x44: {  	_ =	shalt  }
0x45: {  	_ =	shalt  }
0x46: {  	_ =	shalt  }
0x47: {  	_ =	shalt  }
0x48: {  	_ =	shalt  }
0x49: {  	_ =	shalt  }
0x4a: {  	_ =	shalt  }
0x4b: {  	_ =	shalt  }
0x4c: {  	_ =	shalt  }
0x4d: {  	_ =	shalt  }
0x4e: {  	_ =	shalt  }
0x4f: {  	_ =	shalt  }
0x50: {  	_ =	shalt  }
0x51: {  	_ =	shalt  }
0x52: {  	_ =	shalt  }
0x53: {  	_ =	shalt  }
0x54: {  	_ =	shalt  }
0x55: {  	_ =	shalt  }
0x56: {  	_ =	shalt  }
0x57: {  	_ =	shalt  }
0x58: {  	_ =	shalt  }
0x59: {  	_ =	shalt  }
0x5a: {  	_ =	shalt  }
0x5b: {  	_ =	shalt  }
0x5c: {  	_ =	shalt  }
0x5d: {  	_ =	shalt  }
0x5e: {  	_ =	shalt  }
0x5f: {  	_ =	shalt  }
0x60: {  	_ =	shalt  }
0x61: {  	_ =	shalt  }
0x62: {  	_ =	shalt  }
0x63: {  	_ =	shalt  }
0x64: {  	_ =	shalt  }
0x65: {  	_ =	shalt  }
0x66: {  	_ =	shalt  }
0x67: {  	_ =	shalt  }
0x68: {  	_ =	shalt  }
0x69: {  	_ =	shalt  }
0x6a: {  	_ =	shalt  }
0x6b: {  	_ =	shalt  }
0x6c: {  	_ =	shalt  }
0x6d: {  	_ =	shalt  }
0x6e: {  	_ =	shalt  }
0x6f: {  	_ =	shalt  }
0x70: {  	_ =	shalt  }
0x71: {  	_ =	shalt  }
0x72: {  	_ =	shalt  }
0x73: {  	_ =	shalt  }
0x74: {  	_ =	shalt  }
0x75: {  	_ =	shalt  }
0x76: {  	_ =	shalt  }
0x77: {  	_ =	shalt  }
0x78: {  	_ =	shalt  }
0x79: {  	_ =	shalt  }
0x7a: {  	_ =	shalt  }
0x7b: {  	_ =	shalt  }
0x7c: {  	_ =	shalt  }
0x7d: {  	_ =	shalt  }
0x7e: {  	_ =	shalt  }
0x7f: {  	_ =	shalt  }
0x80: {  	_ =	shalt  }
0x81: {  	_ =	shalt  }
0x82: {  	_ =	shalt  }
0x83: {  	_ =	shalt  }
0x84: {  	_ =	shalt  }
0x85: {  	_ =	shalt  }
0x86: {  	_ =	shalt  }
0x87: {  	_ =	shalt  }
.Lfunc_end0:
.L_simem_size_0:
called_computation.4_lowered:
.L_overlay_start_0:
0x88: {  	s2 =	sld [smem:$0x3FD9]  }
0x89: {  	s3 =	sld [smem:$0x3FFE];
	_ =	sdelay $0x1  }
0x8a: {  	s1 =	srdreg.scid  }
0x8b: {  	s0 =	sand.u32 $0x1, s1  }
0x8c: {  	s16 =	sshll.u32 s0, $0xA;
	s2 =	sadd.s32 s3, s2  }
0x8d: {  	s2 =	sadd.s32 s2, s16  }
0x8e: {  	[smem:$0x3FAD] =	sst s2  }
0x8f: {  	_ = 	snop  }
0x90: {  	(tm) =	ssettm $0x1  }
0x91: {  	s17 =	sld [smem:$0x3FFB];
	_ =	sdelay $0x3  }
0x92: {  	_ =	strace s17  }
0x93: {  	s2 =	sld [smem:$0x3FFC];
	_ =	sdelay $0x3  }
0x94: {  	_ =	strace s2  }
0x95: {  	s2 =	sld [smem:$0x3FFD];
	_ =	sdelay $0x3  }
0x96: {  	_ =	strace s2  }
0x97: {  	_ =	strace $0x8FFFFFFF  }
0x98: {  	s18 =	sld [smem:$0x3FDB];
	_ =	sdelay $0x1  }
0x99: {  	s19 =	simm.s32 $_scs_section_size  }
0x9a: {  	s4 =	simm.s32 $_size__tile_overlayer_lowered;
	s5 =	simm.s32 $_tile_overlayer_lowered  }
0x9b: {  	s22 =	simm.s32 $0x1BFF;
	s21 =	sshll.u32 s5, $0x1;
	s2 =	sadd.s32 s19, s18  }
0x9c: {  	s6 =	simm.s32 $0x0;
	s20 =	sshll.u32 s4, $0x1;
	s4 =	sadd.s32 s21, s2  }
0x9d: {  	[timem:s6], [sflag:s22] =	dma.local [hbm:s4], s20  }
0x9e: {  	_ =	swait.ge [sflag:s22], s20  }
0x9f: {  	s3 =	ssub.s32 $0x0, s20;
	[sflag:s22] =	ssyncset.done $0x0  }
0xa0: {  	[sflag:s22] =	ssyncadd.s32 s3;
	_ =	sdelay $0x1  }
0xa1: {  	s23 =	simm.s32 $0x1B8B  }
0xa2: {  	_ =	swait.ge [sflag:s23], $0x1  }
0xa3: {  	[sflag:s23] =	ssyncset.done $0x0  }
0xa4: {  	s25 =	simm.s32 $0x1B8E;
	s24 =	sld [smem:$0x3FFE];
	[sflag:s23] =	ssyncadd.s32 $0xFFFFFFFF  }
0xa5: {  	s26 =	simm.s32 $execute0_lowered;
	[smem:$0x3FD2] =	sst s25  }
0xa6: {  	s4 =	sshll.u32 s26, $0x1;
	_ =	strace $0x80000052;
	[dreg:$0x1] =	wrdreg $0xFFFFFFFF  }
0xa7: {  	s28 =	simm.s32 $_size_execute0_lowered;
	s2 =	sadd.s32 s2, s4;
	[dreg:$0x0] =	wrdreg $0x0  }
0xa8: {  	s4 =	sshll.u32 s28, $0x1;
	[dreg:$0x2] =	wrdreg s2  }
0xa9: {  	[dreg:$0x3] =	wrdreg s4  }
0xaa: {  	[dreg:$0x4] =	wrdreg $0xC0  }
0xab: {  	_ =	task [dreg:s6], $0x5FFFF  }
0xac: {  	[dreg:$0x1] =	wrdreg $0xFFFFFFFF  }
0xad: {  	[dreg:$0x0] =	wrdreg $0x60  }
0xae: {  	[dreg:$0x2] =	wrdreg s24  }
0xaf: {  	[dreg:$0x3] =	wrdreg $0x9  }
0xb0: {  	_ =	task.clear_ibuf [dreg:s6], $0x4FFFF;
	_ =	strace $0x90000052  }
0xb1: {  	s29 =	simm.s32 $0x9;
	_ =	strace $0x80000054  }
0xb2: {  	_ =	swait.ge [sflag:s29], $0x1  }
0xb3: {  	[sflag:s29] =	ssyncadd.s32 $0xFFFFFFFF  }
0xb4: {  	_ =	strace $0x90000054  }
0xb5: {  	_ =	sfence  }
0xb6: {  	s30 =	sld [smem:$0x0];
	_ =	sdelay $0x2  }
0xb7: {  	s31 =	sshll.u32 s1, $0xD;
	s1 =	sshrl.u32 s1, $0x2  }
0xb8: {  	s3 =	sand.u32 $0x4000, s31;
	s1 =	sadd.s32 s1, s30  }
0xb9: {  	s0 =	sor.u32 s3, s0;
	s1 =	sshll.u32 s1, $0x11  }
0xba: {  	s0 =	sor.u32 s1, s0  }
0xbb: {  	s0 =	sadd.s32 $0x8F2B, s0  }
0xbc: {  	[sflag:s0] =	ssyncadd.remote.s32 $0x1  }
0xbd: {  	_ =	sfence.sel $0xFFFF  }
0xbe: {  	[dreg:$0x0] =	wrdreg $0xFFFFFFFF;
	(pc) =	sbr.abs _section_cstart, $3  }
0xbf: {  	[dreg:$0x1] =	wrdreg $0xFFFFFFFF  }
0xc0: {  	_ =	task.clear_ibuf [dreg:s6], $0x2FFFF;
	_ =	strace $0x9FFFFFFF  }
0xc1: {  	(tm) =	ssettm $0x7FFFFFFF  }
tec
execute0_lowered:
.L_overlay_start_1:
0x0: {  	(tag) =	ssettag $0x1  }
0x1: {  	s6 =	rddreg [dreg:$0x0]  }
0x2: {  	s1 =	simm.s32 $0x0;
	s4 =	srdreg.scid;
	s0 =	stileid.u32  }
0x3: {  	s21 =	simm.s32 $0x80;
	s22 =	simm.s32 $0x100;
	s23 =	simm.s32 $0x4100  }
0x4: {  	s24 =	simm.s32 $0x1;
	s25 =	simm.s32 $0x2;
	s10 =	smul.u32 $0xA00, s0  }
0x5: {  	s26 =	simm.s32 $0x0;
	[smem:$0x7FF] =	sst s1;
	s11 =	smul.u32 $0x280, s0  }
0x6: {  	s3 =	sadd.s32 $0x5600, s6;
	s7 =	sand.u32 $0x1, s4;
	s13 =	smul.u32 $0xA000, s0  }
0x7: {  	s18 =	sadd.s32 $0x5FE00, s6;
	s4 =	sadd.s32 $0x5E400, s6;
	s15 =	smul.u32 $0x140, s0  }
0x8: {  	s5 =	sadd.s32 $0x61800, s6;
	s6 =	sadd.s32 $0x129800, s6;
	s17 =	smul.u32 $0x2800, s0  }
0x9: {  	s19 =	smul.u32 $0x50, s0;
	_ =	strace $0x80000053;
	s8 =	ssub.s32 $0x2, s7  }
0xa: {  	p0 =	seq.s32 s7, $0x1;
	s9 =	sshrl.u32 s8, $0x1;
	s30 =	sshrl.u32 s10, $0x3  }
0xb: {  	s31 =	sshrl.u32 s11, $0x3;
	s10 =	sadd.s32 $0x980, s10;
	s11 =	sadd.s32 $0xA200, s11  }
0xc: {  	s12 =	sadd.s32 s13, s5;
	s13 =	sadd.s32 s13, s6;
	s14 =	sadd.s32 s15, s4  }
0xd: {  	s15 =	sadd.s32 s15, s18;
	s16 =	sadd.s32 s17, s5;
	s17 =	sadd.s32 s17, s6  }
.Ltmp0:
0xe: {  	s20 =	sadd.s32 s19, s4;
	s19 =	sadd.s32 s19, s18;
	(pc) =	sbr.rel .LBB2_1-.Ltmp0, $4  }
0xf: {  	s9 =	ssub.s32 s8, s9;
	s2 =	sadd.s32 s18, s30;
	s8 =	sadd.s32 s18, s31  }
0x10: {  	s15 =	sadd.s32 $0x10, s15;
	s16 =	sadd.s32 $0xA0000, s16;
	s17 =	sadd.s32 $0xA0000, s17  }
0x11: {  	s18 =	sadd.s32 $0x1400, s20;
	s19 =	sadd.s32 $0x1410, s19;
	s20 =	simm.s32 $0x3  }
0x12: {  	[dreg:$0x2] =	wrdreg s2;
	s8 =	sadd.s32 $0x1400, s8;
	s9 =	smax.u32 s9, $0x1  }
.LBB2_7:
0x13: {  	s0 =	sadd.s32 s29, s18;
	[sflag:s20] =	ssyncadd.s32 $0xFFFFC000  }
0x14: {  	[tilespmem:s21], [sflag:$0x3] =	stream.linear.gather [hbm4b:s0+s1], $0x80, $0x38;
	[tilespmem:$0x8100] =	vst v63  }
0x15: {  	_ =	swait.ge [sflag:s20], $0x80  }
0x16: {  	[sflag:s20] =	ssyncset.done $0x0  }
0x17: {  	[sflag:s20] =	ssyncadd.s32 $0xFFFFFF80  }
0x18: {  	[tilespmem:s23], [sflag:$0x2] =	stream.indirect.gather [hbm4b:s3+s21], $0x80, s21, s21, $0xb8;
	[tilespmem:$0x8100] =	vst v63  }
0x19: {  	_ =	swait.ge [sflag:s24], $0x4000  }
0x1a: {  	[sflag:s24] =	ssyncset.done $0x0  }
0x1b: {  	[sflag:s24] =	ssyncadd.s32 $0xFFFFC000  }
0x1c: {  	[hbm4b:s30+s1] =	stream.linear.scatter [tilespmem:s22], [sflag:$0x3], $0x4000, $0x38;
	[tilespmem:$0x8100] =	vst v63  }
0x1d: {  	_ =	swait.ge [sflag:s20], $0x4000  }
0x1e: {  	[sflag:s20] =	ssyncset.done $0x0  }
0x1f: {  	s31 =	sadd.s32 s29, s19;
	[sflag:s20] =	ssyncadd.s32 $0xFFFFC000  }
0x20: {  	[tilespmem:s1], [sflag:$0x3] =	stream.linear.gather [hbm4b:s31+s1], $0x80, $0x38;
	[tilespmem:$0x8100] =	vst v63  }
0x21: {  	_ =	swait.ge [sflag:s20], $0x80  }
0x22: {  	[sflag:s20] =	ssyncset.done $0x0  }
0x23: {  	[sflag:s20] =	ssyncadd.s32 $0xFFFFFF80  }
0x24: {  	[tilespmem:s22], [sflag:$0x1] =	stream.indirect.gather [hbm4b:s3+s21], $0x80, s1, s21, $0xb8;
	[tilespmem:$0x8100] =	vst v63  }
0x25: {  	_ =	swait.ge [sflag:s25], $0x4000  }
0x26: {  	[sflag:s25] =	ssyncset.done $0x0  }
0x27: {  	[sflag:s25] =	ssyncadd.s32 $0xFFFFC000  }
0x28: {  	[hbm4b:s28+s1] =	stream.linear.scatter [tilespmem:s23], [sflag:$0x3], $0x4000, $0x38;
	[tilespmem:$0x8100] =	vst v63  }
0x29: {  	_ =	swait.ge [sflag:s20], $0x4000  }
0x2a: {  	[sflag:s20] =	ssyncset.done $0x0  }
0x2b: {  	s28 =	smov.u32 s11;
	[sflag:s20] =	ssyncadd.s32 $0xFFFFC000  }
.LBB2_8:
0x2c: {  	s0 =	sshrl.u32 s28, $0x3  }
0x2d: {  	s0 =	sadd.s32 s4, s0  }
0x2e: {  	[tilespmem:s21], [sflag:$0x3] =	stream.linear.gather [hbm4b:s0+s1], $0x80, $0x38;
	[tilespmem:$0x8100] =	vst v63  }
0x2f: {  	_ =	swait.ge [sflag:s20], $0x80  }
0x30: {  	[sflag:s20] =	ssyncset.done $0x0  }
0x31: {  	[sflag:s20] =	ssyncadd.s32 $0xFFFFFF80  }
0x32: {  	[tilespmem:s23], [sflag:$0x2] =	stream.indirect.gather [hbm4b:s3+s21], $0x80, s21, s21, $0xb8;
	[tilespmem:$0x8100] =	vst v63  }
0x33: {  	_ =	swait.ge [sflag:s24], $0x4000  }
0x34: {  	s31 =	sshll.u32 s28, $0x4;
	[sflag:s24] =	ssyncset.done $0x0  }
0x35: {  	s2 =	sadd.s32 s5, s31;
	[sflag:s24] =	ssyncadd.s32 $0xFFFFC000  }
0x36: {  	[hbm4b:s2+s1] =	stream.linear.scatter [tilespmem:s22], [sflag:$0x3], $0x4000, $0x38;
	[tilespmem:$0x8100] =	vst v63  }
0x37: {  	_ =	swait.ge [sflag:s20], $0x4000  }
0x38: {  	[sflag:s20] =	ssyncset.done $0x0  }
0x39: {  	[sflag:s20] =	ssyncadd.s32 $0xFFFFC000  }
0x3a: {  	s26 =	sadd.s32 $0x1, s26;
	_ =	swait.ge [sflag:s25], $0x4000  }
0x3b: {  	p1 =	sne.s32 s26, s9;
	[sflag:s25] =	ssyncset.done $0x0  }
.Ltmp1:
0x3c: {  	s0 =	sadd.s32 s6, s31;
	[sflag:s25] =	ssyncadd.s32 $0xFFFFC000;
	(pc) =	sbr.rel @!p1 .LBB2_9-.Ltmp1, $4  }
0x3d: {  	[hbm4b:s0+s1] =	stream.linear.scatter [tilespmem:s23], [sflag:$0x3], $0x4000, $0x38;
	[tilespmem:$0x8100] =	vst v63  }
0x3e: {  	_ =	swait.ge [sflag:s20], $0x4000  }
0x3f: {  	[sflag:s20] =	ssyncset.done $0x0  }
0x40: {  	[sflag:s20] =	ssyncadd.s32 $0xFFFFC000  }
.LBB2_1:
.Ltmp2:
0x41: {  	(pc) =	sbr.rel @!p0 .LBB2_2-.Ltmp2, $1  }
0x42: {  	_ =	sdelay $0x3  }
0x43: {  	s0 =	simm.s32 $0x0  }
0x44: {  	[tilespmem:s0], [sflag:$0x3] =	stream.linear.gather [hbm4b:s8+s0], $0x80, $0x38;
	[tilespmem:$0x8100] =	vst v63  }
0x45: {  	_ =	swait.ge [sflag:s20], $0x80  }
0x46: {  	[sflag:s20] =	ssyncset.done $0x0  }
0x47: {  	[sflag:s20] =	ssyncadd.s32 $0xFFFFFF80  }
0x48: {  	[tilespmem:s22], [sflag:$0x1] =	stream.indirect.gather [hbm4b:s3+s21], $0x80, s0, s21, $0xb8;
	[tilespmem:$0x8100] =	vst v63  }
0x49: {  	s2 =	sadd.s32 $0x0, s18  }
0x4a: {  	[tilespmem:s21], [sflag:$0x3] =	stream.linear.gather [hbm4b:s2+s1], $0x80, $0x38;
	[tilespmem:$0x8100] =	vst v63  }
0x4b: {  	_ =	swait.ge [sflag:s20], $0x80  }
0x4c: {  	[sflag:s20] =	ssyncset.done $0x0  }
0x4d: {  	[sflag:s20] =	ssyncadd.s32 $0xFFFFFF80  }
0x4e: {  	[tilespmem:s23], [sflag:$0x2] =	stream.indirect.gather [hbm4b:s3+s21], $0x80, s21, s21, $0xb8;
	[tilespmem:$0x8100] =	vst v63  }
0x4f: {  	_ =	swait.ge [sflag:s24], $0x4000  }
0x50: {  	[sflag:s24] =	ssyncset.done $0x0  }
0x51: {  	[sflag:s24] =	ssyncadd.s32 $0xFFFFC000  }
0x52: {  	[hbm4b:s16+s1] =	stream.linear.scatter [tilespmem:s22], [sflag:$0x3], $0x4000, $0x38;
	[tilespmem:$0x8100] =	vst v63  }
0x53: {  	_ =	swait.ge [sflag:s20], $0x4000  }
0x54: {  	[sflag:s20] =	ssyncset.done $0x0  }
0x55: {  	s7 =	sadd.s32 $0x0, s19;
	[sflag:s20] =	ssyncadd.s32 $0xFFFFC000  }
0x56: {  	[tilespmem:s1], [sflag:$0x3] =	stream.linear.gather [hbm4b:s7+s1], $0x80, $0x38;
	[tilespmem:$0x8100] =	vst v63  }
0x57: {  	_ =	swait.ge [sflag:s20], $0x80  }
0x58: {  	[sflag:s20] =	ssyncset.done $0x0  }
0x59: {  	[sflag:s20] =	ssyncadd.s32 $0xFFFFFF80  }
0x5a: {  	[tilespmem:s22], [sflag:$0x1] =	stream.indirect.gather [hbm4b:s3+s21], $0x80, s1, s21, $0xb8;
	[tilespmem:$0x8100] =	vst v63  }
0x5b: {  	_ =	swait.ge [sflag:s25], $0x4000  }
0x5c: {  	[sflag:s25] =	ssyncset.done $0x0  }
0x5d: {  	[sflag:s25] =	ssyncadd.s32 $0xFFFFC000  }
0x5e: {  	[hbm4b:s17+s1] =	stream.linear.scatter [tilespmem:s23], [sflag:$0x3], $0x4000, $0x38;
	[tilespmem:$0x8100] =	vst v63  }
0x5f: {  	s29 =	simm.s32 $0x10;
	s31 =	simm.s32 $0x20;
	_ =	swait.ge [sflag:s20], $0x4000  }
0x60: {  	s30 =	sadd.s32 $0x800, s16;
	s28 =	sadd.s32 $0x800, s17;
	[sflag:s20] =	ssyncset.done $0x0  }
.LBB2_6:
0x61: {  	s0 =	sadd.s32 s29, s18  }
0x62: {  	[sflag:s20] =	ssyncadd.s32 $0xFFFFC000;
	s2 =	smov.u32 s31;
	s7 =	sadd.s32 $0x10, s31  }
0x63: {  	[tilespmem:s21], [sflag:$0x3] =	stream.linear.gather [hbm4b:s0+s1], $0x80, $0x38;
	[tilespmem:$0x8100] =	vst v63  }
0x64: {  	p1 =	sne.s32 s31, $0x30;
	_ =	swait.ge [sflag:s20], $0x80  }
0x65: {  	[sflag:s20] =	ssyncset.done $0x0  }
0x66: {  	[sflag:s20] =	ssyncadd.s32 $0xFFFFFF80  }
0x67: {  	[tilespmem:s23], [sflag:$0x2] =	stream.indirect.gather [hbm4b:s3+s21], $0x80, s21, s21, $0xb8;
	[tilespmem:$0x8100] =	vst v63  }
0x68: {  	_ =	swait.ge [sflag:s24], $0x4000  }
0x69: {  	[sflag:s24] =	ssyncset.done $0x0  }
0x6a: {  	[sflag:s24] =	ssyncadd.s32 $0xFFFFC000  }
0x6b: {  	[hbm4b:s30+s1] =	stream.linear.scatter [tilespmem:s22], [sflag:$0x3], $0x4000, $0x38;
	[tilespmem:$0x8100] =	vst v63  }
0x6c: {  	_ =	swait.ge [sflag:s20], $0x4000  }
0x6d: {  	[sflag:s20] =	ssyncset.done $0x0  }
0x6e: {  	s0 =	sadd.s32 s29, s19;
	s29 =	smov.u32 s2;
	[sflag:s20] =	ssyncadd.s32 $0xFFFFC000  }
0x6f: {  	[tilespmem:s1], [sflag:$0x3] =	stream.linear.gather [hbm4b:s0+s1], $0x80, $0x38;
	[tilespmem:$0x8100] =	vst v63  }
0x70: {  	_ =	swait.ge [sflag:s20], $0x80  }
0x71: {  	[sflag:s20] =	ssyncset.done $0x0  }
0x72: {  	[sflag:s20] =	ssyncadd.s32 $0xFFFFFF80  }
0x73: {  	[tilespmem:s22], [sflag:$0x1] =	stream.indirect.gather [hbm4b:s3+s21], $0x80, s1, s21, $0xb8;
	[tilespmem:$0x8100] =	vst v63  }
0x74: {  	_ =	swait.ge [sflag:s25], $0x4000  }
.Ltmp3:
0x75: {  	[sflag:s25] =	ssyncset.done $0x0;
	(pc) =	sbr.rel @p1 .LBB2_6-.Ltmp3, $4  }
0x76: {  	[sflag:s25] =	ssyncadd.s32 $0xFFFFC000  }
0x77: {  	[hbm4b:s28+s1] =	stream.linear.scatter [tilespmem:s23], [sflag:$0x3], $0x4000, $0x38;
	[tilespmem:$0x8100] =	vst v63  }
0x78: {  	s31 =	smov.u32 s7;
	_ =	swait.ge [sflag:s20], $0x4000  }
0x79: {  	s30 =	sadd.s32 $0x800, s30;
	s28 =	sadd.s32 $0x800, s28;
	[sflag:s20] =	ssyncset.done $0x0  }
.Ltmp4:
0x7a: {  	_ = 	snop;
	(pc) =	sbr.rel .LBB2_7-.Ltmp4, $1  }
0x7b: {  	_ =	sdelay $0x3  }
.LBB2_2:
0x7c: {  	s28 =	simm.s32 $0x0;
	s0 =	rddreg [dreg:$0x2]  }
0x7d: {  	[tilespmem:s28], [sflag:$0x3] =	stream.linear.gather [hbm4b:s0+s28], $0x80, $0x38;
	[tilespmem:$0x8100] =	vst v63  }
0x7e: {  	_ =	swait.ge [sflag:s20], $0x80  }
0x7f: {  	[sflag:s20] =	ssyncset.done $0x0  }
0x80: {  	[sflag:s20] =	ssyncadd.s32 $0xFFFFFF80  }
0x81: {  	[tilespmem:s22], [sflag:$0x1] =	stream.indirect.gather [hbm4b:s3+s21], $0x80, s28, s21, $0xb8;
	[tilespmem:$0x8100] =	vst v63  }
0x82: {  	s28 =	sadd.s32 $0x0, s14  }
0x83: {  	[tilespmem:s21], [sflag:$0x3] =	stream.linear.gather [hbm4b:s28+s1], $0x80, $0x38;
	[tilespmem:$0x8100] =	vst v63  }
0x84: {  	_ =	swait.ge [sflag:s20], $0x80  }
0x85: {  	[sflag:s20] =	ssyncset.done $0x0  }
0x86: {  	[sflag:s20] =	ssyncadd.s32 $0xFFFFFF80  }
0x87: {  	[tilespmem:s23], [sflag:$0x2] =	stream.indirect.gather [hbm4b:s3+s21], $0x80, s21, s21, $0xb8;
	[tilespmem:$0x8100] =	vst v63  }
0x88: {  	_ =	swait.ge [sflag:s24], $0x4000  }
0x89: {  	[sflag:s24] =	ssyncset.done $0x0  }
0x8a: {  	[sflag:s24] =	ssyncadd.s32 $0xFFFFC000  }
0x8b: {  	[hbm4b:s12+s1] =	stream.linear.scatter [tilespmem:s22], [sflag:$0x3], $0x4000, $0x38;
	[tilespmem:$0x8100] =	vst v63  }
0x8c: {  	_ =	swait.ge [sflag:s20], $0x4000  }
0x8d: {  	[sflag:s20] =	ssyncset.done $0x0  }
0x8e: {  	s28 =	sadd.s32 $0x0, s15;
	[sflag:s20] =	ssyncadd.s32 $0xFFFFC000  }
0x8f: {  	[tilespmem:s1], [sflag:$0x3] =	stream.linear.gather [hbm4b:s28+s1], $0x80, $0x38;
	[tilespmem:$0x8100] =	vst v63  }
0x90: {  	_ =	swait.ge [sflag:s20], $0x80  }
0x91: {  	[sflag:s20] =	ssyncset.done $0x0  }
0x92: {  	[sflag:s20] =	ssyncadd.s32 $0xFFFFFF80  }
0x93: {  	[tilespmem:s22], [sflag:$0x1] =	stream.indirect.gather [hbm4b:s3+s21], $0x80, s1, s21, $0xb8;
	[tilespmem:$0x8100] =	vst v63  }
0x94: {  	_ =	swait.ge [sflag:s25], $0x4000  }
0x95: {  	[sflag:s25] =	ssyncset.done $0x0  }
0x96: {  	[sflag:s25] =	ssyncadd.s32 $0xFFFFC000  }
0x97: {  	[hbm4b:s13+s1] =	stream.linear.scatter [tilespmem:s23], [sflag:$0x3], $0x4000, $0x38;
	[tilespmem:$0x8100] =	vst v63  }
0x98: {  	s29 =	simm.s32 $0x10;
	s31 =	simm.s32 $0x20;
	_ =	swait.ge [sflag:s20], $0x4000  }
0x99: {  	s30 =	sadd.s32 $0x800, s12;
	s28 =	sadd.s32 $0x800, s13;
	[sflag:s20] =	ssyncset.done $0x0  }
.LBB2_3:
0x9a: {  	s0 =	sadd.s32 s29, s14  }
0x9b: {  	[sflag:s20] =	ssyncadd.s32 $0xFFFFC000;
	s2 =	smov.u32 s31;
	s7 =	sadd.s32 $0x10, s31  }
0x9c: {  	[tilespmem:s21], [sflag:$0x3] =	stream.linear.gather [hbm4b:s0+s1], $0x80, $0x38;
	[tilespmem:$0x8100] =	vst v63  }
0x9d: {  	p1 =	seq.s32 s31, $0x120;
	_ =	swait.ge [sflag:s20], $0x80  }
0x9e: {  	[sflag:s20] =	ssyncset.done $0x0  }
0x9f: {  	[sflag:s20] =	ssyncadd.s32 $0xFFFFFF80  }
0xa0: {  	[tilespmem:s23], [sflag:$0x2] =	stream.indirect.gather [hbm4b:s3+s21], $0x80, s21, s21, $0xb8;
	[tilespmem:$0x8100] =	vst v63  }
0xa1: {  	_ =	swait.ge [sflag:s24], $0x4000  }
0xa2: {  	[sflag:s24] =	ssyncset.done $0x0  }
0xa3: {  	[sflag:s24] =	ssyncadd.s32 $0xFFFFC000  }
0xa4: {  	[hbm4b:s30+s1] =	stream.linear.scatter [tilespmem:s22], [sflag:$0x3], $0x4000, $0x38;
	[tilespmem:$0x8100] =	vst v63  }
0xa5: {  	_ =	swait.ge [sflag:s20], $0x4000  }
0xa6: {  	[sflag:s20] =	ssyncset.done $0x0  }
0xa7: {  	s0 =	sadd.s32 s29, s15;
	s29 =	smov.u32 s2;
	[sflag:s20] =	ssyncadd.s32 $0xFFFFC000  }
0xa8: {  	[tilespmem:s1], [sflag:$0x3] =	stream.linear.gather [hbm4b:s0+s1], $0x80, $0x38;
	[tilespmem:$0x8100] =	vst v63  }
0xa9: {  	_ =	swait.ge [sflag:s20], $0x80  }
0xaa: {  	[sflag:s20] =	ssyncset.done $0x0  }
0xab: {  	[sflag:s20] =	ssyncadd.s32 $0xFFFFFF80  }
0xac: {  	[tilespmem:s22], [sflag:$0x1] =	stream.indirect.gather [hbm4b:s3+s21], $0x80, s1, s21, $0xb8;
	[tilespmem:$0x8100] =	vst v63  }
0xad: {  	_ =	swait.ge [sflag:s25], $0x4000  }
.Ltmp5:
0xae: {  	[sflag:s25] =	ssyncset.done $0x0;
	(pc) =	sbr.rel @!p1 .LBB2_3-.Ltmp5, $4  }
0xaf: {  	[sflag:s25] =	ssyncadd.s32 $0xFFFFC000  }
0xb0: {  	[hbm4b:s28+s1] =	stream.linear.scatter [tilespmem:s23], [sflag:$0x3], $0x4000, $0x38;
	[tilespmem:$0x8100] =	vst v63  }
0xb1: {  	s31 =	smov.u32 s7;
	_ =	swait.ge [sflag:s20], $0x4000  }
0xb2: {  	s30 =	sadd.s32 $0x800, s30;
	s28 =	sadd.s32 $0x800, s28;
	[sflag:s20] =	ssyncset.done $0x0  }
0xb3: {  	s0 =	sadd.s32 s29, s14;
	[sflag:s20] =	ssyncadd.s32 $0xFFFFC000  }
0xb4: {  	[tilespmem:s21], [sflag:$0x3] =	stream.linear.gather [hbm4b:s0+s1], $0x80, $0x38;
	[tilespmem:$0x8100] =	vst v63  }
0xb5: {  	_ =	swait.ge [sflag:s20], $0x80  }
0xb6: {  	[sflag:s20] =	ssyncset.done $0x0  }
0xb7: {  	[sflag:s20] =	ssyncadd.s32 $0xFFFFFF80  }
0xb8: {  	[tilespmem:s23], [sflag:$0x2] =	stream.indirect.gather [hbm4b:s3+s21], $0x80, s21, s21, $0xb8;
	[tilespmem:$0x8100] =	vst v63  }
0xb9: {  	_ =	swait.ge [sflag:s24], $0x4000  }
0xba: {  	[sflag:s24] =	ssyncset.done $0x0  }
0xbb: {  	[sflag:s24] =	ssyncadd.s32 $0xFFFFC000  }
0xbc: {  	[hbm4b:s30+s1] =	stream.linear.scatter [tilespmem:s22], [sflag:$0x3], $0x4000, $0x38;
	[tilespmem:$0x8100] =	vst v63  }
0xbd: {  	_ =	swait.ge [sflag:s20], $0x4000  }
0xbe: {  	[sflag:s20] =	ssyncset.done $0x0  }
0xbf: {  	s31 =	sadd.s32 s29, s15;
	[sflag:s20] =	ssyncadd.s32 $0xFFFFC000  }
0xc0: {  	[tilespmem:s1], [sflag:$0x3] =	stream.linear.gather [hbm4b:s31+s1], $0x80, $0x38;
	[tilespmem:$0x8100] =	vst v63  }
0xc1: {  	_ =	swait.ge [sflag:s20], $0x80  }
0xc2: {  	[sflag:s20] =	ssyncset.done $0x0  }
0xc3: {  	[sflag:s20] =	ssyncadd.s32 $0xFFFFFF80  }
0xc4: {  	[tilespmem:s22], [sflag:$0x1] =	stream.indirect.gather [hbm4b:s3+s21], $0x80, s1, s21, $0xb8;
	[tilespmem:$0x8100] =	vst v63  }
0xc5: {  	_ =	swait.ge [sflag:s25], $0x4000  }
0xc6: {  	[sflag:s25] =	ssyncset.done $0x0  }
.Ltmp6:
0xc7: {  	[sflag:s25] =	ssyncadd.s32 $0xFFFFC000;
	(pc) =	sbr.rel .LBB2_8-.Ltmp6, $4  }
0xc8: {  	[hbm4b:s28+s1] =	stream.linear.scatter [tilespmem:s23], [sflag:$0x3], $0x4000, $0x38;
	[tilespmem:$0x8100] =	vst v63  }
0xc9: {  	_ =	swait.ge [sflag:s20], $0x4000  }
0xca: {  	[sflag:s20] =	ssyncset.done $0x0  }
0xcb: {  	s28 =	smov.u32 s10;
	[sflag:s20] =	ssyncadd.s32 $0xFFFFC000  }
.LBB2_9:
0xcc: {  	_ =	sfence.sel $0x180000  }
0xcd: {  	[bflag:$0x0] =	sbarrier.arrive $0xFFFF  }
0xce: {  	_ =	strace $0x90000053  }
0xcf: {  	s0 =	stileid.u32;
	[bflag:$0x2] =	sbarrier.arrive $0xFFFF  }
0xd0: {  	p0 =	sne.s32 s0, $0x0;
	s0 =	rddreg [dreg:$0x1]  }
0xd1: {  	s0 =	sadd.s32 @!p0 $0x100000, s0  }
0xd2: {  	[sflag:s0] =	ssyncadd.tile.s32 @!p0 $0x1;
	_ =	shalt  }
.Lfunc_end2:
_tile_overlayer_lowered:
.L_overlay_start_2:
0xd3: {  	(tag) =	ssettag $0x2  }
0xd4: {  	s0 =	rddreg [dreg:$0x0];
	s2 =	stileid.u32  }
0xd5: {  	s1 =	rddreg [dreg:$0x1];
	p0 =	sne.s32 s2, $0x0  }
0xd6: {  	s3 =	rddreg [dreg:$0x2];
	[bflag:$0x3] =	sbarrier.arrive $0xFFFF;
	s2 =	simm.s32 @!p0 $0x1C03  }
0xd7: {  	[timem:s3], [sflag:s2] =	dma.local @!p0 [hbm:s0], s1  }
0xd8: {  	s0 =	simm.s32 @!p0 $0x3  }
0xd9: {  	_ =	swait.ge @!p0 [sflag:s0], s1  }
0xda: {  	s1 =	ssub.s32 @!p0 $0x0, s1;
	[sflag:s0] =	ssyncset.done @!p0 $0x0  }
0xdb: {  	[sflag:s0] =	ssyncadd.s32 @!p0 s1  }
0xdc: {  	[bflag:$0x3] =	sbarrier.arrive $0xFFFF  }
0xdd: {  	_ =	shalt  }

// kernel: kernel.29.cloned.1.call-start
scs
__scs_entry_jumppad:
0x0: {  	(pc) =	sbr.rel $0x88, $3  }
0x1: {  	(tag) =	ssettag $0x0;
	lr =	simm.s32 $0x1  }
0x2: {  	[smem:$0x3F86] =	sst lr;
	_ =	strace $0xD0000000  }
0x3: {  	_ = 	snop  }
0x4: {  	_ = 	snop  }
0x5: {  	_ = 	snop  }
0x6: {  	_ = 	snop  }
0x7: {  	_ = 	snop  }
__scs_overlays_trampoline_lowered:
0x8: {  	[smem:$0x3F95] =	sst s0  }
0x9: {  	[smem:$0x3F96] =	sst s1  }
0xa: {  	[smem:$0x3F97] =	sst s2  }
0xb: {  	[smem:$0x3F98] =	sst s3  }
0xc: {  	[smem:$0x3F99] =	sst s4  }
0xd: {  	[smem:$0x3F9A] =	sst s5  }
0xe: {  	[smem:$0x3F9B] =	sst s6  }
0xf: {  	[smem:$0x3F9C] =	sst s7  }
0x10: {  	[smem:$0x3F9D] =	sst s8  }
0x11: {  	[smem:$0x3F9E] =	sst s9;
	s0 =	simm.s32 @!p0 $0x0  }
0x12: {  	s1 =	sld [smem:$0x3F84];
	s0 =	simm.s32 @p0 $0x1  }
0x13: {  	[smem:$0x3F9F] =	sst s0;
	s0 =	simm.s32 @!p1 $0x0  }
0x14: {  	s2 =	sld [smem:$0x3F83];
	s0 =	simm.s32 @p1 $0x1  }
0x15: {  	[smem:$0x3FA0] =	sst s0;
	s0 =	simm.s32 @!p2 $0x0  }
0x16: {  	s3 =	sld [smem:$0x3FDB];
	s0 =	simm.s32 @p2 $0x1  }
0x17: {  	s4 =	simm.s32 $0x1BF5;
	[smem:$0x3FA2] =	sst s0  }
0x18: {  	s0 =	sld [smem:$0x3F85];
	_ =	swait.ge [sflag:s4], $0x0  }
0x19: {  	s7 =	sld [smem:$0x3F86]  }
0x1a: {  	s8 =	sadd.s32 $0xFFFFE003, lr  }
0x1b: {  	s9 =	sadd.s32 $0xFFFFFEF7, lr;
	s5 =	simm.s32 $0xFFFFFFFF;
	p2 =	slt.u32 s8, $0xFFFFF086  }
0x1c: {  	p1 =	slt.u32 s9, $0xF7A;
	s5 =	simm.s32 @!p2 $0x0  }
0x1d: {  	s5 =	simm.s32 @p1 $0x1;
	p0 =	seq.s32 s7, s2  }
0x1e: {  	s7 =	smul.u32 @!p0 $0xF7A, s2;
	p2 =	seq.s32 @!p0 s5, $0x0  }
0x1f: {  	s9 =	smul.u32 $0xF7A, s1;
	s8 =	simm.s32 @!p0 $0x1BF5;
	p2 =	por !p2, p0  }
0x20: {  	[sflag:s8] =	ssyncset.s32 @!p0 $0xFFFFF086;
	s6 =	sadd.s32 @!p0 s3, s7;
	s7 =	simm.s32 @!p0 $0x108  }
0x21: {  	s3 =	sadd.s32 s3, s9;
	s6 =	sadd.s32 @!p0 $0x88, s6;
	s7 =	simm.s32 @p2 $0x1082  }
0x22: {  	[simem:s7], [sflag:s8] =	dma.local @!p0 [hbm:s6], $0xF7A  }
0x23: {  	s9 =	sor.u32 $0xD0000000, s2;
	s6 =	simm.s32 $0x108;
	_ =	swait.ge @!p0 [sflag:s8], $0x0  }
0x24: {  	s3 =	sadd.s32 $0x88, s3;
	s6 =	simm.s32 @!p1 $0x1082;
	[sflag:s4] =	ssyncset.s32 $0xFFFFF086  }
0x25: {  	[simem:s6], [sflag:s4] =	dma.local [hbm:s3], $0xF7A  }
0x26: {  	[smem:$0x3F86] =	sst s1;
	(tag) =	ssettag s2;
	_ =	strace s9  }
0x27: {  	s1 =	sld [smem:$0x3F96]  }
0x28: {  	s2 =	sld [smem:$0x3F97]  }
0x29: {  	s4 =	sld [smem:$0x3F99]  }
0x2a: {  	p0 =	seq.s32 s5, $0x0;
	s5 =	sld [smem:$0x3F9A]  }
0x2b: {  	s6 =	sld [smem:$0x3F9B]  }
0x2c: {  	s7 =	sld [smem:$0x3F9C]  }
0x2d: {  	s3 =	simm.s32 $0x108;
	s8 =	sld [smem:$0x3F9D]  }
0x2e: {  	s3 =	simm.s32 @!p0 $0x1082;
	s9 =	sld [smem:$0x3F9E]  }
0x2f: {  	lr =	sadd.s32 s0, s3;
	s0 =	sld [smem:$0x3F95]  }
0x30: {  	s3 =	sld [smem:$0x3F98]  }
0x31: {  	[smem:$0x3FA1] =	sst s10  }
0x32: {  	s10 =	sld [smem:$0x3F9F];
	_ =	sdelay $0x3  }
0x33: {  	p0 =	seq.s32 s10, $0x1;
	s10 =	sld [smem:$0x3FA1];
	_ =	sdelay $0x3  }
0x34: {  	[smem:$0x3FA1] =	sst s10  }
0x35: {  	s10 =	sld [smem:$0x3FA0];
	_ =	sdelay $0x3  }
0x36: {  	p1 =	seq.s32 s10, $0x1;
	s10 =	sld [smem:$0x3FA1];
	_ =	sdelay $0x3  }
0x37: {  	[smem:$0x3FA1] =	sst s10  }
0x38: {  	s10 =	sld [smem:$0x3FA2]  }
0x39: {  	_ = 	snop;
	(pc) =	sbr.ind lr, $3  }
0x3a: {  	_ = 	snop  }
0x3b: {  	_ = 	snop  }
0x3c: {  	p2 =	seq.s32 s10, $0x1;
	s10 =	sld [smem:$0x3FA1]  }
0x3d: {  	_ =	shalt  }
0x3e: {  	_ =	shalt  }
0x3f: {  	_ =	shalt  }
0x40: {  	_ =	shalt  }
0x41: {  	_ =	shalt  }
0x42: {  	_ =	shalt  }
0x43: {  	_ =	shalt  }
0x44: {  	_ =	shalt  }
0x45: {  	_ =	shalt  }
0x46: {  	_ =	shalt  }
0x47: {  	_ =	shalt  }
0x48: {  	_ =	shalt  }
0x49: {  	_ =	shalt  }
0x4a: {  	_ =	shalt  }
0x4b: {  	_ =	shalt  }
0x4c: {  	_ =	shalt  }
0x4d: {  	_ =	shalt  }
0x4e: {  	_ =	shalt  }
0x4f: {  	_ =	shalt  }
0x50: {  	_ =	shalt  }
0x51: {  	_ =	shalt  }
0x52: {  	_ =	shalt  }
0x53: {  	_ =	shalt  }
0x54: {  	_ =	shalt  }
0x55: {  	_ =	shalt  }
0x56: {  	_ =	shalt  }
0x57: {  	_ =	shalt  }
0x58: {  	_ =	shalt  }
0x59: {  	_ =	shalt  }
0x5a: {  	_ =	shalt  }
0x5b: {  	_ =	shalt  }
0x5c: {  	_ =	shalt  }
0x5d: {  	_ =	shalt  }
0x5e: {  	_ =	shalt  }
0x5f: {  	_ =	shalt  }
0x60: {  	_ =	shalt  }
0x61: {  	_ =	shalt  }
0x62: {  	_ =	shalt  }
0x63: {  	_ =	shalt  }
0x64: {  	_ =	shalt  }
0x65: {  	_ =	shalt  }
0x66: {  	_ =	shalt  }
0x67: {  	_ =	shalt  }
0x68: {  	_ =	shalt  }
0x69: {  	_ =	shalt  }
0x6a: {  	_ =	shalt  }
0x6b: {  	_ =	shalt  }
0x6c: {  	_ =	shalt  }
0x6d: {  	_ =	shalt  }
0x6e: {  	_ =	shalt  }
0x6f: {  	_ =	shalt  }
0x70: {  	_ =	shalt  }
0x71: {  	_ =	shalt  }
0x72: {  	_ =	shalt  }
0x73: {  	_ =	shalt  }
0x74: {  	_ =	shalt  }
0x75: {  	_ =	shalt  }
0x76: {  	_ =	shalt  }
0x77: {  	_ =	shalt  }
0x78: {  	_ =	shalt  }
0x79: {  	_ =	shalt  }
0x7a: {  	_ =	shalt  }
0x7b: {  	_ =	shalt  }
0x7c: {  	_ =	shalt  }
0x7d: {  	_ =	shalt  }
0x7e: {  	_ =	shalt  }
0x7f: {  	_ =	shalt  }
0x80: {  	_ =	shalt  }
0x81: {  	_ =	shalt  }
0x82: {  	_ =	shalt  }
0x83: {  	_ =	shalt  }
0x84: {  	_ =	shalt  }
0x85: {  	_ =	shalt  }
0x86: {  	_ =	shalt  }
0x87: {  	_ =	shalt  }
.Lfunc_end0:
.L_simem_size_0:
called_computation.5_lowered:
.L_overlay_start_0:
0x88: {  	s2 =	sld [smem:$0x3FD9]  }
0x89: {  	s3 =	sld [smem:$0x3FFE];
	_ =	sdelay $0x1  }
0x8a: {  	s1 =	srdreg.scid  }
0x8b: {  	s0 =	sand.u32 $0x1, s1  }
0x8c: {  	s17 =	sshll.u32 s0, $0xA;
	s2 =	sadd.s32 s3, s2  }
0x8d: {  	s2 =	sadd.s32 s2, s17  }
0x8e: {  	[smem:$0x3FAD] =	sst s2  }
0x8f: {  	_ = 	snop  }
0x90: {  	s18 =	sld [smem:$0x3FD0];
	(tm) =	ssettm $0x1  }
0x91: {  	s19 =	sld [smem:$0x3FFB];
	_ =	sdelay $0x3  }
0x92: {  	_ =	strace s19  }
0x93: {  	s2 =	sld [smem:$0x3FFC];
	_ =	sdelay $0x3  }
0x94: {  	_ =	strace s2  }
0x95: {  	s2 =	sld [smem:$0x3FFD];
	_ =	sdelay $0x3  }
0x96: {  	_ =	strace s2  }
0x97: {  	_ =	strace $0x8FFFFFFF  }
0x98: {  	s20 =	sld [smem:$0x3FDB];
	_ =	sdelay $0x1  }
0x99: {  	s4 =	simm.s32 $_scs_section_size  }
0x9a: {  	s5 =	simm.s32 $_size__tile_overlayer_lowered;
	s6 =	simm.s32 $_tile_overlayer_lowered  }
0x9b: {  	s7 =	simm.s32 $0x1BFF;
	s21 =	sshll.u32 s6, $0x1;
	s4 =	sadd.s32 s4, s20  }
0x9c: {  	s22 =	simm.s32 $0x0;
	s5 =	sshll.u32 s5, $0x1;
	s6 =	sadd.s32 s21, s4  }
0x9d: {  	[timem:s22], [sflag:s7] =	dma.local [hbm:s6], s5  }
0x9e: {  	_ =	swait.ge [sflag:s7], s5  }
0x9f: {  	s5 =	ssub.s32 $0x0, s5;
	[sflag:s7] =	ssyncset.done $0x0  }
0xa0: {  	[sflag:s7] =	ssyncadd.s32 s5;
	_ =	sdelay $0x1  }
0xa1: {  	s23 =	simm.s32 $0x1B8B  }
0xa2: {  	_ =	swait.ge [sflag:s23], $0x1  }
0xa3: {  	[sflag:s23] =	ssyncset.done $0x0  }
0xa4: {  	[sflag:s23] =	ssyncadd.s32 $0xFFFFFFFF  }
0xa5: {  	s5 =	sld [smem:$0x0]  }
0xa6: {  	s6 =	sand.u32 $0xFFFFFFFE, s1  }
0xa7: {  	p0 =	sne.s32 s1, s6  }
0xa8: {  	s6 =	sshll.u32 @p0 s6, $0xE  }
0xa9: {  	s6 =	sadd.s32 @p0 $0x11B8D, s6;
	s7 =	sshll.u32 @p0 s5, $0x11  }
0xaa: {  	s6 =	sor.u32 @p0 s7, s6  }
0xab: {  	[sflag:s6] =	ssyncadd.remote.s32 @p0 $0x1;
	_ =	sdelay $0x1  }
0xac: {  	s6 =	simm.s32 @p0 $0x1B8D  }
0xad: {  	_ =	swait.eq @p0 [sflag:s6], $0x1  }
0xae: {  	[sflag:s6] =	ssyncadd.s32 @p0 $0xFFFFFFFF  }
0xaf: {  	s7 =	sshll.u32 @!p0 s1, $0xE  }
0xb0: {  	s7 =	sor.u32 @!p0 $0x4000, s7;
	s6 =	simm.s32 @!p0 $0x1B8D  }
0xb1: {  	s5 =	sshll.u32 @!p0 s5, $0x11;
	s7 =	sadd.s32 @!p0 $0x11B8D, s7;
	_ =	swait.eq @!p0 [sflag:s6], $0x1  }
0xb2: {  	s5 =	sor.u32 @!p0 s5, s7;
	[sflag:s6] =	ssyncadd.s32 @!p0 $0xFFFFFFFF  }
0xb3: {  	s25 =	simm.s32 $0x1B8E;
	s24 =	sld [smem:$0x3FFE];
	[sflag:s5] =	ssyncadd.remote.s32 @!p0 $0x1  }
0xb4: {  	s26 =	simm.s32 $execute0_lowered;
	[smem:$0x3FD2] =	sst s25  }
0xb5: {  	s6 =	sshll.u32 s26, $0x1;
	_ =	strace $0x80000055;
	[dreg:$0x1] =	wrdreg $0xFFFFFFFF  }
0xb6: {  	s28 =	simm.s32 $_size_execute0_lowered;
	s4 =	sadd.s32 s4, s6;
	[dreg:$0x0] =	wrdreg $0x0  }
0xb7: {  	s6 =	sshll.u32 s28, $0x1;
	[dreg:$0x2] =	wrdreg s4  }
0xb8: {  	[dreg:$0x3] =	wrdreg s6  }
0xb9: {  	[dreg:$0x4] =	wrdreg $0xC0  }
0xba: {  	_ =	task [dreg:s22], $0x5FFFF  }
0xbb: {  	[dreg:$0x1] =	wrdreg $0xFFFFFFFF  }
0xbc: {  	[dreg:$0x0] =	wrdreg $0x60  }
0xbd: {  	[dreg:$0x2] =	wrdreg s24  }
0xbe: {  	[dreg:$0x3] =	wrdreg s18  }
0xbf: {  	[dreg:$0x4] =	wrdreg $0xA  }
0xc0: {  	_ =	task.clear_ibuf [dreg:s22], $0x5FFFF;
	_ =	strace $0x90000055  }
0xc1: {  	s29 =	simm.s32 $0xA;
	_ =	strace $0x80000057  }
0xc2: {  	_ =	swait.ge [sflag:s29], $0x1  }
0xc3: {  	[sflag:s29] =	ssyncadd.s32 $0xFFFFFFFF  }
0xc4: {  	_ =	strace $0x90000057  }
0xc5: {  	_ =	sfence  }
0xc6: {  	s30 =	sld [smem:$0x0];
	_ =	sdelay $0x2  }
0xc7: {  	s31 =	sshll.u32 s1, $0xD;
	s1 =	sshrl.u32 s1, $0x2  }
0xc8: {  	s4 =	sand.u32 $0x4000, s31;
	s1 =	sadd.s32 s1, s30  }
0xc9: {  	s0 =	sor.u32 s4, s0;
	s1 =	sshll.u32 s1, $0x11  }
0xca: {  	s0 =	sor.u32 s1, s0  }
0xcb: {  	s0 =	sadd.s32 $0x8F2B, s0  }
0xcc: {  	[sflag:s0] =	ssyncadd.remote.s32 $0x1  }
0xcd: {  	_ =	sfence.sel $0xFFFF  }
0xce: {  	[dreg:$0x0] =	wrdreg $0xFFFFFFFF;
	(pc) =	sbr.abs _section_cstart, $3  }
0xcf: {  	[dreg:$0x1] =	wrdreg $0xFFFFFFFF  }
0xd0: {  	_ =	task.clear_ibuf [dreg:s22], $0x2FFFF;
	_ =	strace $0x9FFFFFFF  }
0xd1: {  	(tm) =	ssettm $0x7FFFFFFF  }
tec
execute0_lowered:
.L_overlay_start_1:
0x0: {  	(tag) =	ssettag $0x1  }
0x1: {  	s6 =	rddreg [dreg:$0x0]  }
0x2: {  	s0 =	rddreg [dreg:$0x1]  }
0x3: {  	s3 =	simm.s32 $0x0;
	s4 =	srdreg.scid;
	s1 =	stileid.u32  }
0x4: {  	s21 =	simm.s32 $0x80;
	s22 =	simm.s32 $0x100;
	s10 =	smul.u32 $0xA00, s1  }
0x5: {  	s23 =	simm.s32 $0x4100;
	s24 =	simm.s32 $0x1;
	s11 =	smul.u32 $0x280, s1  }
0x6: {  	s25 =	simm.s32 $0x2;
	s26 =	simm.s32 $0x0;
	s13 =	smul.u32 $0xA000, s1  }
0x7: {  	[smem:$0x7FF] =	sst s3;
	s7 =	sand.u32 $0x1, s4;
	s15 =	smul.u32 $0x140, s1  }
0x8: {  	s4 =	sadd.s32 $0x5600, s6;
	s5 =	sadd.s32 $0x1F1800, s6;
	s17 =	smul.u32 $0x2800, s1  }
0x9: {  	s18 =	sadd.s32 $0x2CE00, s6;
	s6 =	sadd.s32 $0x2B9800, s6;
	s19 =	smul.u32 $0x50, s1  }
0xa: {  	_ =	strace $0x80000056;
	s8 =	ssub.s32 $0x2, s7;
	p0 =	seq.s32 s7, $0x1  }
0xb: {  	s7 =	smov.u32 s0;
	s9 =	sshrl.u32 s8, $0x1;
	s30 =	sshrl.u32 s10, $0x3  }
0xc: {  	s31 =	sshrl.u32 s11, $0x3;
	s10 =	sadd.s32 $0x980, s10;
	s11 =	sadd.s32 $0xA200, s11  }
0xd: {  	s12 =	sadd.s32 s13, s5;
	s13 =	sadd.s32 s13, s6;
	s14 =	sadd.s32 s15, s0  }
0xe: {  	s15 =	sadd.s32 s15, s18;
	s16 =	sadd.s32 s17, s5;
	s17 =	sadd.s32 s17, s6  }
.Ltmp0:
0xf: {  	s20 =	sadd.s32 s19, s0;
	s19 =	sadd.s32 s19, s18;
	(pc) =	sbr.rel .LBB2_1-.Ltmp0, $4  }
0x10: {  	s9 =	ssub.s32 s8, s9;
	s2 =	sadd.s32 s18, s30;
	s8 =	sadd.s32 s18, s31  }
0x11: {  	s15 =	sadd.s32 $0x10, s15;
	s16 =	sadd.s32 $0xA0000, s16;
	s17 =	sadd.s32 $0xA0000, s17  }
0x12: {  	s18 =	sadd.s32 $0x1400, s20;
	s19 =	sadd.s32 $0x1410, s19;
	s20 =	simm.s32 $0x3  }
0x13: {  	[dreg:$0x3] =	wrdreg s2;
	s8 =	sadd.s32 $0x1400, s8;
	s9 =	smax.u32 s9, $0x1  }
.LBB2_7:
0x14: {  	s0 =	sadd.s32 s29, s18;
	[sflag:s20] =	ssyncadd.s32 $0xFFFFC000  }
0x15: {  	[tilespmem:s21], [sflag:$0x3] =	stream.linear.gather [hbm4b:s0+s3], $0x80, $0x38;
	[tilespmem:$0x8100] =	vst v63  }
0x16: {  	_ =	swait.ge [sflag:s20], $0x80  }
0x17: {  	[sflag:s20] =	ssyncset.done $0x0  }
0x18: {  	[sflag:s20] =	ssyncadd.s32 $0xFFFFFF80  }
0x19: {  	[tilespmem:s23], [sflag:$0x2] =	stream.indirect.gather [hbm4b:s4+s21], $0x80, s21, s21, $0xb8;
	[tilespmem:$0x8100] =	vst v63  }
0x1a: {  	_ =	swait.ge [sflag:s24], $0x4000  }
0x1b: {  	[sflag:s24] =	ssyncset.done $0x0  }
0x1c: {  	[sflag:s24] =	ssyncadd.s32 $0xFFFFC000  }
0x1d: {  	[hbm4b:s30+s3] =	stream.linear.scatter [tilespmem:s22], [sflag:$0x3], $0x4000, $0x38;
	[tilespmem:$0x8100] =	vst v63  }
0x1e: {  	_ =	swait.ge [sflag:s20], $0x4000  }
0x1f: {  	[sflag:s20] =	ssyncset.done $0x0  }
0x20: {  	s31 =	sadd.s32 s29, s19;
	[sflag:s20] =	ssyncadd.s32 $0xFFFFC000  }
0x21: {  	[tilespmem:s3], [sflag:$0x3] =	stream.linear.gather [hbm4b:s31+s3], $0x80, $0x38;
	[tilespmem:$0x8100] =	vst v63  }
0x22: {  	_ =	swait.ge [sflag:s20], $0x80  }
0x23: {  	[sflag:s20] =	ssyncset.done $0x0  }
0x24: {  	[sflag:s20] =	ssyncadd.s32 $0xFFFFFF80  }
0x25: {  	[tilespmem:s22], [sflag:$0x1] =	stream.indirect.gather [hbm4b:s4+s21], $0x80, s3, s21, $0xb8;
	[tilespmem:$0x8100] =	vst v63  }
0x26: {  	_ =	swait.ge [sflag:s25], $0x4000  }
0x27: {  	[sflag:s25] =	ssyncset.done $0x0  }
0x28: {  	[sflag:s25] =	ssyncadd.s32 $0xFFFFC000  }
0x29: {  	[hbm4b:s28+s3] =	stream.linear.scatter [tilespmem:s23], [sflag:$0x3], $0x4000, $0x38;
	[tilespmem:$0x8100] =	vst v63  }
0x2a: {  	_ =	swait.ge [sflag:s20], $0x4000  }
0x2b: {  	[sflag:s20] =	ssyncset.done $0x0  }
0x2c: {  	s28 =	smov.u32 s11;
	[sflag:s20] =	ssyncadd.s32 $0xFFFFC000  }
.LBB2_8:
0x2d: {  	s0 =	sshrl.u32 s28, $0x3  }
0x2e: {  	s0 =	sadd.s32 s7, s0  }
0x2f: {  	[tilespmem:s21], [sflag:$0x3] =	stream.linear.gather [hbm4b:s0+s3], $0x80, $0x38;
	[tilespmem:$0x8100] =	vst v63  }
0x30: {  	_ =	swait.ge [sflag:s20], $0x80  }
0x31: {  	[sflag:s20] =	ssyncset.done $0x0  }
0x32: {  	[sflag:s20] =	ssyncadd.s32 $0xFFFFFF80  }
0x33: {  	[tilespmem:s23], [sflag:$0x2] =	stream.indirect.gather [hbm4b:s4+s21], $0x80, s21, s21, $0xb8;
	[tilespmem:$0x8100] =	vst v63  }
0x34: {  	_ =	swait.ge [sflag:s24], $0x4000  }
0x35: {  	s31 =	sshll.u32 s28, $0x4;
	[sflag:s24] =	ssyncset.done $0x0  }
0x36: {  	s1 =	sadd.s32 s5, s31;
	[sflag:s24] =	ssyncadd.s32 $0xFFFFC000  }
0x37: {  	[hbm4b:s1+s3] =	stream.linear.scatter [tilespmem:s22], [sflag:$0x3], $0x4000, $0x38;
	[tilespmem:$0x8100] =	vst v63  }
0x38: {  	_ =	swait.ge [sflag:s20], $0x4000  }
0x39: {  	[sflag:s20] =	ssyncset.done $0x0  }
0x3a: {  	[sflag:s20] =	ssyncadd.s32 $0xFFFFC000  }
0x3b: {  	s26 =	sadd.s32 $0x1, s26;
	_ =	swait.ge [sflag:s25], $0x4000  }
0x3c: {  	p1 =	sne.s32 s26, s9;
	[sflag:s25] =	ssyncset.done $0x0  }
.Ltmp1:
0x3d: {  	s0 =	sadd.s32 s6, s31;
	[sflag:s25] =	ssyncadd.s32 $0xFFFFC000;
	(pc) =	sbr.rel @!p1 .LBB2_9-.Ltmp1, $4  }
0x3e: {  	[hbm4b:s0+s3] =	stream.linear.scatter [tilespmem:s23], [sflag:$0x3], $0x4000, $0x38;
	[tilespmem:$0x8100] =	vst v63  }
0x3f: {  	_ =	swait.ge [sflag:s20], $0x4000  }
0x40: {  	[sflag:s20] =	ssyncset.done $0x0  }
0x41: {  	[sflag:s20] =	ssyncadd.s32 $0xFFFFC000  }
.LBB2_1:
.Ltmp2:
0x42: {  	(pc) =	sbr.rel @!p0 .LBB2_2-.Ltmp2, $1  }
0x43: {  	_ =	sdelay $0x3  }
0x44: {  	s0 =	simm.s32 $0x0  }
0x45: {  	[tilespmem:s0], [sflag:$0x3] =	stream.linear.gather [hbm4b:s8+s0], $0x80, $0x38;
	[tilespmem:$0x8100] =	vst v63  }
0x46: {  	_ =	swait.ge [sflag:s20], $0x80  }
0x47: {  	[sflag:s20] =	ssyncset.done $0x0  }
0x48: {  	[sflag:s20] =	ssyncadd.s32 $0xFFFFFF80  }
0x49: {  	[tilespmem:s22], [sflag:$0x1] =	stream.indirect.gather [hbm4b:s4+s21], $0x80, s0, s21, $0xb8;
	[tilespmem:$0x8100] =	vst v63  }
0x4a: {  	s1 =	sadd.s32 $0x0, s18  }
0x4b: {  	[tilespmem:s21], [sflag:$0x3] =	stream.linear.gather [hbm4b:s1+s3], $0x80, $0x38;
	[tilespmem:$0x8100] =	vst v63  }
0x4c: {  	_ =	swait.ge [sflag:s20], $0x80  }
0x4d: {  	[sflag:s20] =	ssyncset.done $0x0  }
0x4e: {  	[sflag:s20] =	ssyncadd.s32 $0xFFFFFF80  }
0x4f: {  	[tilespmem:s23], [sflag:$0x2] =	stream.indirect.gather [hbm4b:s4+s21], $0x80, s21, s21, $0xb8;
	[tilespmem:$0x8100] =	vst v63  }
0x50: {  	_ =	swait.ge [sflag:s24], $0x4000  }
0x51: {  	[sflag:s24] =	ssyncset.done $0x0  }
0x52: {  	[sflag:s24] =	ssyncadd.s32 $0xFFFFC000  }
0x53: {  	[hbm4b:s16+s3] =	stream.linear.scatter [tilespmem:s22], [sflag:$0x3], $0x4000, $0x38;
	[tilespmem:$0x8100] =	vst v63  }
0x54: {  	_ =	swait.ge [sflag:s20], $0x4000  }
0x55: {  	[sflag:s20] =	ssyncset.done $0x0  }
0x56: {  	s2 =	sadd.s32 $0x0, s19;
	[sflag:s20] =	ssyncadd.s32 $0xFFFFC000  }
0x57: {  	[tilespmem:s3], [sflag:$0x3] =	stream.linear.gather [hbm4b:s2+s3], $0x80, $0x38;
	[tilespmem:$0x8100] =	vst v63  }
0x58: {  	_ =	swait.ge [sflag:s20], $0x80  }
0x59: {  	[sflag:s20] =	ssyncset.done $0x0  }
0x5a: {  	[sflag:s20] =	ssyncadd.s32 $0xFFFFFF80  }
0x5b: {  	[tilespmem:s22], [sflag:$0x1] =	stream.indirect.gather [hbm4b:s4+s21], $0x80, s3, s21, $0xb8;
	[tilespmem:$0x8100] =	vst v63  }
0x5c: {  	_ =	swait.ge [sflag:s25], $0x4000  }
0x5d: {  	[sflag:s25] =	ssyncset.done $0x0  }
0x5e: {  	[sflag:s25] =	ssyncadd.s32 $0xFFFFC000  }
0x5f: {  	[hbm4b:s17+s3] =	stream.linear.scatter [tilespmem:s23], [sflag:$0x3], $0x4000, $0x38;
	[tilespmem:$0x8100] =	vst v63  }
0x60: {  	s29 =	simm.s32 $0x10;
	s31 =	simm.s32 $0x20;
	_ =	swait.ge [sflag:s20], $0x4000  }
0x61: {  	s30 =	sadd.s32 $0x800, s16;
	s28 =	sadd.s32 $0x800, s17;
	[sflag:s20] =	ssyncset.done $0x0  }
.LBB2_6:
0x62: {  	s0 =	sadd.s32 s29, s18  }
0x63: {  	[sflag:s20] =	ssyncadd.s32 $0xFFFFC000;
	s1 =	smov.u32 s31;
	s2 =	sadd.s32 $0x10, s31  }
0x64: {  	[tilespmem:s21], [sflag:$0x3] =	stream.linear.gather [hbm4b:s0+s3], $0x80, $0x38;
	[tilespmem:$0x8100] =	vst v63  }
0x65: {  	p1 =	sne.s32 s31, $0x30;
	_ =	swait.ge [sflag:s20], $0x80  }
0x66: {  	[sflag:s20] =	ssyncset.done $0x0  }
0x67: {  	[sflag:s20] =	ssyncadd.s32 $0xFFFFFF80  }
0x68: {  	[tilespmem:s23], [sflag:$0x2] =	stream.indirect.gather [hbm4b:s4+s21], $0x80, s21, s21, $0xb8;
	[tilespmem:$0x8100] =	vst v63  }
0x69: {  	_ =	swait.ge [sflag:s24], $0x4000  }
0x6a: {  	[sflag:s24] =	ssyncset.done $0x0  }
0x6b: {  	[sflag:s24] =	ssyncadd.s32 $0xFFFFC000  }
0x6c: {  	[hbm4b:s30+s3] =	stream.linear.scatter [tilespmem:s22], [sflag:$0x3], $0x4000, $0x38;
	[tilespmem:$0x8100] =	vst v63  }
0x6d: {  	_ =	swait.ge [sflag:s20], $0x4000  }
0x6e: {  	[sflag:s20] =	ssyncset.done $0x0  }
0x6f: {  	s0 =	sadd.s32 s29, s19;
	s29 =	smov.u32 s1;
	[sflag:s20] =	ssyncadd.s32 $0xFFFFC000  }
0x70: {  	[tilespmem:s3], [sflag:$0x3] =	stream.linear.gather [hbm4b:s0+s3], $0x80, $0x38;
	[tilespmem:$0x8100] =	vst v63  }
0x71: {  	_ =	swait.ge [sflag:s20], $0x80  }
0x72: {  	[sflag:s20] =	ssyncset.done $0x0  }
0x73: {  	[sflag:s20] =	ssyncadd.s32 $0xFFFFFF80  }
0x74: {  	[tilespmem:s22], [sflag:$0x1] =	stream.indirect.gather [hbm4b:s4+s21], $0x80, s3, s21, $0xb8;
	[tilespmem:$0x8100] =	vst v63  }
0x75: {  	_ =	swait.ge [sflag:s25], $0x4000  }
.Ltmp3:
0x76: {  	[sflag:s25] =	ssyncset.done $0x0;
	(pc) =	sbr.rel @p1 .LBB2_6-.Ltmp3, $4  }
0x77: {  	[sflag:s25] =	ssyncadd.s32 $0xFFFFC000  }
0x78: {  	[hbm4b:s28+s3] =	stream.linear.scatter [tilespmem:s23], [sflag:$0x3], $0x4000, $0x38;
	[tilespmem:$0x8100] =	vst v63  }
0x79: {  	s31 =	smov.u32 s2;
	_ =	swait.ge [sflag:s20], $0x4000  }
0x7a: {  	s30 =	sadd.s32 $0x800, s30;
	s28 =	sadd.s32 $0x800, s28;
	[sflag:s20] =	ssyncset.done $0x0  }
.Ltmp4:
0x7b: {  	_ = 	snop;
	(pc) =	sbr.rel .LBB2_7-.Ltmp4, $1  }
0x7c: {  	_ =	sdelay $0x3  }
.LBB2_2:
0x7d: {  	s28 =	simm.s32 $0x0;
	s0 =	rddreg [dreg:$0x3]  }
0x7e: {  	[tilespmem:s28], [sflag:$0x3] =	stream.linear.gather [hbm4b:s0+s28], $0x80, $0x38;
	[tilespmem:$0x8100] =	vst v63  }
0x7f: {  	_ =	swait.ge [sflag:s20], $0x80  }
0x80: {  	[sflag:s20] =	ssyncset.done $0x0  }
0x81: {  	[sflag:s20] =	ssyncadd.s32 $0xFFFFFF80  }
0x82: {  	[tilespmem:s22], [sflag:$0x1] =	stream.indirect.gather [hbm4b:s4+s21], $0x80, s28, s21, $0xb8;
	[tilespmem:$0x8100] =	vst v63  }
0x83: {  	s28 =	sadd.s32 $0x0, s14  }
0x84: {  	[tilespmem:s21], [sflag:$0x3] =	stream.linear.gather [hbm4b:s28+s3], $0x80, $0x38;
	[tilespmem:$0x8100] =	vst v63  }
0x85: {  	_ =	swait.ge [sflag:s20], $0x80  }
0x86: {  	[sflag:s20] =	ssyncset.done $0x0  }
0x87: {  	[sflag:s20] =	ssyncadd.s32 $0xFFFFFF80  }
0x88: {  	[tilespmem:s23], [sflag:$0x2] =	stream.indirect.gather [hbm4b:s4+s21], $0x80, s21, s21, $0xb8;
	[tilespmem:$0x8100] =	vst v63  }
0x89: {  	_ =	swait.ge [sflag:s24], $0x4000  }
0x8a: {  	[sflag:s24] =	ssyncset.done $0x0  }
0x8b: {  	[sflag:s24] =	ssyncadd.s32 $0xFFFFC000  }
0x8c: {  	[hbm4b:s12+s3] =	stream.linear.scatter [tilespmem:s22], [sflag:$0x3], $0x4000, $0x38;
	[tilespmem:$0x8100] =	vst v63  }
0x8d: {  	_ =	swait.ge [sflag:s20], $0x4000  }
0x8e: {  	[sflag:s20] =	ssyncset.done $0x0  }
0x8f: {  	s28 =	sadd.s32 $0x0, s15;
	[sflag:s20] =	ssyncadd.s32 $0xFFFFC000  }
0x90: {  	[tilespmem:s3], [sflag:$0x3] =	stream.linear.gather [hbm4b:s28+s3], $0x80, $0x38;
	[tilespmem:$0x8100] =	vst v63  }
0x91: {  	_ =	swait.ge [sflag:s20], $0x80  }
0x92: {  	[sflag:s20] =	ssyncset.done $0x0  }
0x93: {  	[sflag:s20] =	ssyncadd.s32 $0xFFFFFF80  }
0x94: {  	[tilespmem:s22], [sflag:$0x1] =	stream.indirect.gather [hbm4b:s4+s21], $0x80, s3, s21, $0xb8;
	[tilespmem:$0x8100] =	vst v63  }
0x95: {  	_ =	swait.ge [sflag:s25], $0x4000  }
0x96: {  	[sflag:s25] =	ssyncset.done $0x0  }
0x97: {  	[sflag:s25] =	ssyncadd.s32 $0xFFFFC000  }
0x98: {  	[hbm4b:s13+s3] =	stream.linear.scatter [tilespmem:s23], [sflag:$0x3], $0x4000, $0x38;
	[tilespmem:$0x8100] =	vst v63  }
0x99: {  	s29 =	simm.s32 $0x10;
	s31 =	simm.s32 $0x20;
	_ =	swait.ge [sflag:s20], $0x4000  }
0x9a: {  	s30 =	sadd.s32 $0x800, s12;
	s28 =	sadd.s32 $0x800, s13;
	[sflag:s20] =	ssyncset.done $0x0  }
.LBB2_3:
0x9b: {  	s0 =	sadd.s32 s29, s14  }
0x9c: {  	[sflag:s20] =	ssyncadd.s32 $0xFFFFC000;
	s2 =	smov.u32 s31;
	s1 =	sadd.s32 $0x10, s31  }
0x9d: {  	[tilespmem:s21], [sflag:$0x3] =	stream.linear.gather [hbm4b:s0+s3], $0x80, $0x38;
	[tilespmem:$0x8100] =	vst v63  }
0x9e: {  	p1 =	seq.s32 s31, $0x120;
	_ =	swait.ge [sflag:s20], $0x80  }
0x9f: {  	[sflag:s20] =	ssyncset.done $0x0  }
0xa0: {  	[sflag:s20] =	ssyncadd.s32 $0xFFFFFF80  }
0xa1: {  	[tilespmem:s23], [sflag:$0x2] =	stream.indirect.gather [hbm4b:s4+s21], $0x80, s21, s21, $0xb8;
	[tilespmem:$0x8100] =	vst v63  }
0xa2: {  	_ =	swait.ge [sflag:s24], $0x4000  }
0xa3: {  	[sflag:s24] =	ssyncset.done $0x0  }
0xa4: {  	[sflag:s24] =	ssyncadd.s32 $0xFFFFC000  }
0xa5: {  	[hbm4b:s30+s3] =	stream.linear.scatter [tilespmem:s22], [sflag:$0x3], $0x4000, $0x38;
	[tilespmem:$0x8100] =	vst v63  }
0xa6: {  	_ =	swait.ge [sflag:s20], $0x4000  }
0xa7: {  	[sflag:s20] =	ssyncset.done $0x0  }
0xa8: {  	s0 =	sadd.s32 s29, s15;
	s29 =	smov.u32 s2;
	[sflag:s20] =	ssyncadd.s32 $0xFFFFC000  }
0xa9: {  	[tilespmem:s3], [sflag:$0x3] =	stream.linear.gather [hbm4b:s0+s3], $0x80, $0x38;
	[tilespmem:$0x8100] =	vst v63  }
0xaa: {  	_ =	swait.ge [sflag:s20], $0x80  }
0xab: {  	[sflag:s20] =	ssyncset.done $0x0  }
0xac: {  	[sflag:s20] =	ssyncadd.s32 $0xFFFFFF80  }
0xad: {  	[tilespmem:s22], [sflag:$0x1] =	stream.indirect.gather [hbm4b:s4+s21], $0x80, s3, s21, $0xb8;
	[tilespmem:$0x8100] =	vst v63  }
0xae: {  	_ =	swait.ge [sflag:s25], $0x4000  }
.Ltmp5:
0xaf: {  	[sflag:s25] =	ssyncset.done $0x0;
	(pc) =	sbr.rel @!p1 .LBB2_3-.Ltmp5, $4  }
0xb0: {  	[sflag:s25] =	ssyncadd.s32 $0xFFFFC000  }
0xb1: {  	[hbm4b:s28+s3] =	stream.linear.scatter [tilespmem:s23], [sflag:$0x3], $0x4000, $0x38;
	[tilespmem:$0x8100] =	vst v63  }
0xb2: {  	s31 =	smov.u32 s1;
	_ =	swait.ge [sflag:s20], $0x4000  }
0xb3: {  	s30 =	sadd.s32 $0x800, s30;
	s28 =	sadd.s32 $0x800, s28;
	[sflag:s20] =	ssyncset.done $0x0  }
0xb4: {  	s0 =	sadd.s32 s29, s14;
	[sflag:s20] =	ssyncadd.s32 $0xFFFFC000  }
0xb5: {  	[tilespmem:s21], [sflag:$0x3] =	stream.linear.gather [hbm4b:s0+s3], $0x80, $0x38;
	[tilespmem:$0x8100] =	vst v63  }
0xb6: {  	_ =	swait.ge [sflag:s20], $0x80  }
0xb7: {  	[sflag:s20] =	ssyncset.done $0x0  }
0xb8: {  	[sflag:s20] =	ssyncadd.s32 $0xFFFFFF80  }
0xb9: {  	[tilespmem:s23], [sflag:$0x2] =	stream.indirect.gather [hbm4b:s4+s21], $0x80, s21, s21, $0xb8;
	[tilespmem:$0x8100] =	vst v63  }
0xba: {  	_ =	swait.ge [sflag:s24], $0x4000  }
0xbb: {  	[sflag:s24] =	ssyncset.done $0x0  }
0xbc: {  	[sflag:s24] =	ssyncadd.s32 $0xFFFFC000  }
0xbd: {  	[hbm4b:s30+s3] =	stream.linear.scatter [tilespmem:s22], [sflag:$0x3], $0x4000, $0x38;
	[tilespmem:$0x8100] =	vst v63  }
0xbe: {  	_ =	swait.ge [sflag:s20], $0x4000  }
0xbf: {  	[sflag:s20] =	ssyncset.done $0x0  }
0xc0: {  	s31 =	sadd.s32 s29, s15;
	[sflag:s20] =	ssyncadd.s32 $0xFFFFC000  }
0xc1: {  	[tilespmem:s3], [sflag:$0x3] =	stream.linear.gather [hbm4b:s31+s3], $0x80, $0x38;
	[tilespmem:$0x8100] =	vst v63  }
0xc2: {  	_ =	swait.ge [sflag:s20], $0x80  }
0xc3: {  	[sflag:s20] =	ssyncset.done $0x0  }
0xc4: {  	[sflag:s20] =	ssyncadd.s32 $0xFFFFFF80  }
0xc5: {  	[tilespmem:s22], [sflag:$0x1] =	stream.indirect.gather [hbm4b:s4+s21], $0x80, s3, s21, $0xb8;
	[tilespmem:$0x8100] =	vst v63  }
0xc6: {  	_ =	swait.ge [sflag:s25], $0x4000  }
0xc7: {  	[sflag:s25] =	ssyncset.done $0x0  }
.Ltmp6:
0xc8: {  	[sflag:s25] =	ssyncadd.s32 $0xFFFFC000;
	(pc) =	sbr.rel .LBB2_8-.Ltmp6, $4  }
0xc9: {  	[hbm4b:s28+s3] =	stream.linear.scatter [tilespmem:s23], [sflag:$0x3], $0x4000, $0x38;
	[tilespmem:$0x8100] =	vst v63  }
0xca: {  	_ =	swait.ge [sflag:s20], $0x4000  }
0xcb: {  	[sflag:s20] =	ssyncset.done $0x0  }
0xcc: {  	s28 =	smov.u32 s10;
	[sflag:s20] =	ssyncadd.s32 $0xFFFFC000  }
.LBB2_9:
0xcd: {  	_ =	sfence.sel $0x180000  }
0xce: {  	[bflag:$0x0] =	sbarrier.arrive $0xFFFF  }
0xcf: {  	_ =	strace $0x90000056  }
0xd0: {  	s0 =	stileid.u32;
	[bflag:$0x2] =	sbarrier.arrive $0xFFFF  }
0xd1: {  	p0 =	sne.s32 s0, $0x0;
	s0 =	rddreg [dreg:$0x2]  }
0xd2: {  	s0 =	sadd.s32 @!p0 $0x100000, s0  }
0xd3: {  	[sflag:s0] =	ssyncadd.tile.s32 @!p0 $0x1;
	_ =	shalt  }
.Lfunc_end2:
_tile_overlayer_lowered:
.L_overlay_start_2:
0xd4: {  	(tag) =	ssettag $0x2  }
0xd5: {  	s0 =	rddreg [dreg:$0x0];
	s2 =	stileid.u32  }
0xd6: {  	s1 =	rddreg [dreg:$0x1];
	p0 =	sne.s32 s2, $0x0  }
0xd7: {  	s3 =	rddreg [dreg:$0x2];
	[bflag:$0x3] =	sbarrier.arrive $0xFFFF;
	s2 =	simm.s32 @!p0 $0x1C03  }
0xd8: {  	[timem:s3], [sflag:s2] =	dma.local @!p0 [hbm:s0], s1  }
0xd9: {  	s0 =	simm.s32 @!p0 $0x3  }
0xda: {  	_ =	swait.ge @!p0 [sflag:s0], s1  }
0xdb: {  	s1 =	ssub.s32 @!p0 $0x0, s1;
	[sflag:s0] =	ssyncset.done @!p0 $0x0  }
0xdc: {  	[sflag:s0] =	ssyncadd.s32 @!p0 s1  }
0xdd: {  	[bflag:$0x3] =	sbarrier.arrive $0xFFFF  }
0xde: {  	_ =	shalt  }

</sc_bundles>
